<compile_context>
chip_gen: v7x
topology: tpu7x:2x2x1
jax: 0.10.2.dev20260603
libtpu: 0.0.44.dev20260713+nightly
codegen_flags: <defaults>
</compile_context>

<pallas_src>
import functools

import jax
import jax.numpy as jnp
from jax import lax
from jax.experimental import pallas as pl
from jax.experimental.pallas import tpu as pltpu
from jax.experimental.pallas import tpu_sc as plsc

N = 10000
E = 320000
D = 128
C = 10
P = 4096

NPAD = 10240
NTILES = 32
EP = E // NTILES
CH = 80
NCHT = EP // CH
IG = 5
GN = NCHT // IG
ROWS_PER_TILE = NPAD // 16
BM = 1024

_f32 = jnp.float32



def _k1_body(h_ref, wn_ref, hn_ref):
    hn_ref[...] = jnp.dot(h_ref[...], wn_ref[...], preferred_element_type=_f32)


def _k1(h, wn):
    grid = (NPAD // BM,)
    return pl.pallas_call(
        _k1_body,
        grid=grid,
        in_specs=[
            pl.BlockSpec((BM, D), lambda i: (i, 0)),
            pl.BlockSpec((D, D), lambda i: (0, 0)),
        ],
        out_specs=pl.BlockSpec((BM, D), lambda i: (i, 0)),
        out_shape=jax.ShapeDtypeStruct((NPAD, D), _f32),
    )(h, wn)


def _dinv_col(degp_blk):
    deg8 = degp_blk[0] + degp_blk[1]
    dinv8 = 1.0 / jnp.maximum(deg8, 1.0)
    lane_of_row = lax.broadcasted_iota(jnp.int32, (BM, D), 0) % D
    lane_ids = lax.broadcasted_iota(jnp.int32, (BM, D), 1)
    onehot = (lane_of_row == lane_ids).astype(_f32)
    r = lax.dot_general(onehot, dinv8, (((1,), (1,)), ((), ())),
                        preferred_element_type=_f32)
    grp = lax.broadcasted_iota(jnp.int32, (BM, 8), 0) // D
    sel = (grp == lax.broadcasted_iota(jnp.int32, (BM, 8), 1)).astype(_f32)
    return jnp.sum(r * sel, axis=1, keepdims=True)


def _k2_body(h_ref, a0_ref, a1_ref, degp_ref, ws_ref, b_ref, wn_ref,
             h1_ref, hn1_ref):
    dinv = _dinv_col(degp_ref[...])
    hs0 = jnp.dot(h_ref[...], ws_ref[...], preferred_element_type=_f32) + b_ref[...]
    h1 = jnp.maximum(hs0 + (a0_ref[...] + a1_ref[...]) * dinv, 0.0)
    h1_ref[...] = h1
    hn1_ref[...] = jnp.dot(h1, wn_ref[...], preferred_element_type=_f32)


def _k2(h, agg_a, agg_b, degp, ws, b, wn):
    grid = (NPAD // BM,)
    return pl.pallas_call(
        _k2_body,
        grid=grid,
        in_specs=[
            pl.BlockSpec((BM, D), lambda i: (i, 0)),
            pl.BlockSpec((BM, D), lambda i: (i, 0)),
            pl.BlockSpec((BM, D), lambda i: (i, 0)),
            pl.BlockSpec((2, 8, D), lambda i: (0, i, 0)),
            pl.BlockSpec((D, D), lambda i: (0, 0)),
            pl.BlockSpec((1, D), lambda i: (0, 0)),
            pl.BlockSpec((D, D), lambda i: (0, 0)),
        ],
        out_specs=[
            pl.BlockSpec((BM, D), lambda i: (i, 0)),
            pl.BlockSpec((BM, D), lambda i: (i, 0)),
        ],
        out_shape=[
            jax.ShapeDtypeStruct((NPAD, D), _f32),
            jax.ShapeDtypeStruct((NPAD, D), _f32),
        ],
    )(h, agg_a, agg_b, degp, ws, b, wn)


def _k3_body(h1_ref, a0_ref, a1_ref, degp_ref, ws_ref, b_ref, w2_ref, b2_ref,
             z_ref):
    dinv = _dinv_col(degp_ref[...])
    hs1 = jnp.dot(h1_ref[...], ws_ref[...], preferred_element_type=_f32) + b_ref[...]
    h2 = jnp.maximum(hs1 + (a0_ref[...] + a1_ref[...]) * dinv, 0.0)
    z_ref[...] = jnp.dot(h2, w2_ref[...], preferred_element_type=_f32) + b2_ref[...]


def _k3(h1, agg_a, agg_b, degp, ws, b, w2p, b2h):
    grid = (NPAD // BM,)
    return pl.pallas_call(
        _k3_body,
        grid=grid,
        in_specs=[
            pl.BlockSpec((BM, D), lambda i: (i, 0)),
            pl.BlockSpec((BM, D), lambda i: (i, 0)),
            pl.BlockSpec((BM, D), lambda i: (i, 0)),
            pl.BlockSpec((2, 8, D), lambda i: (0, i, 0)),
            pl.BlockSpec((D, D), lambda i: (0, 0)),
            pl.BlockSpec((1, D), lambda i: (0, 0)),
            pl.BlockSpec((D, D), lambda i: (0, 0)),
            pl.BlockSpec((1, D), lambda i: (0, 0)),
        ],
        out_specs=pl.BlockSpec((BM, D), lambda i: (i, 0)),
        out_shape=jax.ShapeDtypeStruct((NPAD, D), _f32),
    )(h1, agg_a, agg_b, degp, ws, b, w2p, b2h)



def _make_sagg(compute_deg):
    mesh = plsc.VectorSubcoreMesh(core_axis_name="c", subcore_axis_name="s",
                                  num_cores=2, num_subcores=16)
    out_type = [
        jax.ShapeDtypeStruct((NPAD, D), _f32),
        jax.ShapeDtypeStruct((NPAD, D), _f32),
    ]
    scratch = [
        pltpu.VMEM((2, GN, CH), jnp.int32),
        pltpu.VMEM((2, GN, CH), jnp.int32),
        pltpu.VMEM((CH, D), _f32),
        pltpu.VMEM((CH, D), _f32),
        pltpu.VMEM_SHARED((NPAD, D), _f32),
        pltpu.SemaphoreType.DMA,
        pltpu.SemaphoreType.DMA,
        pltpu.SemaphoreType.DMA,
        pltpu.SemaphoreType.DMA,
    ]
    if compute_deg:
        out_type = out_type + [jax.ShapeDtypeStruct((2 * NPAD,), _f32)]
        scratch = scratch + [
            pltpu.VMEM((CH,), _f32),
            pltpu.VMEM_SHARED((NPAD,), _f32),
        ]

    @functools.partial(pl.kernel, out_type=tuple(out_type), mesh=mesh,
                       scratch_types=scratch)
    def sagg(hn_hbm, src_hbm, dst_hbm, zz_hbm, *rest):
        if compute_deg:
            (zzdeg_hbm, out_a, out_b, out_deg,
             srcv, dstv, rows0, rows1, acc, gsem0, gsem1, isem0, isem1,
             onesv, accdeg) = rest
        else:
            (out_a, out_b,
             srcv, dstv, rows0, rows1, acc, gsem0, gsem1, isem0, isem1) = rest
        cid = lax.axis_index("c")
        sid = lax.axis_index("s")
        wid = cid * 16 + sid
        row0 = sid * ROWS_PER_TILE
        isems = (isem0, isem1)

        def idx_load(g):
            b = g % 2
            pltpu.async_copy(src_hbm.at[wid, g], srcv.at[b], isems[b])
            pltpu.async_copy(dst_hbm.at[wid, g], dstv.at[b], isems[b])

        def idx_wait(g):
            b = g % 2
            pltpu.make_async_copy(src_hbm.at[wid, g], srcv.at[b], isems[b]).wait()
            pltpu.make_async_copy(dst_hbm.at[wid, g], dstv.at[b], isems[b]).wait()

        idx_load(0)
        pltpu.sync_copy(zz_hbm, acc.at[pl.ds(row0, ROWS_PER_TILE)])
        if compute_deg:
            for j in range(CH // 16):
                onesv[pl.ds(j * 16, 16)] = jnp.ones((16,), _f32)

            @pl.when(sid == 0)
            def _():
                pltpu.sync_copy(zzdeg_hbm, accdeg)
        plsc.subcore_barrier()

        for g in range(IG):
            b = g % 2
            idx_wait(g)
            if g + 1 < IG:
                idx_load(g + 1)
            pltpu.async_copy(hn_hbm.at[srcv.at[b, 0]], rows0, gsem0)

            def body(i, carry, b=b):
                c = 2 * i
                pltpu.async_copy(hn_hbm.at[srcv.at[b, c + 1]], rows1, gsem1)
                if compute_deg:
                    pltpu.sync_copy(onesv, accdeg.at[dstv.at[b, c]], add=True)
                pltpu.make_async_copy(hn_hbm.at[srcv.at[b, c]], rows0, gsem0).wait()
                pltpu.sync_copy(rows0, acc.at[dstv.at[b, c]], add=True)
                pltpu.async_copy(hn_hbm.at[srcv.at[b, c + 2]], rows0, gsem0)
                if compute_deg:
                    pltpu.sync_copy(onesv, accdeg.at[dstv.at[b, c + 1]], add=True)
                pltpu.make_async_copy(hn_hbm.at[srcv.at[b, c + 1]], rows1, gsem1).wait()
                pltpu.sync_copy(rows1, acc.at[dstv.at[b, c + 1]], add=True)
                return carry

            lax.fori_loop(0, (GN - 1) // 2, body, 0)
            pltpu.make_async_copy(hn_hbm.at[srcv.at[b, GN - 1]], rows0, gsem0).wait()
            pltpu.sync_copy(rows0, acc.at[dstv.at[b, GN - 1]], add=True)
            if compute_deg:
                pltpu.sync_copy(onesv, accdeg.at[dstv.at[b, GN - 1]], add=True)

        plsc.subcore_barrier()

        @pl.when(cid == 0)
        def _():
            pltpu.sync_copy(acc.at[pl.ds(row0, ROWS_PER_TILE)],
                            out_a.at[pl.ds(row0, ROWS_PER_TILE)])

        @pl.when(cid == 1)
        def _():
            pltpu.sync_copy(acc.at[pl.ds(row0, ROWS_PER_TILE)],
                            out_b.at[pl.ds(row0, ROWS_PER_TILE)])

        if compute_deg:
            @pl.when(sid == 1)
            def _():
                pltpu.sync_copy(accdeg, out_deg.at[pl.ds(cid * NPAD, NPAD)])

    return sagg


_sagg_deg = _make_sagg(True)
_sagg = _make_sagg(False)


def _make_readout():
    mesh = plsc.VectorSubcoreMesh(core_axis_name="c", subcore_axis_name="s",
                                  num_cores=2, num_subcores=16)
    rows = P // NTILES

    @functools.partial(
        pl.kernel,
        out_type=jax.ShapeDtypeStruct((P, D), _f32),
        mesh=mesh,
        scratch_types=[
            pltpu.VMEM((rows,), jnp.int32),
            pltpu.VMEM((rows,), jnp.int32),
            pltpu.VMEM((rows, D), _f32),
            pltpu.VMEM((rows, D), _f32),
            pltpu.SemaphoreType.DMA,
            pltpu.SemaphoreType.DMA,
        ],
    )
    def readout(z_hbm, x1_hbm, x2_hbm, out_hbm, i1, i2, r1, r2, s1, s2):
        cid = lax.axis_index("c")
        sid = lax.axis_index("s")
        base = (cid * 16 + sid) * rows
        pltpu.sync_copy(x1_hbm.at[pl.ds(base, rows)], i1)
        pltpu.sync_copy(x2_hbm.at[pl.ds(base, rows)], i2)
        d1 = pltpu.async_copy(z_hbm.at[i1], r1, s1)
        d2 = pltpu.async_copy(z_hbm.at[i2], r2, s2)
        d1.wait()
        d2.wait()

        def add_row(i, carry):
            for j in range(D // 16):
                sl = pl.ds(j * 16, 16)
                r1[i, sl] = r1[i, sl] + r2[i, sl]
            return carry

        lax.fori_loop(0, rows, add_row, 0)
        pltpu.sync_copy(r1, out_hbm.at[pl.ds(base, rows)])

    return readout


_readout = _make_readout()



def kernel(h, edge_index, x1, x2, W_self0, W_neigh0, b0,
           W_self1, W_neigh1, b1, W2, b2):
    src3d = edge_index[0].reshape(NTILES, IG, GN, CH)
    dst3d = edge_index[1].reshape(NTILES, IG, GN, CH)

    b0r = b0.reshape(1, D)
    b1r = b1.reshape(1, D)
    w2p = jnp.pad(W2, ((0, 0), (0, D - C)))
    b2h = jnp.pad(0.5 * b2, (0, D - C)).reshape(1, D)
    zz = jnp.zeros((ROWS_PER_TILE, D), _f32)
    zzdeg = jnp.zeros((NPAD,), _f32)

    hn0 = _k1(h, W_neigh0)
    agg_a0, agg_b0, deg = _sagg_deg(hn0, src3d, dst3d, zz, zzdeg)
    degp = deg.reshape(2, NPAD // D, D)
    h1, hn1 = _k2(h, agg_a0, agg_b0, degp, W_self0, b0r, W_neigh1)
    agg_a1, agg_b1 = _sagg(hn1, src3d, dst3d, zz)
    z = _k3(h1, agg_a1, agg_b1, degp, W_self1, b1r, w2p, b2h)
    outp = _readout(z, x1, x2)
    return outp[:, :C]

# --- scband reference (transcript-rebuilt; emitter-appended) ---
"""Pipeline reference for scband-graph-sage-7834020347914 (READ-ONLY COPY).

The authoritative reference and input builder live on the scoring server;
editing this copy changes nothing except your own understanding.
"""

import jax, jax.numpy as jnp
import numpy as np

N = 10000
E = 320000
D = 128
H = 128
C = 10
P = 4096


def setup_inputs(seed: int = 0) -> dict:
    key = jax.random.key(seed)
    ks = jax.random.split(key, 16)
    h = jax.random.normal(ks[0], (N, D), dtype=jnp.float32)
    edge_index = jax.random.randint(ks[1], (2, E), 0, N, dtype=jnp.int32)
    x1 = jax.random.randint(ks[2], (P,), 0, N, dtype=jnp.int32)
    x2 = jax.random.randint(ks[3], (P,), 0, N, dtype=jnp.int32)
    s0 = 1.0 / np.sqrt(D)
    s1 = 1.0 / np.sqrt(H)
    W_self0 = jax.random.normal(ks[4], (D, H), dtype=jnp.float32) * s0
    W_neigh0 = jax.random.normal(ks[5], (D, H), dtype=jnp.float32) * s0
    b0 = jnp.zeros((H,), dtype=jnp.float32)
    W_self1 = jax.random.normal(ks[6], (H, H), dtype=jnp.float32) * s1
    W_neigh1 = jax.random.normal(ks[7], (H, H), dtype=jnp.float32) * s1
    b1 = jnp.zeros((H,), dtype=jnp.float32)
    W2 = jax.random.normal(ks[8], (H, C), dtype=jnp.float32) * s1
    b2 = jnp.zeros((C,), dtype=jnp.float32)
    return {
        "h": h,
        "edge_index": edge_index,
        "x1": x1,
        "x2": x2,
        "W_self0": W_self0,
        "W_neigh0": W_neigh0,
        "b0": b0,
        "W_self1": W_self1,
        "W_neigh1": W_neigh1,
        "b1": b1,
        "W2": W2,
        "b2": b2,
    }


def _sage_layer(h, src, dst, deg_inv, W_self, W_neigh, b):
    # DGL SAGEConv with aggregator_type='mean':
    # h_neigh = mean over in-neighbors of h[src]; rst = fc_self(h) + fc_neigh(h_neigh) + bias
    msg = jnp.take(h, src, axis=0)                      # gather [E, d]
    agg = jax.ops.segment_sum(msg, dst, num_segments=N)  # scatter-add [N, d]
    h_neigh = agg * deg_inv[:, None]
    rst = h @ W_self + h_neigh @ W_neigh + b
    return jax.nn.relu(rst)


def reference(h, edge_index, x1, x2, W_self0, W_neigh0, b0, W_self1, W_neigh1, b1, W2, b2):
    src = edge_index[0]
    dst = edge_index[1]
    deg = jax.ops.segment_sum(jnp.ones((E,), dtype=jnp.float32), dst, num_segments=N)
    deg_inv = 1.0 / jnp.maximum(deg, 1.0)
    h = _sage_layer(h, src, dst, deg_inv, W_self0, W_neigh0, b0)
    h = _sage_layer(h, src, dst, deg_inv, W_self1, W_neigh1, b1)
    out = (jnp.take(h, x1, axis=0) + jnp.take(h, x2, axis=0)) @ W2 + b2
    return out

if __name__ == "__main__":
    import jax
    _d = setup_inputs()
    print(jax.jit(kernel)(*tuple(_d.values())))

</pallas_src>

<mosaic_0001>
#map = affine_map<(d0, d1) -> (0, 0)>
#map1 = affine_map<(d0, d1) -> (0, 0, 0, 0)>
module attributes {stable_mosaic.version = 14 : i64} {
  func.func @sagg(%arg0: i32, %arg1: i32, %arg2: memref<10240x128xf32, #tpu.memory_space<hbm>>, %arg3: memref<32x5x25x80xi32, #tpu.memory_space<hbm>>, %arg4: memref<32x5x25x80xi32, #tpu.memory_space<hbm>>, %arg5: memref<640x128xf32, #tpu.memory_space<hbm>>, %arg6: memref<10240x128xf32, #tpu.memory_space<hbm>>, %arg7: memref<10240x128xf32, #tpu.memory_space<hbm>>, %arg8: memref<2x25x80xi32, #tpu.memory_space<vmem>>, %arg9: memref<2x25x80xi32, #tpu.memory_space<vmem>>, %arg10: memref<80x128xf32, #tpu.memory_space<vmem>>, %arg11: memref<80x128xf32, #tpu.memory_space<vmem>>, %arg12: memref<10240x128xf32, #tpu.memory_space<vmem_shared>>, %arg13: memref<!tpu.dma_semaphore, #tpu.memory_space<semaphore_mem>>, %arg14: memref<!tpu.dma_semaphore, #tpu.memory_space<semaphore_mem>>, %arg15: memref<!tpu.dma_semaphore, #tpu.memory_space<semaphore_mem>>, %arg16: memref<!tpu.dma_semaphore, #tpu.memory_space<semaphore_mem>>) attributes {dimension_semantics = [#tpu.dimension_semantics<core_parallel>, #tpu.dimension_semantics<subcore_parallel>], iteration_bounds = array<i64: 2, 16>, scalar_prefetch = 0 : i64, scratch_operands = 9 : i64, tpu.core_type = #tpu.core_type<sc_vector_subcore>, window_params = [{transform_indices = #map}, {transform_indices = #map1}, {transform_indices = #map1}, {transform_indices = #map}, {transform_indices = #map}, {transform_indices = #map}]} {
    %mul3A = arith.constant 16 : i32
    %mul3A_0 = arith.muli %arg0, %mul3A : i32
    %add3A = arith.addi %mul3A_0, %arg1 : i32
    %mul3A_1 = arith.constant 640 : i32
    %mul3A_2 = arith.muli %arg1, %mul3A_1 : i32
    %dma_start3A = arith.constant 0 : i32
    %dma_start3A_3 = arith.constant 0 : i32
    %dma_start3A_4 = arith.constant 0 : i32
    %dma_start3A_5 = arith.constant 0 : i32
    %dma_start3A_6 = tpu.memref_slice %arg8[%dma_start3A_3, %dma_start3A_4, %dma_start3A_5] : memref<2x25x80xi32, #tpu.memory_space<vmem>> -> memref<1x25x80xi32, #tpu.memory_space<vmem>>
    %dma_start3A_7 = tpu.memref_squeeze %dma_start3A_6 : memref<1x25x80xi32, #tpu.memory_space<vmem>> -> memref<25x80xi32, #tpu.memory_space<vmem>>
    %dma_start3A_8 = arith.constant 0 : i32
    %dma_start3A_9 = arith.constant 0 : i32
    %dma_start3A_10 = tpu.memref_slice %arg3[%add3A, %dma_start3A, %dma_start3A_8, %dma_start3A_9] : memref<32x5x25x80xi32, #tpu.memory_space<hbm>> -> memref<1x1x25x80xi32, #tpu.memory_space<hbm>>
    %dma_start3A_11 = tpu.memref_squeeze %dma_start3A_10 : memref<1x1x25x80xi32, #tpu.memory_space<hbm>> -> memref<25x80xi32, #tpu.memory_space<hbm>>
    %dma_start3A_12 = arith.constant 0 : i32
    %dma_start3A_13 = arith.constant 0 : i32
    %dma_start3A_14 = tpu.memref_slice %arg8[%dma_start3A_3, %dma_start3A_12, %dma_start3A_13] : memref<2x25x80xi32, #tpu.memory_space<vmem>> -> memref<1x25x80xi32, #tpu.memory_space<vmem>>
    %dma_start3A_15 = tpu.memref_squeeze %dma_start3A_14 : memref<1x25x80xi32, #tpu.memory_space<vmem>> -> memref<25x80xi32, #tpu.memory_space<vmem>>
    %dma_start3A_16 = arith.constant 0 : i32
    %dma_start3A_17 = arith.constant 0 : i32
    %dma_start3A_18 = tpu.memref_slice %arg3[%add3A, %dma_start3A, %dma_start3A_16, %dma_start3A_17] : memref<32x5x25x80xi32, #tpu.memory_space<hbm>> -> memref<1x1x25x80xi32, #tpu.memory_space<hbm>>
    %dma_start3A_19 = tpu.memref_squeeze %dma_start3A_18 : memref<1x1x25x80xi32, #tpu.memory_space<hbm>> -> memref<25x80xi32, #tpu.memory_space<hbm>>
    tpu.enqueue_dma source(%dma_start3A_19 : memref<25x80xi32, #tpu.memory_space<hbm>>) target(%dma_start3A_15 : memref<25x80xi32, #tpu.memory_space<vmem>>) target_semaphore(%arg15 : memref<!tpu.dma_semaphore, #tpu.memory_space<semaphore_mem>>)
    %dma_start3A_20 = arith.constant 0 : i32
    %dma_start3A_21 = arith.constant 0 : i32
    %dma_start3A_22 = arith.constant 0 : i32
    %dma_start3A_23 = arith.constant 0 : i32
    %dma_start3A_24 = tpu.memref_slice %arg9[%dma_start3A_21, %dma_start3A_22, %dma_start3A_23] : memref<2x25x80xi32, #tpu.memory_space<vmem>> -> memref<1x25x80xi32, #tpu.memory_space<vmem>>
    %dma_start3A_25 = tpu.memref_squeeze %dma_start3A_24 : memref<1x25x80xi32, #tpu.memory_space<vmem>> -> memref<25x80xi32, #tpu.memory_space<vmem>>
    %dma_start3A_26 = arith.constant 0 : i32
    %dma_start3A_27 = arith.constant 0 : i32
    %dma_start3A_28 = tpu.memref_slice %arg4[%add3A, %dma_start3A_20, %dma_start3A_26, %dma_start3A_27] : memref<32x5x25x80xi32, #tpu.memory_space<hbm>> -> memref<1x1x25x80xi32, #tpu.memory_space<hbm>>
    %dma_start3A_29 = tpu.memref_squeeze %dma_start3A_28 : memref<1x1x25x80xi32, #tpu.memory_space<hbm>> -> memref<25x80xi32, #tpu.memory_space<hbm>>
    %dma_start3A_30 = arith.constant 0 : i32
    %dma_start3A_31 = arith.constant 0 : i32
    %dma_start3A_32 = tpu.memref_slice %arg9[%dma_start3A_21, %dma_start3A_30, %dma_start3A_31] : memref<2x25x80xi32, #tpu.memory_space<vmem>> -> memref<1x25x80xi32, #tpu.memory_space<vmem>>
    %dma_start3A_33 = tpu.memref_squeeze %dma_start3A_32 : memref<1x25x80xi32, #tpu.memory_space<vmem>> -> memref<25x80xi32, #tpu.memory_space<vmem>>
    %dma_start3A_34 = arith.constant 0 : i32
    %dma_start3A_35 = arith.constant 0 : i32
    %dma_start3A_36 = tpu.memref_slice %arg4[%add3A, %dma_start3A_20, %dma_start3A_34, %dma_start3A_35] : memref<32x5x25x80xi32, #tpu.memory_space<hbm>> -> memref<1x1x25x80xi32, #tpu.memory_space<hbm>>
    %dma_start3A_37 = tpu.memref_squeeze %dma_start3A_36 : memref<1x1x25x80xi32, #tpu.memory_space<hbm>> -> memref<25x80xi32, #tpu.memory_space<hbm>>
    tpu.enqueue_dma source(%dma_start3A_37 : memref<25x80xi32, #tpu.memory_space<hbm>>) target(%dma_start3A_33 : memref<25x80xi32, #tpu.memory_space<vmem>>) target_semaphore(%arg15 : memref<!tpu.dma_semaphore, #tpu.memory_space<semaphore_mem>>)
    "tpu.region"() ({
      %run_scoped3A_487 = tpu.sem_alloc : memref<!tpu.dma_semaphore, #tpu.memory_space<semaphore_mem>>
      %dma_start3A_488 = arith.constant 0 : i32
      %dma_start3A_489 = tpu.memref_slice %arg12[%mul3A_2, %dma_start3A_488] : memref<10240x128xf32, #tpu.memory_space<vmem_shared>> -> memref<640x128xf32, #tpu.memory_space<vmem_shared>>
      tpu.enqueue_dma source(%arg5 : memref<640x128xf32, #tpu.memory_space<hbm>>) target(%dma_start3A_489 : memref<640x128xf32, #tpu.memory_space<vmem_shared>>) target_semaphore(%run_scoped3A_487 : memref<!tpu.dma_semaphore, #tpu.memory_space<semaphore_mem>>)
      %dma_wait3A_490 = arith.constant 0 : i32
      %dma_wait3A_491 = tpu.memref_slice %arg12[%mul3A_2, %dma_wait3A_490] : memref<10240x128xf32, #tpu.memory_space<vmem_shared>> -> memref<640x128xf32, #tpu.memory_space<vmem_shared>>
      tpu.wait_dma2 semaphore(%run_scoped3A_487 : memref<!tpu.dma_semaphore, #tpu.memory_space<semaphore_mem>>) src(%arg5 : memref<640x128xf32, #tpu.memory_space<hbm>>) dst(%dma_wait3A_491 : memref<640x128xf32, #tpu.memory_space<vmem_shared>>)
      tpu.yield
    }) : () -> ()
    %barrier3A = arith.constant 0 : index
    tpu.barrier barrier_id(%barrier3A)
    %dma_wait3A = arith.constant 0 : i32
    %dma_wait3A_38 = arith.constant 0 : i32
    %dma_wait3A_39 = arith.constant 0 : i32
    %dma_wait3A_40 = arith.constant 0 : i32
    %dma_wait3A_41 = tpu.memref_slice %arg8[%dma_wait3A_38, %dma_wait3A_39, %dma_wait3A_40] : memref<2x25x80xi32, #tpu.memory_space<vmem>> -> memref<1x25x80xi32, #tpu.memory_space<vmem>>
    %dma_wait3A_42 = tpu.memref_squeeze %dma_wait3A_41 : memref<1x25x80xi32, #tpu.memory_space<vmem>> -> memref<25x80xi32, #tpu.memory_space<vmem>>
    %dma_wait3A_43 = arith.constant 0 : i32
    %dma_wait3A_44 = arith.constant 0 : i32
    %dma_wait3A_45 = tpu.memref_slice %arg3[%add3A, %dma_wait3A, %dma_wait3A_43, %dma_wait3A_44] : memref<32x5x25x80xi32, #tpu.memory_space<hbm>> -> memref<1x1x25x80xi32, #tpu.memory_space<hbm>>
    %dma_wait3A_46 = tpu.memref_squeeze %dma_wait3A_45 : memref<1x1x25x80xi32, #tpu.memory_space<hbm>> -> memref<25x80xi32, #tpu.memory_space<hbm>>
    %dma_wait3A_47 = arith.constant 0 : i32
    %dma_wait3A_48 = arith.constant 0 : i32
    %dma_wait3A_49 = tpu.memref_slice %arg8[%dma_wait3A_38, %dma_wait3A_47, %dma_wait3A_48] : memref<2x25x80xi32, #tpu.memory_space<vmem>> -> memref<1x25x80xi32, #tpu.memory_space<vmem>>
    %dma_wait3A_50 = tpu.memref_squeeze %dma_wait3A_49 : memref<1x25x80xi32, #tpu.memory_space<vmem>> -> memref<25x80xi32, #tpu.memory_space<vmem>>
    %dma_wait3A_51 = arith.constant 0 : i32
    %dma_wait3A_52 = arith.constant 0 : i32
    %dma_wait3A_53 = tpu.memref_slice %arg3[%add3A, %dma_wait3A, %dma_wait3A_51, %dma_wait3A_52] : memref<32x5x25x80xi32, #tpu.memory_space<hbm>> -> memref<1x1x25x80xi32, #tpu.memory_space<hbm>>
    %dma_wait3A_54 = tpu.memref_squeeze %dma_wait3A_53 : memref<1x1x25x80xi32, #tpu.memory_space<hbm>> -> memref<25x80xi32, #tpu.memory_space<hbm>>
    tpu.wait_dma2 semaphore(%arg15 : memref<!tpu.dma_semaphore, #tpu.memory_space<semaphore_mem>>) src(%dma_wait3A_54 : memref<25x80xi32, #tpu.memory_space<hbm>>) dst(%dma_wait3A_50 : memref<25x80xi32, #tpu.memory_space<vmem>>)
    %dma_wait3A_55 = arith.constant 0 : i32
    %dma_wait3A_56 = arith.constant 0 : i32
    %dma_wait3A_57 = arith.constant 0 : i32
    %dma_wait3A_58 = arith.constant 0 : i32
    %dma_wait3A_59 = tpu.memref_slice %arg9[%dma_wait3A_56, %dma_wait3A_57, %dma_wait3A_58] : memref<2x25x80xi32, #tpu.memory_space<vmem>> -> memref<1x25x80xi32, #tpu.memory_space<vmem>>
    %dma_wait3A_60 = tpu.memref_squeeze %dma_wait3A_59 : memref<1x25x80xi32, #tpu.memory_space<vmem>> -> memref<25x80xi32, #tpu.memory_space<vmem>>
    %dma_wait3A_61 = arith.constant 0 : i32
    %dma_wait3A_62 = arith.constant 0 : i32
    %dma_wait3A_63 = tpu.memref_slice %arg4[%add3A, %dma_wait3A_55, %dma_wait3A_61, %dma_wait3A_62] : memref<32x5x25x80xi32, #tpu.memory_space<hbm>> -> memref<1x1x25x80xi32, #tpu.memory_space<hbm>>
    %dma_wait3A_64 = tpu.memref_squeeze %dma_wait3A_63 : memref<1x1x25x80xi32, #tpu.memory_space<hbm>> -> memref<25x80xi32, #tpu.memory_space<hbm>>
    %dma_wait3A_65 = arith.constant 0 : i32
    %dma_wait3A_66 = arith.constant 0 : i32
    %dma_wait3A_67 = tpu.memref_slice %arg9[%dma_wait3A_56, %dma_wait3A_65, %dma_wait3A_66] : memref<2x25x80xi32, #tpu.memory_space<vmem>> -> memref<1x25x80xi32, #tpu.memory_space<vmem>>
    %dma_wait3A_68 = tpu.memref_squeeze %dma_wait3A_67 : memref<1x25x80xi32, #tpu.memory_space<vmem>> -> memref<25x80xi32, #tpu.memory_space<vmem>>
    %dma_wait3A_69 = arith.constant 0 : i32
    %dma_wait3A_70 = arith.constant 0 : i32
    %dma_wait3A_71 = tpu.memref_slice %arg4[%add3A, %dma_wait3A_55, %dma_wait3A_69, %dma_wait3A_70] : memref<32x5x25x80xi32, #tpu.memory_space<hbm>> -> memref<1x1x25x80xi32, #tpu.memory_space<hbm>>
    %dma_wait3A_72 = tpu.memref_squeeze %dma_wait3A_71 : memref<1x1x25x80xi32, #tpu.memory_space<hbm>> -> memref<25x80xi32, #tpu.memory_space<hbm>>
    tpu.wait_dma2 semaphore(%arg15 : memref<!tpu.dma_semaphore, #tpu.memory_space<semaphore_mem>>) src(%dma_wait3A_72 : memref<25x80xi32, #tpu.memory_space<hbm>>) dst(%dma_wait3A_68 : memref<25x80xi32, #tpu.memory_space<vmem>>)
    %dma_start3A_73 = arith.constant 1 : i32
    %dma_start3A_74 = arith.constant 1 : i32
    %dma_start3A_75 = arith.constant 0 : i32
    %dma_start3A_76 = arith.constant 0 : i32
    %dma_start3A_77 = tpu.memref_slice %arg8[%dma_start3A_74, %dma_start3A_75, %dma_start3A_76] : memref<2x25x80xi32, #tpu.memory_space<vmem>> -> memref<1x25x80xi32, #tpu.memory_space<vmem>>
    %dma_start3A_78 = tpu.memref_squeeze %dma_start3A_77 : memref<1x25x80xi32, #tpu.memory_space<vmem>> -> memref<25x80xi32, #tpu.memory_space<vmem>>
    %dma_start3A_79 = arith.constant 0 : i32
    %dma_start3A_80 = arith.constant 0 : i32
    %dma_start3A_81 = tpu.memref_slice %arg3[%add3A, %dma_start3A_73, %dma_start3A_79, %dma_start3A_80] : memref<32x5x25x80xi32, #tpu.memory_space<hbm>> -> memref<1x1x25x80xi32, #tpu.memory_space<hbm>>
    %dma_start3A_82 = tpu.memref_squeeze %dma_start3A_81 : memref<1x1x25x80xi32, #tpu.memory_space<hbm>> -> memref<25x80xi32, #tpu.memory_space<hbm>>
    %dma_start3A_83 = arith.constant 0 : i32
    %dma_start3A_84 = arith.constant 0 : i32
    %dma_start3A_85 = tpu.memref_slice %arg8[%dma_start3A_74, %dma_start3A_83, %dma_start3A_84] : memref<2x25x80xi32, #tpu.memory_space<vmem>> -> memref<1x25x80xi32, #tpu.memory_space<vmem>>
    %dma_start3A_86 = tpu.memref_squeeze %dma_start3A_85 : memref<1x25x80xi32, #tpu.memory_space<vmem>> -> memref<25x80xi32, #tpu.memory_space<vmem>>
    %dma_start3A_87 = arith.constant 0 : i32
    %dma_start3A_88 = arith.constant 0 : i32
    %dma_start3A_89 = tpu.memref_slice %arg3[%add3A, %dma_start3A_73, %dma_start3A_87, %dma_start3A_88] : memref<32x5x25x80xi32, #tpu.memory_space<hbm>> -> memref<1x1x25x80xi32, #tpu.memory_space<hbm>>
    %dma_start3A_90 = tpu.memref_squeeze %dma_start3A_89 : memref<1x1x25x80xi32, #tpu.memory_space<hbm>> -> memref<25x80xi32, #tpu.memory_space<hbm>>
    tpu.enqueue_dma source(%dma_start3A_90 : memref<25x80xi32, #tpu.memory_space<hbm>>) target(%dma_start3A_86 : memref<25x80xi32, #tpu.memory_space<vmem>>) target_semaphore(%arg16 : memref<!tpu.dma_semaphore, #tpu.memory_space<semaphore_mem>>)
    %dma_start3A_91 = arith.constant 1 : i32
    %dma_start3A_92 = arith.constant 1 : i32
    %dma_start3A_93 = arith.constant 0 : i32
    %dma_start3A_94 = arith.constant 0 : i32
    %dma_start3A_95 = tpu.memref_slice %arg9[%dma_start3A_92, %dma_start3A_93, %dma_start3A_94] : memref<2x25x80xi32, #tpu.memory_space<vmem>> -> memref<1x25x80xi32, #tpu.memory_space<vmem>>
    %dma_start3A_96 = tpu.memref_squeeze %dma_start3A_95 : memref<1x25x80xi32, #tpu.memory_space<vmem>> -> memref<25x80xi32, #tpu.memory_space<vmem>>
    %dma_start3A_97 = arith.constant 0 : i32
    %dma_start3A_98 = arith.constant 0 : i32
    %dma_start3A_99 = tpu.memref_slice %arg4[%add3A, %dma_start3A_91, %dma_start3A_97, %dma_start3A_98] : memref<32x5x25x80xi32, #tpu.memory_space<hbm>> -> memref<1x1x25x80xi32, #tpu.memory_space<hbm>>
    %dma_start3A_100 = tpu.memref_squeeze %dma_start3A_99 : memref<1x1x25x80xi32, #tpu.memory_space<hbm>> -> memref<25x80xi32, #tpu.memory_space<hbm>>
    %dma_start3A_101 = arith.constant 0 : i32
    %dma_start3A_102 = arith.constant 0 : i32
    %dma_start3A_103 = tpu.memref_slice %arg9[%dma_start3A_92, %dma_start3A_101, %dma_start3A_102] : memref<2x25x80xi32, #tpu.memory_space<vmem>> -> memref<1x25x80xi32, #tpu.memory_space<vmem>>
    %dma_start3A_104 = tpu.memref_squeeze %dma_start3A_103 : memref<1x25x80xi32, #tpu.memory_space<vmem>> -> memref<25x80xi32, #tpu.memory_space<vmem>>
    %dma_start3A_105 = arith.constant 0 : i32
    %dma_start3A_106 = arith.constant 0 : i32
    %dma_start3A_107 = tpu.memref_slice %arg4[%add3A, %dma_start3A_91, %dma_start3A_105, %dma_start3A_106] : memref<32x5x25x80xi32, #tpu.memory_space<hbm>> -> memref<1x1x25x80xi32, #tpu.memory_space<hbm>>
    %dma_start3A_108 = tpu.memref_squeeze %dma_start3A_107 : memref<1x1x25x80xi32, #tpu.memory_space<hbm>> -> memref<25x80xi32, #tpu.memory_space<hbm>>
    tpu.enqueue_dma source(%dma_start3A_108 : memref<25x80xi32, #tpu.memory_space<hbm>>) target(%dma_start3A_104 : memref<25x80xi32, #tpu.memory_space<vmem>>) target_semaphore(%arg16 : memref<!tpu.dma_semaphore, #tpu.memory_space<semaphore_mem>>)
    %dma_start3A_109 = arith.constant 0 : i32
    %dma_start3A_110 = arith.constant 0 : i32
    %dma_start3A_111 = arith.constant 0 : i32
    %dma_start3A_112 = tpu.memref_slice %arg8[%dma_start3A_109, %dma_start3A_110, %dma_start3A_111] : memref<2x25x80xi32, #tpu.memory_space<vmem>> -> memref<1x1x80xi32, #tpu.memory_space<vmem>>
    %dma_start3A_113 = tpu.memref_squeeze %dma_start3A_112 : memref<1x1x80xi32, #tpu.memory_space<vmem>> -> memref<80xi32, #tpu.memory_space<vmem>>
    %dma_start3A_114 = arith.constant 0 : i32
    %dma_start3A_115 = arith.constant 0 : i32
    %dma_start3A_116 = tpu.memref_slice %arg2[%dma_start3A_114, %dma_start3A_115] : memref<10240x128xf32, #tpu.memory_space<hbm>> -> memref<10240x128xf32, #tpu.memory_space<hbm>>
    tpu.enqueue_indirect_dma source(%dma_start3A_116 : memref<10240x128xf32, #tpu.memory_space<hbm>>) target(%arg10 : memref<80x128xf32, #tpu.memory_space<vmem>>) offsets(%dma_start3A_113 : memref<80xi32, #tpu.memory_space<vmem>>) semaphore(%arg13 : memref<!tpu.dma_semaphore, #tpu.memory_space<semaphore_mem>>)
    %scan3A = arith.constant 0 : i32
    %scan3A_117 = arith.constant 0 : i32
    %scan3A_118 = arith.constant 12 : i32
    %scan3A_119 = arith.addi %scan3A_117, %scan3A_118 : i32
    %scan3A_120 = arith.constant 1 : i32
    scf.for %scan3A_487 = %scan3A_117 to %scan3A_119 step %scan3A_120  : i32 {
      %mul3A_488 = arith.constant 2 : i32
      %mul3A_489 = arith.muli %mul3A_488, %scan3A_487 : i32
      %add3A_490 = arith.constant 1 : i32
      %add3A_491 = arith.addi %mul3A_489, %add3A_490 : i32
      %dma_start3A_492 = arith.constant 0 : i32
      %dma_start3A_493 = arith.constant 0 : i32
      %dma_start3A_494 = tpu.memref_slice %arg8[%dma_start3A_492, %add3A_491, %dma_start3A_493] : memref<2x25x80xi32, #tpu.memory_space<vmem>> -> memref<1x1x80xi32, #tpu.memory_space<vmem>>
      %dma_start3A_495 = tpu.memref_squeeze %dma_start3A_494 : memref<1x1x80xi32, #tpu.memory_space<vmem>> -> memref<80xi32, #tpu.memory_space<vmem>>
      %dma_start3A_496 = arith.constant 0 : i32
      %dma_start3A_497 = arith.constant 0 : i32
      %dma_start3A_498 = tpu.memref_slice %arg2[%dma_start3A_496, %dma_start3A_497] : memref<10240x128xf32, #tpu.memory_space<hbm>> -> memref<10240x128xf32, #tpu.memory_space<hbm>>
      tpu.enqueue_indirect_dma source(%dma_start3A_498 : memref<10240x128xf32, #tpu.memory_space<hbm>>) target(%arg11 : memref<80x128xf32, #tpu.memory_space<vmem>>) offsets(%dma_start3A_495 : memref<80xi32, #tpu.memory_space<vmem>>) semaphore(%arg14 : memref<!tpu.dma_semaphore, #tpu.memory_space<semaphore_mem>>)
      %dma_wait3A_499 = arith.constant 0 : i32
      %dma_wait3A_500 = arith.constant 0 : i32
      %dma_wait3A_501 = tpu.memref_slice %arg8[%dma_wait3A_499, %mul3A_489, %dma_wait3A_500] : memref<2x25x80xi32, #tpu.memory_space<vmem>> -> memref<1x1x80xi32, #tpu.memory_space<vmem>>
      %dma_wait3A_502 = tpu.memref_squeeze %dma_wait3A_501 : memref<1x1x80xi32, #tpu.memory_space<vmem>> -> memref<80xi32, #tpu.memory_space<vmem>>
      %dma_wait3A_503 = arith.constant 0 : i32
      %dma_wait3A_504 = arith.constant 0 : i32
      %dma_wait3A_505 = tpu.memref_slice %arg2[%dma_wait3A_503, %dma_wait3A_504] : memref<10240x128xf32, #tpu.memory_space<hbm>> -> memref<10240x128xf32, #tpu.memory_space<hbm>>
      tpu.wait_indirect_dma semaphore(%arg13 : memref<!tpu.dma_semaphore, #tpu.memory_space<semaphore_mem>>) src(%dma_wait3A_505 : memref<10240x128xf32, #tpu.memory_space<hbm>>) dst(%arg10 : memref<80x128xf32, #tpu.memory_space<vmem>>)
      %run_scoped3A_506 = arith.constant 0 : i32
      "tpu.region"() ({
        %run_scoped3A_528 = tpu.sem_alloc : memref<!tpu.dma_semaphore, #tpu.memory_space<semaphore_mem>>
        %dma_start3A_529 = arith.constant 0 : i32
        %dma_start3A_530 = tpu.memref_slice %arg9[%run_scoped3A_506, %mul3A_489, %dma_start3A_529] : memref<2x25x80xi32, #tpu.memory_space<vmem>> -> memref<1x1x80xi32, #tpu.memory_space<vmem>>
        %dma_start3A_531 = tpu.memref_squeeze %dma_start3A_530 : memref<1x1x80xi32, #tpu.memory_space<vmem>> -> memref<80xi32, #tpu.memory_space<vmem>>
        %dma_start3A_532 = arith.constant 0 : i32
        %dma_start3A_533 = arith.constant 0 : i32
        %dma_start3A_534 = tpu.memref_slice %arg12[%dma_start3A_532, %dma_start3A_533] : memref<10240x128xf32, #tpu.memory_space<vmem_shared>> -> memref<10240x128xf32, #tpu.memory_space<vmem_shared>>
        tpu.enqueue_indirect_dma source(%arg10 : memref<80x128xf32, #tpu.memory_space<vmem>>) target(%dma_start3A_534 : memref<10240x128xf32, #tpu.memory_space<vmem_shared>>) offsets(%dma_start3A_531 : memref<80xi32, #tpu.memory_space<vmem>>) semaphore(%run_scoped3A_528 : memref<!tpu.dma_semaphore, #tpu.memory_space<semaphore_mem>>) {add = true}
        %dma_wait3A_535 = arith.constant 0 : i32
        %dma_wait3A_536 = tpu.memref_slice %arg9[%run_scoped3A_506, %mul3A_489, %dma_wait3A_535] : memref<2x25x80xi32, #tpu.memory_space<vmem>> -> memref<1x1x80xi32, #tpu.memory_space<vmem>>
        %dma_wait3A_537 = tpu.memref_squeeze %dma_wait3A_536 : memref<1x1x80xi32, #tpu.memory_space<vmem>> -> memref<80xi32, #tpu.memory_space<vmem>>
        %dma_wait3A_538 = arith.constant 0 : i32
        %dma_wait3A_539 = arith.constant 0 : i32
        %dma_wait3A_540 = tpu.memref_slice %arg12[%dma_wait3A_538, %dma_wait3A_539] : memref<10240x128xf32, #tpu.memory_space<vmem_shared>> -> memref<10240x128xf32, #tpu.memory_space<vmem_shared>>
        tpu.wait_indirect_dma semaphore(%run_scoped3A_528 : memref<!tpu.dma_semaphore, #tpu.memory_space<semaphore_mem>>) src(%arg10 : memref<80x128xf32, #tpu.memory_space<vmem>>) dst(%dma_wait3A_540 : memref<10240x128xf32, #tpu.memory_space<vmem_shared>>)
        tpu.yield
      }) : () -> ()
      %add3A_507 = arith.constant 2 : i32
      %add3A_508 = arith.addi %mul3A_489, %add3A_507 : i32
      %dma_start3A_509 = arith.constant 0 : i32
      %dma_start3A_510 = arith.constant 0 : i32
      %dma_start3A_511 = tpu.memref_slice %arg8[%dma_start3A_509, %add3A_508, %dma_start3A_510] : memref<2x25x80xi32, #tpu.memory_space<vmem>> -> memref<1x1x80xi32, #tpu.memory_space<vmem>>
      %dma_start3A_512 = tpu.memref_squeeze %dma_start3A_511 : memref<1x1x80xi32, #tpu.memory_space<vmem>> -> memref<80xi32, #tpu.memory_space<vmem>>
      %dma_start3A_513 = arith.constant 0 : i32
      %dma_start3A_514 = arith.constant 0 : i32
      %dma_start3A_515 = tpu.memref_slice %arg2[%dma_start3A_513, %dma_start3A_514] : memref<10240x128xf32, #tpu.memory_space<hbm>> -> memref<10240x128xf32, #tpu.memory_space<hbm>>
      tpu.enqueue_indirect_dma source(%dma_start3A_515 : memref<10240x128xf32, #tpu.memory_space<hbm>>) target(%arg10 : memref<80x128xf32, #tpu.memory_space<vmem>>) offsets(%dma_start3A_512 : memref<80xi32, #tpu.memory_space<vmem>>) semaphore(%arg13 : memref<!tpu.dma_semaphore, #tpu.memory_space<semaphore_mem>>)
      %add3A_516 = arith.constant 1 : i32
      %add3A_517 = arith.addi %mul3A_489, %add3A_516 : i32
      %dma_wait3A_518 = arith.constant 0 : i32
      %dma_wait3A_519 = arith.constant 0 : i32
      %dma_wait3A_520 = tpu.memref_slice %arg8[%dma_wait3A_518, %add3A_517, %dma_wait3A_519] : memref<2x25x80xi32, #tpu.memory_space<vmem>> -> memref<1x1x80xi32, #tpu.memory_space<vmem>>
      %dma_wait3A_521 = tpu.memref_squeeze %dma_wait3A_520 : memref<1x1x80xi32, #tpu.memory_space<vmem>> -> memref<80xi32, #tpu.memory_space<vmem>>
      %dma_wait3A_522 = arith.constant 0 : i32
      %dma_wait3A_523 = arith.constant 0 : i32
      %dma_wait3A_524 = tpu.memref_slice %arg2[%dma_wait3A_522, %dma_wait3A_523] : memref<10240x128xf32, #tpu.memory_space<hbm>> -> memref<10240x128xf32, #tpu.memory_space<hbm>>
      tpu.wait_indirect_dma semaphore(%arg14 : memref<!tpu.dma_semaphore, #tpu.memory_space<semaphore_mem>>) src(%dma_wait3A_524 : memref<10240x128xf32, #tpu.memory_space<hbm>>) dst(%arg11 : memref<80x128xf32, #tpu.memory_space<vmem>>)
      %add3A_525 = arith.constant 1 : i32
      %add3A_526 = arith.addi %mul3A_489, %add3A_525 : i32
      %run_scoped3A_527 = arith.constant 0 : i32
      "tpu.region"() ({
        %run_scoped3A_528 = tpu.sem_alloc : memref<!tpu.dma_semaphore, #tpu.memory_space<semaphore_mem>>
        %dma_start3A_529 = arith.constant 0 : i32
        %dma_start3A_530 = tpu.memref_slice %arg9[%run_scoped3A_527, %add3A_526, %dma_start3A_529] : memref<2x25x80xi32, #tpu.memory_space<vmem>> -> memref<1x1x80xi32, #tpu.memory_space<vmem>>
        %dma_start3A_531 = tpu.memref_squeeze %dma_start3A_530 : memref<1x1x80xi32, #tpu.memory_space<vmem>> -> memref<80xi32, #tpu.memory_space<vmem>>
        %dma_start3A_532 = arith.constant 0 : i32
        %dma_start3A_533 = arith.constant 0 : i32
        %dma_start3A_534 = tpu.memref_slice %arg12[%dma_start3A_532, %dma_start3A_533] : memref<10240x128xf32, #tpu.memory_space<vmem_shared>> -> memref<10240x128xf32, #tpu.memory_space<vmem_shared>>
        tpu.enqueue_indirect_dma source(%arg11 : memref<80x128xf32, #tpu.memory_space<vmem>>) target(%dma_start3A_534 : memref<10240x128xf32, #tpu.memory_space<vmem_shared>>) offsets(%dma_start3A_531 : memref<80xi32, #tpu.memory_space<vmem>>) semaphore(%run_scoped3A_528 : memref<!tpu.dma_semaphore, #tpu.memory_space<semaphore_mem>>) {add = true}
        %dma_wait3A_535 = arith.constant 0 : i32
        %dma_wait3A_536 = tpu.memref_slice %arg9[%run_scoped3A_527, %add3A_526, %dma_wait3A_535] : memref<2x25x80xi32, #tpu.memory_space<vmem>> -> memref<1x1x80xi32, #tpu.memory_space<vmem>>
        %dma_wait3A_537 = tpu.memref_squeeze %dma_wait3A_536 : memref<1x1x80xi32, #tpu.memory_space<vmem>> -> memref<80xi32, #tpu.memory_space<vmem>>
        %dma_wait3A_538 = arith.constant 0 : i32
        %dma_wait3A_539 = arith.constant 0 : i32
        %dma_wait3A_540 = tpu.memref_slice %arg12[%dma_wait3A_538, %dma_wait3A_539] : memref<10240x128xf32, #tpu.memory_space<vmem_shared>> -> memref<10240x128xf32, #tpu.memory_space<vmem_shared>>
        tpu.wait_indirect_dma semaphore(%run_scoped3A_528 : memref<!tpu.dma_semaphore, #tpu.memory_space<semaphore_mem>>) src(%arg11 : memref<80x128xf32, #tpu.memory_space<vmem>>) dst(%dma_wait3A_540 : memref<10240x128xf32, #tpu.memory_space<vmem_shared>>)
        tpu.yield
      }) : () -> ()
    }
    %scan3A_121 = arith.constant 12 : i32
    %dma_wait3A_122 = arith.constant 0 : i32
    %dma_wait3A_123 = arith.constant 24 : i32
    %dma_wait3A_124 = arith.constant 0 : i32
    %dma_wait3A_125 = tpu.memref_slice %arg8[%dma_wait3A_122, %dma_wait3A_123, %dma_wait3A_124] : memref<2x25x80xi32, #tpu.memory_space<vmem>> -> memref<1x1x80xi32, #tpu.memory_space<vmem>>
    %dma_wait3A_126 = tpu.memref_squeeze %dma_wait3A_125 : memref<1x1x80xi32, #tpu.memory_space<vmem>> -> memref<80xi32, #tpu.memory_space<vmem>>
    %dma_wait3A_127 = arith.constant 0 : i32
    %dma_wait3A_128 = arith.constant 0 : i32
    %dma_wait3A_129 = tpu.memref_slice %arg2[%dma_wait3A_127, %dma_wait3A_128] : memref<10240x128xf32, #tpu.memory_space<hbm>> -> memref<10240x128xf32, #tpu.memory_space<hbm>>
    tpu.wait_indirect_dma semaphore(%arg13 : memref<!tpu.dma_semaphore, #tpu.memory_space<semaphore_mem>>) src(%dma_wait3A_129 : memref<10240x128xf32, #tpu.memory_space<hbm>>) dst(%arg10 : memref<80x128xf32, #tpu.memory_space<vmem>>)
    %run_scoped3A = arith.constant 0 : i32
    %run_scoped3A_130 = arith.constant 24 : i32
    "tpu.region"() ({
      %run_scoped3A_487 = tpu.sem_alloc : memref<!tpu.dma_semaphore, #tpu.memory_space<semaphore_mem>>
      %dma_start3A_488 = arith.constant 0 : i32
      %dma_start3A_489 = tpu.memref_slice %arg9[%run_scoped3A, %run_scoped3A_130, %dma_start3A_488] : memref<2x25x80xi32, #tpu.memory_space<vmem>> -> memref<1x1x80xi32, #tpu.memory_space<vmem>>
      %dma_start3A_490 = tpu.memref_squeeze %dma_start3A_489 : memref<1x1x80xi32, #tpu.memory_space<vmem>> -> memref<80xi32, #tpu.memory_space<vmem>>
      %dma_start3A_491 = arith.constant 0 : i32
      %dma_start3A_492 = arith.constant 0 : i32
      %dma_start3A_493 = tpu.memref_slice %arg12[%dma_start3A_491, %dma_start3A_492] : memref<10240x128xf32, #tpu.memory_space<vmem_shared>> -> memref<10240x128xf32, #tpu.memory_space<vmem_shared>>
      tpu.enqueue_indirect_dma source(%arg10 : memref<80x128xf32, #tpu.memory_space<vmem>>) target(%dma_start3A_493 : memref<10240x128xf32, #tpu.memory_space<vmem_shared>>) offsets(%dma_start3A_490 : memref<80xi32, #tpu.memory_space<vmem>>) semaphore(%run_scoped3A_487 : memref<!tpu.dma_semaphore, #tpu.memory_space<semaphore_mem>>) {add = true}
      %dma_wait3A_494 = arith.constant 0 : i32
      %dma_wait3A_495 = tpu.memref_slice %arg9[%run_scoped3A, %run_scoped3A_130, %dma_wait3A_494] : memref<2x25x80xi32, #tpu.memory_space<vmem>> -> memref<1x1x80xi32, #tpu.memory_space<vmem>>
      %dma_wait3A_496 = tpu.memref_squeeze %dma_wait3A_495 : memref<1x1x80xi32, #tpu.memory_space<vmem>> -> memref<80xi32, #tpu.memory_space<vmem>>
      %dma_wait3A_497 = arith.constant 0 : i32
      %dma_wait3A_498 = arith.constant 0 : i32
      %dma_wait3A_499 = tpu.memref_slice %arg12[%dma_wait3A_497, %dma_wait3A_498] : memref<10240x128xf32, #tpu.memory_space<vmem_shared>> -> memref<10240x128xf32, #tpu.memory_space<vmem_shared>>
      tpu.wait_indirect_dma semaphore(%run_scoped3A_487 : memref<!tpu.dma_semaphore, #tpu.memory_space<semaphore_mem>>) src(%arg10 : memref<80x128xf32, #tpu.memory_space<vmem>>) dst(%dma_wait3A_499 : memref<10240x128xf32, #tpu.memory_space<vmem_shared>>)
      tpu.yield
    }) : () -> ()
    %dma_wait3A_131 = arith.constant 1 : i32
    %dma_wait3A_132 = arith.constant 1 : i32
    %dma_wait3A_133 = arith.constant 0 : i32
    %dma_wait3A_134 = arith.constant 0 : i32
    %dma_wait3A_135 = tpu.memref_slice %arg8[%dma_wait3A_132, %dma_wait3A_133, %dma_wait3A_134] : memref<2x25x80xi32, #tpu.memory_space<vmem>> -> memref<1x25x80xi32, #tpu.memory_space<vmem>>
    %dma_wait3A_136 = tpu.memref_squeeze %dma_wait3A_135 : memref<1x25x80xi32, #tpu.memory_space<vmem>> -> memref<25x80xi32, #tpu.memory_space<vmem>>
    %dma_wait3A_137 = arith.constant 0 : i32
    %dma_wait3A_138 = arith.constant 0 : i32
    %dma_wait3A_139 = tpu.memref_slice %arg3[%add3A, %dma_wait3A_131, %dma_wait3A_137, %dma_wait3A_138] : memref<32x5x25x80xi32, #tpu.memory_space<hbm>> -> memref<1x1x25x80xi32, #tpu.memory_space<hbm>>
    %dma_wait3A_140 = tpu.memref_squeeze %dma_wait3A_139 : memref<1x1x25x80xi32, #tpu.memory_space<hbm>> -> memref<25x80xi32, #tpu.memory_space<hbm>>
    %dma_wait3A_141 = arith.constant 0 : i32
    %dma_wait3A_142 = arith.constant 0 : i32
    %dma_wait3A_143 = tpu.memref_slice %arg8[%dma_wait3A_132, %dma_wait3A_141, %dma_wait3A_142] : memref<2x25x80xi32, #tpu.memory_space<vmem>> -> memref<1x25x80xi32, #tpu.memory_space<vmem>>
    %dma_wait3A_144 = tpu.memref_squeeze %dma_wait3A_143 : memref<1x25x80xi32, #tpu.memory_space<vmem>> -> memref<25x80xi32, #tpu.memory_space<vmem>>
    %dma_wait3A_145 = arith.constant 0 : i32
    %dma_wait3A_146 = arith.constant 0 : i32
    %dma_wait3A_147 = tpu.memref_slice %arg3[%add3A, %dma_wait3A_131, %dma_wait3A_145, %dma_wait3A_146] : memref<32x5x25x80xi32, #tpu.memory_space<hbm>> -> memref<1x1x25x80xi32, #tpu.memory_space<hbm>>
    %dma_wait3A_148 = tpu.memref_squeeze %dma_wait3A_147 : memref<1x1x25x80xi32, #tpu.memory_space<hbm>> -> memref<25x80xi32, #tpu.memory_space<hbm>>
    tpu.wait_dma2 semaphore(%arg16 : memref<!tpu.dma_semaphore, #tpu.memory_space<semaphore_mem>>) src(%dma_wait3A_148 : memref<25x80xi32, #tpu.memory_space<hbm>>) dst(%dma_wait3A_144 : memref<25x80xi32, #tpu.memory_space<vmem>>)
    %dma_wait3A_149 = arith.constant 1 : i32
    %dma_wait3A_150 = arith.constant 1 : i32
    %dma_wait3A_151 = arith.constant 0 : i32
    %dma_wait3A_152 = arith.constant 0 : i32
    %dma_wait3A_153 = tpu.memref_slice %arg9[%dma_wait3A_150, %dma_wait3A_151, %dma_wait3A_152] : memref<2x25x80xi32, #tpu.memory_space<vmem>> -> memref<1x25x80xi32, #tpu.memory_space<vmem>>
    %dma_wait3A_154 = tpu.memref_squeeze %dma_wait3A_153 : memref<1x25x80xi32, #tpu.memory_space<vmem>> -> memref<25x80xi32, #tpu.memory_space<vmem>>
    %dma_wait3A_155 = arith.constant 0 : i32
    %dma_wait3A_156 = arith.constant 0 : i32
    %dma_wait3A_157 = tpu.memref_slice %arg4[%add3A, %dma_wait3A_149, %dma_wait3A_155, %dma_wait3A_156] : memref<32x5x25x80xi32, #tpu.memory_space<hbm>> -> memref<1x1x25x80xi32, #tpu.memory_space<hbm>>
    %dma_wait3A_158 = tpu.memref_squeeze %dma_wait3A_157 : memref<1x1x25x80xi32, #tpu.memory_space<hbm>> -> memref<25x80xi32, #tpu.memory_space<hbm>>
    %dma_wait3A_159 = arith.constant 0 : i32
    %dma_wait3A_160 = arith.constant 0 : i32
    %dma_wait3A_161 = tpu.memref_slice %arg9[%dma_wait3A_150, %dma_wait3A_159, %dma_wait3A_160] : memref<2x25x80xi32, #tpu.memory_space<vmem>> -> memref<1x25x80xi32, #tpu.memory_space<vmem>>
    %dma_wait3A_162 = tpu.memref_squeeze %dma_wait3A_161 : memref<1x25x80xi32, #tpu.memory_space<vmem>> -> memref<25x80xi32, #tpu.memory_space<vmem>>
    %dma_wait3A_163 = arith.constant 0 : i32
    %dma_wait3A_164 = arith.constant 0 : i32
    %dma_wait3A_165 = tpu.memref_slice %arg4[%add3A, %dma_wait3A_149, %dma_wait3A_163, %dma_wait3A_164] : memref<32x5x25x80xi32, #tpu.memory_space<hbm>> -> memref<1x1x25x80xi32, #tpu.memory_space<hbm>>
    %dma_wait3A_166 = tpu.memref_squeeze %dma_wait3A_165 : memref<1x1x25x80xi32, #tpu.memory_space<hbm>> -> memref<25x80xi32, #tpu.memory_space<hbm>>
    tpu.wait_dma2 semaphore(%arg16 : memref<!tpu.dma_semaphore, #tpu.memory_space<semaphore_mem>>) src(%dma_wait3A_166 : memref<25x80xi32, #tpu.memory_space<hbm>>) dst(%dma_wait3A_162 : memref<25x80xi32, #tpu.memory_space<vmem>>)
    %dma_start3A_167 = arith.constant 2 : i32
    %dma_start3A_168 = arith.constant 0 : i32
    %dma_start3A_169 = arith.constant 0 : i32
    %dma_start3A_170 = arith.constant 0 : i32
    %dma_start3A_171 = tpu.memref_slice %arg8[%dma_start3A_168, %dma_start3A_169, %dma_start3A_170] : memref<2x25x80xi32, #tpu.memory_space<vmem>> -> memref<1x25x80xi32, #tpu.memory_space<vmem>>
    %dma_start3A_172 = tpu.memref_squeeze %dma_start3A_171 : memref<1x25x80xi32, #tpu.memory_space<vmem>> -> memref<25x80xi32, #tpu.memory_space<vmem>>
    %dma_start3A_173 = arith.constant 0 : i32
    %dma_start3A_174 = arith.constant 0 : i32
    %dma_start3A_175 = tpu.memref_slice %arg3[%add3A, %dma_start3A_167, %dma_start3A_173, %dma_start3A_174] : memref<32x5x25x80xi32, #tpu.memory_space<hbm>> -> memref<1x1x25x80xi32, #tpu.memory_space<hbm>>
    %dma_start3A_176 = tpu.memref_squeeze %dma_start3A_175 : memref<1x1x25x80xi32, #tpu.memory_space<hbm>> -> memref<25x80xi32, #tpu.memory_space<hbm>>
    %dma_start3A_177 = arith.constant 0 : i32
    %dma_start3A_178 = arith.constant 0 : i32
    %dma_start3A_179 = tpu.memref_slice %arg8[%dma_start3A_168, %dma_start3A_177, %dma_start3A_178] : memref<2x25x80xi32, #tpu.memory_space<vmem>> -> memref<1x25x80xi32, #tpu.memory_space<vmem>>
    %dma_start3A_180 = tpu.memref_squeeze %dma_start3A_179 : memref<1x25x80xi32, #tpu.memory_space<vmem>> -> memref<25x80xi32, #tpu.memory_space<vmem>>
    %dma_start3A_181 = arith.constant 0 : i32
    %dma_start3A_182 = arith.constant 0 : i32
    %dma_start3A_183 = tpu.memref_slice %arg3[%add3A, %dma_start3A_167, %dma_start3A_181, %dma_start3A_182] : memref<32x5x25x80xi32, #tpu.memory_space<hbm>> -> memref<1x1x25x80xi32, #tpu.memory_space<hbm>>
    %dma_start3A_184 = tpu.memref_squeeze %dma_start3A_183 : memref<1x1x25x80xi32, #tpu.memory_space<hbm>> -> memref<25x80xi32, #tpu.memory_space<hbm>>
    tpu.enqueue_dma source(%dma_start3A_184 : memref<25x80xi32, #tpu.memory_space<hbm>>) target(%dma_start3A_180 : memref<25x80xi32, #tpu.memory_space<vmem>>) target_semaphore(%arg15 : memref<!tpu.dma_semaphore, #tpu.memory_space<semaphore_mem>>)
    %dma_start3A_185 = arith.constant 2 : i32
    %dma_start3A_186 = arith.constant 0 : i32
    %dma_start3A_187 = arith.constant 0 : i32
    %dma_start3A_188 = arith.constant 0 : i32
    %dma_start3A_189 = tpu.memref_slice %arg9[%dma_start3A_186, %dma_start3A_187, %dma_start3A_188] : memref<2x25x80xi32, #tpu.memory_space<vmem>> -> memref<1x25x80xi32, #tpu.memory_space<vmem>>
    %dma_start3A_190 = tpu.memref_squeeze %dma_start3A_189 : memref<1x25x80xi32, #tpu.memory_space<vmem>> -> memref<25x80xi32, #tpu.memory_space<vmem>>
    %dma_start3A_191 = arith.constant 0 : i32
    %dma_start3A_192 = arith.constant 0 : i32
    %dma_start3A_193 = tpu.memref_slice %arg4[%add3A, %dma_start3A_185, %dma_start3A_191, %dma_start3A_192] : memref<32x5x25x80xi32, #tpu.memory_space<hbm>> -> memref<1x1x25x80xi32, #tpu.memory_space<hbm>>
    %dma_start3A_194 = tpu.memref_squeeze %dma_start3A_193 : memref<1x1x25x80xi32, #tpu.memory_space<hbm>> -> memref<25x80xi32, #tpu.memory_space<hbm>>
    %dma_start3A_195 = arith.constant 0 : i32
    %dma_start3A_196 = arith.constant 0 : i32
    %dma_start3A_197 = tpu.memref_slice %arg9[%dma_start3A_186, %dma_start3A_195, %dma_start3A_196] : memref<2x25x80xi32, #tpu.memory_space<vmem>> -> memref<1x25x80xi32, #tpu.memory_space<vmem>>
    %dma_start3A_198 = tpu.memref_squeeze %dma_start3A_197 : memref<1x25x80xi32, #tpu.memory_space<vmem>> -> memref<25x80xi32, #tpu.memory_space<vmem>>
    %dma_start3A_199 = arith.constant 0 : i32
    %dma_start3A_200 = arith.constant 0 : i32
    %dma_start3A_201 = tpu.memref_slice %arg4[%add3A, %dma_start3A_185, %dma_start3A_199, %dma_start3A_200] : memref<32x5x25x80xi32, #tpu.memory_space<hbm>> -> memref<1x1x25x80xi32, #tpu.memory_space<hbm>>
    %dma_start3A_202 = tpu.memref_squeeze %dma_start3A_201 : memref<1x1x25x80xi32, #tpu.memory_space<hbm>> -> memref<25x80xi32, #tpu.memory_space<hbm>>
    tpu.enqueue_dma source(%dma_start3A_202 : memref<25x80xi32, #tpu.memory_space<hbm>>) target(%dma_start3A_198 : memref<25x80xi32, #tpu.memory_space<vmem>>) target_semaphore(%arg15 : memref<!tpu.dma_semaphore, #tpu.memory_space<semaphore_mem>>)
    %dma_start3A_203 = arith.constant 1 : i32
    %dma_start3A_204 = arith.constant 0 : i32
    %dma_start3A_205 = arith.constant 0 : i32
    %dma_start3A_206 = tpu.memref_slice %arg8[%dma_start3A_203, %dma_start3A_204, %dma_start3A_205] : memref<2x25x80xi32, #tpu.memory_space<vmem>> -> memref<1x1x80xi32, #tpu.memory_space<vmem>>
    %dma_start3A_207 = tpu.memref_squeeze %dma_start3A_206 : memref<1x1x80xi32, #tpu.memory_space<vmem>> -> memref<80xi32, #tpu.memory_space<vmem>>
    %dma_start3A_208 = arith.constant 0 : i32
    %dma_start3A_209 = arith.constant 0 : i32
    %dma_start3A_210 = tpu.memref_slice %arg2[%dma_start3A_208, %dma_start3A_209] : memref<10240x128xf32, #tpu.memory_space<hbm>> -> memref<10240x128xf32, #tpu.memory_space<hbm>>
    tpu.enqueue_indirect_dma source(%dma_start3A_210 : memref<10240x128xf32, #tpu.memory_space<hbm>>) target(%arg10 : memref<80x128xf32, #tpu.memory_space<vmem>>) offsets(%dma_start3A_207 : memref<80xi32, #tpu.memory_space<vmem>>) semaphore(%arg13 : memref<!tpu.dma_semaphore, #tpu.memory_space<semaphore_mem>>)
    %scan3A_211 = arith.constant 0 : i32
    %scan3A_212 = arith.constant 0 : i32
    %scan3A_213 = arith.constant 12 : i32
    %scan3A_214 = arith.addi %scan3A_212, %scan3A_213 : i32
    %scan3A_215 = arith.constant 1 : i32
    scf.for %scan3A_487 = %scan3A_212 to %scan3A_214 step %scan3A_215  : i32 {
      %mul3A_488 = arith.constant 2 : i32
      %mul3A_489 = arith.muli %mul3A_488, %scan3A_487 : i32
      %add3A_490 = arith.constant 1 : i32
      %add3A_491 = arith.addi %mul3A_489, %add3A_490 : i32
      %dma_start3A_492 = arith.constant 1 : i32
      %dma_start3A_493 = arith.constant 0 : i32
      %dma_start3A_494 = tpu.memref_slice %arg8[%dma_start3A_492, %add3A_491, %dma_start3A_493] : memref<2x25x80xi32, #tpu.memory_space<vmem>> -> memref<1x1x80xi32, #tpu.memory_space<vmem>>
      %dma_start3A_495 = tpu.memref_squeeze %dma_start3A_494 : memref<1x1x80xi32, #tpu.memory_space<vmem>> -> memref<80xi32, #tpu.memory_space<vmem>>
      %dma_start3A_496 = arith.constant 0 : i32
      %dma_start3A_497 = arith.constant 0 : i32
      %dma_start3A_498 = tpu.memref_slice %arg2[%dma_start3A_496, %dma_start3A_497] : memref<10240x128xf32, #tpu.memory_space<hbm>> -> memref<10240x128xf32, #tpu.memory_space<hbm>>
      tpu.enqueue_indirect_dma source(%dma_start3A_498 : memref<10240x128xf32, #tpu.memory_space<hbm>>) target(%arg11 : memref<80x128xf32, #tpu.memory_space<vmem>>) offsets(%dma_start3A_495 : memref<80xi32, #tpu.memory_space<vmem>>) semaphore(%arg14 : memref<!tpu.dma_semaphore, #tpu.memory_space<semaphore_mem>>)
      %dma_wait3A_499 = arith.constant 1 : i32
      %dma_wait3A_500 = arith.constant 0 : i32
      %dma_wait3A_501 = tpu.memref_slice %arg8[%dma_wait3A_499, %mul3A_489, %dma_wait3A_500] : memref<2x25x80xi32, #tpu.memory_space<vmem>> -> memref<1x1x80xi32, #tpu.memory_space<vmem>>
      %dma_wait3A_502 = tpu.memref_squeeze %dma_wait3A_501 : memref<1x1x80xi32, #tpu.memory_space<vmem>> -> memref<80xi32, #tpu.memory_space<vmem>>
      %dma_wait3A_503 = arith.constant 0 : i32
      %dma_wait3A_504 = arith.constant 0 : i32
      %dma_wait3A_505 = tpu.memref_slice %arg2[%dma_wait3A_503, %dma_wait3A_504] : memref<10240x128xf32, #tpu.memory_space<hbm>> -> memref<10240x128xf32, #tpu.memory_space<hbm>>
      tpu.wait_indirect_dma semaphore(%arg13 : memref<!tpu.dma_semaphore, #tpu.memory_space<semaphore_mem>>) src(%dma_wait3A_505 : memref<10240x128xf32, #tpu.memory_space<hbm>>) dst(%arg10 : memref<80x128xf32, #tpu.memory_space<vmem>>)
      %run_scoped3A_506 = arith.constant 1 : i32
      "tpu.region"() ({
        %run_scoped3A_528 = tpu.sem_alloc : memref<!tpu.dma_semaphore, #tpu.memory_space<semaphore_mem>>
        %dma_start3A_529 = arith.constant 0 : i32
        %dma_start3A_530 = tpu.memref_slice %arg9[%run_scoped3A_506, %mul3A_489, %dma_start3A_529] : memref<2x25x80xi32, #tpu.memory_space<vmem>> -> memref<1x1x80xi32, #tpu.memory_space<vmem>>
        %dma_start3A_531 = tpu.memref_squeeze %dma_start3A_530 : memref<1x1x80xi32, #tpu.memory_space<vmem>> -> memref<80xi32, #tpu.memory_space<vmem>>
        %dma_start3A_532 = arith.constant 0 : i32
        %dma_start3A_533 = arith.constant 0 : i32
        %dma_start3A_534 = tpu.memref_slice %arg12[%dma_start3A_532, %dma_start3A_533] : memref<10240x128xf32, #tpu.memory_space<vmem_shared>> -> memref<10240x128xf32, #tpu.memory_space<vmem_shared>>
        tpu.enqueue_indirect_dma source(%arg10 : memref<80x128xf32, #tpu.memory_space<vmem>>) target(%dma_start3A_534 : memref<10240x128xf32, #tpu.memory_space<vmem_shared>>) offsets(%dma_start3A_531 : memref<80xi32, #tpu.memory_space<vmem>>) semaphore(%run_scoped3A_528 : memref<!tpu.dma_semaphore, #tpu.memory_space<semaphore_mem>>) {add = true}
        %dma_wait3A_535 = arith.constant 0 : i32
        %dma_wait3A_536 = tpu.memref_slice %arg9[%run_scoped3A_506, %mul3A_489, %dma_wait3A_535] : memref<2x25x80xi32, #tpu.memory_space<vmem>> -> memref<1x1x80xi32, #tpu.memory_space<vmem>>
        %dma_wait3A_537 = tpu.memref_squeeze %dma_wait3A_536 : memref<1x1x80xi32, #tpu.memory_space<vmem>> -> memref<80xi32, #tpu.memory_space<vmem>>
        %dma_wait3A_538 = arith.constant 0 : i32
        %dma_wait3A_539 = arith.constant 0 : i32
        %dma_wait3A_540 = tpu.memref_slice %arg12[%dma_wait3A_538, %dma_wait3A_539] : memref<10240x128xf32, #tpu.memory_space<vmem_shared>> -> memref<10240x128xf32, #tpu.memory_space<vmem_shared>>
        tpu.wait_indirect_dma semaphore(%run_scoped3A_528 : memref<!tpu.dma_semaphore, #tpu.memory_space<semaphore_mem>>) src(%arg10 : memref<80x128xf32, #tpu.memory_space<vmem>>) dst(%dma_wait3A_540 : memref<10240x128xf32, #tpu.memory_space<vmem_shared>>)
        tpu.yield
      }) : () -> ()
      %add3A_507 = arith.constant 2 : i32
      %add3A_508 = arith.addi %mul3A_489, %add3A_507 : i32
      %dma_start3A_509 = arith.constant 1 : i32
      %dma_start3A_510 = arith.constant 0 : i32
      %dma_start3A_511 = tpu.memref_slice %arg8[%dma_start3A_509, %add3A_508, %dma_start3A_510] : memref<2x25x80xi32, #tpu.memory_space<vmem>> -> memref<1x1x80xi32, #tpu.memory_space<vmem>>
      %dma_start3A_512 = tpu.memref_squeeze %dma_start3A_511 : memref<1x1x80xi32, #tpu.memory_space<vmem>> -> memref<80xi32, #tpu.memory_space<vmem>>
      %dma_start3A_513 = arith.constant 0 : i32
      %dma_start3A_514 = arith.constant 0 : i32
      %dma_start3A_515 = tpu.memref_slice %arg2[%dma_start3A_513, %dma_start3A_514] : memref<10240x128xf32, #tpu.memory_space<hbm>> -> memref<10240x128xf32, #tpu.memory_space<hbm>>
      tpu.enqueue_indirect_dma source(%dma_start3A_515 : memref<10240x128xf32, #tpu.memory_space<hbm>>) target(%arg10 : memref<80x128xf32, #tpu.memory_space<vmem>>) offsets(%dma_start3A_512 : memref<80xi32, #tpu.memory_space<vmem>>) semaphore(%arg13 : memref<!tpu.dma_semaphore, #tpu.memory_space<semaphore_mem>>)
      %add3A_516 = arith.constant 1 : i32
      %add3A_517 = arith.addi %mul3A_489, %add3A_516 : i32
      %dma_wait3A_518 = arith.constant 1 : i32
      %dma_wait3A_519 = arith.constant 0 : i32
      %dma_wait3A_520 = tpu.memref_slice %arg8[%dma_wait3A_518, %add3A_517, %dma_wait3A_519] : memref<2x25x80xi32, #tpu.memory_space<vmem>> -> memref<1x1x80xi32, #tpu.memory_space<vmem>>
      %dma_wait3A_521 = tpu.memref_squeeze %dma_wait3A_520 : memref<1x1x80xi32, #tpu.memory_space<vmem>> -> memref<80xi32, #tpu.memory_space<vmem>>
      %dma_wait3A_522 = arith.constant 0 : i32
      %dma_wait3A_523 = arith.constant 0 : i32
      %dma_wait3A_524 = tpu.memref_slice %arg2[%dma_wait3A_522, %dma_wait3A_523] : memref<10240x128xf32, #tpu.memory_space<hbm>> -> memref<10240x128xf32, #tpu.memory_space<hbm>>
      tpu.wait_indirect_dma semaphore(%arg14 : memref<!tpu.dma_semaphore, #tpu.memory_space<semaphore_mem>>) src(%dma_wait3A_524 : memref<10240x128xf32, #tpu.memory_space<hbm>>) dst(%arg11 : memref<80x128xf32, #tpu.memory_space<vmem>>)
      %add3A_525 = arith.constant 1 : i32
      %add3A_526 = arith.addi %mul3A_489, %add3A_525 : i32
      %run_scoped3A_527 = arith.constant 1 : i32
      "tpu.region"() ({
        %run_scoped3A_528 = tpu.sem_alloc : memref<!tpu.dma_semaphore, #tpu.memory_space<semaphore_mem>>
        %dma_start3A_529 = arith.constant 0 : i32
        %dma_start3A_530 = tpu.memref_slice %arg9[%run_scoped3A_527, %add3A_526, %dma_start3A_529] : memref<2x25x80xi32, #tpu.memory_space<vmem>> -> memref<1x1x80xi32, #tpu.memory_space<vmem>>
        %dma_start3A_531 = tpu.memref_squeeze %dma_start3A_530 : memref<1x1x80xi32, #tpu.memory_space<vmem>> -> memref<80xi32, #tpu.memory_space<vmem>>
        %dma_start3A_532 = arith.constant 0 : i32
        %dma_start3A_533 = arith.constant 0 : i32
        %dma_start3A_534 = tpu.memref_slice %arg12[%dma_start3A_532, %dma_start3A_533] : memref<10240x128xf32, #tpu.memory_space<vmem_shared>> -> memref<10240x128xf32, #tpu.memory_space<vmem_shared>>
        tpu.enqueue_indirect_dma source(%arg11 : memref<80x128xf32, #tpu.memory_space<vmem>>) target(%dma_start3A_534 : memref<10240x128xf32, #tpu.memory_space<vmem_shared>>) offsets(%dma_start3A_531 : memref<80xi32, #tpu.memory_space<vmem>>) semaphore(%run_scoped3A_528 : memref<!tpu.dma_semaphore, #tpu.memory_space<semaphore_mem>>) {add = true}
        %dma_wait3A_535 = arith.constant 0 : i32
        %dma_wait3A_536 = tpu.memref_slice %arg9[%run_scoped3A_527, %add3A_526, %dma_wait3A_535] : memref<2x25x80xi32, #tpu.memory_space<vmem>> -> memref<1x1x80xi32, #tpu.memory_space<vmem>>
        %dma_wait3A_537 = tpu.memref_squeeze %dma_wait3A_536 : memref<1x1x80xi32, #tpu.memory_space<vmem>> -> memref<80xi32, #tpu.memory_space<vmem>>
        %dma_wait3A_538 = arith.constant 0 : i32
        %dma_wait3A_539 = arith.constant 0 : i32
        %dma_wait3A_540 = tpu.memref_slice %arg12[%dma_wait3A_538, %dma_wait3A_539] : memref<10240x128xf32, #tpu.memory_space<vmem_shared>> -> memref<10240x128xf32, #tpu.memory_space<vmem_shared>>
        tpu.wait_indirect_dma semaphore(%run_scoped3A_528 : memref<!tpu.dma_semaphore, #tpu.memory_space<semaphore_mem>>) src(%arg11 : memref<80x128xf32, #tpu.memory_space<vmem>>) dst(%dma_wait3A_540 : memref<10240x128xf32, #tpu.memory_space<vmem_shared>>)
        tpu.yield
      }) : () -> ()
    }
    %scan3A_216 = arith.constant 12 : i32
    %dma_wait3A_217 = arith.constant 1 : i32
    %dma_wait3A_218 = arith.constant 24 : i32
    %dma_wait3A_219 = arith.constant 0 : i32
    %dma_wait3A_220 = tpu.memref_slice %arg8[%dma_wait3A_217, %dma_wait3A_218, %dma_wait3A_219] : memref<2x25x80xi32, #tpu.memory_space<vmem>> -> memref<1x1x80xi32, #tpu.memory_space<vmem>>
    %dma_wait3A_221 = tpu.memref_squeeze %dma_wait3A_220 : memref<1x1x80xi32, #tpu.memory_space<vmem>> -> memref<80xi32, #tpu.memory_space<vmem>>
    %dma_wait3A_222 = arith.constant 0 : i32
    %dma_wait3A_223 = arith.constant 0 : i32
    %dma_wait3A_224 = tpu.memref_slice %arg2[%dma_wait3A_222, %dma_wait3A_223] : memref<10240x128xf32, #tpu.memory_space<hbm>> -> memref<10240x128xf32, #tpu.memory_space<hbm>>
    tpu.wait_indirect_dma semaphore(%arg13 : memref<!tpu.dma_semaphore, #tpu.memory_space<semaphore_mem>>) src(%dma_wait3A_224 : memref<10240x128xf32, #tpu.memory_space<hbm>>) dst(%arg10 : memref<80x128xf32, #tpu.memory_space<vmem>>)
    %run_scoped3A_225 = arith.constant 1 : i32
    %run_scoped3A_226 = arith.constant 24 : i32
    "tpu.region"() ({
      %run_scoped3A_487 = tpu.sem_alloc : memref<!tpu.dma_semaphore, #tpu.memory_space<semaphore_mem>>
      %dma_start3A_488 = arith.constant 0 : i32
      %dma_start3A_489 = tpu.memref_slice %arg9[%run_scoped3A_225, %run_scoped3A_226, %dma_start3A_488] : memref<2x25x80xi32, #tpu.memory_space<vmem>> -> memref<1x1x80xi32, #tpu.memory_space<vmem>>
      %dma_start3A_490 = tpu.memref_squeeze %dma_start3A_489 : memref<1x1x80xi32, #tpu.memory_space<vmem>> -> memref<80xi32, #tpu.memory_space<vmem>>
      %dma_start3A_491 = arith.constant 0 : i32
      %dma_start3A_492 = arith.constant 0 : i32
      %dma_start3A_493 = tpu.memref_slice %arg12[%dma_start3A_491, %dma_start3A_492] : memref<10240x128xf32, #tpu.memory_space<vmem_shared>> -> memref<10240x128xf32, #tpu.memory_space<vmem_shared>>
      tpu.enqueue_indirect_dma source(%arg10 : memref<80x128xf32, #tpu.memory_space<vmem>>) target(%dma_start3A_493 : memref<10240x128xf32, #tpu.memory_space<vmem_shared>>) offsets(%dma_start3A_490 : memref<80xi32, #tpu.memory_space<vmem>>) semaphore(%run_scoped3A_487 : memref<!tpu.dma_semaphore, #tpu.memory_space<semaphore_mem>>) {add = true}
      %dma_wait3A_494 = arith.constant 0 : i32
      %dma_wait3A_495 = tpu.memref_slice %arg9[%run_scoped3A_225, %run_scoped3A_226, %dma_wait3A_494] : memref<2x25x80xi32, #tpu.memory_space<vmem>> -> memref<1x1x80xi32, #tpu.memory_space<vmem>>
      %dma_wait3A_496 = tpu.memref_squeeze %dma_wait3A_495 : memref<1x1x80xi32, #tpu.memory_space<vmem>> -> memref<80xi32, #tpu.memory_space<vmem>>
      %dma_wait3A_497 = arith.constant 0 : i32
      %dma_wait3A_498 = arith.constant 0 : i32
      %dma_wait3A_499 = tpu.memref_slice %arg12[%dma_wait3A_497, %dma_wait3A_498] : memref<10240x128xf32, #tpu.memory_space<vmem_shared>> -> memref<10240x128xf32, #tpu.memory_space<vmem_shared>>
      tpu.wait_indirect_dma semaphore(%run_scoped3A_487 : memref<!tpu.dma_semaphore, #tpu.memory_space<semaphore_mem>>) src(%arg10 : memref<80x128xf32, #tpu.memory_space<vmem>>) dst(%dma_wait3A_499 : memref<10240x128xf32, #tpu.memory_space<vmem_shared>>)
      tpu.yield
    }) : () -> ()
    %dma_wait3A_227 = arith.constant 2 : i32
    %dma_wait3A_228 = arith.constant 0 : i32
    %dma_wait3A_229 = arith.constant 0 : i32
    %dma_wait3A_230 = arith.constant 0 : i32
    %dma_wait3A_231 = tpu.memref_slice %arg8[%dma_wait3A_228, %dma_wait3A_229, %dma_wait3A_230] : memref<2x25x80xi32, #tpu.memory_space<vmem>> -> memref<1x25x80xi32, #tpu.memory_space<vmem>>
    %dma_wait3A_232 = tpu.memref_squeeze %dma_wait3A_231 : memref<1x25x80xi32, #tpu.memory_space<vmem>> -> memref<25x80xi32, #tpu.memory_space<vmem>>
    %dma_wait3A_233 = arith.constant 0 : i32
    %dma_wait3A_234 = arith.constant 0 : i32
    %dma_wait3A_235 = tpu.memref_slice %arg3[%add3A, %dma_wait3A_227, %dma_wait3A_233, %dma_wait3A_234] : memref<32x5x25x80xi32, #tpu.memory_space<hbm>> -> memref<1x1x25x80xi32, #tpu.memory_space<hbm>>
    %dma_wait3A_236 = tpu.memref_squeeze %dma_wait3A_235 : memref<1x1x25x80xi32, #tpu.memory_space<hbm>> -> memref<25x80xi32, #tpu.memory_space<hbm>>
    %dma_wait3A_237 = arith.constant 0 : i32
    %dma_wait3A_238 = arith.constant 0 : i32
    %dma_wait3A_239 = tpu.memref_slice %arg8[%dma_wait3A_228, %dma_wait3A_237, %dma_wait3A_238] : memref<2x25x80xi32, #tpu.memory_space<vmem>> -> memref<1x25x80xi32, #tpu.memory_space<vmem>>
    %dma_wait3A_240 = tpu.memref_squeeze %dma_wait3A_239 : memref<1x25x80xi32, #tpu.memory_space<vmem>> -> memref<25x80xi32, #tpu.memory_space<vmem>>
    %dma_wait3A_241 = arith.constant 0 : i32
    %dma_wait3A_242 = arith.constant 0 : i32
    %dma_wait3A_243 = tpu.memref_slice %arg3[%add3A, %dma_wait3A_227, %dma_wait3A_241, %dma_wait3A_242] : memref<32x5x25x80xi32, #tpu.memory_space<hbm>> -> memref<1x1x25x80xi32, #tpu.memory_space<hbm>>
    %dma_wait3A_244 = tpu.memref_squeeze %dma_wait3A_243 : memref<1x1x25x80xi32, #tpu.memory_space<hbm>> -> memref<25x80xi32, #tpu.memory_space<hbm>>
    tpu.wait_dma2 semaphore(%arg15 : memref<!tpu.dma_semaphore, #tpu.memory_space<semaphore_mem>>) src(%dma_wait3A_244 : memref<25x80xi32, #tpu.memory_space<hbm>>) dst(%dma_wait3A_240 : memref<25x80xi32, #tpu.memory_space<vmem>>)
    %dma_wait3A_245 = arith.constant 2 : i32
    %dma_wait3A_246 = arith.constant 0 : i32
    %dma_wait3A_247 = arith.constant 0 : i32
    %dma_wait3A_248 = arith.constant 0 : i32
    %dma_wait3A_249 = tpu.memref_slice %arg9[%dma_wait3A_246, %dma_wait3A_247, %dma_wait3A_248] : memref<2x25x80xi32, #tpu.memory_space<vmem>> -> memref<1x25x80xi32, #tpu.memory_space<vmem>>
    %dma_wait3A_250 = tpu.memref_squeeze %dma_wait3A_249 : memref<1x25x80xi32, #tpu.memory_space<vmem>> -> memref<25x80xi32, #tpu.memory_space<vmem>>
    %dma_wait3A_251 = arith.constant 0 : i32
    %dma_wait3A_252 = arith.constant 0 : i32
    %dma_wait3A_253 = tpu.memref_slice %arg4[%add3A, %dma_wait3A_245, %dma_wait3A_251, %dma_wait3A_252] : memref<32x5x25x80xi32, #tpu.memory_space<hbm>> -> memref<1x1x25x80xi32, #tpu.memory_space<hbm>>
    %dma_wait3A_254 = tpu.memref_squeeze %dma_wait3A_253 : memref<1x1x25x80xi32, #tpu.memory_space<hbm>> -> memref<25x80xi32, #tpu.memory_space<hbm>>
    %dma_wait3A_255 = arith.constant 0 : i32
    %dma_wait3A_256 = arith.constant 0 : i32
    %dma_wait3A_257 = tpu.memref_slice %arg9[%dma_wait3A_246, %dma_wait3A_255, %dma_wait3A_256] : memref<2x25x80xi32, #tpu.memory_space<vmem>> -> memref<1x25x80xi32, #tpu.memory_space<vmem>>
    %dma_wait3A_258 = tpu.memref_squeeze %dma_wait3A_257 : memref<1x25x80xi32, #tpu.memory_space<vmem>> -> memref<25x80xi32, #tpu.memory_space<vmem>>
    %dma_wait3A_259 = arith.constant 0 : i32
    %dma_wait3A_260 = arith.constant 0 : i32
    %dma_wait3A_261 = tpu.memref_slice %arg4[%add3A, %dma_wait3A_245, %dma_wait3A_259, %dma_wait3A_260] : memref<32x5x25x80xi32, #tpu.memory_space<hbm>> -> memref<1x1x25x80xi32, #tpu.memory_space<hbm>>
    %dma_wait3A_262 = tpu.memref_squeeze %dma_wait3A_261 : memref<1x1x25x80xi32, #tpu.memory_space<hbm>> -> memref<25x80xi32, #tpu.memory_space<hbm>>
    tpu.wait_dma2 semaphore(%arg15 : memref<!tpu.dma_semaphore, #tpu.memory_space<semaphore_mem>>) src(%dma_wait3A_262 : memref<25x80xi32, #tpu.memory_space<hbm>>) dst(%dma_wait3A_258 : memref<25x80xi32, #tpu.memory_space<vmem>>)
    %dma_start3A_263 = arith.constant 3 : i32
    %dma_start3A_264 = arith.constant 1 : i32
    %dma_start3A_265 = arith.constant 0 : i32
    %dma_start3A_266 = arith.constant 0 : i32
    %dma_start3A_267 = tpu.memref_slice %arg8[%dma_start3A_264, %dma_start3A_265, %dma_start3A_266] : memref<2x25x80xi32, #tpu.memory_space<vmem>> -> memref<1x25x80xi32, #tpu.memory_space<vmem>>
    %dma_start3A_268 = tpu.memref_squeeze %dma_start3A_267 : memref<1x25x80xi32, #tpu.memory_space<vmem>> -> memref<25x80xi32, #tpu.memory_space<vmem>>
    %dma_start3A_269 = arith.constant 0 : i32
    %dma_start3A_270 = arith.constant 0 : i32
    %dma_start3A_271 = tpu.memref_slice %arg3[%add3A, %dma_start3A_263, %dma_start3A_269, %dma_start3A_270] : memref<32x5x25x80xi32, #tpu.memory_space<hbm>> -> memref<1x1x25x80xi32, #tpu.memory_space<hbm>>
    %dma_start3A_272 = tpu.memref_squeeze %dma_start3A_271 : memref<1x1x25x80xi32, #tpu.memory_space<hbm>> -> memref<25x80xi32, #tpu.memory_space<hbm>>
    %dma_start3A_273 = arith.constant 0 : i32
    %dma_start3A_274 = arith.constant 0 : i32
    %dma_start3A_275 = tpu.memref_slice %arg8[%dma_start3A_264, %dma_start3A_273, %dma_start3A_274] : memref<2x25x80xi32, #tpu.memory_space<vmem>> -> memref<1x25x80xi32, #tpu.memory_space<vmem>>
    %dma_start3A_276 = tpu.memref_squeeze %dma_start3A_275 : memref<1x25x80xi32, #tpu.memory_space<vmem>> -> memref<25x80xi32, #tpu.memory_space<vmem>>
    %dma_start3A_277 = arith.constant 0 : i32
    %dma_start3A_278 = arith.constant 0 : i32
    %dma_start3A_279 = tpu.memref_slice %arg3[%add3A, %dma_start3A_263, %dma_start3A_277, %dma_start3A_278] : memref<32x5x25x80xi32, #tpu.memory_space<hbm>> -> memref<1x1x25x80xi32, #tpu.memory_space<hbm>>
    %dma_start3A_280 = tpu.memref_squeeze %dma_start3A_279 : memref<1x1x25x80xi32, #tpu.memory_space<hbm>> -> memref<25x80xi32, #tpu.memory_space<hbm>>
    tpu.enqueue_dma source(%dma_start3A_280 : memref<25x80xi32, #tpu.memory_space<hbm>>) target(%dma_start3A_276 : memref<25x80xi32, #tpu.memory_space<vmem>>) target_semaphore(%arg16 : memref<!tpu.dma_semaphore, #tpu.memory_space<semaphore_mem>>)
    %dma_start3A_281 = arith.constant 3 : i32
    %dma_start3A_282 = arith.constant 1 : i32
    %dma_start3A_283 = arith.constant 0 : i32
    %dma_start3A_284 = arith.constant 0 : i32
    %dma_start3A_285 = tpu.memref_slice %arg9[%dma_start3A_282, %dma_start3A_283, %dma_start3A_284] : memref<2x25x80xi32, #tpu.memory_space<vmem>> -> memref<1x25x80xi32, #tpu.memory_space<vmem>>
    %dma_start3A_286 = tpu.memref_squeeze %dma_start3A_285 : memref<1x25x80xi32, #tpu.memory_space<vmem>> -> memref<25x80xi32, #tpu.memory_space<vmem>>
    %dma_start3A_287 = arith.constant 0 : i32
    %dma_start3A_288 = arith.constant 0 : i32
    %dma_start3A_289 = tpu.memref_slice %arg4[%add3A, %dma_start3A_281, %dma_start3A_287, %dma_start3A_288] : memref<32x5x25x80xi32, #tpu.memory_space<hbm>> -> memref<1x1x25x80xi32, #tpu.memory_space<hbm>>
    %dma_start3A_290 = tpu.memref_squeeze %dma_start3A_289 : memref<1x1x25x80xi32, #tpu.memory_space<hbm>> -> memref<25x80xi32, #tpu.memory_space<hbm>>
    %dma_start3A_291 = arith.constant 0 : i32
    %dma_start3A_292 = arith.constant 0 : i32
    %dma_start3A_293 = tpu.memref_slice %arg9[%dma_start3A_282, %dma_start3A_291, %dma_start3A_292] : memref<2x25x80xi32, #tpu.memory_space<vmem>> -> memref<1x25x80xi32, #tpu.memory_space<vmem>>
    %dma_start3A_294 = tpu.memref_squeeze %dma_start3A_293 : memref<1x25x80xi32, #tpu.memory_space<vmem>> -> memref<25x80xi32, #tpu.memory_space<vmem>>
    %dma_start3A_295 = arith.constant 0 : i32
    %dma_start3A_296 = arith.constant 0 : i32
    %dma_start3A_297 = tpu.memref_slice %arg4[%add3A, %dma_start3A_281, %dma_start3A_295, %dma_start3A_296] : memref<32x5x25x80xi32, #tpu.memory_space<hbm>> -> memref<1x1x25x80xi32, #tpu.memory_space<hbm>>
    %dma_start3A_298 = tpu.memref_squeeze %dma_start3A_297 : memref<1x1x25x80xi32, #tpu.memory_space<hbm>> -> memref<25x80xi32, #tpu.memory_space<hbm>>
    tpu.enqueue_dma source(%dma_start3A_298 : memref<25x80xi32, #tpu.memory_space<hbm>>) target(%dma_start3A_294 : memref<25x80xi32, #tpu.memory_space<vmem>>) target_semaphore(%arg16 : memref<!tpu.dma_semaphore, #tpu.memory_space<semaphore_mem>>)
    %dma_start3A_299 = arith.constant 0 : i32
    %dma_start3A_300 = arith.constant 0 : i32
    %dma_start3A_301 = arith.constant 0 : i32
    %dma_start3A_302 = tpu.memref_slice %arg8[%dma_start3A_299, %dma_start3A_300, %dma_start3A_301] : memref<2x25x80xi32, #tpu.memory_space<vmem>> -> memref<1x1x80xi32, #tpu.memory_space<vmem>>
    %dma_start3A_303 = tpu.memref_squeeze %dma_start3A_302 : memref<1x1x80xi32, #tpu.memory_space<vmem>> -> memref<80xi32, #tpu.memory_space<vmem>>
    %dma_start3A_304 = arith.constant 0 : i32
    %dma_start3A_305 = arith.constant 0 : i32
    %dma_start3A_306 = tpu.memref_slice %arg2[%dma_start3A_304, %dma_start3A_305] : memref<10240x128xf32, #tpu.memory_space<hbm>> -> memref<10240x128xf32, #tpu.memory_space<hbm>>
    tpu.enqueue_indirect_dma source(%dma_start3A_306 : memref<10240x128xf32, #tpu.memory_space<hbm>>) target(%arg10 : memref<80x128xf32, #tpu.memory_space<vmem>>) offsets(%dma_start3A_303 : memref<80xi32, #tpu.memory_space<vmem>>) semaphore(%arg13 : memref<!tpu.dma_semaphore, #tpu.memory_space<semaphore_mem>>)
    %scan3A_307 = arith.constant 0 : i32
    %scan3A_308 = arith.constant 0 : i32
    %scan3A_309 = arith.constant 12 : i32
    %scan3A_310 = arith.addi %scan3A_308, %scan3A_309 : i32
    %scan3A_311 = arith.constant 1 : i32
    scf.for %scan3A_487 = %scan3A_308 to %scan3A_310 step %scan3A_311  : i32 {
      %mul3A_488 = arith.constant 2 : i32
      %mul3A_489 = arith.muli %mul3A_488, %scan3A_487 : i32
      %add3A_490 = arith.constant 1 : i32
      %add3A_491 = arith.addi %mul3A_489, %add3A_490 : i32
      %dma_start3A_492 = arith.constant 0 : i32
      %dma_start3A_493 = arith.constant 0 : i32
      %dma_start3A_494 = tpu.memref_slice %arg8[%dma_start3A_492, %add3A_491, %dma_start3A_493] : memref<2x25x80xi32, #tpu.memory_space<vmem>> -> memref<1x1x80xi32, #tpu.memory_space<vmem>>
      %dma_start3A_495 = tpu.memref_squeeze %dma_start3A_494 : memref<1x1x80xi32, #tpu.memory_space<vmem>> -> memref<80xi32, #tpu.memory_space<vmem>>
      %dma_start3A_496 = arith.constant 0 : i32
      %dma_start3A_497 = arith.constant 0 : i32
      %dma_start3A_498 = tpu.memref_slice %arg2[%dma_start3A_496, %dma_start3A_497] : memref<10240x128xf32, #tpu.memory_space<hbm>> -> memref<10240x128xf32, #tpu.memory_space<hbm>>
      tpu.enqueue_indirect_dma source(%dma_start3A_498 : memref<10240x128xf32, #tpu.memory_space<hbm>>) target(%arg11 : memref<80x128xf32, #tpu.memory_space<vmem>>) offsets(%dma_start3A_495 : memref<80xi32, #tpu.memory_space<vmem>>) semaphore(%arg14 : memref<!tpu.dma_semaphore, #tpu.memory_space<semaphore_mem>>)
      %dma_wait3A_499 = arith.constant 0 : i32
      %dma_wait3A_500 = arith.constant 0 : i32
      %dma_wait3A_501 = tpu.memref_slice %arg8[%dma_wait3A_499, %mul3A_489, %dma_wait3A_500] : memref<2x25x80xi32, #tpu.memory_space<vmem>> -> memref<1x1x80xi32, #tpu.memory_space<vmem>>
      %dma_wait3A_502 = tpu.memref_squeeze %dma_wait3A_501 : memref<1x1x80xi32, #tpu.memory_space<vmem>> -> memref<80xi32, #tpu.memory_space<vmem>>
      %dma_wait3A_503 = arith.constant 0 : i32
      %dma_wait3A_504 = arith.constant 0 : i32
      %dma_wait3A_505 = tpu.memref_slice %arg2[%dma_wait3A_503, %dma_wait3A_504] : memref<10240x128xf32, #tpu.memory_space<hbm>> -> memref<10240x128xf32, #tpu.memory_space<hbm>>
      tpu.wait_indirect_dma semaphore(%arg13 : memref<!tpu.dma_semaphore, #tpu.memory_space<semaphore_mem>>) src(%dma_wait3A_505 : memref<10240x128xf32, #tpu.memory_space<hbm>>) dst(%arg10 : memref<80x128xf32, #tpu.memory_space<vmem>>)
      %run_scoped3A_506 = arith.constant 0 : i32
      "tpu.region"() ({
        %run_scoped3A_528 = tpu.sem_alloc : memref<!tpu.dma_semaphore, #tpu.memory_space<semaphore_mem>>
        %dma_start3A_529 = arith.constant 0 : i32
        %dma_start3A_530 = tpu.memref_slice %arg9[%run_scoped3A_506, %mul3A_489, %dma_start3A_529] : memref<2x25x80xi32, #tpu.memory_space<vmem>> -> memref<1x1x80xi32, #tpu.memory_space<vmem>>
        %dma_start3A_531 = tpu.memref_squeeze %dma_start3A_530 : memref<1x1x80xi32, #tpu.memory_space<vmem>> -> memref<80xi32, #tpu.memory_space<vmem>>
        %dma_start3A_532 = arith.constant 0 : i32
        %dma_start3A_533 = arith.constant 0 : i32
        %dma_start3A_534 = tpu.memref_slice %arg12[%dma_start3A_532, %dma_start3A_533] : memref<10240x128xf32, #tpu.memory_space<vmem_shared>> -> memref<10240x128xf32, #tpu.memory_space<vmem_shared>>
        tpu.enqueue_indirect_dma source(%arg10 : memref<80x128xf32, #tpu.memory_space<vmem>>) target(%dma_start3A_534 : memref<10240x128xf32, #tpu.memory_space<vmem_shared>>) offsets(%dma_start3A_531 : memref<80xi32, #tpu.memory_space<vmem>>) semaphore(%run_scoped3A_528 : memref<!tpu.dma_semaphore, #tpu.memory_space<semaphore_mem>>) {add = true}
        %dma_wait3A_535 = arith.constant 0 : i32
        %dma_wait3A_536 = tpu.memref_slice %arg9[%run_scoped3A_506, %mul3A_489, %dma_wait3A_535] : memref<2x25x80xi32, #tpu.memory_space<vmem>> -> memref<1x1x80xi32, #tpu.memory_space<vmem>>
        %dma_wait3A_537 = tpu.memref_squeeze %dma_wait3A_536 : memref<1x1x80xi32, #tpu.memory_space<vmem>> -> memref<80xi32, #tpu.memory_space<vmem>>
        %dma_wait3A_538 = arith.constant 0 : i32
        %dma_wait3A_539 = arith.constant 0 : i32
        %dma_wait3A_540 = tpu.memref_slice %arg12[%dma_wait3A_538, %dma_wait3A_539] : memref<10240x128xf32, #tpu.memory_space<vmem_shared>> -> memref<10240x128xf32, #tpu.memory_space<vmem_shared>>
        tpu.wait_indirect_dma semaphore(%run_scoped3A_528 : memref<!tpu.dma_semaphore, #tpu.memory_space<semaphore_mem>>) src(%arg10 : memref<80x128xf32, #tpu.memory_space<vmem>>) dst(%dma_wait3A_540 : memref<10240x128xf32, #tpu.memory_space<vmem_shared>>)
        tpu.yield
      }) : () -> ()
      %add3A_507 = arith.constant 2 : i32
      %add3A_508 = arith.addi %mul3A_489, %add3A_507 : i32
      %dma_start3A_509 = arith.constant 0 : i32
      %dma_start3A_510 = arith.constant 0 : i32
      %dma_start3A_511 = tpu.memref_slice %arg8[%dma_start3A_509, %add3A_508, %dma_start3A_510] : memref<2x25x80xi32, #tpu.memory_space<vmem>> -> memref<1x1x80xi32, #tpu.memory_space<vmem>>
      %dma_start3A_512 = tpu.memref_squeeze %dma_start3A_511 : memref<1x1x80xi32, #tpu.memory_space<vmem>> -> memref<80xi32, #tpu.memory_space<vmem>>
      %dma_start3A_513 = arith.constant 0 : i32
      %dma_start3A_514 = arith.constant 0 : i32
      %dma_start3A_515 = tpu.memref_slice %arg2[%dma_start3A_513, %dma_start3A_514] : memref<10240x128xf32, #tpu.memory_space<hbm>> -> memref<10240x128xf32, #tpu.memory_space<hbm>>
      tpu.enqueue_indirect_dma source(%dma_start3A_515 : memref<10240x128xf32, #tpu.memory_space<hbm>>) target(%arg10 : memref<80x128xf32, #tpu.memory_space<vmem>>) offsets(%dma_start3A_512 : memref<80xi32, #tpu.memory_space<vmem>>) semaphore(%arg13 : memref<!tpu.dma_semaphore, #tpu.memory_space<semaphore_mem>>)
      %add3A_516 = arith.constant 1 : i32
      %add3A_517 = arith.addi %mul3A_489, %add3A_516 : i32
      %dma_wait3A_518 = arith.constant 0 : i32
      %dma_wait3A_519 = arith.constant 0 : i32
      %dma_wait3A_520 = tpu.memref_slice %arg8[%dma_wait3A_518, %add3A_517, %dma_wait3A_519] : memref<2x25x80xi32, #tpu.memory_space<vmem>> -> memref<1x1x80xi32, #tpu.memory_space<vmem>>
      %dma_wait3A_521 = tpu.memref_squeeze %dma_wait3A_520 : memref<1x1x80xi32, #tpu.memory_space<vmem>> -> memref<80xi32, #tpu.memory_space<vmem>>
      %dma_wait3A_522 = arith.constant 0 : i32
      %dma_wait3A_523 = arith.constant 0 : i32
      %dma_wait3A_524 = tpu.memref_slice %arg2[%dma_wait3A_522, %dma_wait3A_523] : memref<10240x128xf32, #tpu.memory_space<hbm>> -> memref<10240x128xf32, #tpu.memory_space<hbm>>
      tpu.wait_indirect_dma semaphore(%arg14 : memref<!tpu.dma_semaphore, #tpu.memory_space<semaphore_mem>>) src(%dma_wait3A_524 : memref<10240x128xf32, #tpu.memory_space<hbm>>) dst(%arg11 : memref<80x128xf32, #tpu.memory_space<vmem>>)
      %add3A_525 = arith.constant 1 : i32
      %add3A_526 = arith.addi %mul3A_489, %add3A_525 : i32
      %run_scoped3A_527 = arith.constant 0 : i32
      "tpu.region"() ({
        %run_scoped3A_528 = tpu.sem_alloc : memref<!tpu.dma_semaphore, #tpu.memory_space<semaphore_mem>>
        %dma_start3A_529 = arith.constant 0 : i32
        %dma_start3A_530 = tpu.memref_slice %arg9[%run_scoped3A_527, %add3A_526, %dma_start3A_529] : memref<2x25x80xi32, #tpu.memory_space<vmem>> -> memref<1x1x80xi32, #tpu.memory_space<vmem>>
        %dma_start3A_531 = tpu.memref_squeeze %dma_start3A_530 : memref<1x1x80xi32, #tpu.memory_space<vmem>> -> memref<80xi32, #tpu.memory_space<vmem>>
        %dma_start3A_532 = arith.constant 0 : i32
        %dma_start3A_533 = arith.constant 0 : i32
        %dma_start3A_534 = tpu.memref_slice %arg12[%dma_start3A_532, %dma_start3A_533] : memref<10240x128xf32, #tpu.memory_space<vmem_shared>> -> memref<10240x128xf32, #tpu.memory_space<vmem_shared>>
        tpu.enqueue_indirect_dma source(%arg11 : memref<80x128xf32, #tpu.memory_space<vmem>>) target(%dma_start3A_534 : memref<10240x128xf32, #tpu.memory_space<vmem_shared>>) offsets(%dma_start3A_531 : memref<80xi32, #tpu.memory_space<vmem>>) semaphore(%run_scoped3A_528 : memref<!tpu.dma_semaphore, #tpu.memory_space<semaphore_mem>>) {add = true}
        %dma_wait3A_535 = arith.constant 0 : i32
        %dma_wait3A_536 = tpu.memref_slice %arg9[%run_scoped3A_527, %add3A_526, %dma_wait3A_535] : memref<2x25x80xi32, #tpu.memory_space<vmem>> -> memref<1x1x80xi32, #tpu.memory_space<vmem>>
        %dma_wait3A_537 = tpu.memref_squeeze %dma_wait3A_536 : memref<1x1x80xi32, #tpu.memory_space<vmem>> -> memref<80xi32, #tpu.memory_space<vmem>>
        %dma_wait3A_538 = arith.constant 0 : i32
        %dma_wait3A_539 = arith.constant 0 : i32
        %dma_wait3A_540 = tpu.memref_slice %arg12[%dma_wait3A_538, %dma_wait3A_539] : memref<10240x128xf32, #tpu.memory_space<vmem_shared>> -> memref<10240x128xf32, #tpu.memory_space<vmem_shared>>
        tpu.wait_indirect_dma semaphore(%run_scoped3A_528 : memref<!tpu.dma_semaphore, #tpu.memory_space<semaphore_mem>>) src(%arg11 : memref<80x128xf32, #tpu.memory_space<vmem>>) dst(%dma_wait3A_540 : memref<10240x128xf32, #tpu.memory_space<vmem_shared>>)
        tpu.yield
      }) : () -> ()
    }
    %scan3A_312 = arith.constant 12 : i32
    %dma_wait3A_313 = arith.constant 0 : i32
    %dma_wait3A_314 = arith.constant 24 : i32
    %dma_wait3A_315 = arith.constant 0 : i32
    %dma_wait3A_316 = tpu.memref_slice %arg8[%dma_wait3A_313, %dma_wait3A_314, %dma_wait3A_315] : memref<2x25x80xi32, #tpu.memory_space<vmem>> -> memref<1x1x80xi32, #tpu.memory_space<vmem>>
    %dma_wait3A_317 = tpu.memref_squeeze %dma_wait3A_316 : memref<1x1x80xi32, #tpu.memory_space<vmem>> -> memref<80xi32, #tpu.memory_space<vmem>>
    %dma_wait3A_318 = arith.constant 0 : i32
    %dma_wait3A_319 = arith.constant 0 : i32
    %dma_wait3A_320 = tpu.memref_slice %arg2[%dma_wait3A_318, %dma_wait3A_319] : memref<10240x128xf32, #tpu.memory_space<hbm>> -> memref<10240x128xf32, #tpu.memory_space<hbm>>
    tpu.wait_indirect_dma semaphore(%arg13 : memref<!tpu.dma_semaphore, #tpu.memory_space<semaphore_mem>>) src(%dma_wait3A_320 : memref<10240x128xf32, #tpu.memory_space<hbm>>) dst(%arg10 : memref<80x128xf32, #tpu.memory_space<vmem>>)
    %run_scoped3A_321 = arith.constant 0 : i32
    %run_scoped3A_322 = arith.constant 24 : i32
    "tpu.region"() ({
      %run_scoped3A_487 = tpu.sem_alloc : memref<!tpu.dma_semaphore, #tpu.memory_space<semaphore_mem>>
      %dma_start3A_488 = arith.constant 0 : i32
      %dma_start3A_489 = tpu.memref_slice %arg9[%run_scoped3A_321, %run_scoped3A_322, %dma_start3A_488] : memref<2x25x80xi32, #tpu.memory_space<vmem>> -> memref<1x1x80xi32, #tpu.memory_space<vmem>>
      %dma_start3A_490 = tpu.memref_squeeze %dma_start3A_489 : memref<1x1x80xi32, #tpu.memory_space<vmem>> -> memref<80xi32, #tpu.memory_space<vmem>>
      %dma_start3A_491 = arith.constant 0 : i32
      %dma_start3A_492 = arith.constant 0 : i32
      %dma_start3A_493 = tpu.memref_slice %arg12[%dma_start3A_491, %dma_start3A_492] : memref<10240x128xf32, #tpu.memory_space<vmem_shared>> -> memref<10240x128xf32, #tpu.memory_space<vmem_shared>>
      tpu.enqueue_indirect_dma source(%arg10 : memref<80x128xf32, #tpu.memory_space<vmem>>) target(%dma_start3A_493 : memref<10240x128xf32, #tpu.memory_space<vmem_shared>>) offsets(%dma_start3A_490 : memref<80xi32, #tpu.memory_space<vmem>>) semaphore(%run_scoped3A_487 : memref<!tpu.dma_semaphore, #tpu.memory_space<semaphore_mem>>) {add = true}
      %dma_wait3A_494 = arith.constant 0 : i32
      %dma_wait3A_495 = tpu.memref_slice %arg9[%run_scoped3A_321, %run_scoped3A_322, %dma_wait3A_494] : memref<2x25x80xi32, #tpu.memory_space<vmem>> -> memref<1x1x80xi32, #tpu.memory_space<vmem>>
      %dma_wait3A_496 = tpu.memref_squeeze %dma_wait3A_495 : memref<1x1x80xi32, #tpu.memory_space<vmem>> -> memref<80xi32, #tpu.memory_space<vmem>>
      %dma_wait3A_497 = arith.constant 0 : i32
      %dma_wait3A_498 = arith.constant 0 : i32
      %dma_wait3A_499 = tpu.memref_slice %arg12[%dma_wait3A_497, %dma_wait3A_498] : memref<10240x128xf32, #tpu.memory_space<vmem_shared>> -> memref<10240x128xf32, #tpu.memory_space<vmem_shared>>
      tpu.wait_indirect_dma semaphore(%run_scoped3A_487 : memref<!tpu.dma_semaphore, #tpu.memory_space<semaphore_mem>>) src(%arg10 : memref<80x128xf32, #tpu.memory_space<vmem>>) dst(%dma_wait3A_499 : memref<10240x128xf32, #tpu.memory_space<vmem_shared>>)
      tpu.yield
    }) : () -> ()
    %dma_wait3A_323 = arith.constant 3 : i32
    %dma_wait3A_324 = arith.constant 1 : i32
    %dma_wait3A_325 = arith.constant 0 : i32
    %dma_wait3A_326 = arith.constant 0 : i32
    %dma_wait3A_327 = tpu.memref_slice %arg8[%dma_wait3A_324, %dma_wait3A_325, %dma_wait3A_326] : memref<2x25x80xi32, #tpu.memory_space<vmem>> -> memref<1x25x80xi32, #tpu.memory_space<vmem>>
    %dma_wait3A_328 = tpu.memref_squeeze %dma_wait3A_327 : memref<1x25x80xi32, #tpu.memory_space<vmem>> -> memref<25x80xi32, #tpu.memory_space<vmem>>
    %dma_wait3A_329 = arith.constant 0 : i32
    %dma_wait3A_330 = arith.constant 0 : i32
    %dma_wait3A_331 = tpu.memref_slice %arg3[%add3A, %dma_wait3A_323, %dma_wait3A_329, %dma_wait3A_330] : memref<32x5x25x80xi32, #tpu.memory_space<hbm>> -> memref<1x1x25x80xi32, #tpu.memory_space<hbm>>
    %dma_wait3A_332 = tpu.memref_squeeze %dma_wait3A_331 : memref<1x1x25x80xi32, #tpu.memory_space<hbm>> -> memref<25x80xi32, #tpu.memory_space<hbm>>
    %dma_wait3A_333 = arith.constant 0 : i32
    %dma_wait3A_334 = arith.constant 0 : i32
    %dma_wait3A_335 = tpu.memref_slice %arg8[%dma_wait3A_324, %dma_wait3A_333, %dma_wait3A_334] : memref<2x25x80xi32, #tpu.memory_space<vmem>> -> memref<1x25x80xi32, #tpu.memory_space<vmem>>
    %dma_wait3A_336 = tpu.memref_squeeze %dma_wait3A_335 : memref<1x25x80xi32, #tpu.memory_space<vmem>> -> memref<25x80xi32, #tpu.memory_space<vmem>>
    %dma_wait3A_337 = arith.constant 0 : i32
    %dma_wait3A_338 = arith.constant 0 : i32
    %dma_wait3A_339 = tpu.memref_slice %arg3[%add3A, %dma_wait3A_323, %dma_wait3A_337, %dma_wait3A_338] : memref<32x5x25x80xi32, #tpu.memory_space<hbm>> -> memref<1x1x25x80xi32, #tpu.memory_space<hbm>>
    %dma_wait3A_340 = tpu.memref_squeeze %dma_wait3A_339 : memref<1x1x25x80xi32, #tpu.memory_space<hbm>> -> memref<25x80xi32, #tpu.memory_space<hbm>>
    tpu.wait_dma2 semaphore(%arg16 : memref<!tpu.dma_semaphore, #tpu.memory_space<semaphore_mem>>) src(%dma_wait3A_340 : memref<25x80xi32, #tpu.memory_space<hbm>>) dst(%dma_wait3A_336 : memref<25x80xi32, #tpu.memory_space<vmem>>)
    %dma_wait3A_341 = arith.constant 3 : i32
    %dma_wait3A_342 = arith.constant 1 : i32
    %dma_wait3A_343 = arith.constant 0 : i32
    %dma_wait3A_344 = arith.constant 0 : i32
    %dma_wait3A_345 = tpu.memref_slice %arg9[%dma_wait3A_342, %dma_wait3A_343, %dma_wait3A_344] : memref<2x25x80xi32, #tpu.memory_space<vmem>> -> memref<1x25x80xi32, #tpu.memory_space<vmem>>
    %dma_wait3A_346 = tpu.memref_squeeze %dma_wait3A_345 : memref<1x25x80xi32, #tpu.memory_space<vmem>> -> memref<25x80xi32, #tpu.memory_space<vmem>>
    %dma_wait3A_347 = arith.constant 0 : i32
    %dma_wait3A_348 = arith.constant 0 : i32
    %dma_wait3A_349 = tpu.memref_slice %arg4[%add3A, %dma_wait3A_341, %dma_wait3A_347, %dma_wait3A_348] : memref<32x5x25x80xi32, #tpu.memory_space<hbm>> -> memref<1x1x25x80xi32, #tpu.memory_space<hbm>>
    %dma_wait3A_350 = tpu.memref_squeeze %dma_wait3A_349 : memref<1x1x25x80xi32, #tpu.memory_space<hbm>> -> memref<25x80xi32, #tpu.memory_space<hbm>>
    %dma_wait3A_351 = arith.constant 0 : i32
    %dma_wait3A_352 = arith.constant 0 : i32
    %dma_wait3A_353 = tpu.memref_slice %arg9[%dma_wait3A_342, %dma_wait3A_351, %dma_wait3A_352] : memref<2x25x80xi32, #tpu.memory_space<vmem>> -> memref<1x25x80xi32, #tpu.memory_space<vmem>>
    %dma_wait3A_354 = tpu.memref_squeeze %dma_wait3A_353 : memref<1x25x80xi32, #tpu.memory_space<vmem>> -> memref<25x80xi32, #tpu.memory_space<vmem>>
    %dma_wait3A_355 = arith.constant 0 : i32
    %dma_wait3A_356 = arith.constant 0 : i32
    %dma_wait3A_357 = tpu.memref_slice %arg4[%add3A, %dma_wait3A_341, %dma_wait3A_355, %dma_wait3A_356] : memref<32x5x25x80xi32, #tpu.memory_space<hbm>> -> memref<1x1x25x80xi32, #tpu.memory_space<hbm>>
    %dma_wait3A_358 = tpu.memref_squeeze %dma_wait3A_357 : memref<1x1x25x80xi32, #tpu.memory_space<hbm>> -> memref<25x80xi32, #tpu.memory_space<hbm>>
    tpu.wait_dma2 semaphore(%arg16 : memref<!tpu.dma_semaphore, #tpu.memory_space<semaphore_mem>>) src(%dma_wait3A_358 : memref<25x80xi32, #tpu.memory_space<hbm>>) dst(%dma_wait3A_354 : memref<25x80xi32, #tpu.memory_space<vmem>>)
    %dma_start3A_359 = arith.constant 4 : i32
    %dma_start3A_360 = arith.constant 0 : i32
    %dma_start3A_361 = arith.constant 0 : i32
    %dma_start3A_362 = arith.constant 0 : i32
    %dma_start3A_363 = tpu.memref_slice %arg8[%dma_start3A_360, %dma_start3A_361, %dma_start3A_362] : memref<2x25x80xi32, #tpu.memory_space<vmem>> -> memref<1x25x80xi32, #tpu.memory_space<vmem>>
    %dma_start3A_364 = tpu.memref_squeeze %dma_start3A_363 : memref<1x25x80xi32, #tpu.memory_space<vmem>> -> memref<25x80xi32, #tpu.memory_space<vmem>>
    %dma_start3A_365 = arith.constant 0 : i32
    %dma_start3A_366 = arith.constant 0 : i32
    %dma_start3A_367 = tpu.memref_slice %arg3[%add3A, %dma_start3A_359, %dma_start3A_365, %dma_start3A_366] : memref<32x5x25x80xi32, #tpu.memory_space<hbm>> -> memref<1x1x25x80xi32, #tpu.memory_space<hbm>>
    %dma_start3A_368 = tpu.memref_squeeze %dma_start3A_367 : memref<1x1x25x80xi32, #tpu.memory_space<hbm>> -> memref<25x80xi32, #tpu.memory_space<hbm>>
    %dma_start3A_369 = arith.constant 0 : i32
    %dma_start3A_370 = arith.constant 0 : i32
    %dma_start3A_371 = tpu.memref_slice %arg8[%dma_start3A_360, %dma_start3A_369, %dma_start3A_370] : memref<2x25x80xi32, #tpu.memory_space<vmem>> -> memref<1x25x80xi32, #tpu.memory_space<vmem>>
    %dma_start3A_372 = tpu.memref_squeeze %dma_start3A_371 : memref<1x25x80xi32, #tpu.memory_space<vmem>> -> memref<25x80xi32, #tpu.memory_space<vmem>>
    %dma_start3A_373 = arith.constant 0 : i32
    %dma_start3A_374 = arith.constant 0 : i32
    %dma_start3A_375 = tpu.memref_slice %arg3[%add3A, %dma_start3A_359, %dma_start3A_373, %dma_start3A_374] : memref<32x5x25x80xi32, #tpu.memory_space<hbm>> -> memref<1x1x25x80xi32, #tpu.memory_space<hbm>>
    %dma_start3A_376 = tpu.memref_squeeze %dma_start3A_375 : memref<1x1x25x80xi32, #tpu.memory_space<hbm>> -> memref<25x80xi32, #tpu.memory_space<hbm>>
    tpu.enqueue_dma source(%dma_start3A_376 : memref<25x80xi32, #tpu.memory_space<hbm>>) target(%dma_start3A_372 : memref<25x80xi32, #tpu.memory_space<vmem>>) target_semaphore(%arg15 : memref<!tpu.dma_semaphore, #tpu.memory_space<semaphore_mem>>)
    %dma_start3A_377 = arith.constant 4 : i32
    %dma_start3A_378 = arith.constant 0 : i32
    %dma_start3A_379 = arith.constant 0 : i32
    %dma_start3A_380 = arith.constant 0 : i32
    %dma_start3A_381 = tpu.memref_slice %arg9[%dma_start3A_378, %dma_start3A_379, %dma_start3A_380] : memref<2x25x80xi32, #tpu.memory_space<vmem>> -> memref<1x25x80xi32, #tpu.memory_space<vmem>>
    %dma_start3A_382 = tpu.memref_squeeze %dma_start3A_381 : memref<1x25x80xi32, #tpu.memory_space<vmem>> -> memref<25x80xi32, #tpu.memory_space<vmem>>
    %dma_start3A_383 = arith.constant 0 : i32
    %dma_start3A_384 = arith.constant 0 : i32
    %dma_start3A_385 = tpu.memref_slice %arg4[%add3A, %dma_start3A_377, %dma_start3A_383, %dma_start3A_384] : memref<32x5x25x80xi32, #tpu.memory_space<hbm>> -> memref<1x1x25x80xi32, #tpu.memory_space<hbm>>
    %dma_start3A_386 = tpu.memref_squeeze %dma_start3A_385 : memref<1x1x25x80xi32, #tpu.memory_space<hbm>> -> memref<25x80xi32, #tpu.memory_space<hbm>>
    %dma_start3A_387 = arith.constant 0 : i32
    %dma_start3A_388 = arith.constant 0 : i32
    %dma_start3A_389 = tpu.memref_slice %arg9[%dma_start3A_378, %dma_start3A_387, %dma_start3A_388] : memref<2x25x80xi32, #tpu.memory_space<vmem>> -> memref<1x25x80xi32, #tpu.memory_space<vmem>>
    %dma_start3A_390 = tpu.memref_squeeze %dma_start3A_389 : memref<1x25x80xi32, #tpu.memory_space<vmem>> -> memref<25x80xi32, #tpu.memory_space<vmem>>
    %dma_start3A_391 = arith.constant 0 : i32
    %dma_start3A_392 = arith.constant 0 : i32
    %dma_start3A_393 = tpu.memref_slice %arg4[%add3A, %dma_start3A_377, %dma_start3A_391, %dma_start3A_392] : memref<32x5x25x80xi32, #tpu.memory_space<hbm>> -> memref<1x1x25x80xi32, #tpu.memory_space<hbm>>
    %dma_start3A_394 = tpu.memref_squeeze %dma_start3A_393 : memref<1x1x25x80xi32, #tpu.memory_space<hbm>> -> memref<25x80xi32, #tpu.memory_space<hbm>>
    tpu.enqueue_dma source(%dma_start3A_394 : memref<25x80xi32, #tpu.memory_space<hbm>>) target(%dma_start3A_390 : memref<25x80xi32, #tpu.memory_space<vmem>>) target_semaphore(%arg15 : memref<!tpu.dma_semaphore, #tpu.memory_space<semaphore_mem>>)
    %dma_start3A_395 = arith.constant 1 : i32
    %dma_start3A_396 = arith.constant 0 : i32
    %dma_start3A_397 = arith.constant 0 : i32
    %dma_start3A_398 = tpu.memref_slice %arg8[%dma_start3A_395, %dma_start3A_396, %dma_start3A_397] : memref<2x25x80xi32, #tpu.memory_space<vmem>> -> memref<1x1x80xi32, #tpu.memory_space<vmem>>
    %dma_start3A_399 = tpu.memref_squeeze %dma_start3A_398 : memref<1x1x80xi32, #tpu.memory_space<vmem>> -> memref<80xi32, #tpu.memory_space<vmem>>
    %dma_start3A_400 = arith.constant 0 : i32
    %dma_start3A_401 = arith.constant 0 : i32
    %dma_start3A_402 = tpu.memref_slice %arg2[%dma_start3A_400, %dma_start3A_401] : memref<10240x128xf32, #tpu.memory_space<hbm>> -> memref<10240x128xf32, #tpu.memory_space<hbm>>
    tpu.enqueue_indirect_dma source(%dma_start3A_402 : memref<10240x128xf32, #tpu.memory_space<hbm>>) target(%arg10 : memref<80x128xf32, #tpu.memory_space<vmem>>) offsets(%dma_start3A_399 : memref<80xi32, #tpu.memory_space<vmem>>) semaphore(%arg13 : memref<!tpu.dma_semaphore, #tpu.memory_space<semaphore_mem>>)
    %scan3A_403 = arith.constant 0 : i32
    %scan3A_404 = arith.constant 0 : i32
    %scan3A_405 = arith.constant 12 : i32
    %scan3A_406 = arith.addi %scan3A_404, %scan3A_405 : i32
    %scan3A_407 = arith.constant 1 : i32
    scf.for %scan3A_487 = %scan3A_404 to %scan3A_406 step %scan3A_407  : i32 {
      %mul3A_488 = arith.constant 2 : i32
      %mul3A_489 = arith.muli %mul3A_488, %scan3A_487 : i32
      %add3A_490 = arith.constant 1 : i32
      %add3A_491 = arith.addi %mul3A_489, %add3A_490 : i32
      %dma_start3A_492 = arith.constant 1 : i32
      %dma_start3A_493 = arith.constant 0 : i32
      %dma_start3A_494 = tpu.memref_slice %arg8[%dma_start3A_492, %add3A_491, %dma_start3A_493] : memref<2x25x80xi32, #tpu.memory_space<vmem>> -> memref<1x1x80xi32, #tpu.memory_space<vmem>>
      %dma_start3A_495 = tpu.memref_squeeze %dma_start3A_494 : memref<1x1x80xi32, #tpu.memory_space<vmem>> -> memref<80xi32, #tpu.memory_space<vmem>>
      %dma_start3A_496 = arith.constant 0 : i32
      %dma_start3A_497 = arith.constant 0 : i32
      %dma_start3A_498 = tpu.memref_slice %arg2[%dma_start3A_496, %dma_start3A_497] : memref<10240x128xf32, #tpu.memory_space<hbm>> -> memref<10240x128xf32, #tpu.memory_space<hbm>>
      tpu.enqueue_indirect_dma source(%dma_start3A_498 : memref<10240x128xf32, #tpu.memory_space<hbm>>) target(%arg11 : memref<80x128xf32, #tpu.memory_space<vmem>>) offsets(%dma_start3A_495 : memref<80xi32, #tpu.memory_space<vmem>>) semaphore(%arg14 : memref<!tpu.dma_semaphore, #tpu.memory_space<semaphore_mem>>)
      %dma_wait3A_499 = arith.constant 1 : i32
      %dma_wait3A_500 = arith.constant 0 : i32
      %dma_wait3A_501 = tpu.memref_slice %arg8[%dma_wait3A_499, %mul3A_489, %dma_wait3A_500] : memref<2x25x80xi32, #tpu.memory_space<vmem>> -> memref<1x1x80xi32, #tpu.memory_space<vmem>>
      %dma_wait3A_502 = tpu.memref_squeeze %dma_wait3A_501 : memref<1x1x80xi32, #tpu.memory_space<vmem>> -> memref<80xi32, #tpu.memory_space<vmem>>
      %dma_wait3A_503 = arith.constant 0 : i32
      %dma_wait3A_504 = arith.constant 0 : i32
      %dma_wait3A_505 = tpu.memref_slice %arg2[%dma_wait3A_503, %dma_wait3A_504] : memref<10240x128xf32, #tpu.memory_space<hbm>> -> memref<10240x128xf32, #tpu.memory_space<hbm>>
      tpu.wait_indirect_dma semaphore(%arg13 : memref<!tpu.dma_semaphore, #tpu.memory_space<semaphore_mem>>) src(%dma_wait3A_505 : memref<10240x128xf32, #tpu.memory_space<hbm>>) dst(%arg10 : memref<80x128xf32, #tpu.memory_space<vmem>>)
      %run_scoped3A_506 = arith.constant 1 : i32
      "tpu.region"() ({
        %run_scoped3A_528 = tpu.sem_alloc : memref<!tpu.dma_semaphore, #tpu.memory_space<semaphore_mem>>
        %dma_start3A_529 = arith.constant 0 : i32
        %dma_start3A_530 = tpu.memref_slice %arg9[%run_scoped3A_506, %mul3A_489, %dma_start3A_529] : memref<2x25x80xi32, #tpu.memory_space<vmem>> -> memref<1x1x80xi32, #tpu.memory_space<vmem>>
        %dma_start3A_531 = tpu.memref_squeeze %dma_start3A_530 : memref<1x1x80xi32, #tpu.memory_space<vmem>> -> memref<80xi32, #tpu.memory_space<vmem>>
        %dma_start3A_532 = arith.constant 0 : i32
        %dma_start3A_533 = arith.constant 0 : i32
        %dma_start3A_534 = tpu.memref_slice %arg12[%dma_start3A_532, %dma_start3A_533] : memref<10240x128xf32, #tpu.memory_space<vmem_shared>> -> memref<10240x128xf32, #tpu.memory_space<vmem_shared>>
        tpu.enqueue_indirect_dma source(%arg10 : memref<80x128xf32, #tpu.memory_space<vmem>>) target(%dma_start3A_534 : memref<10240x128xf32, #tpu.memory_space<vmem_shared>>) offsets(%dma_start3A_531 : memref<80xi32, #tpu.memory_space<vmem>>) semaphore(%run_scoped3A_528 : memref<!tpu.dma_semaphore, #tpu.memory_space<semaphore_mem>>) {add = true}
        %dma_wait3A_535 = arith.constant 0 : i32
        %dma_wait3A_536 = tpu.memref_slice %arg9[%run_scoped3A_506, %mul3A_489, %dma_wait3A_535] : memref<2x25x80xi32, #tpu.memory_space<vmem>> -> memref<1x1x80xi32, #tpu.memory_space<vmem>>
        %dma_wait3A_537 = tpu.memref_squeeze %dma_wait3A_536 : memref<1x1x80xi32, #tpu.memory_space<vmem>> -> memref<80xi32, #tpu.memory_space<vmem>>
        %dma_wait3A_538 = arith.constant 0 : i32
        %dma_wait3A_539 = arith.constant 0 : i32
        %dma_wait3A_540 = tpu.memref_slice %arg12[%dma_wait3A_538, %dma_wait3A_539] : memref<10240x128xf32, #tpu.memory_space<vmem_shared>> -> memref<10240x128xf32, #tpu.memory_space<vmem_shared>>
        tpu.wait_indirect_dma semaphore(%run_scoped3A_528 : memref<!tpu.dma_semaphore, #tpu.memory_space<semaphore_mem>>) src(%arg10 : memref<80x128xf32, #tpu.memory_space<vmem>>) dst(%dma_wait3A_540 : memref<10240x128xf32, #tpu.memory_space<vmem_shared>>)
        tpu.yield
      }) : () -> ()
      %add3A_507 = arith.constant 2 : i32
      %add3A_508 = arith.addi %mul3A_489, %add3A_507 : i32
      %dma_start3A_509 = arith.constant 1 : i32
      %dma_start3A_510 = arith.constant 0 : i32
      %dma_start3A_511 = tpu.memref_slice %arg8[%dma_start3A_509, %add3A_508, %dma_start3A_510] : memref<2x25x80xi32, #tpu.memory_space<vmem>> -> memref<1x1x80xi32, #tpu.memory_space<vmem>>
      %dma_start3A_512 = tpu.memref_squeeze %dma_start3A_511 : memref<1x1x80xi32, #tpu.memory_space<vmem>> -> memref<80xi32, #tpu.memory_space<vmem>>
      %dma_start3A_513 = arith.constant 0 : i32
      %dma_start3A_514 = arith.constant 0 : i32
      %dma_start3A_515 = tpu.memref_slice %arg2[%dma_start3A_513, %dma_start3A_514] : memref<10240x128xf32, #tpu.memory_space<hbm>> -> memref<10240x128xf32, #tpu.memory_space<hbm>>
      tpu.enqueue_indirect_dma source(%dma_start3A_515 : memref<10240x128xf32, #tpu.memory_space<hbm>>) target(%arg10 : memref<80x128xf32, #tpu.memory_space<vmem>>) offsets(%dma_start3A_512 : memref<80xi32, #tpu.memory_space<vmem>>) semaphore(%arg13 : memref<!tpu.dma_semaphore, #tpu.memory_space<semaphore_mem>>)
      %add3A_516 = arith.constant 1 : i32
      %add3A_517 = arith.addi %mul3A_489, %add3A_516 : i32
      %dma_wait3A_518 = arith.constant 1 : i32
      %dma_wait3A_519 = arith.constant 0 : i32
      %dma_wait3A_520 = tpu.memref_slice %arg8[%dma_wait3A_518, %add3A_517, %dma_wait3A_519] : memref<2x25x80xi32, #tpu.memory_space<vmem>> -> memref<1x1x80xi32, #tpu.memory_space<vmem>>
      %dma_wait3A_521 = tpu.memref_squeeze %dma_wait3A_520 : memref<1x1x80xi32, #tpu.memory_space<vmem>> -> memref<80xi32, #tpu.memory_space<vmem>>
      %dma_wait3A_522 = arith.constant 0 : i32
      %dma_wait3A_523 = arith.constant 0 : i32
      %dma_wait3A_524 = tpu.memref_slice %arg2[%dma_wait3A_522, %dma_wait3A_523] : memref<10240x128xf32, #tpu.memory_space<hbm>> -> memref<10240x128xf32, #tpu.memory_space<hbm>>
      tpu.wait_indirect_dma semaphore(%arg14 : memref<!tpu.dma_semaphore, #tpu.memory_space<semaphore_mem>>) src(%dma_wait3A_524 : memref<10240x128xf32, #tpu.memory_space<hbm>>) dst(%arg11 : memref<80x128xf32, #tpu.memory_space<vmem>>)
      %add3A_525 = arith.constant 1 : i32
      %add3A_526 = arith.addi %mul3A_489, %add3A_525 : i32
      %run_scoped3A_527 = arith.constant 1 : i32
      "tpu.region"() ({
        %run_scoped3A_528 = tpu.sem_alloc : memref<!tpu.dma_semaphore, #tpu.memory_space<semaphore_mem>>
        %dma_start3A_529 = arith.constant 0 : i32
        %dma_start3A_530 = tpu.memref_slice %arg9[%run_scoped3A_527, %add3A_526, %dma_start3A_529] : memref<2x25x80xi32, #tpu.memory_space<vmem>> -> memref<1x1x80xi32, #tpu.memory_space<vmem>>
        %dma_start3A_531 = tpu.memref_squeeze %dma_start3A_530 : memref<1x1x80xi32, #tpu.memory_space<vmem>> -> memref<80xi32, #tpu.memory_space<vmem>>
        %dma_start3A_532 = arith.constant 0 : i32
        %dma_start3A_533 = arith.constant 0 : i32
        %dma_start3A_534 = tpu.memref_slice %arg12[%dma_start3A_532, %dma_start3A_533] : memref<10240x128xf32, #tpu.memory_space<vmem_shared>> -> memref<10240x128xf32, #tpu.memory_space<vmem_shared>>
        tpu.enqueue_indirect_dma source(%arg11 : memref<80x128xf32, #tpu.memory_space<vmem>>) target(%dma_start3A_534 : memref<10240x128xf32, #tpu.memory_space<vmem_shared>>) offsets(%dma_start3A_531 : memref<80xi32, #tpu.memory_space<vmem>>) semaphore(%run_scoped3A_528 : memref<!tpu.dma_semaphore, #tpu.memory_space<semaphore_mem>>) {add = true}
        %dma_wait3A_535 = arith.constant 0 : i32
        %dma_wait3A_536 = tpu.memref_slice %arg9[%run_scoped3A_527, %add3A_526, %dma_wait3A_535] : memref<2x25x80xi32, #tpu.memory_space<vmem>> -> memref<1x1x80xi32, #tpu.memory_space<vmem>>
        %dma_wait3A_537 = tpu.memref_squeeze %dma_wait3A_536 : memref<1x1x80xi32, #tpu.memory_space<vmem>> -> memref<80xi32, #tpu.memory_space<vmem>>
        %dma_wait3A_538 = arith.constant 0 : i32
        %dma_wait3A_539 = arith.constant 0 : i32
        %dma_wait3A_540 = tpu.memref_slice %arg12[%dma_wait3A_538, %dma_wait3A_539] : memref<10240x128xf32, #tpu.memory_space<vmem_shared>> -> memref<10240x128xf32, #tpu.memory_space<vmem_shared>>
        tpu.wait_indirect_dma semaphore(%run_scoped3A_528 : memref<!tpu.dma_semaphore, #tpu.memory_space<semaphore_mem>>) src(%arg11 : memref<80x128xf32, #tpu.memory_space<vmem>>) dst(%dma_wait3A_540 : memref<10240x128xf32, #tpu.memory_space<vmem_shared>>)
        tpu.yield
      }) : () -> ()
    }
    %scan3A_408 = arith.constant 12 : i32
    %dma_wait3A_409 = arith.constant 1 : i32
    %dma_wait3A_410 = arith.constant 24 : i32
    %dma_wait3A_411 = arith.constant 0 : i32
    %dma_wait3A_412 = tpu.memref_slice %arg8[%dma_wait3A_409, %dma_wait3A_410, %dma_wait3A_411] : memref<2x25x80xi32, #tpu.memory_space<vmem>> -> memref<1x1x80xi32, #tpu.memory_space<vmem>>
    %dma_wait3A_413 = tpu.memref_squeeze %dma_wait3A_412 : memref<1x1x80xi32, #tpu.memory_space<vmem>> -> memref<80xi32, #tpu.memory_space<vmem>>
    %dma_wait3A_414 = arith.constant 0 : i32
    %dma_wait3A_415 = arith.constant 0 : i32
    %dma_wait3A_416 = tpu.memref_slice %arg2[%dma_wait3A_414, %dma_wait3A_415] : memref<10240x128xf32, #tpu.memory_space<hbm>> -> memref<10240x128xf32, #tpu.memory_space<hbm>>
    tpu.wait_indirect_dma semaphore(%arg13 : memref<!tpu.dma_semaphore, #tpu.memory_space<semaphore_mem>>) src(%dma_wait3A_416 : memref<10240x128xf32, #tpu.memory_space<hbm>>) dst(%arg10 : memref<80x128xf32, #tpu.memory_space<vmem>>)
    %run_scoped3A_417 = arith.constant 1 : i32
    %run_scoped3A_418 = arith.constant 24 : i32
    "tpu.region"() ({
      %run_scoped3A_487 = tpu.sem_alloc : memref<!tpu.dma_semaphore, #tpu.memory_space<semaphore_mem>>
      %dma_start3A_488 = arith.constant 0 : i32
      %dma_start3A_489 = tpu.memref_slice %arg9[%run_scoped3A_417, %run_scoped3A_418, %dma_start3A_488] : memref<2x25x80xi32, #tpu.memory_space<vmem>> -> memref<1x1x80xi32, #tpu.memory_space<vmem>>
      %dma_start3A_490 = tpu.memref_squeeze %dma_start3A_489 : memref<1x1x80xi32, #tpu.memory_space<vmem>> -> memref<80xi32, #tpu.memory_space<vmem>>
      %dma_start3A_491 = arith.constant 0 : i32
      %dma_start3A_492 = arith.constant 0 : i32
      %dma_start3A_493 = tpu.memref_slice %arg12[%dma_start3A_491, %dma_start3A_492] : memref<10240x128xf32, #tpu.memory_space<vmem_shared>> -> memref<10240x128xf32, #tpu.memory_space<vmem_shared>>
      tpu.enqueue_indirect_dma source(%arg10 : memref<80x128xf32, #tpu.memory_space<vmem>>) target(%dma_start3A_493 : memref<10240x128xf32, #tpu.memory_space<vmem_shared>>) offsets(%dma_start3A_490 : memref<80xi32, #tpu.memory_space<vmem>>) semaphore(%run_scoped3A_487 : memref<!tpu.dma_semaphore, #tpu.memory_space<semaphore_mem>>) {add = true}
      %dma_wait3A_494 = arith.constant 0 : i32
      %dma_wait3A_495 = tpu.memref_slice %arg9[%run_scoped3A_417, %run_scoped3A_418, %dma_wait3A_494] : memref<2x25x80xi32, #tpu.memory_space<vmem>> -> memref<1x1x80xi32, #tpu.memory_space<vmem>>
      %dma_wait3A_496 = tpu.memref_squeeze %dma_wait3A_495 : memref<1x1x80xi32, #tpu.memory_space<vmem>> -> memref<80xi32, #tpu.memory_space<vmem>>
      %dma_wait3A_497 = arith.constant 0 : i32
      %dma_wait3A_498 = arith.constant 0 : i32
      %dma_wait3A_499 = tpu.memref_slice %arg12[%dma_wait3A_497, %dma_wait3A_498] : memref<10240x128xf32, #tpu.memory_space<vmem_shared>> -> memref<10240x128xf32, #tpu.memory_space<vmem_shared>>
      tpu.wait_indirect_dma semaphore(%run_scoped3A_487 : memref<!tpu.dma_semaphore, #tpu.memory_space<semaphore_mem>>) src(%arg10 : memref<80x128xf32, #tpu.memory_space<vmem>>) dst(%dma_wait3A_499 : memref<10240x128xf32, #tpu.memory_space<vmem_shared>>)
      tpu.yield
    }) : () -> ()
    %dma_wait3A_419 = arith.constant 4 : i32
    %dma_wait3A_420 = arith.constant 0 : i32
    %dma_wait3A_421 = arith.constant 0 : i32
    %dma_wait3A_422 = arith.constant 0 : i32
    %dma_wait3A_423 = tpu.memref_slice %arg8[%dma_wait3A_420, %dma_wait3A_421, %dma_wait3A_422] : memref<2x25x80xi32, #tpu.memory_space<vmem>> -> memref<1x25x80xi32, #tpu.memory_space<vmem>>
    %dma_wait3A_424 = tpu.memref_squeeze %dma_wait3A_423 : memref<1x25x80xi32, #tpu.memory_space<vmem>> -> memref<25x80xi32, #tpu.memory_space<vmem>>
    %dma_wait3A_425 = arith.constant 0 : i32
    %dma_wait3A_426 = arith.constant 0 : i32
    %dma_wait3A_427 = tpu.memref_slice %arg3[%add3A, %dma_wait3A_419, %dma_wait3A_425, %dma_wait3A_426] : memref<32x5x25x80xi32, #tpu.memory_space<hbm>> -> memref<1x1x25x80xi32, #tpu.memory_space<hbm>>
    %dma_wait3A_428 = tpu.memref_squeeze %dma_wait3A_427 : memref<1x1x25x80xi32, #tpu.memory_space<hbm>> -> memref<25x80xi32, #tpu.memory_space<hbm>>
    %dma_wait3A_429 = arith.constant 0 : i32
    %dma_wait3A_430 = arith.constant 0 : i32
    %dma_wait3A_431 = tpu.memref_slice %arg8[%dma_wait3A_420, %dma_wait3A_429, %dma_wait3A_430] : memref<2x25x80xi32, #tpu.memory_space<vmem>> -> memref<1x25x80xi32, #tpu.memory_space<vmem>>
    %dma_wait3A_432 = tpu.memref_squeeze %dma_wait3A_431 : memref<1x25x80xi32, #tpu.memory_space<vmem>> -> memref<25x80xi32, #tpu.memory_space<vmem>>
    %dma_wait3A_433 = arith.constant 0 : i32
    %dma_wait3A_434 = arith.constant 0 : i32
    %dma_wait3A_435 = tpu.memref_slice %arg3[%add3A, %dma_wait3A_419, %dma_wait3A_433, %dma_wait3A_434] : memref<32x5x25x80xi32, #tpu.memory_space<hbm>> -> memref<1x1x25x80xi32, #tpu.memory_space<hbm>>
    %dma_wait3A_436 = tpu.memref_squeeze %dma_wait3A_435 : memref<1x1x25x80xi32, #tpu.memory_space<hbm>> -> memref<25x80xi32, #tpu.memory_space<hbm>>
    tpu.wait_dma2 semaphore(%arg15 : memref<!tpu.dma_semaphore, #tpu.memory_space<semaphore_mem>>) src(%dma_wait3A_436 : memref<25x80xi32, #tpu.memory_space<hbm>>) dst(%dma_wait3A_432 : memref<25x80xi32, #tpu.memory_space<vmem>>)
    %dma_wait3A_437 = arith.constant 4 : i32
    %dma_wait3A_438 = arith.constant 0 : i32
    %dma_wait3A_439 = arith.constant 0 : i32
    %dma_wait3A_440 = arith.constant 0 : i32
    %dma_wait3A_441 = tpu.memref_slice %arg9[%dma_wait3A_438, %dma_wait3A_439, %dma_wait3A_440] : memref<2x25x80xi32, #tpu.memory_space<vmem>> -> memref<1x25x80xi32, #tpu.memory_space<vmem>>
    %dma_wait3A_442 = tpu.memref_squeeze %dma_wait3A_441 : memref<1x25x80xi32, #tpu.memory_space<vmem>> -> memref<25x80xi32, #tpu.memory_space<vmem>>
    %dma_wait3A_443 = arith.constant 0 : i32
    %dma_wait3A_444 = arith.constant 0 : i32
    %dma_wait3A_445 = tpu.memref_slice %arg4[%add3A, %dma_wait3A_437, %dma_wait3A_443, %dma_wait3A_444] : memref<32x5x25x80xi32, #tpu.memory_space<hbm>> -> memref<1x1x25x80xi32, #tpu.memory_space<hbm>>
    %dma_wait3A_446 = tpu.memref_squeeze %dma_wait3A_445 : memref<1x1x25x80xi32, #tpu.memory_space<hbm>> -> memref<25x80xi32, #tpu.memory_space<hbm>>
    %dma_wait3A_447 = arith.constant 0 : i32
    %dma_wait3A_448 = arith.constant 0 : i32
    %dma_wait3A_449 = tpu.memref_slice %arg9[%dma_wait3A_438, %dma_wait3A_447, %dma_wait3A_448] : memref<2x25x80xi32, #tpu.memory_space<vmem>> -> memref<1x25x80xi32, #tpu.memory_space<vmem>>
    %dma_wait3A_450 = tpu.memref_squeeze %dma_wait3A_449 : memref<1x25x80xi32, #tpu.memory_space<vmem>> -> memref<25x80xi32, #tpu.memory_space<vmem>>
    %dma_wait3A_451 = arith.constant 0 : i32
    %dma_wait3A_452 = arith.constant 0 : i32
    %dma_wait3A_453 = tpu.memref_slice %arg4[%add3A, %dma_wait3A_437, %dma_wait3A_451, %dma_wait3A_452] : memref<32x5x25x80xi32, #tpu.memory_space<hbm>> -> memref<1x1x25x80xi32, #tpu.memory_space<hbm>>
    %dma_wait3A_454 = tpu.memref_squeeze %dma_wait3A_453 : memref<1x1x25x80xi32, #tpu.memory_space<hbm>> -> memref<25x80xi32, #tpu.memory_space<hbm>>
    tpu.wait_dma2 semaphore(%arg15 : memref<!tpu.dma_semaphore, #tpu.memory_space<semaphore_mem>>) src(%dma_wait3A_454 : memref<25x80xi32, #tpu.memory_space<hbm>>) dst(%dma_wait3A_450 : memref<25x80xi32, #tpu.memory_space<vmem>>)
    %dma_start3A_455 = arith.constant 0 : i32
    %dma_start3A_456 = arith.constant 0 : i32
    %dma_start3A_457 = arith.constant 0 : i32
    %dma_start3A_458 = tpu.memref_slice %arg8[%dma_start3A_455, %dma_start3A_456, %dma_start3A_457] : memref<2x25x80xi32, #tpu.memory_space<vmem>> -> memref<1x1x80xi32, #tpu.memory_space<vmem>>
    %dma_start3A_459 = tpu.memref_squeeze %dma_start3A_458 : memref<1x1x80xi32, #tpu.memory_space<vmem>> -> memref<80xi32, #tpu.memory_space<vmem>>
    %dma_start3A_460 = arith.constant 0 : i32
    %dma_start3A_461 = arith.constant 0 : i32
    %dma_start3A_462 = tpu.memref_slice %arg2[%dma_start3A_460, %dma_start3A_461] : memref<10240x128xf32, #tpu.memory_space<hbm>> -> memref<10240x128xf32, #tpu.memory_space<hbm>>
    tpu.enqueue_indirect_dma source(%dma_start3A_462 : memref<10240x128xf32, #tpu.memory_space<hbm>>) target(%arg10 : memref<80x128xf32, #tpu.memory_space<vmem>>) offsets(%dma_start3A_459 : memref<80xi32, #tpu.memory_space<vmem>>) semaphore(%arg13 : memref<!tpu.dma_semaphore, #tpu.memory_space<semaphore_mem>>)
    %scan3A_463 = arith.constant 0 : i32
    %scan3A_464 = arith.constant 0 : i32
    %scan3A_465 = arith.constant 12 : i32
    %scan3A_466 = arith.addi %scan3A_464, %scan3A_465 : i32
    %scan3A_467 = arith.constant 1 : i32
    scf.for %scan3A_487 = %scan3A_464 to %scan3A_466 step %scan3A_467  : i32 {
      %mul3A_488 = arith.constant 2 : i32
      %mul3A_489 = arith.muli %mul3A_488, %scan3A_487 : i32
      %add3A_490 = arith.constant 1 : i32
      %add3A_491 = arith.addi %mul3A_489, %add3A_490 : i32
      %dma_start3A_492 = arith.constant 0 : i32
      %dma_start3A_493 = arith.constant 0 : i32
      %dma_start3A_494 = tpu.memref_slice %arg8[%dma_start3A_492, %add3A_491, %dma_start3A_493] : memref<2x25x80xi32, #tpu.memory_space<vmem>> -> memref<1x1x80xi32, #tpu.memory_space<vmem>>
      %dma_start3A_495 = tpu.memref_squeeze %dma_start3A_494 : memref<1x1x80xi32, #tpu.memory_space<vmem>> -> memref<80xi32, #tpu.memory_space<vmem>>
      %dma_start3A_496 = arith.constant 0 : i32
      %dma_start3A_497 = arith.constant 0 : i32
      %dma_start3A_498 = tpu.memref_slice %arg2[%dma_start3A_496, %dma_start3A_497] : memref<10240x128xf32, #tpu.memory_space<hbm>> -> memref<10240x128xf32, #tpu.memory_space<hbm>>
      tpu.enqueue_indirect_dma source(%dma_start3A_498 : memref<10240x128xf32, #tpu.memory_space<hbm>>) target(%arg11 : memref<80x128xf32, #tpu.memory_space<vmem>>) offsets(%dma_start3A_495 : memref<80xi32, #tpu.memory_space<vmem>>) semaphore(%arg14 : memref<!tpu.dma_semaphore, #tpu.memory_space<semaphore_mem>>)
      %dma_wait3A_499 = arith.constant 0 : i32
      %dma_wait3A_500 = arith.constant 0 : i32
      %dma_wait3A_501 = tpu.memref_slice %arg8[%dma_wait3A_499, %mul3A_489, %dma_wait3A_500] : memref<2x25x80xi32, #tpu.memory_space<vmem>> -> memref<1x1x80xi32, #tpu.memory_space<vmem>>
      %dma_wait3A_502 = tpu.memref_squeeze %dma_wait3A_501 : memref<1x1x80xi32, #tpu.memory_space<vmem>> -> memref<80xi32, #tpu.memory_space<vmem>>
      %dma_wait3A_503 = arith.constant 0 : i32
      %dma_wait3A_504 = arith.constant 0 : i32
      %dma_wait3A_505 = tpu.memref_slice %arg2[%dma_wait3A_503, %dma_wait3A_504] : memref<10240x128xf32, #tpu.memory_space<hbm>> -> memref<10240x128xf32, #tpu.memory_space<hbm>>
      tpu.wait_indirect_dma semaphore(%arg13 : memref<!tpu.dma_semaphore, #tpu.memory_space<semaphore_mem>>) src(%dma_wait3A_505 : memref<10240x128xf32, #tpu.memory_space<hbm>>) dst(%arg10 : memref<80x128xf32, #tpu.memory_space<vmem>>)
      %run_scoped3A_506 = arith.constant 0 : i32
      "tpu.region"() ({
        %run_scoped3A_528 = tpu.sem_alloc : memref<!tpu.dma_semaphore, #tpu.memory_space<semaphore_mem>>
        %dma_start3A_529 = arith.constant 0 : i32
        %dma_start3A_530 = tpu.memref_slice %arg9[%run_scoped3A_506, %mul3A_489, %dma_start3A_529] : memref<2x25x80xi32, #tpu.memory_space<vmem>> -> memref<1x1x80xi32, #tpu.memory_space<vmem>>
        %dma_start3A_531 = tpu.memref_squeeze %dma_start3A_530 : memref<1x1x80xi32, #tpu.memory_space<vmem>> -> memref<80xi32, #tpu.memory_space<vmem>>
        %dma_start3A_532 = arith.constant 0 : i32
        %dma_start3A_533 = arith.constant 0 : i32
        %dma_start3A_534 = tpu.memref_slice %arg12[%dma_start3A_532, %dma_start3A_533] : memref<10240x128xf32, #tpu.memory_space<vmem_shared>> -> memref<10240x128xf32, #tpu.memory_space<vmem_shared>>
        tpu.enqueue_indirect_dma source(%arg10 : memref<80x128xf32, #tpu.memory_space<vmem>>) target(%dma_start3A_534 : memref<10240x128xf32, #tpu.memory_space<vmem_shared>>) offsets(%dma_start3A_531 : memref<80xi32, #tpu.memory_space<vmem>>) semaphore(%run_scoped3A_528 : memref<!tpu.dma_semaphore, #tpu.memory_space<semaphore_mem>>) {add = true}
        %dma_wait3A_535 = arith.constant 0 : i32
        %dma_wait3A_536 = tpu.memref_slice %arg9[%run_scoped3A_506, %mul3A_489, %dma_wait3A_535] : memref<2x25x80xi32, #tpu.memory_space<vmem>> -> memref<1x1x80xi32, #tpu.memory_space<vmem>>
        %dma_wait3A_537 = tpu.memref_squeeze %dma_wait3A_536 : memref<1x1x80xi32, #tpu.memory_space<vmem>> -> memref<80xi32, #tpu.memory_space<vmem>>
        %dma_wait3A_538 = arith.constant 0 : i32
        %dma_wait3A_539 = arith.constant 0 : i32
        %dma_wait3A_540 = tpu.memref_slice %arg12[%dma_wait3A_538, %dma_wait3A_539] : memref<10240x128xf32, #tpu.memory_space<vmem_shared>> -> memref<10240x128xf32, #tpu.memory_space<vmem_shared>>
        tpu.wait_indirect_dma semaphore(%run_scoped3A_528 : memref<!tpu.dma_semaphore, #tpu.memory_space<semaphore_mem>>) src(%arg10 : memref<80x128xf32, #tpu.memory_space<vmem>>) dst(%dma_wait3A_540 : memref<10240x128xf32, #tpu.memory_space<vmem_shared>>)
        tpu.yield
      }) : () -> ()
      %add3A_507 = arith.constant 2 : i32
      %add3A_508 = arith.addi %mul3A_489, %add3A_507 : i32
      %dma_start3A_509 = arith.constant 0 : i32
      %dma_start3A_510 = arith.constant 0 : i32
      %dma_start3A_511 = tpu.memref_slice %arg8[%dma_start3A_509, %add3A_508, %dma_start3A_510] : memref<2x25x80xi32, #tpu.memory_space<vmem>> -> memref<1x1x80xi32, #tpu.memory_space<vmem>>
      %dma_start3A_512 = tpu.memref_squeeze %dma_start3A_511 : memref<1x1x80xi32, #tpu.memory_space<vmem>> -> memref<80xi32, #tpu.memory_space<vmem>>
      %dma_start3A_513 = arith.constant 0 : i32
      %dma_start3A_514 = arith.constant 0 : i32
      %dma_start3A_515 = tpu.memref_slice %arg2[%dma_start3A_513, %dma_start3A_514] : memref<10240x128xf32, #tpu.memory_space<hbm>> -> memref<10240x128xf32, #tpu.memory_space<hbm>>
      tpu.enqueue_indirect_dma source(%dma_start3A_515 : memref<10240x128xf32, #tpu.memory_space<hbm>>) target(%arg10 : memref<80x128xf32, #tpu.memory_space<vmem>>) offsets(%dma_start3A_512 : memref<80xi32, #tpu.memory_space<vmem>>) semaphore(%arg13 : memref<!tpu.dma_semaphore, #tpu.memory_space<semaphore_mem>>)
      %add3A_516 = arith.constant 1 : i32
      %add3A_517 = arith.addi %mul3A_489, %add3A_516 : i32
      %dma_wait3A_518 = arith.constant 0 : i32
      %dma_wait3A_519 = arith.constant 0 : i32
      %dma_wait3A_520 = tpu.memref_slice %arg8[%dma_wait3A_518, %add3A_517, %dma_wait3A_519] : memref<2x25x80xi32, #tpu.memory_space<vmem>> -> memref<1x1x80xi32, #tpu.memory_space<vmem>>
      %dma_wait3A_521 = tpu.memref_squeeze %dma_wait3A_520 : memref<1x1x80xi32, #tpu.memory_space<vmem>> -> memref<80xi32, #tpu.memory_space<vmem>>
      %dma_wait3A_522 = arith.constant 0 : i32
      %dma_wait3A_523 = arith.constant 0 : i32
      %dma_wait3A_524 = tpu.memref_slice %arg2[%dma_wait3A_522, %dma_wait3A_523] : memref<10240x128xf32, #tpu.memory_space<hbm>> -> memref<10240x128xf32, #tpu.memory_space<hbm>>
      tpu.wait_indirect_dma semaphore(%arg14 : memref<!tpu.dma_semaphore, #tpu.memory_space<semaphore_mem>>) src(%dma_wait3A_524 : memref<10240x128xf32, #tpu.memory_space<hbm>>) dst(%arg11 : memref<80x128xf32, #tpu.memory_space<vmem>>)
      %add3A_525 = arith.constant 1 : i32
      %add3A_526 = arith.addi %mul3A_489, %add3A_525 : i32
      %run_scoped3A_527 = arith.constant 0 : i32
      "tpu.region"() ({
        %run_scoped3A_528 = tpu.sem_alloc : memref<!tpu.dma_semaphore, #tpu.memory_space<semaphore_mem>>
        %dma_start3A_529 = arith.constant 0 : i32
        %dma_start3A_530 = tpu.memref_slice %arg9[%run_scoped3A_527, %add3A_526, %dma_start3A_529] : memref<2x25x80xi32, #tpu.memory_space<vmem>> -> memref<1x1x80xi32, #tpu.memory_space<vmem>>
        %dma_start3A_531 = tpu.memref_squeeze %dma_start3A_530 : memref<1x1x80xi32, #tpu.memory_space<vmem>> -> memref<80xi32, #tpu.memory_space<vmem>>
        %dma_start3A_532 = arith.constant 0 : i32
        %dma_start3A_533 = arith.constant 0 : i32
        %dma_start3A_534 = tpu.memref_slice %arg12[%dma_start3A_532, %dma_start3A_533] : memref<10240x128xf32, #tpu.memory_space<vmem_shared>> -> memref<10240x128xf32, #tpu.memory_space<vmem_shared>>
        tpu.enqueue_indirect_dma source(%arg11 : memref<80x128xf32, #tpu.memory_space<vmem>>) target(%dma_start3A_534 : memref<10240x128xf32, #tpu.memory_space<vmem_shared>>) offsets(%dma_start3A_531 : memref<80xi32, #tpu.memory_space<vmem>>) semaphore(%run_scoped3A_528 : memref<!tpu.dma_semaphore, #tpu.memory_space<semaphore_mem>>) {add = true}
        %dma_wait3A_535 = arith.constant 0 : i32
        %dma_wait3A_536 = tpu.memref_slice %arg9[%run_scoped3A_527, %add3A_526, %dma_wait3A_535] : memref<2x25x80xi32, #tpu.memory_space<vmem>> -> memref<1x1x80xi32, #tpu.memory_space<vmem>>
        %dma_wait3A_537 = tpu.memref_squeeze %dma_wait3A_536 : memref<1x1x80xi32, #tpu.memory_space<vmem>> -> memref<80xi32, #tpu.memory_space<vmem>>
        %dma_wait3A_538 = arith.constant 0 : i32
        %dma_wait3A_539 = arith.constant 0 : i32
        %dma_wait3A_540 = tpu.memref_slice %arg12[%dma_wait3A_538, %dma_wait3A_539] : memref<10240x128xf32, #tpu.memory_space<vmem_shared>> -> memref<10240x128xf32, #tpu.memory_space<vmem_shared>>
        tpu.wait_indirect_dma semaphore(%run_scoped3A_528 : memref<!tpu.dma_semaphore, #tpu.memory_space<semaphore_mem>>) src(%arg11 : memref<80x128xf32, #tpu.memory_space<vmem>>) dst(%dma_wait3A_540 : memref<10240x128xf32, #tpu.memory_space<vmem_shared>>)
        tpu.yield
      }) : () -> ()
    }
    %scan3A_468 = arith.constant 12 : i32
    %dma_wait3A_469 = arith.constant 0 : i32
    %dma_wait3A_470 = arith.constant 24 : i32
    %dma_wait3A_471 = arith.constant 0 : i32
    %dma_wait3A_472 = tpu.memref_slice %arg8[%dma_wait3A_469, %dma_wait3A_470, %dma_wait3A_471] : memref<2x25x80xi32, #tpu.memory_space<vmem>> -> memref<1x1x80xi32, #tpu.memory_space<vmem>>
    %dma_wait3A_473 = tpu.memref_squeeze %dma_wait3A_472 : memref<1x1x80xi32, #tpu.memory_space<vmem>> -> memref<80xi32, #tpu.memory_space<vmem>>
    %dma_wait3A_474 = arith.constant 0 : i32
    %dma_wait3A_475 = arith.constant 0 : i32
    %dma_wait3A_476 = tpu.memref_slice %arg2[%dma_wait3A_474, %dma_wait3A_475] : memref<10240x128xf32, #tpu.memory_space<hbm>> -> memref<10240x128xf32, #tpu.memory_space<hbm>>
    tpu.wait_indirect_dma semaphore(%arg13 : memref<!tpu.dma_semaphore, #tpu.memory_space<semaphore_mem>>) src(%dma_wait3A_476 : memref<10240x128xf32, #tpu.memory_space<hbm>>) dst(%arg10 : memref<80x128xf32, #tpu.memory_space<vmem>>)
    %run_scoped3A_477 = arith.constant 0 : i32
    %run_scoped3A_478 = arith.constant 24 : i32
    "tpu.region"() ({
      %run_scoped3A_487 = tpu.sem_alloc : memref<!tpu.dma_semaphore, #tpu.memory_space<semaphore_mem>>
      %dma_start3A_488 = arith.constant 0 : i32
      %dma_start3A_489 = tpu.memref_slice %arg9[%run_scoped3A_477, %run_scoped3A_478, %dma_start3A_488] : memref<2x25x80xi32, #tpu.memory_space<vmem>> -> memref<1x1x80xi32, #tpu.memory_space<vmem>>
      %dma_start3A_490 = tpu.memref_squeeze %dma_start3A_489 : memref<1x1x80xi32, #tpu.memory_space<vmem>> -> memref<80xi32, #tpu.memory_space<vmem>>
      %dma_start3A_491 = arith.constant 0 : i32
      %dma_start3A_492 = arith.constant 0 : i32
      %dma_start3A_493 = tpu.memref_slice %arg12[%dma_start3A_491, %dma_start3A_492] : memref<10240x128xf32, #tpu.memory_space<vmem_shared>> -> memref<10240x128xf32, #tpu.memory_space<vmem_shared>>
      tpu.enqueue_indirect_dma source(%arg10 : memref<80x128xf32, #tpu.memory_space<vmem>>) target(%dma_start3A_493 : memref<10240x128xf32, #tpu.memory_space<vmem_shared>>) offsets(%dma_start3A_490 : memref<80xi32, #tpu.memory_space<vmem>>) semaphore(%run_scoped3A_487 : memref<!tpu.dma_semaphore, #tpu.memory_space<semaphore_mem>>) {add = true}
      %dma_wait3A_494 = arith.constant 0 : i32
      %dma_wait3A_495 = tpu.memref_slice %arg9[%run_scoped3A_477, %run_scoped3A_478, %dma_wait3A_494] : memref<2x25x80xi32, #tpu.memory_space<vmem>> -> memref<1x1x80xi32, #tpu.memory_space<vmem>>
      %dma_wait3A_496 = tpu.memref_squeeze %dma_wait3A_495 : memref<1x1x80xi32, #tpu.memory_space<vmem>> -> memref<80xi32, #tpu.memory_space<vmem>>
      %dma_wait3A_497 = arith.constant 0 : i32
      %dma_wait3A_498 = arith.constant 0 : i32
      %dma_wait3A_499 = tpu.memref_slice %arg12[%dma_wait3A_497, %dma_wait3A_498] : memref<10240x128xf32, #tpu.memory_space<vmem_shared>> -> memref<10240x128xf32, #tpu.memory_space<vmem_shared>>
      tpu.wait_indirect_dma semaphore(%run_scoped3A_487 : memref<!tpu.dma_semaphore, #tpu.memory_space<semaphore_mem>>) src(%arg10 : memref<80x128xf32, #tpu.memory_space<vmem>>) dst(%dma_wait3A_499 : memref<10240x128xf32, #tpu.memory_space<vmem_shared>>)
      tpu.yield
    }) : () -> ()
    %barrier3A_479 = arith.constant 0 : index
    tpu.barrier barrier_id(%barrier3A_479)
    %eq3A = arith.constant 0 : i32
    %eq3A_480 = arith.cmpi eq, %arg0, %eq3A : i32
    %convert_element_type3A = arith.extui %eq3A_480 : i1 to i32
    %cond3A = arith.constant 0 : i32
    %cond3A_481 = arith.cmpi ne, %convert_element_type3A, %cond3A : i32
    scf.if %cond3A_481 {
      "tpu.region"() ({
        %run_scoped3A_487 = tpu.sem_alloc : memref<!tpu.dma_semaphore, #tpu.memory_space<semaphore_mem>>
        %dma_start3A_488 = arith.constant 0 : i32
        %dma_start3A_489 = tpu.memref_slice %arg6[%mul3A_2, %dma_start3A_488] : memref<10240x128xf32, #tpu.memory_space<hbm>> -> memref<640x128xf32, #tpu.memory_space<hbm>>
        %dma_start3A_490 = arith.constant 0 : i32
        %dma_start3A_491 = tpu.memref_slice %arg12[%mul3A_2, %dma_start3A_490] : memref<10240x128xf32, #tpu.memory_space<vmem_shared>> -> memref<640x128xf32, #tpu.memory_space<vmem_shared>>
        tpu.enqueue_dma source(%dma_start3A_491 : memref<640x128xf32, #tpu.memory_space<vmem_shared>>) target(%dma_start3A_489 : memref<640x128xf32, #tpu.memory_space<hbm>>) target_semaphore(%run_scoped3A_487 : memref<!tpu.dma_semaphore, #tpu.memory_space<semaphore_mem>>)
        %dma_wait3A_492 = arith.constant 0 : i32
        %dma_wait3A_493 = tpu.memref_slice %arg6[%mul3A_2, %dma_wait3A_492] : memref<10240x128xf32, #tpu.memory_space<hbm>> -> memref<640x128xf32, #tpu.memory_space<hbm>>
        %dma_wait3A_494 = arith.constant 0 : i32
        %dma_wait3A_495 = tpu.memref_slice %arg12[%mul3A_2, %dma_wait3A_494] : memref<10240x128xf32, #tpu.memory_space<vmem_shared>> -> memref<640x128xf32, #tpu.memory_space<vmem_shared>>
        tpu.wait_dma2 semaphore(%run_scoped3A_487 : memref<!tpu.dma_semaphore, #tpu.memory_space<semaphore_mem>>) src(%dma_wait3A_495 : memref<640x128xf32, #tpu.memory_space<vmem_shared>>) dst(%dma_wait3A_493 : memref<640x128xf32, #tpu.memory_space<hbm>>)
        tpu.yield
      }) : () -> ()
    } else {
    }
    %eq3A_482 = arith.constant 1 : i32
    %eq3A_483 = arith.cmpi eq, %arg0, %eq3A_482 : i32
    %convert_element_type3A_484 = arith.extui %eq3A_483 : i1 to i32
    %cond3A_485 = arith.constant 0 : i32
    %cond3A_486 = arith.cmpi ne, %convert_element_type3A_484, %cond3A_485 : i32
    scf.if %cond3A_486 {
      "tpu.region"() ({
        %run_scoped3A_487 = tpu.sem_alloc : memref<!tpu.dma_semaphore, #tpu.memory_space<semaphore_mem>>
        %dma_start3A_488 = arith.constant 0 : i32
        %dma_start3A_489 = tpu.memref_slice %arg7[%mul3A_2, %dma_start3A_488] : memref<10240x128xf32, #tpu.memory_space<hbm>> -> memref<640x128xf32, #tpu.memory_space<hbm>>
        %dma_start3A_490 = arith.constant 0 : i32
        %dma_start3A_491 = tpu.memref_slice %arg12[%mul3A_2, %dma_start3A_490] : memref<10240x128xf32, #tpu.memory_space<vmem_shared>> -> memref<640x128xf32, #tpu.memory_space<vmem_shared>>
        tpu.enqueue_dma source(%dma_start3A_491 : memref<640x128xf32, #tpu.memory_space<vmem_shared>>) target(%dma_start3A_489 : memref<640x128xf32, #tpu.memory_space<hbm>>) target_semaphore(%run_scoped3A_487 : memref<!tpu.dma_semaphore, #tpu.memory_space<semaphore_mem>>)
        %dma_wait3A_492 = arith.constant 0 : i32
        %dma_wait3A_493 = tpu.memref_slice %arg7[%mul3A_2, %dma_wait3A_492] : memref<10240x128xf32, #tpu.memory_space<hbm>> -> memref<640x128xf32, #tpu.memory_space<hbm>>
        %dma_wait3A_494 = arith.constant 0 : i32
        %dma_wait3A_495 = tpu.memref_slice %arg12[%mul3A_2, %dma_wait3A_494] : memref<10240x128xf32, #tpu.memory_space<vmem_shared>> -> memref<640x128xf32, #tpu.memory_space<vmem_shared>>
        tpu.wait_dma2 semaphore(%run_scoped3A_487 : memref<!tpu.dma_semaphore, #tpu.memory_space<semaphore_mem>>) src(%dma_wait3A_495 : memref<640x128xf32, #tpu.memory_space<vmem_shared>>) dst(%dma_wait3A_493 : memref<640x128xf32, #tpu.memory_space<hbm>>)
        tpu.yield
      }) : () -> ()
    } else {
    }
    return
  }
}

#map = affine_map<(d0, d1) -> (0, 0)>
#map1 = affine_map<(d0, d1) -> (0)>
module attributes {stable_mosaic.version = 14 : i64} {
  func.func @readout(%arg0: i32, %arg1: i32, %arg2: memref<10240x128xf32, #tpu.memory_space<hbm>>, %arg3: memref<4096xi32, #tpu.memory_space<hbm>>, %arg4: memref<4096xi32, #tpu.memory_space<hbm>>, %arg5: memref<4096x128xf32, #tpu.memory_space<hbm>>, %arg6: memref<128xi32, #tpu.memory_space<vmem>>, %arg7: memref<128xi32, #tpu.memory_space<vmem>>, %arg8: memref<128x128xf32, #tpu.memory_space<vmem>>, %arg9: memref<128x128xf32, #tpu.memory_space<vmem>>, %arg10: memref<!tpu.dma_semaphore, #tpu.memory_space<semaphore_mem>>, %arg11: memref<!tpu.dma_semaphore, #tpu.memory_space<semaphore_mem>>) attributes {dimension_semantics = [#tpu.dimension_semantics<core_parallel>, #tpu.dimension_semantics<subcore_parallel>], iteration_bounds = array<i64: 2, 16>, scalar_prefetch = 0 : i64, scratch_operands = 6 : i64, tpu.core_type = #tpu.core_type<sc_vector_subcore>, window_params = [{transform_indices = #map}, {transform_indices = #map1}, {transform_indices = #map1}, {transform_indices = #map}]} {
    %mul3A = arith.constant 16 : i32
    %mul3A_0 = arith.muli %arg0, %mul3A : i32
    %add3A = arith.addi %mul3A_0, %arg1 : i32
    %mul3A_1 = arith.constant 128 : i32
    %mul3A_2 = arith.muli %add3A, %mul3A_1 : i32
    "tpu.region"() ({
      %run_scoped3A = tpu.sem_alloc : memref<!tpu.dma_semaphore, #tpu.memory_space<semaphore_mem>>
      %dma_start3A_18 = tpu.memref_slice %arg3[%mul3A_2] : memref<4096xi32, #tpu.memory_space<hbm>> -> memref<128xi32, #tpu.memory_space<hbm>>
      %dma_start3A_19 = tpu.memref_slice %arg3[%mul3A_2] : memref<4096xi32, #tpu.memory_space<hbm>> -> memref<128xi32, #tpu.memory_space<hbm>>
      tpu.enqueue_dma source(%dma_start3A_19 : memref<128xi32, #tpu.memory_space<hbm>>) target(%arg6 : memref<128xi32, #tpu.memory_space<vmem>>) target_semaphore(%run_scoped3A : memref<!tpu.dma_semaphore, #tpu.memory_space<semaphore_mem>>)
      %dma_wait3A_20 = tpu.memref_slice %arg3[%mul3A_2] : memref<4096xi32, #tpu.memory_space<hbm>> -> memref<128xi32, #tpu.memory_space<hbm>>
      %dma_wait3A_21 = tpu.memref_slice %arg3[%mul3A_2] : memref<4096xi32, #tpu.memory_space<hbm>> -> memref<128xi32, #tpu.memory_space<hbm>>
      tpu.wait_dma2 semaphore(%run_scoped3A : memref<!tpu.dma_semaphore, #tpu.memory_space<semaphore_mem>>) src(%dma_wait3A_21 : memref<128xi32, #tpu.memory_space<hbm>>) dst(%arg6 : memref<128xi32, #tpu.memory_space<vmem>>)
      tpu.yield
    }) : () -> ()
    "tpu.region"() ({
      %run_scoped3A = tpu.sem_alloc : memref<!tpu.dma_semaphore, #tpu.memory_space<semaphore_mem>>
      %dma_start3A_18 = tpu.memref_slice %arg4[%mul3A_2] : memref<4096xi32, #tpu.memory_space<hbm>> -> memref<128xi32, #tpu.memory_space<hbm>>
      %dma_start3A_19 = tpu.memref_slice %arg4[%mul3A_2] : memref<4096xi32, #tpu.memory_space<hbm>> -> memref<128xi32, #tpu.memory_space<hbm>>
      tpu.enqueue_dma source(%dma_start3A_19 : memref<128xi32, #tpu.memory_space<hbm>>) target(%arg7 : memref<128xi32, #tpu.memory_space<vmem>>) target_semaphore(%run_scoped3A : memref<!tpu.dma_semaphore, #tpu.memory_space<semaphore_mem>>)
      %dma_wait3A_20 = tpu.memref_slice %arg4[%mul3A_2] : memref<4096xi32, #tpu.memory_space<hbm>> -> memref<128xi32, #tpu.memory_space<hbm>>
      %dma_wait3A_21 = tpu.memref_slice %arg4[%mul3A_2] : memref<4096xi32, #tpu.memory_space<hbm>> -> memref<128xi32, #tpu.memory_space<hbm>>
      tpu.wait_dma2 semaphore(%run_scoped3A : memref<!tpu.dma_semaphore, #tpu.memory_space<semaphore_mem>>) src(%dma_wait3A_21 : memref<128xi32, #tpu.memory_space<hbm>>) dst(%arg7 : memref<128xi32, #tpu.memory_space<vmem>>)
      tpu.yield
    }) : () -> ()
    %dma_start3A = arith.constant 0 : i32
    %dma_start3A_3 = arith.constant 0 : i32
    %dma_start3A_4 = tpu.memref_slice %arg2[%dma_start3A, %dma_start3A_3] : memref<10240x128xf32, #tpu.memory_space<hbm>> -> memref<10240x128xf32, #tpu.memory_space<hbm>>
    tpu.enqueue_indirect_dma source(%dma_start3A_4 : memref<10240x128xf32, #tpu.memory_space<hbm>>) target(%arg8 : memref<128x128xf32, #tpu.memory_space<vmem>>) offsets(%arg6 : memref<128xi32, #tpu.memory_space<vmem>>) semaphore(%arg10 : memref<!tpu.dma_semaphore, #tpu.memory_space<semaphore_mem>>)
    %dma_start3A_5 = arith.constant 0 : i32
    %dma_start3A_6 = arith.constant 0 : i32
    %dma_start3A_7 = tpu.memref_slice %arg2[%dma_start3A_5, %dma_start3A_6] : memref<10240x128xf32, #tpu.memory_space<hbm>> -> memref<10240x128xf32, #tpu.memory_space<hbm>>
    tpu.enqueue_indirect_dma source(%dma_start3A_7 : memref<10240x128xf32, #tpu.memory_space<hbm>>) target(%arg9 : memref<128x128xf32, #tpu.memory_space<vmem>>) offsets(%arg7 : memref<128xi32, #tpu.memory_space<vmem>>) semaphore(%arg11 : memref<!tpu.dma_semaphore, #tpu.memory_space<semaphore_mem>>)
    %dma_wait3A = arith.constant 0 : i32
    %dma_wait3A_8 = arith.constant 0 : i32
    %dma_wait3A_9 = tpu.memref_slice %arg2[%dma_wait3A, %dma_wait3A_8] : memref<10240x128xf32, #tpu.memory_space<hbm>> -> memref<10240x128xf32, #tpu.memory_space<hbm>>
    tpu.wait_indirect_dma semaphore(%arg10 : memref<!tpu.dma_semaphore, #tpu.memory_space<semaphore_mem>>) src(%dma_wait3A_9 : memref<10240x128xf32, #tpu.memory_space<hbm>>) dst(%arg8 : memref<128x128xf32, #tpu.memory_space<vmem>>)
    %dma_wait3A_10 = arith.constant 0 : i32
    %dma_wait3A_11 = arith.constant 0 : i32
    %dma_wait3A_12 = tpu.memref_slice %arg2[%dma_wait3A_10, %dma_wait3A_11] : memref<10240x128xf32, #tpu.memory_space<hbm>> -> memref<10240x128xf32, #tpu.memory_space<hbm>>
    tpu.wait_indirect_dma semaphore(%arg11 : memref<!tpu.dma_semaphore, #tpu.memory_space<semaphore_mem>>) src(%dma_wait3A_12 : memref<10240x128xf32, #tpu.memory_space<hbm>>) dst(%arg9 : memref<128x128xf32, #tpu.memory_space<vmem>>)
    %scan3A = arith.constant 0 : i32
    %scan3A_13 = arith.constant 0 : i32
    %scan3A_14 = arith.constant 128 : i32
    %scan3A_15 = arith.addi %scan3A_13, %scan3A_14 : i32
    %scan3A_16 = arith.constant 1 : i32
    scf.for %scan3A_18 = %scan3A_13 to %scan3A_15 step %scan3A_16  : i32 {
      %get3A = arith.index_cast %scan3A_18 : i32 to index
      %get3A_19 = arith.constant 0 : index
      %get3A_20 = tpu.vector_load %arg8[%get3A, %get3A_19] {strides = array<i32>} : memref<128x128xf32, #tpu.memory_space<vmem>>, vector<1x16xf32>,
      %get3A_21 = vector.shape_cast %get3A_20 : vector<1x16xf32> to vector<16xf32>
      %get3A_22 = arith.index_cast %scan3A_18 : i32 to index
      %get3A_23 = arith.constant 0 : index
      %get3A_24 = tpu.vector_load %arg9[%get3A_22, %get3A_23] {strides = array<i32>} : memref<128x128xf32, #tpu.memory_space<vmem>>, vector<1x16xf32>,
      %get3A_25 = vector.shape_cast %get3A_24 : vector<1x16xf32> to vector<16xf32>
      %add3A_26 = arith.addf %get3A_21, %get3A_25 : vector<16xf32>
      %swap3A = arith.index_cast %scan3A_18 : i32 to index
      %swap3A_27 = arith.constant 0 : index
      %swap3A_28 = tpu.vector_load %arg8[%swap3A, %swap3A_27] {strides = array<i32>} : memref<128x128xf32, #tpu.memory_space<vmem>>, vector<1x16xf32>,
      %swap3A_29 = vector.shape_cast %swap3A_28 : vector<1x16xf32> to vector<16xf32>
      %swap3A_30 = vector.shape_cast %add3A_26 : vector<16xf32> to vector<1x16xf32>
      tpu.vector_store %arg8[%swap3A, %swap3A_27], %swap3A_30 {strides = array<i32>} : memref<128x128xf32, #tpu.memory_space<vmem>>, vector<1x16xf32>,
      %get3A_31 = arith.index_cast %scan3A_18 : i32 to index
      %get3A_32 = arith.constant 16 : index
      %get3A_33 = tpu.vector_load %arg8[%get3A_31, %get3A_32] {strides = array<i32>} : memref<128x128xf32, #tpu.memory_space<vmem>>, vector<1x16xf32>,
      %get3A_34 = vector.shape_cast %get3A_33 : vector<1x16xf32> to vector<16xf32>
      %get3A_35 = arith.index_cast %scan3A_18 : i32 to index
      %get3A_36 = arith.constant 16 : index
      %get3A_37 = tpu.vector_load %arg9[%get3A_35, %get3A_36] {strides = array<i32>} : memref<128x128xf32, #tpu.memory_space<vmem>>, vector<1x16xf32>,
      %get3A_38 = vector.shape_cast %get3A_37 : vector<1x16xf32> to vector<16xf32>
      %add3A_39 = arith.addf %get3A_34, %get3A_38 : vector<16xf32>
      %swap3A_40 = arith.index_cast %scan3A_18 : i32 to index
      %swap3A_41 = arith.constant 16 : index
      %swap3A_42 = tpu.vector_load %arg8[%swap3A_40, %swap3A_41] {strides = array<i32>} : memref<128x128xf32, #tpu.memory_space<vmem>>, vector<1x16xf32>,
      %swap3A_43 = vector.shape_cast %swap3A_42 : vector<1x16xf32> to vector<16xf32>
      %swap3A_44 = vector.shape_cast %add3A_39 : vector<16xf32> to vector<1x16xf32>
      tpu.vector_store %arg8[%swap3A_40, %swap3A_41], %swap3A_44 {strides = array<i32>} : memref<128x128xf32, #tpu.memory_space<vmem>>, vector<1x16xf32>,
      %get3A_45 = arith.index_cast %scan3A_18 : i32 to index
      %get3A_46 = arith.constant 32 : index
      %get3A_47 = tpu.vector_load %arg8[%get3A_45, %get3A_46] {strides = array<i32>} : memref<128x128xf32, #tpu.memory_space<vmem>>, vector<1x16xf32>,
      %get3A_48 = vector.shape_cast %get3A_47 : vector<1x16xf32> to vector<16xf32>
      %get3A_49 = arith.index_cast %scan3A_18 : i32 to index
      %get3A_50 = arith.constant 32 : index
      %get3A_51 = tpu.vector_load %arg9[%get3A_49, %get3A_50] {strides = array<i32>} : memref<128x128xf32, #tpu.memory_space<vmem>>, vector<1x16xf32>,
      %get3A_52 = vector.shape_cast %get3A_51 : vector<1x16xf32> to vector<16xf32>
      %add3A_53 = arith.addf %get3A_48, %get3A_52 : vector<16xf32>
      %swap3A_54 = arith.index_cast %scan3A_18 : i32 to index
      %swap3A_55 = arith.constant 32 : index
      %swap3A_56 = tpu.vector_load %arg8[%swap3A_54, %swap3A_55] {strides = array<i32>} : memref<128x128xf32, #tpu.memory_space<vmem>>, vector<1x16xf32>,
      %swap3A_57 = vector.shape_cast %swap3A_56 : vector<1x16xf32> to vector<16xf32>
      %swap3A_58 = vector.shape_cast %add3A_53 : vector<16xf32> to vector<1x16xf32>
      tpu.vector_store %arg8[%swap3A_54, %swap3A_55], %swap3A_58 {strides = array<i32>} : memref<128x128xf32, #tpu.memory_space<vmem>>, vector<1x16xf32>,
      %get3A_59 = arith.index_cast %scan3A_18 : i32 to index
      %get3A_60 = arith.constant 48 : index
      %get3A_61 = tpu.vector_load %arg8[%get3A_59, %get3A_60] {strides = array<i32>} : memref<128x128xf32, #tpu.memory_space<vmem>>, vector<1x16xf32>,
      %get3A_62 = vector.shape_cast %get3A_61 : vector<1x16xf32> to vector<16xf32>
      %get3A_63 = arith.index_cast %scan3A_18 : i32 to index
      %get3A_64 = arith.constant 48 : index
      %get3A_65 = tpu.vector_load %arg9[%get3A_63, %get3A_64] {strides = array<i32>} : memref<128x128xf32, #tpu.memory_space<vmem>>, vector<1x16xf32>,
      %get3A_66 = vector.shape_cast %get3A_65 : vector<1x16xf32> to vector<16xf32>
      %add3A_67 = arith.addf %get3A_62, %get3A_66 : vector<16xf32>
      %swap3A_68 = arith.index_cast %scan3A_18 : i32 to index
      %swap3A_69 = arith.constant 48 : index
      %swap3A_70 = tpu.vector_load %arg8[%swap3A_68, %swap3A_69] {strides = array<i32>} : memref<128x128xf32, #tpu.memory_space<vmem>>, vector<1x16xf32>,
      %swap3A_71 = vector.shape_cast %swap3A_70 : vector<1x16xf32> to vector<16xf32>
      %swap3A_72 = vector.shape_cast %add3A_67 : vector<16xf32> to vector<1x16xf32>
      tpu.vector_store %arg8[%swap3A_68, %swap3A_69], %swap3A_72 {strides = array<i32>} : memref<128x128xf32, #tpu.memory_space<vmem>>, vector<1x16xf32>,
      %get3A_73 = arith.index_cast %scan3A_18 : i32 to index
      %get3A_74 = arith.constant 64 : index
      %get3A_75 = tpu.vector_load %arg8[%get3A_73, %get3A_74] {strides = array<i32>} : memref<128x128xf32, #tpu.memory_space<vmem>>, vector<1x16xf32>,
      %get3A_76 = vector.shape_cast %get3A_75 : vector<1x16xf32> to vector<16xf32>
      %get3A_77 = arith.index_cast %scan3A_18 : i32 to index
      %get3A_78 = arith.constant 64 : index
      %get3A_79 = tpu.vector_load %arg9[%get3A_77, %get3A_78] {strides = array<i32>} : memref<128x128xf32, #tpu.memory_space<vmem>>, vector<1x16xf32>,
      %get3A_80 = vector.shape_cast %get3A_79 : vector<1x16xf32> to vector<16xf32>
      %add3A_81 = arith.addf %get3A_76, %get3A_80 : vector<16xf32>
      %swap3A_82 = arith.index_cast %scan3A_18 : i32 to index
      %swap3A_83 = arith.constant 64 : index
      %swap3A_84 = tpu.vector_load %arg8[%swap3A_82, %swap3A_83] {strides = array<i32>} : memref<128x128xf32, #tpu.memory_space<vmem>>, vector<1x16xf32>,
      %swap3A_85 = vector.shape_cast %swap3A_84 : vector<1x16xf32> to vector<16xf32>
      %swap3A_86 = vector.shape_cast %add3A_81 : vector<16xf32> to vector<1x16xf32>
      tpu.vector_store %arg8[%swap3A_82, %swap3A_83], %swap3A_86 {strides = array<i32>} : memref<128x128xf32, #tpu.memory_space<vmem>>, vector<1x16xf32>,
      %get3A_87 = arith.index_cast %scan3A_18 : i32 to index
      %get3A_88 = arith.constant 80 : index
      %get3A_89 = tpu.vector_load %arg8[%get3A_87, %get3A_88] {strides = array<i32>} : memref<128x128xf32, #tpu.memory_space<vmem>>, vector<1x16xf32>,
      %get3A_90 = vector.shape_cast %get3A_89 : vector<1x16xf32> to vector<16xf32>
      %get3A_91 = arith.index_cast %scan3A_18 : i32 to index
      %get3A_92 = arith.constant 80 : index
      %get3A_93 = tpu.vector_load %arg9[%get3A_91, %get3A_92] {strides = array<i32>} : memref<128x128xf32, #tpu.memory_space<vmem>>, vector<1x16xf32>,
      %get3A_94 = vector.shape_cast %get3A_93 : vector<1x16xf32> to vector<16xf32>
      %add3A_95 = arith.addf %get3A_90, %get3A_94 : vector<16xf32>
      %swap3A_96 = arith.index_cast %scan3A_18 : i32 to index
      %swap3A_97 = arith.constant 80 : index
      %swap3A_98 = tpu.vector_load %arg8[%swap3A_96, %swap3A_97] {strides = array<i32>} : memref<128x128xf32, #tpu.memory_space<vmem>>, vector<1x16xf32>,
      %swap3A_99 = vector.shape_cast %swap3A_98 : vector<1x16xf32> to vector<16xf32>
      %swap3A_100 = vector.shape_cast %add3A_95 : vector<16xf32> to vector<1x16xf32>
      tpu.vector_store %arg8[%swap3A_96, %swap3A_97], %swap3A_100 {strides = array<i32>} : memref<128x128xf32, #tpu.memory_space<vmem>>, vector<1x16xf32>,
      %get3A_101 = arith.index_cast %scan3A_18 : i32 to index
      %get3A_102 = arith.constant 96 : index
      %get3A_103 = tpu.vector_load %arg8[%get3A_101, %get3A_102] {strides = array<i32>} : memref<128x128xf32, #tpu.memory_space<vmem>>, vector<1x16xf32>,
      %get3A_104 = vector.shape_cast %get3A_103 : vector<1x16xf32> to vector<16xf32>
      %get3A_105 = arith.index_cast %scan3A_18 : i32 to index
      %get3A_106 = arith.constant 96 : index
      %get3A_107 = tpu.vector_load %arg9[%get3A_105, %get3A_106] {strides = array<i32>} : memref<128x128xf32, #tpu.memory_space<vmem>>, vector<1x16xf32>,
      %get3A_108 = vector.shape_cast %get3A_107 : vector<1x16xf32> to vector<16xf32>
      %add3A_109 = arith.addf %get3A_104, %get3A_108 : vector<16xf32>
      %swap3A_110 = arith.index_cast %scan3A_18 : i32 to index
      %swap3A_111 = arith.constant 96 : index
      %swap3A_112 = tpu.vector_load %arg8[%swap3A_110, %swap3A_111] {strides = array<i32>} : memref<128x128xf32, #tpu.memory_space<vmem>>, vector<1x16xf32>,
      %swap3A_113 = vector.shape_cast %swap3A_112 : vector<1x16xf32> to vector<16xf32>
      %swap3A_114 = vector.shape_cast %add3A_109 : vector<16xf32> to vector<1x16xf32>
      tpu.vector_store %arg8[%swap3A_110, %swap3A_111], %swap3A_114 {strides = array<i32>} : memref<128x128xf32, #tpu.memory_space<vmem>>, vector<1x16xf32>,
      %get3A_115 = arith.index_cast %scan3A_18 : i32 to index
      %get3A_116 = arith.constant 112 : index
      %get3A_117 = tpu.vector_load %arg8[%get3A_115, %get3A_116] {strides = array<i32>} : memref<128x128xf32, #tpu.memory_space<vmem>>, vector<1x16xf32>,
      %get3A_118 = vector.shape_cast %get3A_117 : vector<1x16xf32> to vector<16xf32>
      %get3A_119 = arith.index_cast %scan3A_18 : i32 to index
      %get3A_120 = arith.constant 112 : index
      %get3A_121 = tpu.vector_load %arg9[%get3A_119, %get3A_120] {strides = array<i32>} : memref<128x128xf32, #tpu.memory_space<vmem>>, vector<1x16xf32>,
      %get3A_122 = vector.shape_cast %get3A_121 : vector<1x16xf32> to vector<16xf32>
      %add3A_123 = arith.addf %get3A_118, %get3A_122 : vector<16xf32>
      %swap3A_124 = arith.index_cast %scan3A_18 : i32 to index
      %swap3A_125 = arith.constant 112 : index
      %swap3A_126 = tpu.vector_load %arg8[%swap3A_124, %swap3A_125] {strides = array<i32>} : memref<128x128xf32, #tpu.memory_space<vmem>>, vector<1x16xf32>,
      %swap3A_127 = vector.shape_cast %swap3A_126 : vector<1x16xf32> to vector<16xf32>
      %swap3A_128 = vector.shape_cast %add3A_123 : vector<16xf32> to vector<1x16xf32>
      tpu.vector_store %arg8[%swap3A_124, %swap3A_125], %swap3A_128 {strides = array<i32>} : memref<128x128xf32, #tpu.memory_space<vmem>>, vector<1x16xf32>,
    }
    %scan3A_17 = arith.constant 128 : i32
    "tpu.region"() ({
      %run_scoped3A = tpu.sem_alloc : memref<!tpu.dma_semaphore, #tpu.memory_space<semaphore_mem>>
      %dma_start3A_18 = arith.constant 0 : i32
      %dma_start3A_19 = tpu.memref_slice %arg5[%mul3A_2, %dma_start3A_18] : memref<4096x128xf32, #tpu.memory_space<hbm>> -> memref<128x128xf32, #tpu.memory_space<hbm>>
      %dma_start3A_20 = arith.constant 0 : i32
      %dma_start3A_21 = tpu.memref_slice %arg5[%mul3A_2, %dma_start3A_20] : memref<4096x128xf32, #tpu.memory_space<hbm>> -> memref<128x128xf32, #tpu.memory_space<hbm>>
      tpu.enqueue_dma source(%arg8 : memref<128x128xf32, #tpu.memory_space<vmem>>) target(%dma_start3A_21 : memref<128x128xf32, #tpu.memory_space<hbm>>) target_semaphore(%run_scoped3A : memref<!tpu.dma_semaphore, #tpu.memory_space<semaphore_mem>>)
      %dma_wait3A_22 = arith.constant 0 : i32
      %dma_wait3A_23 = tpu.memref_slice %arg5[%mul3A_2, %dma_wait3A_22] : memref<4096x128xf32, #tpu.memory_space<hbm>> -> memref<128x128xf32, #tpu.memory_space<hbm>>
      %dma_wait3A_24 = arith.constant 0 : i32
      %dma_wait3A_25 = tpu.memref_slice %arg5[%mul3A_2, %dma_wait3A_24] : memref<4096x128xf32, #tpu.memory_space<hbm>> -> memref<128x128xf32, #tpu.memory_space<hbm>>
      tpu.wait_dma2 semaphore(%run_scoped3A : memref<!tpu.dma_semaphore, #tpu.memory_space<semaphore_mem>>) src(%arg8 : memref<128x128xf32, #tpu.memory_space<vmem>>) dst(%dma_wait3A_25 : memref<128x128xf32, #tpu.memory_space<hbm>>)
      tpu.yield
    }) : () -> ()
    return
  }
}

#map = affine_map<(d0, d1) -> (0, 0)>
#map1 = affine_map<(d0, d1) -> (0, 0, 0, 0)>
#map2 = affine_map<(d0, d1) -> (0)>
module attributes {stable_mosaic.version = 14 : i64} {
  func.func @sagg(%arg0: i32, %arg1: i32, %arg2: memref<10240x128xf32, #tpu.memory_space<hbm>>, %arg3: memref<32x5x25x80xi32, #tpu.memory_space<hbm>>, %arg4: memref<32x5x25x80xi32, #tpu.memory_space<hbm>>, %arg5: memref<640x128xf32, #tpu.memory_space<hbm>>, %arg6: memref<10240xf32, #tpu.memory_space<hbm>>, %arg7: memref<10240x128xf32, #tpu.memory_space<hbm>>, %arg8: memref<10240x128xf32, #tpu.memory_space<hbm>>, %arg9: memref<20480xf32, #tpu.memory_space<hbm>>, %arg10: memref<2x25x80xi32, #tpu.memory_space<vmem>>, %arg11: memref<2x25x80xi32, #tpu.memory_space<vmem>>, %arg12: memref<80x128xf32, #tpu.memory_space<vmem>>, %arg13: memref<80x128xf32, #tpu.memory_space<vmem>>, %arg14: memref<10240x128xf32, #tpu.memory_space<vmem_shared>>, %arg15: memref<!tpu.dma_semaphore, #tpu.memory_space<semaphore_mem>>, %arg16: memref<!tpu.dma_semaphore, #tpu.memory_space<semaphore_mem>>, %arg17: memref<!tpu.dma_semaphore, #tpu.memory_space<semaphore_mem>>, %arg18: memref<!tpu.dma_semaphore, #tpu.memory_space<semaphore_mem>>, %arg19: memref<80xf32, #tpu.memory_space<vmem>>, %arg20: memref<10240xf32, #tpu.memory_space<vmem_shared>>) attributes {dimension_semantics = [#tpu.dimension_semantics<core_parallel>, #tpu.dimension_semantics<subcore_parallel>], iteration_bounds = array<i64: 2, 16>, scalar_prefetch = 0 : i64, scratch_operands = 11 : i64, tpu.core_type = #tpu.core_type<sc_vector_subcore>, window_params = [{transform_indices = #map}, {transform_indices = #map1}, {transform_indices = #map1}, {transform_indices = #map}, {transform_indices = #map2}, {transform_indices = #map}, {transform_indices = #map}, {transform_indices = #map2}]} {
    %mul3A = arith.constant 16 : i32
    %mul3A_0 = arith.muli %arg0, %mul3A : i32
    %add3A = arith.addi %mul3A_0, %arg1 : i32
    %mul3A_1 = arith.constant 640 : i32
    %mul3A_2 = arith.muli %arg1, %mul3A_1 : i32
    %dma_start3A = arith.constant 0 : i32
    %dma_start3A_3 = arith.constant 0 : i32
    %dma_start3A_4 = arith.constant 0 : i32
    %dma_start3A_5 = arith.constant 0 : i32
    %dma_start3A_6 = tpu.memref_slice %arg10[%dma_start3A_3, %dma_start3A_4, %dma_start3A_5] : memref<2x25x80xi32, #tpu.memory_space<vmem>> -> memref<1x25x80xi32, #tpu.memory_space<vmem>>
    %dma_start3A_7 = tpu.memref_squeeze %dma_start3A_6 : memref<1x25x80xi32, #tpu.memory_space<vmem>> -> memref<25x80xi32, #tpu.memory_space<vmem>>
    %dma_start3A_8 = arith.constant 0 : i32
    %dma_start3A_9 = arith.constant 0 : i32
    %dma_start3A_10 = tpu.memref_slice %arg3[%add3A, %dma_start3A, %dma_start3A_8, %dma_start3A_9] : memref<32x5x25x80xi32, #tpu.memory_space<hbm>> -> memref<1x1x25x80xi32, #tpu.memory_space<hbm>>
    %dma_start3A_11 = tpu.memref_squeeze %dma_start3A_10 : memref<1x1x25x80xi32, #tpu.memory_space<hbm>> -> memref<25x80xi32, #tpu.memory_space<hbm>>
    %dma_start3A_12 = arith.constant 0 : i32
    %dma_start3A_13 = arith.constant 0 : i32
    %dma_start3A_14 = tpu.memref_slice %arg10[%dma_start3A_3, %dma_start3A_12, %dma_start3A_13] : memref<2x25x80xi32, #tpu.memory_space<vmem>> -> memref<1x25x80xi32, #tpu.memory_space<vmem>>
    %dma_start3A_15 = tpu.memref_squeeze %dma_start3A_14 : memref<1x25x80xi32, #tpu.memory_space<vmem>> -> memref<25x80xi32, #tpu.memory_space<vmem>>
    %dma_start3A_16 = arith.constant 0 : i32
    %dma_start3A_17 = arith.constant 0 : i32
    %dma_start3A_18 = tpu.memref_slice %arg3[%add3A, %dma_start3A, %dma_start3A_16, %dma_start3A_17] : memref<32x5x25x80xi32, #tpu.memory_space<hbm>> -> memref<1x1x25x80xi32, #tpu.memory_space<hbm>>
    %dma_start3A_19 = tpu.memref_squeeze %dma_start3A_18 : memref<1x1x25x80xi32, #tpu.memory_space<hbm>> -> memref<25x80xi32, #tpu.memory_space<hbm>>
    tpu.enqueue_dma source(%dma_start3A_19 : memref<25x80xi32, #tpu.memory_space<hbm>>) target(%dma_start3A_15 : memref<25x80xi32, #tpu.memory_space<vmem>>) target_semaphore(%arg17 : memref<!tpu.dma_semaphore, #tpu.memory_space<semaphore_mem>>)
    %dma_start3A_20 = arith.constant 0 : i32
    %dma_start3A_21 = arith.constant 0 : i32
    %dma_start3A_22 = arith.constant 0 : i32
    %dma_start3A_23 = arith.constant 0 : i32
    %dma_start3A_24 = tpu.memref_slice %arg11[%dma_start3A_21, %dma_start3A_22, %dma_start3A_23] : memref<2x25x80xi32, #tpu.memory_space<vmem>> -> memref<1x25x80xi32, #tpu.memory_space<vmem>>
    %dma_start3A_25 = tpu.memref_squeeze %dma_start3A_24 : memref<1x25x80xi32, #tpu.memory_space<vmem>> -> memref<25x80xi32, #tpu.memory_space<vmem>>
    %dma_start3A_26 = arith.constant 0 : i32
    %dma_start3A_27 = arith.constant 0 : i32
    %dma_start3A_28 = tpu.memref_slice %arg4[%add3A, %dma_start3A_20, %dma_start3A_26, %dma_start3A_27] : memref<32x5x25x80xi32, #tpu.memory_space<hbm>> -> memref<1x1x25x80xi32, #tpu.memory_space<hbm>>
    %dma_start3A_29 = tpu.memref_squeeze %dma_start3A_28 : memref<1x1x25x80xi32, #tpu.memory_space<hbm>> -> memref<25x80xi32, #tpu.memory_space<hbm>>
    %dma_start3A_30 = arith.constant 0 : i32
    %dma_start3A_31 = arith.constant 0 : i32
    %dma_start3A_32 = tpu.memref_slice %arg11[%dma_start3A_21, %dma_start3A_30, %dma_start3A_31] : memref<2x25x80xi32, #tpu.memory_space<vmem>> -> memref<1x25x80xi32, #tpu.memory_space<vmem>>
    %dma_start3A_33 = tpu.memref_squeeze %dma_start3A_32 : memref<1x25x80xi32, #tpu.memory_space<vmem>> -> memref<25x80xi32, #tpu.memory_space<vmem>>
    %dma_start3A_34 = arith.constant 0 : i32
    %dma_start3A_35 = arith.constant 0 : i32
    %dma_start3A_36 = tpu.memref_slice %arg4[%add3A, %dma_start3A_20, %dma_start3A_34, %dma_start3A_35] : memref<32x5x25x80xi32, #tpu.memory_space<hbm>> -> memref<1x1x25x80xi32, #tpu.memory_space<hbm>>
    %dma_start3A_37 = tpu.memref_squeeze %dma_start3A_36 : memref<1x1x25x80xi32, #tpu.memory_space<hbm>> -> memref<25x80xi32, #tpu.memory_space<hbm>>
    tpu.enqueue_dma source(%dma_start3A_37 : memref<25x80xi32, #tpu.memory_space<hbm>>) target(%dma_start3A_33 : memref<25x80xi32, #tpu.memory_space<vmem>>) target_semaphore(%arg17 : memref<!tpu.dma_semaphore, #tpu.memory_space<semaphore_mem>>)
    "tpu.region"() ({
      %run_scoped3A_535 = tpu.sem_alloc : memref<!tpu.dma_semaphore, #tpu.memory_space<semaphore_mem>>
      %dma_start3A_536 = arith.constant 0 : i32
      %dma_start3A_537 = tpu.memref_slice %arg14[%mul3A_2, %dma_start3A_536] : memref<10240x128xf32, #tpu.memory_space<vmem_shared>> -> memref<640x128xf32, #tpu.memory_space<vmem_shared>>
      tpu.enqueue_dma source(%arg5 : memref<640x128xf32, #tpu.memory_space<hbm>>) target(%dma_start3A_537 : memref<640x128xf32, #tpu.memory_space<vmem_shared>>) target_semaphore(%run_scoped3A_535 : memref<!tpu.dma_semaphore, #tpu.memory_space<semaphore_mem>>)
      %dma_wait3A_538 = arith.constant 0 : i32
      %dma_wait3A_539 = tpu.memref_slice %arg14[%mul3A_2, %dma_wait3A_538] : memref<10240x128xf32, #tpu.memory_space<vmem_shared>> -> memref<640x128xf32, #tpu.memory_space<vmem_shared>>
      tpu.wait_dma2 semaphore(%run_scoped3A_535 : memref<!tpu.dma_semaphore, #tpu.memory_space<semaphore_mem>>) src(%arg5 : memref<640x128xf32, #tpu.memory_space<hbm>>) dst(%dma_wait3A_539 : memref<640x128xf32, #tpu.memory_space<vmem_shared>>)
      tpu.yield
    }) : () -> ()
    %broadcast_in_dim3A = arith.constant 1.000000e+00 : f32
    %broadcast_in_dim3A_38 = vector.broadcast %broadcast_in_dim3A : f32 to vector<16xf32>
    %swap3A = arith.constant 0 : index
    %swap3A_39 = tpu.vector_load %arg19[%swap3A] {strides = array<i32>} : memref<80xf32, #tpu.memory_space<vmem>>, vector<16xf32>,
    %swap3A_40 = vector.shape_cast %swap3A_39 : vector<16xf32> to vector<16xf32>
    %swap3A_41 = vector.shape_cast %broadcast_in_dim3A_38 : vector<16xf32> to vector<16xf32>
    tpu.vector_store %arg19[%swap3A], %swap3A_41 {strides = array<i32>} : memref<80xf32, #tpu.memory_space<vmem>>, vector<16xf32>,
    %broadcast_in_dim3A_42 = arith.constant 1.000000e+00 : f32
    %broadcast_in_dim3A_43 = vector.broadcast %broadcast_in_dim3A_42 : f32 to vector<16xf32>
    %swap3A_44 = arith.constant 16 : index
    %swap3A_45 = tpu.vector_load %arg19[%swap3A_44] {strides = array<i32>} : memref<80xf32, #tpu.memory_space<vmem>>, vector<16xf32>,
    %swap3A_46 = vector.shape_cast %swap3A_45 : vector<16xf32> to vector<16xf32>
    %swap3A_47 = vector.shape_cast %broadcast_in_dim3A_43 : vector<16xf32> to vector<16xf32>
    tpu.vector_store %arg19[%swap3A_44], %swap3A_47 {strides = array<i32>} : memref<80xf32, #tpu.memory_space<vmem>>, vector<16xf32>,
    %broadcast_in_dim3A_48 = arith.constant 1.000000e+00 : f32
    %broadcast_in_dim3A_49 = vector.broadcast %broadcast_in_dim3A_48 : f32 to vector<16xf32>
    %swap3A_50 = arith.constant 32 : index
    %swap3A_51 = tpu.vector_load %arg19[%swap3A_50] {strides = array<i32>} : memref<80xf32, #tpu.memory_space<vmem>>, vector<16xf32>,
    %swap3A_52 = vector.shape_cast %swap3A_51 : vector<16xf32> to vector<16xf32>
    %swap3A_53 = vector.shape_cast %broadcast_in_dim3A_49 : vector<16xf32> to vector<16xf32>
    tpu.vector_store %arg19[%swap3A_50], %swap3A_53 {strides = array<i32>} : memref<80xf32, #tpu.memory_space<vmem>>, vector<16xf32>,
    %broadcast_in_dim3A_54 = arith.constant 1.000000e+00 : f32
    %broadcast_in_dim3A_55 = vector.broadcast %broadcast_in_dim3A_54 : f32 to vector<16xf32>
    %swap3A_56 = arith.constant 48 : index
    %swap3A_57 = tpu.vector_load %arg19[%swap3A_56] {strides = array<i32>} : memref<80xf32, #tpu.memory_space<vmem>>, vector<16xf32>,
    %swap3A_58 = vector.shape_cast %swap3A_57 : vector<16xf32> to vector<16xf32>
    %swap3A_59 = vector.shape_cast %broadcast_in_dim3A_55 : vector<16xf32> to vector<16xf32>
    tpu.vector_store %arg19[%swap3A_56], %swap3A_59 {strides = array<i32>} : memref<80xf32, #tpu.memory_space<vmem>>, vector<16xf32>,
    %broadcast_in_dim3A_60 = arith.constant 1.000000e+00 : f32
    %broadcast_in_dim3A_61 = vector.broadcast %broadcast_in_dim3A_60 : f32 to vector<16xf32>
    %swap3A_62 = arith.constant 64 : index
    %swap3A_63 = tpu.vector_load %arg19[%swap3A_62] {strides = array<i32>} : memref<80xf32, #tpu.memory_space<vmem>>, vector<16xf32>,
    %swap3A_64 = vector.shape_cast %swap3A_63 : vector<16xf32> to vector<16xf32>
    %swap3A_65 = vector.shape_cast %broadcast_in_dim3A_61 : vector<16xf32> to vector<16xf32>
    tpu.vector_store %arg19[%swap3A_62], %swap3A_65 {strides = array<i32>} : memref<80xf32, #tpu.memory_space<vmem>>, vector<16xf32>,
    %eq3A = arith.constant 0 : i32
    %eq3A_66 = arith.cmpi eq, %arg1, %eq3A : i32
    %convert_element_type3A = arith.extui %eq3A_66 : i1 to i32
    %cond3A = arith.constant 0 : i32
    %cond3A_67 = arith.cmpi ne, %convert_element_type3A, %cond3A : i32
    scf.if %cond3A_67 {
      "tpu.region"() ({
        %run_scoped3A_535 = tpu.sem_alloc : memref<!tpu.dma_semaphore, #tpu.memory_space<semaphore_mem>>
        tpu.enqueue_dma source(%arg6 : memref<10240xf32, #tpu.memory_space<hbm>>) target(%arg20 : memref<10240xf32, #tpu.memory_space<vmem_shared>>) target_semaphore(%run_scoped3A_535 : memref<!tpu.dma_semaphore, #tpu.memory_space<semaphore_mem>>)
        tpu.wait_dma2 semaphore(%run_scoped3A_535 : memref<!tpu.dma_semaphore, #tpu.memory_space<semaphore_mem>>) src(%arg6 : memref<10240xf32, #tpu.memory_space<hbm>>) dst(%arg20 : memref<10240xf32, #tpu.memory_space<vmem_shared>>)
        tpu.yield
      }) : () -> ()
    } else {
    }
    %barrier3A = arith.constant 0 : index
    tpu.barrier barrier_id(%barrier3A)
    %dma_wait3A = arith.constant 0 : i32
    %dma_wait3A_68 = arith.constant 0 : i32
    %dma_wait3A_69 = arith.constant 0 : i32
    %dma_wait3A_70 = arith.constant 0 : i32
    %dma_wait3A_71 = tpu.memref_slice %arg10[%dma_wait3A_68, %dma_wait3A_69, %dma_wait3A_70] : memref<2x25x80xi32, #tpu.memory_space<vmem>> -> memref<1x25x80xi32, #tpu.memory_space<vmem>>
    %dma_wait3A_72 = tpu.memref_squeeze %dma_wait3A_71 : memref<1x25x80xi32, #tpu.memory_space<vmem>> -> memref<25x80xi32, #tpu.memory_space<vmem>>
    %dma_wait3A_73 = arith.constant 0 : i32
    %dma_wait3A_74 = arith.constant 0 : i32
    %dma_wait3A_75 = tpu.memref_slice %arg3[%add3A, %dma_wait3A, %dma_wait3A_73, %dma_wait3A_74] : memref<32x5x25x80xi32, #tpu.memory_space<hbm>> -> memref<1x1x25x80xi32, #tpu.memory_space<hbm>>
    %dma_wait3A_76 = tpu.memref_squeeze %dma_wait3A_75 : memref<1x1x25x80xi32, #tpu.memory_space<hbm>> -> memref<25x80xi32, #tpu.memory_space<hbm>>
    %dma_wait3A_77 = arith.constant 0 : i32
    %dma_wait3A_78 = arith.constant 0 : i32
    %dma_wait3A_79 = tpu.memref_slice %arg10[%dma_wait3A_68, %dma_wait3A_77, %dma_wait3A_78] : memref<2x25x80xi32, #tpu.memory_space<vmem>> -> memref<1x25x80xi32, #tpu.memory_space<vmem>>
    %dma_wait3A_80 = tpu.memref_squeeze %dma_wait3A_79 : memref<1x25x80xi32, #tpu.memory_space<vmem>> -> memref<25x80xi32, #tpu.memory_space<vmem>>
    %dma_wait3A_81 = arith.constant 0 : i32
    %dma_wait3A_82 = arith.constant 0 : i32
    %dma_wait3A_83 = tpu.memref_slice %arg3[%add3A, %dma_wait3A, %dma_wait3A_81, %dma_wait3A_82] : memref<32x5x25x80xi32, #tpu.memory_space<hbm>> -> memref<1x1x25x80xi32, #tpu.memory_space<hbm>>
    %dma_wait3A_84 = tpu.memref_squeeze %dma_wait3A_83 : memref<1x1x25x80xi32, #tpu.memory_space<hbm>> -> memref<25x80xi32, #tpu.memory_space<hbm>>
    tpu.wait_dma2 semaphore(%arg17 : memref<!tpu.dma_semaphore, #tpu.memory_space<semaphore_mem>>) src(%dma_wait3A_84 : memref<25x80xi32, #tpu.memory_space<hbm>>) dst(%dma_wait3A_80 : memref<25x80xi32, #tpu.memory_space<vmem>>)
    %dma_wait3A_85 = arith.constant 0 : i32
    %dma_wait3A_86 = arith.constant 0 : i32
    %dma_wait3A_87 = arith.constant 0 : i32
    %dma_wait3A_88 = arith.constant 0 : i32
    %dma_wait3A_89 = tpu.memref_slice %arg11[%dma_wait3A_86, %dma_wait3A_87, %dma_wait3A_88] : memref<2x25x80xi32, #tpu.memory_space<vmem>> -> memref<1x25x80xi32, #tpu.memory_space<vmem>>
    %dma_wait3A_90 = tpu.memref_squeeze %dma_wait3A_89 : memref<1x25x80xi32, #tpu.memory_space<vmem>> -> memref<25x80xi32, #tpu.memory_space<vmem>>
    %dma_wait3A_91 = arith.constant 0 : i32
    %dma_wait3A_92 = arith.constant 0 : i32
    %dma_wait3A_93 = tpu.memref_slice %arg4[%add3A, %dma_wait3A_85, %dma_wait3A_91, %dma_wait3A_92] : memref<32x5x25x80xi32, #tpu.memory_space<hbm>> -> memref<1x1x25x80xi32, #tpu.memory_space<hbm>>
    %dma_wait3A_94 = tpu.memref_squeeze %dma_wait3A_93 : memref<1x1x25x80xi32, #tpu.memory_space<hbm>> -> memref<25x80xi32, #tpu.memory_space<hbm>>
    %dma_wait3A_95 = arith.constant 0 : i32
    %dma_wait3A_96 = arith.constant 0 : i32
    %dma_wait3A_97 = tpu.memref_slice %arg11[%dma_wait3A_86, %dma_wait3A_95, %dma_wait3A_96] : memref<2x25x80xi32, #tpu.memory_space<vmem>> -> memref<1x25x80xi32, #tpu.memory_space<vmem>>
    %dma_wait3A_98 = tpu.memref_squeeze %dma_wait3A_97 : memref<1x25x80xi32, #tpu.memory_space<vmem>> -> memref<25x80xi32, #tpu.memory_space<vmem>>
    %dma_wait3A_99 = arith.constant 0 : i32
    %dma_wait3A_100 = arith.constant 0 : i32
    %dma_wait3A_101 = tpu.memref_slice %arg4[%add3A, %dma_wait3A_85, %dma_wait3A_99, %dma_wait3A_100] : memref<32x5x25x80xi32, #tpu.memory_space<hbm>> -> memref<1x1x25x80xi32, #tpu.memory_space<hbm>>
    %dma_wait3A_102 = tpu.memref_squeeze %dma_wait3A_101 : memref<1x1x25x80xi32, #tpu.memory_space<hbm>> -> memref<25x80xi32, #tpu.memory_space<hbm>>
    tpu.wait_dma2 semaphore(%arg17 : memref<!tpu.dma_semaphore, #tpu.memory_space<semaphore_mem>>) src(%dma_wait3A_102 : memref<25x80xi32, #tpu.memory_space<hbm>>) dst(%dma_wait3A_98 : memref<25x80xi32, #tpu.memory_space<vmem>>)
    %dma_start3A_103 = arith.constant 1 : i32
    %dma_start3A_104 = arith.constant 1 : i32
    %dma_start3A_105 = arith.constant 0 : i32
    %dma_start3A_106 = arith.constant 0 : i32
    %dma_start3A_107 = tpu.memref_slice %arg10[%dma_start3A_104, %dma_start3A_105, %dma_start3A_106] : memref<2x25x80xi32, #tpu.memory_space<vmem>> -> memref<1x25x80xi32, #tpu.memory_space<vmem>>
    %dma_start3A_108 = tpu.memref_squeeze %dma_start3A_107 : memref<1x25x80xi32, #tpu.memory_space<vmem>> -> memref<25x80xi32, #tpu.memory_space<vmem>>
    %dma_start3A_109 = arith.constant 0 : i32
    %dma_start3A_110 = arith.constant 0 : i32
    %dma_start3A_111 = tpu.memref_slice %arg3[%add3A, %dma_start3A_103, %dma_start3A_109, %dma_start3A_110] : memref<32x5x25x80xi32, #tpu.memory_space<hbm>> -> memref<1x1x25x80xi32, #tpu.memory_space<hbm>>
    %dma_start3A_112 = tpu.memref_squeeze %dma_start3A_111 : memref<1x1x25x80xi32, #tpu.memory_space<hbm>> -> memref<25x80xi32, #tpu.memory_space<hbm>>
    %dma_start3A_113 = arith.constant 0 : i32
    %dma_start3A_114 = arith.constant 0 : i32
    %dma_start3A_115 = tpu.memref_slice %arg10[%dma_start3A_104, %dma_start3A_113, %dma_start3A_114] : memref<2x25x80xi32, #tpu.memory_space<vmem>> -> memref<1x25x80xi32, #tpu.memory_space<vmem>>
    %dma_start3A_116 = tpu.memref_squeeze %dma_start3A_115 : memref<1x25x80xi32, #tpu.memory_space<vmem>> -> memref<25x80xi32, #tpu.memory_space<vmem>>
    %dma_start3A_117 = arith.constant 0 : i32
    %dma_start3A_118 = arith.constant 0 : i32
    %dma_start3A_119 = tpu.memref_slice %arg3[%add3A, %dma_start3A_103, %dma_start3A_117, %dma_start3A_118] : memref<32x5x25x80xi32, #tpu.memory_space<hbm>> -> memref<1x1x25x80xi32, #tpu.memory_space<hbm>>
    %dma_start3A_120 = tpu.memref_squeeze %dma_start3A_119 : memref<1x1x25x80xi32, #tpu.memory_space<hbm>> -> memref<25x80xi32, #tpu.memory_space<hbm>>
    tpu.enqueue_dma source(%dma_start3A_120 : memref<25x80xi32, #tpu.memory_space<hbm>>) target(%dma_start3A_116 : memref<25x80xi32, #tpu.memory_space<vmem>>) target_semaphore(%arg18 : memref<!tpu.dma_semaphore, #tpu.memory_space<semaphore_mem>>)
    %dma_start3A_121 = arith.constant 1 : i32
    %dma_start3A_122 = arith.constant 1 : i32
    %dma_start3A_123 = arith.constant 0 : i32
    %dma_start3A_124 = arith.constant 0 : i32
    %dma_start3A_125 = tpu.memref_slice %arg11[%dma_start3A_122, %dma_start3A_123, %dma_start3A_124] : memref<2x25x80xi32, #tpu.memory_space<vmem>> -> memref<1x25x80xi32, #tpu.memory_space<vmem>>
    %dma_start3A_126 = tpu.memref_squeeze %dma_start3A_125 : memref<1x25x80xi32, #tpu.memory_space<vmem>> -> memref<25x80xi32, #tpu.memory_space<vmem>>
    %dma_start3A_127 = arith.constant 0 : i32
    %dma_start3A_128 = arith.constant 0 : i32
    %dma_start3A_129 = tpu.memref_slice %arg4[%add3A, %dma_start3A_121, %dma_start3A_127, %dma_start3A_128] : memref<32x5x25x80xi32, #tpu.memory_space<hbm>> -> memref<1x1x25x80xi32, #tpu.memory_space<hbm>>
    %dma_start3A_130 = tpu.memref_squeeze %dma_start3A_129 : memref<1x1x25x80xi32, #tpu.memory_space<hbm>> -> memref<25x80xi32, #tpu.memory_space<hbm>>
    %dma_start3A_131 = arith.constant 0 : i32
    %dma_start3A_132 = arith.constant 0 : i32
    %dma_start3A_133 = tpu.memref_slice %arg11[%dma_start3A_122, %dma_start3A_131, %dma_start3A_132] : memref<2x25x80xi32, #tpu.memory_space<vmem>> -> memref<1x25x80xi32, #tpu.memory_space<vmem>>
    %dma_start3A_134 = tpu.memref_squeeze %dma_start3A_133 : memref<1x25x80xi32, #tpu.memory_space<vmem>> -> memref<25x80xi32, #tpu.memory_space<vmem>>
    %dma_start3A_135 = arith.constant 0 : i32
    %dma_start3A_136 = arith.constant 0 : i32
    %dma_start3A_137 = tpu.memref_slice %arg4[%add3A, %dma_start3A_121, %dma_start3A_135, %dma_start3A_136] : memref<32x5x25x80xi32, #tpu.memory_space<hbm>> -> memref<1x1x25x80xi32, #tpu.memory_space<hbm>>
    %dma_start3A_138 = tpu.memref_squeeze %dma_start3A_137 : memref<1x1x25x80xi32, #tpu.memory_space<hbm>> -> memref<25x80xi32, #tpu.memory_space<hbm>>
    tpu.enqueue_dma source(%dma_start3A_138 : memref<25x80xi32, #tpu.memory_space<hbm>>) target(%dma_start3A_134 : memref<25x80xi32, #tpu.memory_space<vmem>>) target_semaphore(%arg18 : memref<!tpu.dma_semaphore, #tpu.memory_space<semaphore_mem>>)
    %dma_start3A_139 = arith.constant 0 : i32
    %dma_start3A_140 = arith.constant 0 : i32
    %dma_start3A_141 = arith.constant 0 : i32
    %dma_start3A_142 = tpu.memref_slice %arg10[%dma_start3A_139, %dma_start3A_140, %dma_start3A_141] : memref<2x25x80xi32, #tpu.memory_space<vmem>> -> memref<1x1x80xi32, #tpu.memory_space<vmem>>
    %dma_start3A_143 = tpu.memref_squeeze %dma_start3A_142 : memref<1x1x80xi32, #tpu.memory_space<vmem>> -> memref<80xi32, #tpu.memory_space<vmem>>
    %dma_start3A_144 = arith.constant 0 : i32
    %dma_start3A_145 = arith.constant 0 : i32
    %dma_start3A_146 = tpu.memref_slice %arg2[%dma_start3A_144, %dma_start3A_145] : memref<10240x128xf32, #tpu.memory_space<hbm>> -> memref<10240x128xf32, #tpu.memory_space<hbm>>
    tpu.enqueue_indirect_dma source(%dma_start3A_146 : memref<10240x128xf32, #tpu.memory_space<hbm>>) target(%arg12 : memref<80x128xf32, #tpu.memory_space<vmem>>) offsets(%dma_start3A_143 : memref<80xi32, #tpu.memory_space<vmem>>) semaphore(%arg15 : memref<!tpu.dma_semaphore, #tpu.memory_space<semaphore_mem>>)
    %scan3A = arith.constant 0 : i32
    %scan3A_147 = arith.constant 0 : i32
    %scan3A_148 = arith.constant 12 : i32
    %scan3A_149 = arith.addi %scan3A_147, %scan3A_148 : i32
    %scan3A_150 = arith.constant 1 : i32
    scf.for %scan3A_535 = %scan3A_147 to %scan3A_149 step %scan3A_150  : i32 {
      %mul3A_536 = arith.constant 2 : i32
      %mul3A_537 = arith.muli %mul3A_536, %scan3A_535 : i32
      %add3A_538 = arith.constant 1 : i32
      %add3A_539 = arith.addi %mul3A_537, %add3A_538 : i32
      %dma_start3A_540 = arith.constant 0 : i32
      %dma_start3A_541 = arith.constant 0 : i32
      %dma_start3A_542 = tpu.memref_slice %arg10[%dma_start3A_540, %add3A_539, %dma_start3A_541] : memref<2x25x80xi32, #tpu.memory_space<vmem>> -> memref<1x1x80xi32, #tpu.memory_space<vmem>>
      %dma_start3A_543 = tpu.memref_squeeze %dma_start3A_542 : memref<1x1x80xi32, #tpu.memory_space<vmem>> -> memref<80xi32, #tpu.memory_space<vmem>>
      %dma_start3A_544 = arith.constant 0 : i32
      %dma_start3A_545 = arith.constant 0 : i32
      %dma_start3A_546 = tpu.memref_slice %arg2[%dma_start3A_544, %dma_start3A_545] : memref<10240x128xf32, #tpu.memory_space<hbm>> -> memref<10240x128xf32, #tpu.memory_space<hbm>>
      tpu.enqueue_indirect_dma source(%dma_start3A_546 : memref<10240x128xf32, #tpu.memory_space<hbm>>) target(%arg13 : memref<80x128xf32, #tpu.memory_space<vmem>>) offsets(%dma_start3A_543 : memref<80xi32, #tpu.memory_space<vmem>>) semaphore(%arg16 : memref<!tpu.dma_semaphore, #tpu.memory_space<semaphore_mem>>)
      %run_scoped3A_547 = arith.constant 0 : i32
      "tpu.region"() ({
        %run_scoped3A_580 = tpu.sem_alloc : memref<!tpu.dma_semaphore, #tpu.memory_space<semaphore_mem>>
        %dma_start3A_581 = arith.constant 0 : i32
        %dma_start3A_582 = tpu.memref_slice %arg11[%run_scoped3A_547, %mul3A_537, %dma_start3A_581] : memref<2x25x80xi32, #tpu.memory_space<vmem>> -> memref<1x1x80xi32, #tpu.memory_space<vmem>>
        %dma_start3A_583 = tpu.memref_squeeze %dma_start3A_582 : memref<1x1x80xi32, #tpu.memory_space<vmem>> -> memref<80xi32, #tpu.memory_space<vmem>>
        %dma_start3A_584 = arith.constant 0 : i32
        %dma_start3A_585 = tpu.memref_slice %arg20[%dma_start3A_584] : memref<10240xf32, #tpu.memory_space<vmem_shared>> -> memref<10240xf32, #tpu.memory_space<vmem_shared>>
        tpu.enqueue_indirect_dma source(%arg19 : memref<80xf32, #tpu.memory_space<vmem>>) target(%dma_start3A_585 : memref<10240xf32, #tpu.memory_space<vmem_shared>>) offsets(%dma_start3A_583 : memref<80xi32, #tpu.memory_space<vmem>>) semaphore(%run_scoped3A_580 : memref<!tpu.dma_semaphore, #tpu.memory_space<semaphore_mem>>) {add = true}
        %dma_wait3A_586 = arith.constant 0 : i32
        %dma_wait3A_587 = tpu.memref_slice %arg11[%run_scoped3A_547, %mul3A_537, %dma_wait3A_586] : memref<2x25x80xi32, #tpu.memory_space<vmem>> -> memref<1x1x80xi32, #tpu.memory_space<vmem>>
        %dma_wait3A_588 = tpu.memref_squeeze %dma_wait3A_587 : memref<1x1x80xi32, #tpu.memory_space<vmem>> -> memref<80xi32, #tpu.memory_space<vmem>>
        %dma_wait3A_589 = arith.constant 0 : i32
        %dma_wait3A_590 = tpu.memref_slice %arg20[%dma_wait3A_589] : memref<10240xf32, #tpu.memory_space<vmem_shared>> -> memref<10240xf32, #tpu.memory_space<vmem_shared>>
        tpu.wait_indirect_dma semaphore(%run_scoped3A_580 : memref<!tpu.dma_semaphore, #tpu.memory_space<semaphore_mem>>) src(%arg19 : memref<80xf32, #tpu.memory_space<vmem>>) dst(%dma_wait3A_590 : memref<10240xf32, #tpu.memory_space<vmem_shared>>)
        tpu.yield
      }) : () -> ()
      %dma_wait3A_548 = arith.constant 0 : i32
      %dma_wait3A_549 = arith.constant 0 : i32
      %dma_wait3A_550 = tpu.memref_slice %arg10[%dma_wait3A_548, %mul3A_537, %dma_wait3A_549] : memref<2x25x80xi32, #tpu.memory_space<vmem>> -> memref<1x1x80xi32, #tpu.memory_space<vmem>>
      %dma_wait3A_551 = tpu.memref_squeeze %dma_wait3A_550 : memref<1x1x80xi32, #tpu.memory_space<vmem>> -> memref<80xi32, #tpu.memory_space<vmem>>
      %dma_wait3A_552 = arith.constant 0 : i32
      %dma_wait3A_553 = arith.constant 0 : i32
      %dma_wait3A_554 = tpu.memref_slice %arg2[%dma_wait3A_552, %dma_wait3A_553] : memref<10240x128xf32, #tpu.memory_space<hbm>> -> memref<10240x128xf32, #tpu.memory_space<hbm>>
      tpu.wait_indirect_dma semaphore(%arg15 : memref<!tpu.dma_semaphore, #tpu.memory_space<semaphore_mem>>) src(%dma_wait3A_554 : memref<10240x128xf32, #tpu.memory_space<hbm>>) dst(%arg12 : memref<80x128xf32, #tpu.memory_space<vmem>>)
      %run_scoped3A_555 = arith.constant 0 : i32
      "tpu.region"() ({
        %run_scoped3A_580 = tpu.sem_alloc : memref<!tpu.dma_semaphore, #tpu.memory_space<semaphore_mem>>
        %dma_start3A_581 = arith.constant 0 : i32
        %dma_start3A_582 = tpu.memref_slice %arg11[%run_scoped3A_555, %mul3A_537, %dma_start3A_581] : memref<2x25x80xi32, #tpu.memory_space<vmem>> -> memref<1x1x80xi32, #tpu.memory_space<vmem>>
        %dma_start3A_583 = tpu.memref_squeeze %dma_start3A_582 : memref<1x1x80xi32, #tpu.memory_space<vmem>> -> memref<80xi32, #tpu.memory_space<vmem>>
        %dma_start3A_584 = arith.constant 0 : i32
        %dma_start3A_585 = arith.constant 0 : i32
        %dma_start3A_586 = tpu.memref_slice %arg14[%dma_start3A_584, %dma_start3A_585] : memref<10240x128xf32, #tpu.memory_space<vmem_shared>> -> memref<10240x128xf32, #tpu.memory_space<vmem_shared>>
        tpu.enqueue_indirect_dma source(%arg12 : memref<80x128xf32, #tpu.memory_space<vmem>>) target(%dma_start3A_586 : memref<10240x128xf32, #tpu.memory_space<vmem_shared>>) offsets(%dma_start3A_583 : memref<80xi32, #tpu.memory_space<vmem>>) semaphore(%run_scoped3A_580 : memref<!tpu.dma_semaphore, #tpu.memory_space<semaphore_mem>>) {add = true}
        %dma_wait3A_587 = arith.constant 0 : i32
        %dma_wait3A_588 = tpu.memref_slice %arg11[%run_scoped3A_555, %mul3A_537, %dma_wait3A_587] : memref<2x25x80xi32, #tpu.memory_space<vmem>> -> memref<1x1x80xi32, #tpu.memory_space<vmem>>
        %dma_wait3A_589 = tpu.memref_squeeze %dma_wait3A_588 : memref<1x1x80xi32, #tpu.memory_space<vmem>> -> memref<80xi32, #tpu.memory_space<vmem>>
        %dma_wait3A_590 = arith.constant 0 : i32
        %dma_wait3A_591 = arith.constant 0 : i32
        %dma_wait3A_592 = tpu.memref_slice %arg14[%dma_wait3A_590, %dma_wait3A_591] : memref<10240x128xf32, #tpu.memory_space<vmem_shared>> -> memref<10240x128xf32, #tpu.memory_space<vmem_shared>>
        tpu.wait_indirect_dma semaphore(%run_scoped3A_580 : memref<!tpu.dma_semaphore, #tpu.memory_space<semaphore_mem>>) src(%arg12 : memref<80x128xf32, #tpu.memory_space<vmem>>) dst(%dma_wait3A_592 : memref<10240x128xf32, #tpu.memory_space<vmem_shared>>)
        tpu.yield
      }) : () -> ()
      %add3A_556 = arith.constant 2 : i32
      %add3A_557 = arith.addi %mul3A_537, %add3A_556 : i32
      %dma_start3A_558 = arith.constant 0 : i32
      %dma_start3A_559 = arith.constant 0 : i32
      %dma_start3A_560 = tpu.memref_slice %arg10[%dma_start3A_558, %add3A_557, %dma_start3A_559] : memref<2x25x80xi32, #tpu.memory_space<vmem>> -> memref<1x1x80xi32, #tpu.memory_space<vmem>>
      %dma_start3A_561 = tpu.memref_squeeze %dma_start3A_560 : memref<1x1x80xi32, #tpu.memory_space<vmem>> -> memref<80xi32, #tpu.memory_space<vmem>>
      %dma_start3A_562 = arith.constant 0 : i32
      %dma_start3A_563 = arith.constant 0 : i32
      %dma_start3A_564 = tpu.memref_slice %arg2[%dma_start3A_562, %dma_start3A_563] : memref<10240x128xf32, #tpu.memory_space<hbm>> -> memref<10240x128xf32, #tpu.memory_space<hbm>>
      tpu.enqueue_indirect_dma source(%dma_start3A_564 : memref<10240x128xf32, #tpu.memory_space<hbm>>) target(%arg12 : memref<80x128xf32, #tpu.memory_space<vmem>>) offsets(%dma_start3A_561 : memref<80xi32, #tpu.memory_space<vmem>>) semaphore(%arg15 : memref<!tpu.dma_semaphore, #tpu.memory_space<semaphore_mem>>)
      %add3A_565 = arith.constant 1 : i32
      %add3A_566 = arith.addi %mul3A_537, %add3A_565 : i32
      %run_scoped3A_567 = arith.constant 0 : i32
      "tpu.region"() ({
        %run_scoped3A_580 = tpu.sem_alloc : memref<!tpu.dma_semaphore, #tpu.memory_space<semaphore_mem>>
        %dma_start3A_581 = arith.constant 0 : i32
        %dma_start3A_582 = tpu.memref_slice %arg11[%run_scoped3A_567, %add3A_566, %dma_start3A_581] : memref<2x25x80xi32, #tpu.memory_space<vmem>> -> memref<1x1x80xi32, #tpu.memory_space<vmem>>
        %dma_start3A_583 = tpu.memref_squeeze %dma_start3A_582 : memref<1x1x80xi32, #tpu.memory_space<vmem>> -> memref<80xi32, #tpu.memory_space<vmem>>
        %dma_start3A_584 = arith.constant 0 : i32
        %dma_start3A_585 = tpu.memref_slice %arg20[%dma_start3A_584] : memref<10240xf32, #tpu.memory_space<vmem_shared>> -> memref<10240xf32, #tpu.memory_space<vmem_shared>>
        tpu.enqueue_indirect_dma source(%arg19 : memref<80xf32, #tpu.memory_space<vmem>>) target(%dma_start3A_585 : memref<10240xf32, #tpu.memory_space<vmem_shared>>) offsets(%dma_start3A_583 : memref<80xi32, #tpu.memory_space<vmem>>) semaphore(%run_scoped3A_580 : memref<!tpu.dma_semaphore, #tpu.memory_space<semaphore_mem>>) {add = true}
        %dma_wait3A_586 = arith.constant 0 : i32
        %dma_wait3A_587 = tpu.memref_slice %arg11[%run_scoped3A_567, %add3A_566, %dma_wait3A_586] : memref<2x25x80xi32, #tpu.memory_space<vmem>> -> memref<1x1x80xi32, #tpu.memory_space<vmem>>
        %dma_wait3A_588 = tpu.memref_squeeze %dma_wait3A_587 : memref<1x1x80xi32, #tpu.memory_space<vmem>> -> memref<80xi32, #tpu.memory_space<vmem>>
        %dma_wait3A_589 = arith.constant 0 : i32
        %dma_wait3A_590 = tpu.memref_slice %arg20[%dma_wait3A_589] : memref<10240xf32, #tpu.memory_space<vmem_shared>> -> memref<10240xf32, #tpu.memory_space<vmem_shared>>
        tpu.wait_indirect_dma semaphore(%run_scoped3A_580 : memref<!tpu.dma_semaphore, #tpu.memory_space<semaphore_mem>>) src(%arg19 : memref<80xf32, #tpu.memory_space<vmem>>) dst(%dma_wait3A_590 : memref<10240xf32, #tpu.memory_space<vmem_shared>>)
        tpu.yield
      }) : () -> ()
      %add3A_568 = arith.constant 1 : i32
      %add3A_569 = arith.addi %mul3A_537, %add3A_568 : i32
      %dma_wait3A_570 = arith.constant 0 : i32
      %dma_wait3A_571 = arith.constant 0 : i32
      %dma_wait3A_572 = tpu.memref_slice %arg10[%dma_wait3A_570, %add3A_569, %dma_wait3A_571] : memref<2x25x80xi32, #tpu.memory_space<vmem>> -> memref<1x1x80xi32, #tpu.memory_space<vmem>>
      %dma_wait3A_573 = tpu.memref_squeeze %dma_wait3A_572 : memref<1x1x80xi32, #tpu.memory_space<vmem>> -> memref<80xi32, #tpu.memory_space<vmem>>
      %dma_wait3A_574 = arith.constant 0 : i32
      %dma_wait3A_575 = arith.constant 0 : i32
      %dma_wait3A_576 = tpu.memref_slice %arg2[%dma_wait3A_574, %dma_wait3A_575] : memref<10240x128xf32, #tpu.memory_space<hbm>> -> memref<10240x128xf32, #tpu.memory_space<hbm>>
      tpu.wait_indirect_dma semaphore(%arg16 : memref<!tpu.dma_semaphore, #tpu.memory_space<semaphore_mem>>) src(%dma_wait3A_576 : memref<10240x128xf32, #tpu.memory_space<hbm>>) dst(%arg13 : memref<80x128xf32, #tpu.memory_space<vmem>>)
      %add3A_577 = arith.constant 1 : i32
      %add3A_578 = arith.addi %mul3A_537, %add3A_577 : i32
      %run_scoped3A_579 = arith.constant 0 : i32
      "tpu.region"() ({
        %run_scoped3A_580 = tpu.sem_alloc : memref<!tpu.dma_semaphore, #tpu.memory_space<semaphore_mem>>
        %dma_start3A_581 = arith.constant 0 : i32
        %dma_start3A_582 = tpu.memref_slice %arg11[%run_scoped3A_579, %add3A_578, %dma_start3A_581] : memref<2x25x80xi32, #tpu.memory_space<vmem>> -> memref<1x1x80xi32, #tpu.memory_space<vmem>>
        %dma_start3A_583 = tpu.memref_squeeze %dma_start3A_582 : memref<1x1x80xi32, #tpu.memory_space<vmem>> -> memref<80xi32, #tpu.memory_space<vmem>>
        %dma_start3A_584 = arith.constant 0 : i32
        %dma_start3A_585 = arith.constant 0 : i32
        %dma_start3A_586 = tpu.memref_slice %arg14[%dma_start3A_584, %dma_start3A_585] : memref<10240x128xf32, #tpu.memory_space<vmem_shared>> -> memref<10240x128xf32, #tpu.memory_space<vmem_shared>>
        tpu.enqueue_indirect_dma source(%arg13 : memref<80x128xf32, #tpu.memory_space<vmem>>) target(%dma_start3A_586 : memref<10240x128xf32, #tpu.memory_space<vmem_shared>>) offsets(%dma_start3A_583 : memref<80xi32, #tpu.memory_space<vmem>>) semaphore(%run_scoped3A_580 : memref<!tpu.dma_semaphore, #tpu.memory_space<semaphore_mem>>) {add = true}
        %dma_wait3A_587 = arith.constant 0 : i32
        %dma_wait3A_588 = tpu.memref_slice %arg11[%run_scoped3A_579, %add3A_578, %dma_wait3A_587] : memref<2x25x80xi32, #tpu.memory_space<vmem>> -> memref<1x1x80xi32, #tpu.memory_space<vmem>>
        %dma_wait3A_589 = tpu.memref_squeeze %dma_wait3A_588 : memref<1x1x80xi32, #tpu.memory_space<vmem>> -> memref<80xi32, #tpu.memory_space<vmem>>
        %dma_wait3A_590 = arith.constant 0 : i32
        %dma_wait3A_591 = arith.constant 0 : i32
        %dma_wait3A_592 = tpu.memref_slice %arg14[%dma_wait3A_590, %dma_wait3A_591] : memref<10240x128xf32, #tpu.memory_space<vmem_shared>> -> memref<10240x128xf32, #tpu.memory_space<vmem_shared>>
        tpu.wait_indirect_dma semaphore(%run_scoped3A_580 : memref<!tpu.dma_semaphore, #tpu.memory_space<semaphore_mem>>) src(%arg13 : memref<80x128xf32, #tpu.memory_space<vmem>>) dst(%dma_wait3A_592 : memref<10240x128xf32, #tpu.memory_space<vmem_shared>>)
        tpu.yield
      }) : () -> ()
    }
    %scan3A_151 = arith.constant 12 : i32
    %dma_wait3A_152 = arith.constant 0 : i32
    %dma_wait3A_153 = arith.constant 24 : i32
    %dma_wait3A_154 = arith.constant 0 : i32
    %dma_wait3A_155 = tpu.memref_slice %arg10[%dma_wait3A_152, %dma_wait3A_153, %dma_wait3A_154] : memref<2x25x80xi32, #tpu.memory_space<vmem>> -> memref<1x1x80xi32, #tpu.memory_space<vmem>>
    %dma_wait3A_156 = tpu.memref_squeeze %dma_wait3A_155 : memref<1x1x80xi32, #tpu.memory_space<vmem>> -> memref<80xi32, #tpu.memory_space<vmem>>
    %dma_wait3A_157 = arith.constant 0 : i32
    %dma_wait3A_158 = arith.constant 0 : i32
    %dma_wait3A_159 = tpu.memref_slice %arg2[%dma_wait3A_157, %dma_wait3A_158] : memref<10240x128xf32, #tpu.memory_space<hbm>> -> memref<10240x128xf32, #tpu.memory_space<hbm>>
    tpu.wait_indirect_dma semaphore(%arg15 : memref<!tpu.dma_semaphore, #tpu.memory_space<semaphore_mem>>) src(%dma_wait3A_159 : memref<10240x128xf32, #tpu.memory_space<hbm>>) dst(%arg12 : memref<80x128xf32, #tpu.memory_space<vmem>>)
    %run_scoped3A = arith.constant 0 : i32
    %run_scoped3A_160 = arith.constant 24 : i32
    "tpu.region"() ({
      %run_scoped3A_535 = tpu.sem_alloc : memref<!tpu.dma_semaphore, #tpu.memory_space<semaphore_mem>>
      %dma_start3A_536 = arith.constant 0 : i32
      %dma_start3A_537 = tpu.memref_slice %arg11[%run_scoped3A, %run_scoped3A_160, %dma_start3A_536] : memref<2x25x80xi32, #tpu.memory_space<vmem>> -> memref<1x1x80xi32, #tpu.memory_space<vmem>>
      %dma_start3A_538 = tpu.memref_squeeze %dma_start3A_537 : memref<1x1x80xi32, #tpu.memory_space<vmem>> -> memref<80xi32, #tpu.memory_space<vmem>>
      %dma_start3A_539 = arith.constant 0 : i32
      %dma_start3A_540 = arith.constant 0 : i32
      %dma_start3A_541 = tpu.memref_slice %arg14[%dma_start3A_539, %dma_start3A_540] : memref<10240x128xf32, #tpu.memory_space<vmem_shared>> -> memref<10240x128xf32, #tpu.memory_space<vmem_shared>>
      tpu.enqueue_indirect_dma source(%arg12 : memref<80x128xf32, #tpu.memory_space<vmem>>) target(%dma_start3A_541 : memref<10240x128xf32, #tpu.memory_space<vmem_shared>>) offsets(%dma_start3A_538 : memref<80xi32, #tpu.memory_space<vmem>>) semaphore(%run_scoped3A_535 : memref<!tpu.dma_semaphore, #tpu.memory_space<semaphore_mem>>) {add = true}
      %dma_wait3A_542 = arith.constant 0 : i32
      %dma_wait3A_543 = tpu.memref_slice %arg11[%run_scoped3A, %run_scoped3A_160, %dma_wait3A_542] : memref<2x25x80xi32, #tpu.memory_space<vmem>> -> memref<1x1x80xi32, #tpu.memory_space<vmem>>
      %dma_wait3A_544 = tpu.memref_squeeze %dma_wait3A_543 : memref<1x1x80xi32, #tpu.memory_space<vmem>> -> memref<80xi32, #tpu.memory_space<vmem>>
      %dma_wait3A_545 = arith.constant 0 : i32
      %dma_wait3A_546 = arith.constant 0 : i32
      %dma_wait3A_547 = tpu.memref_slice %arg14[%dma_wait3A_545, %dma_wait3A_546] : memref<10240x128xf32, #tpu.memory_space<vmem_shared>> -> memref<10240x128xf32, #tpu.memory_space<vmem_shared>>
      tpu.wait_indirect_dma semaphore(%run_scoped3A_535 : memref<!tpu.dma_semaphore, #tpu.memory_space<semaphore_mem>>) src(%arg12 : memref<80x128xf32, #tpu.memory_space<vmem>>) dst(%dma_wait3A_547 : memref<10240x128xf32, #tpu.memory_space<vmem_shared>>)
      tpu.yield
    }) : () -> ()
    %run_scoped3A_161 = arith.constant 0 : i32
    %run_scoped3A_162 = arith.constant 24 : i32
    "tpu.region"() ({
      %run_scoped3A_535 = tpu.sem_alloc : memref<!tpu.dma_semaphore, #tpu.memory_space<semaphore_mem>>
      %dma_start3A_536 = arith.constant 0 : i32
      %dma_start3A_537 = tpu.memref_slice %arg11[%run_scoped3A_161, %run_scoped3A_162, %dma_start3A_536] : memref<2x25x80xi32, #tpu.memory_space<vmem>> -> memref<1x1x80xi32, #tpu.memory_space<vmem>>
      %dma_start3A_538 = tpu.memref_squeeze %dma_start3A_537 : memref<1x1x80xi32, #tpu.memory_space<vmem>> -> memref<80xi32, #tpu.memory_space<vmem>>
      %dma_start3A_539 = arith.constant 0 : i32
      %dma_start3A_540 = tpu.memref_slice %arg20[%dma_start3A_539] : memref<10240xf32, #tpu.memory_space<vmem_shared>> -> memref<10240xf32, #tpu.memory_space<vmem_shared>>
      tpu.enqueue_indirect_dma source(%arg19 : memref<80xf32, #tpu.memory_space<vmem>>) target(%dma_start3A_540 : memref<10240xf32, #tpu.memory_space<vmem_shared>>) offsets(%dma_start3A_538 : memref<80xi32, #tpu.memory_space<vmem>>) semaphore(%run_scoped3A_535 : memref<!tpu.dma_semaphore, #tpu.memory_space<semaphore_mem>>) {add = true}
      %dma_wait3A_541 = arith.constant 0 : i32
      %dma_wait3A_542 = tpu.memref_slice %arg11[%run_scoped3A_161, %run_scoped3A_162, %dma_wait3A_541] : memref<2x25x80xi32, #tpu.memory_space<vmem>> -> memref<1x1x80xi32, #tpu.memory_space<vmem>>
      %dma_wait3A_543 = tpu.memref_squeeze %dma_wait3A_542 : memref<1x1x80xi32, #tpu.memory_space<vmem>> -> memref<80xi32, #tpu.memory_space<vmem>>
      %dma_wait3A_544 = arith.constant 0 : i32
      %dma_wait3A_545 = tpu.memref_slice %arg20[%dma_wait3A_544] : memref<10240xf32, #tpu.memory_space<vmem_shared>> -> memref<10240xf32, #tpu.memory_space<vmem_shared>>
      tpu.wait_indirect_dma semaphore(%run_scoped3A_535 : memref<!tpu.dma_semaphore, #tpu.memory_space<semaphore_mem>>) src(%arg19 : memref<80xf32, #tpu.memory_space<vmem>>) dst(%dma_wait3A_545 : memref<10240xf32, #tpu.memory_space<vmem_shared>>)
      tpu.yield
    }) : () -> ()
    %dma_wait3A_163 = arith.constant 1 : i32
    %dma_wait3A_164 = arith.constant 1 : i32
    %dma_wait3A_165 = arith.constant 0 : i32
    %dma_wait3A_166 = arith.constant 0 : i32
    %dma_wait3A_167 = tpu.memref_slice %arg10[%dma_wait3A_164, %dma_wait3A_165, %dma_wait3A_166] : memref<2x25x80xi32, #tpu.memory_space<vmem>> -> memref<1x25x80xi32, #tpu.memory_space<vmem>>
    %dma_wait3A_168 = tpu.memref_squeeze %dma_wait3A_167 : memref<1x25x80xi32, #tpu.memory_space<vmem>> -> memref<25x80xi32, #tpu.memory_space<vmem>>
    %dma_wait3A_169 = arith.constant 0 : i32
    %dma_wait3A_170 = arith.constant 0 : i32
    %dma_wait3A_171 = tpu.memref_slice %arg3[%add3A, %dma_wait3A_163, %dma_wait3A_169, %dma_wait3A_170] : memref<32x5x25x80xi32, #tpu.memory_space<hbm>> -> memref<1x1x25x80xi32, #tpu.memory_space<hbm>>
    %dma_wait3A_172 = tpu.memref_squeeze %dma_wait3A_171 : memref<1x1x25x80xi32, #tpu.memory_space<hbm>> -> memref<25x80xi32, #tpu.memory_space<hbm>>
    %dma_wait3A_173 = arith.constant 0 : i32
    %dma_wait3A_174 = arith.constant 0 : i32
    %dma_wait3A_175 = tpu.memref_slice %arg10[%dma_wait3A_164, %dma_wait3A_173, %dma_wait3A_174] : memref<2x25x80xi32, #tpu.memory_space<vmem>> -> memref<1x25x80xi32, #tpu.memory_space<vmem>>
    %dma_wait3A_176 = tpu.memref_squeeze %dma_wait3A_175 : memref<1x25x80xi32, #tpu.memory_space<vmem>> -> memref<25x80xi32, #tpu.memory_space<vmem>>
    %dma_wait3A_177 = arith.constant 0 : i32
    %dma_wait3A_178 = arith.constant 0 : i32
    %dma_wait3A_179 = tpu.memref_slice %arg3[%add3A, %dma_wait3A_163, %dma_wait3A_177, %dma_wait3A_178] : memref<32x5x25x80xi32, #tpu.memory_space<hbm>> -> memref<1x1x25x80xi32, #tpu.memory_space<hbm>>
    %dma_wait3A_180 = tpu.memref_squeeze %dma_wait3A_179 : memref<1x1x25x80xi32, #tpu.memory_space<hbm>> -> memref<25x80xi32, #tpu.memory_space<hbm>>
    tpu.wait_dma2 semaphore(%arg18 : memref<!tpu.dma_semaphore, #tpu.memory_space<semaphore_mem>>) src(%dma_wait3A_180 : memref<25x80xi32, #tpu.memory_space<hbm>>) dst(%dma_wait3A_176 : memref<25x80xi32, #tpu.memory_space<vmem>>)
    %dma_wait3A_181 = arith.constant 1 : i32
    %dma_wait3A_182 = arith.constant 1 : i32
    %dma_wait3A_183 = arith.constant 0 : i32
    %dma_wait3A_184 = arith.constant 0 : i32
    %dma_wait3A_185 = tpu.memref_slice %arg11[%dma_wait3A_182, %dma_wait3A_183, %dma_wait3A_184] : memref<2x25x80xi32, #tpu.memory_space<vmem>> -> memref<1x25x80xi32, #tpu.memory_space<vmem>>
    %dma_wait3A_186 = tpu.memref_squeeze %dma_wait3A_185 : memref<1x25x80xi32, #tpu.memory_space<vmem>> -> memref<25x80xi32, #tpu.memory_space<vmem>>
    %dma_wait3A_187 = arith.constant 0 : i32
    %dma_wait3A_188 = arith.constant 0 : i32
    %dma_wait3A_189 = tpu.memref_slice %arg4[%add3A, %dma_wait3A_181, %dma_wait3A_187, %dma_wait3A_188] : memref<32x5x25x80xi32, #tpu.memory_space<hbm>> -> memref<1x1x25x80xi32, #tpu.memory_space<hbm>>
    %dma_wait3A_190 = tpu.memref_squeeze %dma_wait3A_189 : memref<1x1x25x80xi32, #tpu.memory_space<hbm>> -> memref<25x80xi32, #tpu.memory_space<hbm>>
    %dma_wait3A_191 = arith.constant 0 : i32
    %dma_wait3A_192 = arith.constant 0 : i32
    %dma_wait3A_193 = tpu.memref_slice %arg11[%dma_wait3A_182, %dma_wait3A_191, %dma_wait3A_192] : memref<2x25x80xi32, #tpu.memory_space<vmem>> -> memref<1x25x80xi32, #tpu.memory_space<vmem>>
    %dma_wait3A_194 = tpu.memref_squeeze %dma_wait3A_193 : memref<1x25x80xi32, #tpu.memory_space<vmem>> -> memref<25x80xi32, #tpu.memory_space<vmem>>
    %dma_wait3A_195 = arith.constant 0 : i32
    %dma_wait3A_196 = arith.constant 0 : i32
    %dma_wait3A_197 = tpu.memref_slice %arg4[%add3A, %dma_wait3A_181, %dma_wait3A_195, %dma_wait3A_196] : memref<32x5x25x80xi32, #tpu.memory_space<hbm>> -> memref<1x1x25x80xi32, #tpu.memory_space<hbm>>
    %dma_wait3A_198 = tpu.memref_squeeze %dma_wait3A_197 : memref<1x1x25x80xi32, #tpu.memory_space<hbm>> -> memref<25x80xi32, #tpu.memory_space<hbm>>
    tpu.wait_dma2 semaphore(%arg18 : memref<!tpu.dma_semaphore, #tpu.memory_space<semaphore_mem>>) src(%dma_wait3A_198 : memref<25x80xi32, #tpu.memory_space<hbm>>) dst(%dma_wait3A_194 : memref<25x80xi32, #tpu.memory_space<vmem>>)
    %dma_start3A_199 = arith.constant 2 : i32
    %dma_start3A_200 = arith.constant 0 : i32
    %dma_start3A_201 = arith.constant 0 : i32
    %dma_start3A_202 = arith.constant 0 : i32
    %dma_start3A_203 = tpu.memref_slice %arg10[%dma_start3A_200, %dma_start3A_201, %dma_start3A_202] : memref<2x25x80xi32, #tpu.memory_space<vmem>> -> memref<1x25x80xi32, #tpu.memory_space<vmem>>
    %dma_start3A_204 = tpu.memref_squeeze %dma_start3A_203 : memref<1x25x80xi32, #tpu.memory_space<vmem>> -> memref<25x80xi32, #tpu.memory_space<vmem>>
    %dma_start3A_205 = arith.constant 0 : i32
    %dma_start3A_206 = arith.constant 0 : i32
    %dma_start3A_207 = tpu.memref_slice %arg3[%add3A, %dma_start3A_199, %dma_start3A_205, %dma_start3A_206] : memref<32x5x25x80xi32, #tpu.memory_space<hbm>> -> memref<1x1x25x80xi32, #tpu.memory_space<hbm>>
    %dma_start3A_208 = tpu.memref_squeeze %dma_start3A_207 : memref<1x1x25x80xi32, #tpu.memory_space<hbm>> -> memref<25x80xi32, #tpu.memory_space<hbm>>
    %dma_start3A_209 = arith.constant 0 : i32
    %dma_start3A_210 = arith.constant 0 : i32
    %dma_start3A_211 = tpu.memref_slice %arg10[%dma_start3A_200, %dma_start3A_209, %dma_start3A_210] : memref<2x25x80xi32, #tpu.memory_space<vmem>> -> memref<1x25x80xi32, #tpu.memory_space<vmem>>
    %dma_start3A_212 = tpu.memref_squeeze %dma_start3A_211 : memref<1x25x80xi32, #tpu.memory_space<vmem>> -> memref<25x80xi32, #tpu.memory_space<vmem>>
    %dma_start3A_213 = arith.constant 0 : i32
    %dma_start3A_214 = arith.constant 0 : i32
    %dma_start3A_215 = tpu.memref_slice %arg3[%add3A, %dma_start3A_199, %dma_start3A_213, %dma_start3A_214] : memref<32x5x25x80xi32, #tpu.memory_space<hbm>> -> memref<1x1x25x80xi32, #tpu.memory_space<hbm>>
    %dma_start3A_216 = tpu.memref_squeeze %dma_start3A_215 : memref<1x1x25x80xi32, #tpu.memory_space<hbm>> -> memref<25x80xi32, #tpu.memory_space<hbm>>
    tpu.enqueue_dma source(%dma_start3A_216 : memref<25x80xi32, #tpu.memory_space<hbm>>) target(%dma_start3A_212 : memref<25x80xi32, #tpu.memory_space<vmem>>) target_semaphore(%arg17 : memref<!tpu.dma_semaphore, #tpu.memory_space<semaphore_mem>>)
    %dma_start3A_217 = arith.constant 2 : i32
    %dma_start3A_218 = arith.constant 0 : i32
    %dma_start3A_219 = arith.constant 0 : i32
    %dma_start3A_220 = arith.constant 0 : i32
    %dma_start3A_221 = tpu.memref_slice %arg11[%dma_start3A_218, %dma_start3A_219, %dma_start3A_220] : memref<2x25x80xi32, #tpu.memory_space<vmem>> -> memref<1x25x80xi32, #tpu.memory_space<vmem>>
    %dma_start3A_222 = tpu.memref_squeeze %dma_start3A_221 : memref<1x25x80xi32, #tpu.memory_space<vmem>> -> memref<25x80xi32, #tpu.memory_space<vmem>>
    %dma_start3A_223 = arith.constant 0 : i32
    %dma_start3A_224 = arith.constant 0 : i32
    %dma_start3A_225 = tpu.memref_slice %arg4[%add3A, %dma_start3A_217, %dma_start3A_223, %dma_start3A_224] : memref<32x5x25x80xi32, #tpu.memory_space<hbm>> -> memref<1x1x25x80xi32, #tpu.memory_space<hbm>>
    %dma_start3A_226 = tpu.memref_squeeze %dma_start3A_225 : memref<1x1x25x80xi32, #tpu.memory_space<hbm>> -> memref<25x80xi32, #tpu.memory_space<hbm>>
    %dma_start3A_227 = arith.constant 0 : i32
    %dma_start3A_228 = arith.constant 0 : i32
    %dma_start3A_229 = tpu.memref_slice %arg11[%dma_start3A_218, %dma_start3A_227, %dma_start3A_228] : memref<2x25x80xi32, #tpu.memory_space<vmem>> -> memref<1x25x80xi32, #tpu.memory_space<vmem>>
    %dma_start3A_230 = tpu.memref_squeeze %dma_start3A_229 : memref<1x25x80xi32, #tpu.memory_space<vmem>> -> memref<25x80xi32, #tpu.memory_space<vmem>>
    %dma_start3A_231 = arith.constant 0 : i32
    %dma_start3A_232 = arith.constant 0 : i32
    %dma_start3A_233 = tpu.memref_slice %arg4[%add3A, %dma_start3A_217, %dma_start3A_231, %dma_start3A_232] : memref<32x5x25x80xi32, #tpu.memory_space<hbm>> -> memref<1x1x25x80xi32, #tpu.memory_space<hbm>>
    %dma_start3A_234 = tpu.memref_squeeze %dma_start3A_233 : memref<1x1x25x80xi32, #tpu.memory_space<hbm>> -> memref<25x80xi32, #tpu.memory_space<hbm>>
    tpu.enqueue_dma source(%dma_start3A_234 : memref<25x80xi32, #tpu.memory_space<hbm>>) target(%dma_start3A_230 : memref<25x80xi32, #tpu.memory_space<vmem>>) target_semaphore(%arg17 : memref<!tpu.dma_semaphore, #tpu.memory_space<semaphore_mem>>)
    %dma_start3A_235 = arith.constant 1 : i32
    %dma_start3A_236 = arith.constant 0 : i32
    %dma_start3A_237 = arith.constant 0 : i32
    %dma_start3A_238 = tpu.memref_slice %arg10[%dma_start3A_235, %dma_start3A_236, %dma_start3A_237] : memref<2x25x80xi32, #tpu.memory_space<vmem>> -> memref<1x1x80xi32, #tpu.memory_space<vmem>>
    %dma_start3A_239 = tpu.memref_squeeze %dma_start3A_238 : memref<1x1x80xi32, #tpu.memory_space<vmem>> -> memref<80xi32, #tpu.memory_space<vmem>>
    %dma_start3A_240 = arith.constant 0 : i32
    %dma_start3A_241 = arith.constant 0 : i32
    %dma_start3A_242 = tpu.memref_slice %arg2[%dma_start3A_240, %dma_start3A_241] : memref<10240x128xf32, #tpu.memory_space<hbm>> -> memref<10240x128xf32, #tpu.memory_space<hbm>>
    tpu.enqueue_indirect_dma source(%dma_start3A_242 : memref<10240x128xf32, #tpu.memory_space<hbm>>) target(%arg12 : memref<80x128xf32, #tpu.memory_space<vmem>>) offsets(%dma_start3A_239 : memref<80xi32, #tpu.memory_space<vmem>>) semaphore(%arg15 : memref<!tpu.dma_semaphore, #tpu.memory_space<semaphore_mem>>)
    %scan3A_243 = arith.constant 0 : i32
    %scan3A_244 = arith.constant 0 : i32
    %scan3A_245 = arith.constant 12 : i32
    %scan3A_246 = arith.addi %scan3A_244, %scan3A_245 : i32
    %scan3A_247 = arith.constant 1 : i32
    scf.for %scan3A_535 = %scan3A_244 to %scan3A_246 step %scan3A_247  : i32 {
      %mul3A_536 = arith.constant 2 : i32
      %mul3A_537 = arith.muli %mul3A_536, %scan3A_535 : i32
      %add3A_538 = arith.constant 1 : i32
      %add3A_539 = arith.addi %mul3A_537, %add3A_538 : i32
      %dma_start3A_540 = arith.constant 1 : i32
      %dma_start3A_541 = arith.constant 0 : i32
      %dma_start3A_542 = tpu.memref_slice %arg10[%dma_start3A_540, %add3A_539, %dma_start3A_541] : memref<2x25x80xi32, #tpu.memory_space<vmem>> -> memref<1x1x80xi32, #tpu.memory_space<vmem>>
      %dma_start3A_543 = tpu.memref_squeeze %dma_start3A_542 : memref<1x1x80xi32, #tpu.memory_space<vmem>> -> memref<80xi32, #tpu.memory_space<vmem>>
      %dma_start3A_544 = arith.constant 0 : i32
      %dma_start3A_545 = arith.constant 0 : i32
      %dma_start3A_546 = tpu.memref_slice %arg2[%dma_start3A_544, %dma_start3A_545] : memref<10240x128xf32, #tpu.memory_space<hbm>> -> memref<10240x128xf32, #tpu.memory_space<hbm>>
      tpu.enqueue_indirect_dma source(%dma_start3A_546 : memref<10240x128xf32, #tpu.memory_space<hbm>>) target(%arg13 : memref<80x128xf32, #tpu.memory_space<vmem>>) offsets(%dma_start3A_543 : memref<80xi32, #tpu.memory_space<vmem>>) semaphore(%arg16 : memref<!tpu.dma_semaphore, #tpu.memory_space<semaphore_mem>>)
      %run_scoped3A_547 = arith.constant 1 : i32
      "tpu.region"() ({
        %run_scoped3A_580 = tpu.sem_alloc : memref<!tpu.dma_semaphore, #tpu.memory_space<semaphore_mem>>
        %dma_start3A_581 = arith.constant 0 : i32
        %dma_start3A_582 = tpu.memref_slice %arg11[%run_scoped3A_547, %mul3A_537, %dma_start3A_581] : memref<2x25x80xi32, #tpu.memory_space<vmem>> -> memref<1x1x80xi32, #tpu.memory_space<vmem>>
        %dma_start3A_583 = tpu.memref_squeeze %dma_start3A_582 : memref<1x1x80xi32, #tpu.memory_space<vmem>> -> memref<80xi32, #tpu.memory_space<vmem>>
        %dma_start3A_584 = arith.constant 0 : i32
        %dma_start3A_585 = tpu.memref_slice %arg20[%dma_start3A_584] : memref<10240xf32, #tpu.memory_space<vmem_shared>> -> memref<10240xf32, #tpu.memory_space<vmem_shared>>
        tpu.enqueue_indirect_dma source(%arg19 : memref<80xf32, #tpu.memory_space<vmem>>) target(%dma_start3A_585 : memref<10240xf32, #tpu.memory_space<vmem_shared>>) offsets(%dma_start3A_583 : memref<80xi32, #tpu.memory_space<vmem>>) semaphore(%run_scoped3A_580 : memref<!tpu.dma_semaphore, #tpu.memory_space<semaphore_mem>>) {add = true}
        %dma_wait3A_586 = arith.constant 0 : i32
        %dma_wait3A_587 = tpu.memref_slice %arg11[%run_scoped3A_547, %mul3A_537, %dma_wait3A_586] : memref<2x25x80xi32, #tpu.memory_space<vmem>> -> memref<1x1x80xi32, #tpu.memory_space<vmem>>
        %dma_wait3A_588 = tpu.memref_squeeze %dma_wait3A_587 : memref<1x1x80xi32, #tpu.memory_space<vmem>> -> memref<80xi32, #tpu.memory_space<vmem>>
        %dma_wait3A_589 = arith.constant 0 : i32
        %dma_wait3A_590 = tpu.memref_slice %arg20[%dma_wait3A_589] : memref<10240xf32, #tpu.memory_space<vmem_shared>> -> memref<10240xf32, #tpu.memory_space<vmem_shared>>
        tpu.wait_indirect_dma semaphore(%run_scoped3A_580 : memref<!tpu.dma_semaphore, #tpu.memory_space<semaphore_mem>>) src(%arg19 : memref<80xf32, #tpu.memory_space<vmem>>) dst(%dma_wait3A_590 : memref<10240xf32, #tpu.memory_space<vmem_shared>>)
        tpu.yield
      }) : () -> ()
      %dma_wait3A_548 = arith.constant 1 : i32
      %dma_wait3A_549 = arith.constant 0 : i32
      %dma_wait3A_550 = tpu.memref_slice %arg10[%dma_wait3A_548, %mul3A_537, %dma_wait3A_549] : memref<2x25x80xi32, #tpu.memory_space<vmem>> -> memref<1x1x80xi32, #tpu.memory_space<vmem>>
      %dma_wait3A_551 = tpu.memref_squeeze %dma_wait3A_550 : memref<1x1x80xi32, #tpu.memory_space<vmem>> -> memref<80xi32, #tpu.memory_space<vmem>>
      %dma_wait3A_552 = arith.constant 0 : i32
      %dma_wait3A_553 = arith.constant 0 : i32
      %dma_wait3A_554 = tpu.memref_slice %arg2[%dma_wait3A_552, %dma_wait3A_553] : memref<10240x128xf32, #tpu.memory_space<hbm>> -> memref<10240x128xf32, #tpu.memory_space<hbm>>
      tpu.wait_indirect_dma semaphore(%arg15 : memref<!tpu.dma_semaphore, #tpu.memory_space<semaphore_mem>>) src(%dma_wait3A_554 : memref<10240x128xf32, #tpu.memory_space<hbm>>) dst(%arg12 : memref<80x128xf32, #tpu.memory_space<vmem>>)
      %run_scoped3A_555 = arith.constant 1 : i32
      "tpu.region"() ({
        %run_scoped3A_580 = tpu.sem_alloc : memref<!tpu.dma_semaphore, #tpu.memory_space<semaphore_mem>>
        %dma_start3A_581 = arith.constant 0 : i32
        %dma_start3A_582 = tpu.memref_slice %arg11[%run_scoped3A_555, %mul3A_537, %dma_start3A_581] : memref<2x25x80xi32, #tpu.memory_space<vmem>> -> memref<1x1x80xi32, #tpu.memory_space<vmem>>
        %dma_start3A_583 = tpu.memref_squeeze %dma_start3A_582 : memref<1x1x80xi32, #tpu.memory_space<vmem>> -> memref<80xi32, #tpu.memory_space<vmem>>
        %dma_start3A_584 = arith.constant 0 : i32
        %dma_start3A_585 = arith.constant 0 : i32
        %dma_start3A_586 = tpu.memref_slice %arg14[%dma_start3A_584, %dma_start3A_585] : memref<10240x128xf32, #tpu.memory_space<vmem_shared>> -> memref<10240x128xf32, #tpu.memory_space<vmem_shared>>
        tpu.enqueue_indirect_dma source(%arg12 : memref<80x128xf32, #tpu.memory_space<vmem>>) target(%dma_start3A_586 : memref<10240x128xf32, #tpu.memory_space<vmem_shared>>) offsets(%dma_start3A_583 : memref<80xi32, #tpu.memory_space<vmem>>) semaphore(%run_scoped3A_580 : memref<!tpu.dma_semaphore, #tpu.memory_space<semaphore_mem>>) {add = true}
        %dma_wait3A_587 = arith.constant 0 : i32
        %dma_wait3A_588 = tpu.memref_slice %arg11[%run_scoped3A_555, %mul3A_537, %dma_wait3A_587] : memref<2x25x80xi32, #tpu.memory_space<vmem>> -> memref<1x1x80xi32, #tpu.memory_space<vmem>>
        %dma_wait3A_589 = tpu.memref_squeeze %dma_wait3A_588 : memref<1x1x80xi32, #tpu.memory_space<vmem>> -> memref<80xi32, #tpu.memory_space<vmem>>
        %dma_wait3A_590 = arith.constant 0 : i32
        %dma_wait3A_591 = arith.constant 0 : i32
        %dma_wait3A_592 = tpu.memref_slice %arg14[%dma_wait3A_590, %dma_wait3A_591] : memref<10240x128xf32, #tpu.memory_space<vmem_shared>> -> memref<10240x128xf32, #tpu.memory_space<vmem_shared>>
        tpu.wait_indirect_dma semaphore(%run_scoped3A_580 : memref<!tpu.dma_semaphore, #tpu.memory_space<semaphore_mem>>) src(%arg12 : memref<80x128xf32, #tpu.memory_space<vmem>>) dst(%dma_wait3A_592 : memref<10240x128xf32, #tpu.memory_space<vmem_shared>>)
        tpu.yield
      }) : () -> ()
      %add3A_556 = arith.constant 2 : i32
      %add3A_557 = arith.addi %mul3A_537, %add3A_556 : i32
      %dma_start3A_558 = arith.constant 1 : i32
      %dma_start3A_559 = arith.constant 0 : i32
      %dma_start3A_560 = tpu.memref_slice %arg10[%dma_start3A_558, %add3A_557, %dma_start3A_559] : memref<2x25x80xi32, #tpu.memory_space<vmem>> -> memref<1x1x80xi32, #tpu.memory_space<vmem>>
      %dma_start3A_561 = tpu.memref_squeeze %dma_start3A_560 : memref<1x1x80xi32, #tpu.memory_space<vmem>> -> memref<80xi32, #tpu.memory_space<vmem>>
      %dma_start3A_562 = arith.constant 0 : i32
      %dma_start3A_563 = arith.constant 0 : i32
      %dma_start3A_564 = tpu.memref_slice %arg2[%dma_start3A_562, %dma_start3A_563] : memref<10240x128xf32, #tpu.memory_space<hbm>> -> memref<10240x128xf32, #tpu.memory_space<hbm>>
      tpu.enqueue_indirect_dma source(%dma_start3A_564 : memref<10240x128xf32, #tpu.memory_space<hbm>>) target(%arg12 : memref<80x128xf32, #tpu.memory_space<vmem>>) offsets(%dma_start3A_561 : memref<80xi32, #tpu.memory_space<vmem>>) semaphore(%arg15 : memref<!tpu.dma_semaphore, #tpu.memory_space<semaphore_mem>>)
      %add3A_565 = arith.constant 1 : i32
      %add3A_566 = arith.addi %mul3A_537, %add3A_565 : i32
      %run_scoped3A_567 = arith.constant 1 : i32
      "tpu.region"() ({
        %run_scoped3A_580 = tpu.sem_alloc : memref<!tpu.dma_semaphore, #tpu.memory_space<semaphore_mem>>
        %dma_start3A_581 = arith.constant 0 : i32
        %dma_start3A_582 = tpu.memref_slice %arg11[%run_scoped3A_567, %add3A_566, %dma_start3A_581] : memref<2x25x80xi32, #tpu.memory_space<vmem>> -> memref<1x1x80xi32, #tpu.memory_space<vmem>>
        %dma_start3A_583 = tpu.memref_squeeze %dma_start3A_582 : memref<1x1x80xi32, #tpu.memory_space<vmem>> -> memref<80xi32, #tpu.memory_space<vmem>>
        %dma_start3A_584 = arith.constant 0 : i32
        %dma_start3A_585 = tpu.memref_slice %arg20[%dma_start3A_584] : memref<10240xf32, #tpu.memory_space<vmem_shared>> -> memref<10240xf32, #tpu.memory_space<vmem_shared>>
        tpu.enqueue_indirect_dma source(%arg19 : memref<80xf32, #tpu.memory_space<vmem>>) target(%dma_start3A_585 : memref<10240xf32, #tpu.memory_space<vmem_shared>>) offsets(%dma_start3A_583 : memref<80xi32, #tpu.memory_space<vmem>>) semaphore(%run_scoped3A_580 : memref<!tpu.dma_semaphore, #tpu.memory_space<semaphore_mem>>) {add = true}
        %dma_wait3A_586 = arith.constant 0 : i32
        %dma_wait3A_587 = tpu.memref_slice %arg11[%run_scoped3A_567, %add3A_566, %dma_wait3A_586] : memref<2x25x80xi32, #tpu.memory_space<vmem>> -> memref<1x1x80xi32, #tpu.memory_space<vmem>>
        %dma_wait3A_588 = tpu.memref_squeeze %dma_wait3A_587 : memref<1x1x80xi32, #tpu.memory_space<vmem>> -> memref<80xi32, #tpu.memory_space<vmem>>
        %dma_wait3A_589 = arith.constant 0 : i32
        %dma_wait3A_590 = tpu.memref_slice %arg20[%dma_wait3A_589] : memref<10240xf32, #tpu.memory_space<vmem_shared>> -> memref<10240xf32, #tpu.memory_space<vmem_shared>>
        tpu.wait_indirect_dma semaphore(%run_scoped3A_580 : memref<!tpu.dma_semaphore, #tpu.memory_space<semaphore_mem>>) src(%arg19 : memref<80xf32, #tpu.memory_space<vmem>>) dst(%dma_wait3A_590 : memref<10240xf32, #tpu.memory_space<vmem_shared>>)
        tpu.yield
      }) : () -> ()
      %add3A_568 = arith.constant 1 : i32
      %add3A_569 = arith.addi %mul3A_537, %add3A_568 : i32
      %dma_wait3A_570 = arith.constant 1 : i32
      %dma_wait3A_571 = arith.constant 0 : i32
      %dma_wait3A_572 = tpu.memref_slice %arg10[%dma_wait3A_570, %add3A_569, %dma_wait3A_571] : memref<2x25x80xi32, #tpu.memory_space<vmem>> -> memref<1x1x80xi32, #tpu.memory_space<vmem>>
      %dma_wait3A_573 = tpu.memref_squeeze %dma_wait3A_572 : memref<1x1x80xi32, #tpu.memory_space<vmem>> -> memref<80xi32, #tpu.memory_space<vmem>>
      %dma_wait3A_574 = arith.constant 0 : i32
      %dma_wait3A_575 = arith.constant 0 : i32
      %dma_wait3A_576 = tpu.memref_slice %arg2[%dma_wait3A_574, %dma_wait3A_575] : memref<10240x128xf32, #tpu.memory_space<hbm>> -> memref<10240x128xf32, #tpu.memory_space<hbm>>
      tpu.wait_indirect_dma semaphore(%arg16 : memref<!tpu.dma_semaphore, #tpu.memory_space<semaphore_mem>>) src(%dma_wait3A_576 : memref<10240x128xf32, #tpu.memory_space<hbm>>) dst(%arg13 : memref<80x128xf32, #tpu.memory_space<vmem>>)
      %add3A_577 = arith.constant 1 : i32
      %add3A_578 = arith.addi %mul3A_537, %add3A_577 : i32
      %run_scoped3A_579 = arith.constant 1 : i32
      "tpu.region"() ({
        %run_scoped3A_580 = tpu.sem_alloc : memref<!tpu.dma_semaphore, #tpu.memory_space<semaphore_mem>>
        %dma_start3A_581 = arith.constant 0 : i32
        %dma_start3A_582 = tpu.memref_slice %arg11[%run_scoped3A_579, %add3A_578, %dma_start3A_581] : memref<2x25x80xi32, #tpu.memory_space<vmem>> -> memref<1x1x80xi32, #tpu.memory_space<vmem>>
        %dma_start3A_583 = tpu.memref_squeeze %dma_start3A_582 : memref<1x1x80xi32, #tpu.memory_space<vmem>> -> memref<80xi32, #tpu.memory_space<vmem>>
        %dma_start3A_584 = arith.constant 0 : i32
        %dma_start3A_585 = arith.constant 0 : i32
        %dma_start3A_586 = tpu.memref_slice %arg14[%dma_start3A_584, %dma_start3A_585] : memref<10240x128xf32, #tpu.memory_space<vmem_shared>> -> memref<10240x128xf32, #tpu.memory_space<vmem_shared>>
        tpu.enqueue_indirect_dma source(%arg13 : memref<80x128xf32, #tpu.memory_space<vmem>>) target(%dma_start3A_586 : memref<10240x128xf32, #tpu.memory_space<vmem_shared>>) offsets(%dma_start3A_583 : memref<80xi32, #tpu.memory_space<vmem>>) semaphore(%run_scoped3A_580 : memref<!tpu.dma_semaphore, #tpu.memory_space<semaphore_mem>>) {add = true}
        %dma_wait3A_587 = arith.constant 0 : i32
        %dma_wait3A_588 = tpu.memref_slice %arg11[%run_scoped3A_579, %add3A_578, %dma_wait3A_587] : memref<2x25x80xi32, #tpu.memory_space<vmem>> -> memref<1x1x80xi32, #tpu.memory_space<vmem>>
        %dma_wait3A_589 = tpu.memref_squeeze %dma_wait3A_588 : memref<1x1x80xi32, #tpu.memory_space<vmem>> -> memref<80xi32, #tpu.memory_space<vmem>>
        %dma_wait3A_590 = arith.constant 0 : i32
        %dma_wait3A_591 = arith.constant 0 : i32
        %dma_wait3A_592 = tpu.memref_slice %arg14[%dma_wait3A_590, %dma_wait3A_591] : memref<10240x128xf32, #tpu.memory_space<vmem_shared>> -> memref<10240x128xf32, #tpu.memory_space<vmem_shared>>
        tpu.wait_indirect_dma semaphore(%run_scoped3A_580 : memref<!tpu.dma_semaphore, #tpu.memory_space<semaphore_mem>>) src(%arg13 : memref<80x128xf32, #tpu.memory_space<vmem>>) dst(%dma_wait3A_592 : memref<10240x128xf32, #tpu.memory_space<vmem_shared>>)
        tpu.yield
      }) : () -> ()
    }
    %scan3A_248 = arith.constant 12 : i32
    %dma_wait3A_249 = arith.constant 1 : i32
    %dma_wait3A_250 = arith.constant 24 : i32
    %dma_wait3A_251 = arith.constant 0 : i32
    %dma_wait3A_252 = tpu.memref_slice %arg10[%dma_wait3A_249, %dma_wait3A_250, %dma_wait3A_251] : memref<2x25x80xi32, #tpu.memory_space<vmem>> -> memref<1x1x80xi32, #tpu.memory_space<vmem>>
    %dma_wait3A_253 = tpu.memref_squeeze %dma_wait3A_252 : memref<1x1x80xi32, #tpu.memory_space<vmem>> -> memref<80xi32, #tpu.memory_space<vmem>>
    %dma_wait3A_254 = arith.constant 0 : i32
    %dma_wait3A_255 = arith.constant 0 : i32
    %dma_wait3A_256 = tpu.memref_slice %arg2[%dma_wait3A_254, %dma_wait3A_255] : memref<10240x128xf32, #tpu.memory_space<hbm>> -> memref<10240x128xf32, #tpu.memory_space<hbm>>
    tpu.wait_indirect_dma semaphore(%arg15 : memref<!tpu.dma_semaphore, #tpu.memory_space<semaphore_mem>>) src(%dma_wait3A_256 : memref<10240x128xf32, #tpu.memory_space<hbm>>) dst(%arg12 : memref<80x128xf32, #tpu.memory_space<vmem>>)
    %run_scoped3A_257 = arith.constant 1 : i32
    %run_scoped3A_258 = arith.constant 24 : i32
    "tpu.region"() ({
      %run_scoped3A_535 = tpu.sem_alloc : memref<!tpu.dma_semaphore, #tpu.memory_space<semaphore_mem>>
      %dma_start3A_536 = arith.constant 0 : i32
      %dma_start3A_537 = tpu.memref_slice %arg11[%run_scoped3A_257, %run_scoped3A_258, %dma_start3A_536] : memref<2x25x80xi32, #tpu.memory_space<vmem>> -> memref<1x1x80xi32, #tpu.memory_space<vmem>>
      %dma_start3A_538 = tpu.memref_squeeze %dma_start3A_537 : memref<1x1x80xi32, #tpu.memory_space<vmem>> -> memref<80xi32, #tpu.memory_space<vmem>>
      %dma_start3A_539 = arith.constant 0 : i32
      %dma_start3A_540 = arith.constant 0 : i32
      %dma_start3A_541 = tpu.memref_slice %arg14[%dma_start3A_539, %dma_start3A_540] : memref<10240x128xf32, #tpu.memory_space<vmem_shared>> -> memref<10240x128xf32, #tpu.memory_space<vmem_shared>>
      tpu.enqueue_indirect_dma source(%arg12 : memref<80x128xf32, #tpu.memory_space<vmem>>) target(%dma_start3A_541 : memref<10240x128xf32, #tpu.memory_space<vmem_shared>>) offsets(%dma_start3A_538 : memref<80xi32, #tpu.memory_space<vmem>>) semaphore(%run_scoped3A_535 : memref<!tpu.dma_semaphore, #tpu.memory_space<semaphore_mem>>) {add = true}
      %dma_wait3A_542 = arith.constant 0 : i32
      %dma_wait3A_543 = tpu.memref_slice %arg11[%run_scoped3A_257, %run_scoped3A_258, %dma_wait3A_542] : memref<2x25x80xi32, #tpu.memory_space<vmem>> -> memref<1x1x80xi32, #tpu.memory_space<vmem>>
      %dma_wait3A_544 = tpu.memref_squeeze %dma_wait3A_543 : memref<1x1x80xi32, #tpu.memory_space<vmem>> -> memref<80xi32, #tpu.memory_space<vmem>>
      %dma_wait3A_545 = arith.constant 0 : i32
      %dma_wait3A_546 = arith.constant 0 : i32
      %dma_wait3A_547 = tpu.memref_slice %arg14[%dma_wait3A_545, %dma_wait3A_546] : memref<10240x128xf32, #tpu.memory_space<vmem_shared>> -> memref<10240x128xf32, #tpu.memory_space<vmem_shared>>
      tpu.wait_indirect_dma semaphore(%run_scoped3A_535 : memref<!tpu.dma_semaphore, #tpu.memory_space<semaphore_mem>>) src(%arg12 : memref<80x128xf32, #tpu.memory_space<vmem>>) dst(%dma_wait3A_547 : memref<10240x128xf32, #tpu.memory_space<vmem_shared>>)
      tpu.yield
    }) : () -> ()
    %run_scoped3A_259 = arith.constant 1 : i32
    %run_scoped3A_260 = arith.constant 24 : i32
    "tpu.region"() ({
      %run_scoped3A_535 = tpu.sem_alloc : memref<!tpu.dma_semaphore, #tpu.memory_space<semaphore_mem>>
      %dma_start3A_536 = arith.constant 0 : i32
      %dma_start3A_537 = tpu.memref_slice %arg11[%run_scoped3A_259, %run_scoped3A_260, %dma_start3A_536] : memref<2x25x80xi32, #tpu.memory_space<vmem>> -> memref<1x1x80xi32, #tpu.memory_space<vmem>>
      %dma_start3A_538 = tpu.memref_squeeze %dma_start3A_537 : memref<1x1x80xi32, #tpu.memory_space<vmem>> -> memref<80xi32, #tpu.memory_space<vmem>>
      %dma_start3A_539 = arith.constant 0 : i32
      %dma_start3A_540 = tpu.memref_slice %arg20[%dma_start3A_539] : memref<10240xf32, #tpu.memory_space<vmem_shared>> -> memref<10240xf32, #tpu.memory_space<vmem_shared>>
      tpu.enqueue_indirect_dma source(%arg19 : memref<80xf32, #tpu.memory_space<vmem>>) target(%dma_start3A_540 : memref<10240xf32, #tpu.memory_space<vmem_shared>>) offsets(%dma_start3A_538 : memref<80xi32, #tpu.memory_space<vmem>>) semaphore(%run_scoped3A_535 : memref<!tpu.dma_semaphore, #tpu.memory_space<semaphore_mem>>) {add = true}
      %dma_wait3A_541 = arith.constant 0 : i32
      %dma_wait3A_542 = tpu.memref_slice %arg11[%run_scoped3A_259, %run_scoped3A_260, %dma_wait3A_541] : memref<2x25x80xi32, #tpu.memory_space<vmem>> -> memref<1x1x80xi32, #tpu.memory_space<vmem>>
      %dma_wait3A_543 = tpu.memref_squeeze %dma_wait3A_542 : memref<1x1x80xi32, #tpu.memory_space<vmem>> -> memref<80xi32, #tpu.memory_space<vmem>>
      %dma_wait3A_544 = arith.constant 0 : i32
      %dma_wait3A_545 = tpu.memref_slice %arg20[%dma_wait3A_544] : memref<10240xf32, #tpu.memory_space<vmem_shared>> -> memref<10240xf32, #tpu.memory_space<vmem_shared>>
      tpu.wait_indirect_dma semaphore(%run_scoped3A_535 : memref<!tpu.dma_semaphore, #tpu.memory_space<semaphore_mem>>) src(%arg19 : memref<80xf32, #tpu.memory_space<vmem>>) dst(%dma_wait3A_545 : memref<10240xf32, #tpu.memory_space<vmem_shared>>)
      tpu.yield
    }) : () -> ()
    %dma_wait3A_261 = arith.constant 2 : i32
    %dma_wait3A_262 = arith.constant 0 : i32
    %dma_wait3A_263 = arith.constant 0 : i32
    %dma_wait3A_264 = arith.constant 0 : i32
    %dma_wait3A_265 = tpu.memref_slice %arg10[%dma_wait3A_262, %dma_wait3A_263, %dma_wait3A_264] : memref<2x25x80xi32, #tpu.memory_space<vmem>> -> memref<1x25x80xi32, #tpu.memory_space<vmem>>
    %dma_wait3A_266 = tpu.memref_squeeze %dma_wait3A_265 : memref<1x25x80xi32, #tpu.memory_space<vmem>> -> memref<25x80xi32, #tpu.memory_space<vmem>>
    %dma_wait3A_267 = arith.constant 0 : i32
    %dma_wait3A_268 = arith.constant 0 : i32
    %dma_wait3A_269 = tpu.memref_slice %arg3[%add3A, %dma_wait3A_261, %dma_wait3A_267, %dma_wait3A_268] : memref<32x5x25x80xi32, #tpu.memory_space<hbm>> -> memref<1x1x25x80xi32, #tpu.memory_space<hbm>>
    %dma_wait3A_270 = tpu.memref_squeeze %dma_wait3A_269 : memref<1x1x25x80xi32, #tpu.memory_space<hbm>> -> memref<25x80xi32, #tpu.memory_space<hbm>>
    %dma_wait3A_271 = arith.constant 0 : i32
    %dma_wait3A_272 = arith.constant 0 : i32
    %dma_wait3A_273 = tpu.memref_slice %arg10[%dma_wait3A_262, %dma_wait3A_271, %dma_wait3A_272] : memref<2x25x80xi32, #tpu.memory_space<vmem>> -> memref<1x25x80xi32, #tpu.memory_space<vmem>>
    %dma_wait3A_274 = tpu.memref_squeeze %dma_wait3A_273 : memref<1x25x80xi32, #tpu.memory_space<vmem>> -> memref<25x80xi32, #tpu.memory_space<vmem>>
    %dma_wait3A_275 = arith.constant 0 : i32
    %dma_wait3A_276 = arith.constant 0 : i32
    %dma_wait3A_277 = tpu.memref_slice %arg3[%add3A, %dma_wait3A_261, %dma_wait3A_275, %dma_wait3A_276] : memref<32x5x25x80xi32, #tpu.memory_space<hbm>> -> memref<1x1x25x80xi32, #tpu.memory_space<hbm>>
    %dma_wait3A_278 = tpu.memref_squeeze %dma_wait3A_277 : memref<1x1x25x80xi32, #tpu.memory_space<hbm>> -> memref<25x80xi32, #tpu.memory_space<hbm>>
    tpu.wait_dma2 semaphore(%arg17 : memref<!tpu.dma_semaphore, #tpu.memory_space<semaphore_mem>>) src(%dma_wait3A_278 : memref<25x80xi32, #tpu.memory_space<hbm>>) dst(%dma_wait3A_274 : memref<25x80xi32, #tpu.memory_space<vmem>>)
    %dma_wait3A_279 = arith.constant 2 : i32
    %dma_wait3A_280 = arith.constant 0 : i32
    %dma_wait3A_281 = arith.constant 0 : i32
    %dma_wait3A_282 = arith.constant 0 : i32
    %dma_wait3A_283 = tpu.memref_slice %arg11[%dma_wait3A_280, %dma_wait3A_281, %dma_wait3A_282] : memref<2x25x80xi32, #tpu.memory_space<vmem>> -> memref<1x25x80xi32, #tpu.memory_space<vmem>>
    %dma_wait3A_284 = tpu.memref_squeeze %dma_wait3A_283 : memref<1x25x80xi32, #tpu.memory_space<vmem>> -> memref<25x80xi32, #tpu.memory_space<vmem>>
    %dma_wait3A_285 = arith.constant 0 : i32
    %dma_wait3A_286 = arith.constant 0 : i32
    %dma_wait3A_287 = tpu.memref_slice %arg4[%add3A, %dma_wait3A_279, %dma_wait3A_285, %dma_wait3A_286] : memref<32x5x25x80xi32, #tpu.memory_space<hbm>> -> memref<1x1x25x80xi32, #tpu.memory_space<hbm>>
    %dma_wait3A_288 = tpu.memref_squeeze %dma_wait3A_287 : memref<1x1x25x80xi32, #tpu.memory_space<hbm>> -> memref<25x80xi32, #tpu.memory_space<hbm>>
    %dma_wait3A_289 = arith.constant 0 : i32
    %dma_wait3A_290 = arith.constant 0 : i32
    %dma_wait3A_291 = tpu.memref_slice %arg11[%dma_wait3A_280, %dma_wait3A_289, %dma_wait3A_290] : memref<2x25x80xi32, #tpu.memory_space<vmem>> -> memref<1x25x80xi32, #tpu.memory_space<vmem>>
    %dma_wait3A_292 = tpu.memref_squeeze %dma_wait3A_291 : memref<1x25x80xi32, #tpu.memory_space<vmem>> -> memref<25x80xi32, #tpu.memory_space<vmem>>
    %dma_wait3A_293 = arith.constant 0 : i32
    %dma_wait3A_294 = arith.constant 0 : i32
    %dma_wait3A_295 = tpu.memref_slice %arg4[%add3A, %dma_wait3A_279, %dma_wait3A_293, %dma_wait3A_294] : memref<32x5x25x80xi32, #tpu.memory_space<hbm>> -> memref<1x1x25x80xi32, #tpu.memory_space<hbm>>
    %dma_wait3A_296 = tpu.memref_squeeze %dma_wait3A_295 : memref<1x1x25x80xi32, #tpu.memory_space<hbm>> -> memref<25x80xi32, #tpu.memory_space<hbm>>
    tpu.wait_dma2 semaphore(%arg17 : memref<!tpu.dma_semaphore, #tpu.memory_space<semaphore_mem>>) src(%dma_wait3A_296 : memref<25x80xi32, #tpu.memory_space<hbm>>) dst(%dma_wait3A_292 : memref<25x80xi32, #tpu.memory_space<vmem>>)
    %dma_start3A_297 = arith.constant 3 : i32
    %dma_start3A_298 = arith.constant 1 : i32
    %dma_start3A_299 = arith.constant 0 : i32
    %dma_start3A_300 = arith.constant 0 : i32
    %dma_start3A_301 = tpu.memref_slice %arg10[%dma_start3A_298, %dma_start3A_299, %dma_start3A_300] : memref<2x25x80xi32, #tpu.memory_space<vmem>> -> memref<1x25x80xi32, #tpu.memory_space<vmem>>
    %dma_start3A_302 = tpu.memref_squeeze %dma_start3A_301 : memref<1x25x80xi32, #tpu.memory_space<vmem>> -> memref<25x80xi32, #tpu.memory_space<vmem>>
    %dma_start3A_303 = arith.constant 0 : i32
    %dma_start3A_304 = arith.constant 0 : i32
    %dma_start3A_305 = tpu.memref_slice %arg3[%add3A, %dma_start3A_297, %dma_start3A_303, %dma_start3A_304] : memref<32x5x25x80xi32, #tpu.memory_space<hbm>> -> memref<1x1x25x80xi32, #tpu.memory_space<hbm>>
    %dma_start3A_306 = tpu.memref_squeeze %dma_start3A_305 : memref<1x1x25x80xi32, #tpu.memory_space<hbm>> -> memref<25x80xi32, #tpu.memory_space<hbm>>
    %dma_start3A_307 = arith.constant 0 : i32
    %dma_start3A_308 = arith.constant 0 : i32
    %dma_start3A_309 = tpu.memref_slice %arg10[%dma_start3A_298, %dma_start3A_307, %dma_start3A_308] : memref<2x25x80xi32, #tpu.memory_space<vmem>> -> memref<1x25x80xi32, #tpu.memory_space<vmem>>
    %dma_start3A_310 = tpu.memref_squeeze %dma_start3A_309 : memref<1x25x80xi32, #tpu.memory_space<vmem>> -> memref<25x80xi32, #tpu.memory_space<vmem>>
    %dma_start3A_311 = arith.constant 0 : i32
    %dma_start3A_312 = arith.constant 0 : i32
    %dma_start3A_313 = tpu.memref_slice %arg3[%add3A, %dma_start3A_297, %dma_start3A_311, %dma_start3A_312] : memref<32x5x25x80xi32, #tpu.memory_space<hbm>> -> memref<1x1x25x80xi32, #tpu.memory_space<hbm>>
    %dma_start3A_314 = tpu.memref_squeeze %dma_start3A_313 : memref<1x1x25x80xi32, #tpu.memory_space<hbm>> -> memref<25x80xi32, #tpu.memory_space<hbm>>
    tpu.enqueue_dma source(%dma_start3A_314 : memref<25x80xi32, #tpu.memory_space<hbm>>) target(%dma_start3A_310 : memref<25x80xi32, #tpu.memory_space<vmem>>) target_semaphore(%arg18 : memref<!tpu.dma_semaphore, #tpu.memory_space<semaphore_mem>>)
    %dma_start3A_315 = arith.constant 3 : i32
    %dma_start3A_316 = arith.constant 1 : i32
    %dma_start3A_317 = arith.constant 0 : i32
    %dma_start3A_318 = arith.constant 0 : i32
    %dma_start3A_319 = tpu.memref_slice %arg11[%dma_start3A_316, %dma_start3A_317, %dma_start3A_318] : memref<2x25x80xi32, #tpu.memory_space<vmem>> -> memref<1x25x80xi32, #tpu.memory_space<vmem>>
    %dma_start3A_320 = tpu.memref_squeeze %dma_start3A_319 : memref<1x25x80xi32, #tpu.memory_space<vmem>> -> memref<25x80xi32, #tpu.memory_space<vmem>>
    %dma_start3A_321 = arith.constant 0 : i32
    %dma_start3A_322 = arith.constant 0 : i32
    %dma_start3A_323 = tpu.memref_slice %arg4[%add3A, %dma_start3A_315, %dma_start3A_321, %dma_start3A_322] : memref<32x5x25x80xi32, #tpu.memory_space<hbm>> -> memref<1x1x25x80xi32, #tpu.memory_space<hbm>>
    %dma_start3A_324 = tpu.memref_squeeze %dma_start3A_323 : memref<1x1x25x80xi32, #tpu.memory_space<hbm>> -> memref<25x80xi32, #tpu.memory_space<hbm>>
    %dma_start3A_325 = arith.constant 0 : i32
    %dma_start3A_326 = arith.constant 0 : i32
    %dma_start3A_327 = tpu.memref_slice %arg11[%dma_start3A_316, %dma_start3A_325, %dma_start3A_326] : memref<2x25x80xi32, #tpu.memory_space<vmem>> -> memref<1x25x80xi32, #tpu.memory_space<vmem>>
    %dma_start3A_328 = tpu.memref_squeeze %dma_start3A_327 : memref<1x25x80xi32, #tpu.memory_space<vmem>> -> memref<25x80xi32, #tpu.memory_space<vmem>>
    %dma_start3A_329 = arith.constant 0 : i32
    %dma_start3A_330 = arith.constant 0 : i32
    %dma_start3A_331 = tpu.memref_slice %arg4[%add3A, %dma_start3A_315, %dma_start3A_329, %dma_start3A_330] : memref<32x5x25x80xi32, #tpu.memory_space<hbm>> -> memref<1x1x25x80xi32, #tpu.memory_space<hbm>>
    %dma_start3A_332 = tpu.memref_squeeze %dma_start3A_331 : memref<1x1x25x80xi32, #tpu.memory_space<hbm>> -> memref<25x80xi32, #tpu.memory_space<hbm>>
    tpu.enqueue_dma source(%dma_start3A_332 : memref<25x80xi32, #tpu.memory_space<hbm>>) target(%dma_start3A_328 : memref<25x80xi32, #tpu.memory_space<vmem>>) target_semaphore(%arg18 : memref<!tpu.dma_semaphore, #tpu.memory_space<semaphore_mem>>)
    %dma_start3A_333 = arith.constant 0 : i32
    %dma_start3A_334 = arith.constant 0 : i32
    %dma_start3A_335 = arith.constant 0 : i32
    %dma_start3A_336 = tpu.memref_slice %arg10[%dma_start3A_333, %dma_start3A_334, %dma_start3A_335] : memref<2x25x80xi32, #tpu.memory_space<vmem>> -> memref<1x1x80xi32, #tpu.memory_space<vmem>>
    %dma_start3A_337 = tpu.memref_squeeze %dma_start3A_336 : memref<1x1x80xi32, #tpu.memory_space<vmem>> -> memref<80xi32, #tpu.memory_space<vmem>>
    %dma_start3A_338 = arith.constant 0 : i32
    %dma_start3A_339 = arith.constant 0 : i32
    %dma_start3A_340 = tpu.memref_slice %arg2[%dma_start3A_338, %dma_start3A_339] : memref<10240x128xf32, #tpu.memory_space<hbm>> -> memref<10240x128xf32, #tpu.memory_space<hbm>>
    tpu.enqueue_indirect_dma source(%dma_start3A_340 : memref<10240x128xf32, #tpu.memory_space<hbm>>) target(%arg12 : memref<80x128xf32, #tpu.memory_space<vmem>>) offsets(%dma_start3A_337 : memref<80xi32, #tpu.memory_space<vmem>>) semaphore(%arg15 : memref<!tpu.dma_semaphore, #tpu.memory_space<semaphore_mem>>)
    %scan3A_341 = arith.constant 0 : i32
    %scan3A_342 = arith.constant 0 : i32
    %scan3A_343 = arith.constant 12 : i32
    %scan3A_344 = arith.addi %scan3A_342, %scan3A_343 : i32
    %scan3A_345 = arith.constant 1 : i32
    scf.for %scan3A_535 = %scan3A_342 to %scan3A_344 step %scan3A_345  : i32 {
      %mul3A_536 = arith.constant 2 : i32
      %mul3A_537 = arith.muli %mul3A_536, %scan3A_535 : i32
      %add3A_538 = arith.constant 1 : i32
      %add3A_539 = arith.addi %mul3A_537, %add3A_538 : i32
      %dma_start3A_540 = arith.constant 0 : i32
      %dma_start3A_541 = arith.constant 0 : i32
      %dma_start3A_542 = tpu.memref_slice %arg10[%dma_start3A_540, %add3A_539, %dma_start3A_541] : memref<2x25x80xi32, #tpu.memory_space<vmem>> -> memref<1x1x80xi32, #tpu.memory_space<vmem>>
      %dma_start3A_543 = tpu.memref_squeeze %dma_start3A_542 : memref<1x1x80xi32, #tpu.memory_space<vmem>> -> memref<80xi32, #tpu.memory_space<vmem>>
      %dma_start3A_544 = arith.constant 0 : i32
      %dma_start3A_545 = arith.constant 0 : i32
      %dma_start3A_546 = tpu.memref_slice %arg2[%dma_start3A_544, %dma_start3A_545] : memref<10240x128xf32, #tpu.memory_space<hbm>> -> memref<10240x128xf32, #tpu.memory_space<hbm>>
      tpu.enqueue_indirect_dma source(%dma_start3A_546 : memref<10240x128xf32, #tpu.memory_space<hbm>>) target(%arg13 : memref<80x128xf32, #tpu.memory_space<vmem>>) offsets(%dma_start3A_543 : memref<80xi32, #tpu.memory_space<vmem>>) semaphore(%arg16 : memref<!tpu.dma_semaphore, #tpu.memory_space<semaphore_mem>>)
      %run_scoped3A_547 = arith.constant 0 : i32
      "tpu.region"() ({
        %run_scoped3A_580 = tpu.sem_alloc : memref<!tpu.dma_semaphore, #tpu.memory_space<semaphore_mem>>
        %dma_start3A_581 = arith.constant 0 : i32
        %dma_start3A_582 = tpu.memref_slice %arg11[%run_scoped3A_547, %mul3A_537, %dma_start3A_581] : memref<2x25x80xi32, #tpu.memory_space<vmem>> -> memref<1x1x80xi32, #tpu.memory_space<vmem>>
        %dma_start3A_583 = tpu.memref_squeeze %dma_start3A_582 : memref<1x1x80xi32, #tpu.memory_space<vmem>> -> memref<80xi32, #tpu.memory_space<vmem>>
        %dma_start3A_584 = arith.constant 0 : i32
        %dma_start3A_585 = tpu.memref_slice %arg20[%dma_start3A_584] : memref<10240xf32, #tpu.memory_space<vmem_shared>> -> memref<10240xf32, #tpu.memory_space<vmem_shared>>
        tpu.enqueue_indirect_dma source(%arg19 : memref<80xf32, #tpu.memory_space<vmem>>) target(%dma_start3A_585 : memref<10240xf32, #tpu.memory_space<vmem_shared>>) offsets(%dma_start3A_583 : memref<80xi32, #tpu.memory_space<vmem>>) semaphore(%run_scoped3A_580 : memref<!tpu.dma_semaphore, #tpu.memory_space<semaphore_mem>>) {add = true}
        %dma_wait3A_586 = arith.constant 0 : i32
        %dma_wait3A_587 = tpu.memref_slice %arg11[%run_scoped3A_547, %mul3A_537, %dma_wait3A_586] : memref<2x25x80xi32, #tpu.memory_space<vmem>> -> memref<1x1x80xi32, #tpu.memory_space<vmem>>
        %dma_wait3A_588 = tpu.memref_squeeze %dma_wait3A_587 : memref<1x1x80xi32, #tpu.memory_space<vmem>> -> memref<80xi32, #tpu.memory_space<vmem>>
        %dma_wait3A_589 = arith.constant 0 : i32
        %dma_wait3A_590 = tpu.memref_slice %arg20[%dma_wait3A_589] : memref<10240xf32, #tpu.memory_space<vmem_shared>> -> memref<10240xf32, #tpu.memory_space<vmem_shared>>
        tpu.wait_indirect_dma semaphore(%run_scoped3A_580 : memref<!tpu.dma_semaphore, #tpu.memory_space<semaphore_mem>>) src(%arg19 : memref<80xf32, #tpu.memory_space<vmem>>) dst(%dma_wait3A_590 : memref<10240xf32, #tpu.memory_space<vmem_shared>>)
        tpu.yield
      }) : () -> ()
      %dma_wait3A_548 = arith.constant 0 : i32
      %dma_wait3A_549 = arith.constant 0 : i32
      %dma_wait3A_550 = tpu.memref_slice %arg10[%dma_wait3A_548, %mul3A_537, %dma_wait3A_549] : memref<2x25x80xi32, #tpu.memory_space<vmem>> -> memref<1x1x80xi32, #tpu.memory_space<vmem>>
      %dma_wait3A_551 = tpu.memref_squeeze %dma_wait3A_550 : memref<1x1x80xi32, #tpu.memory_space<vmem>> -> memref<80xi32, #tpu.memory_space<vmem>>
      %dma_wait3A_552 = arith.constant 0 : i32
      %dma_wait3A_553 = arith.constant 0 : i32
      %dma_wait3A_554 = tpu.memref_slice %arg2[%dma_wait3A_552, %dma_wait3A_553] : memref<10240x128xf32, #tpu.memory_space<hbm>> -> memref<10240x128xf32, #tpu.memory_space<hbm>>
      tpu.wait_indirect_dma semaphore(%arg15 : memref<!tpu.dma_semaphore, #tpu.memory_space<semaphore_mem>>) src(%dma_wait3A_554 : memref<10240x128xf32, #tpu.memory_space<hbm>>) dst(%arg12 : memref<80x128xf32, #tpu.memory_space<vmem>>)
      %run_scoped3A_555 = arith.constant 0 : i32
      "tpu.region"() ({
        %run_scoped3A_580 = tpu.sem_alloc : memref<!tpu.dma_semaphore, #tpu.memory_space<semaphore_mem>>
        %dma_start3A_581 = arith.constant 0 : i32
        %dma_start3A_582 = tpu.memref_slice %arg11[%run_scoped3A_555, %mul3A_537, %dma_start3A_581] : memref<2x25x80xi32, #tpu.memory_space<vmem>> -> memref<1x1x80xi32, #tpu.memory_space<vmem>>
        %dma_start3A_583 = tpu.memref_squeeze %dma_start3A_582 : memref<1x1x80xi32, #tpu.memory_space<vmem>> -> memref<80xi32, #tpu.memory_space<vmem>>
        %dma_start3A_584 = arith.constant 0 : i32
        %dma_start3A_585 = arith.constant 0 : i32
        %dma_start3A_586 = tpu.memref_slice %arg14[%dma_start3A_584, %dma_start3A_585] : memref<10240x128xf32, #tpu.memory_space<vmem_shared>> -> memref<10240x128xf32, #tpu.memory_space<vmem_shared>>
        tpu.enqueue_indirect_dma source(%arg12 : memref<80x128xf32, #tpu.memory_space<vmem>>) target(%dma_start3A_586 : memref<10240x128xf32, #tpu.memory_space<vmem_shared>>) offsets(%dma_start3A_583 : memref<80xi32, #tpu.memory_space<vmem>>) semaphore(%run_scoped3A_580 : memref<!tpu.dma_semaphore, #tpu.memory_space<semaphore_mem>>) {add = true}
        %dma_wait3A_587 = arith.constant 0 : i32
        %dma_wait3A_588 = tpu.memref_slice %arg11[%run_scoped3A_555, %mul3A_537, %dma_wait3A_587] : memref<2x25x80xi32, #tpu.memory_space<vmem>> -> memref<1x1x80xi32, #tpu.memory_space<vmem>>
        %dma_wait3A_589 = tpu.memref_squeeze %dma_wait3A_588 : memref<1x1x80xi32, #tpu.memory_space<vmem>> -> memref<80xi32, #tpu.memory_space<vmem>>
        %dma_wait3A_590 = arith.constant 0 : i32
        %dma_wait3A_591 = arith.constant 0 : i32
        %dma_wait3A_592 = tpu.memref_slice %arg14[%dma_wait3A_590, %dma_wait3A_591] : memref<10240x128xf32, #tpu.memory_space<vmem_shared>> -> memref<10240x128xf32, #tpu.memory_space<vmem_shared>>
        tpu.wait_indirect_dma semaphore(%run_scoped3A_580 : memref<!tpu.dma_semaphore, #tpu.memory_space<semaphore_mem>>) src(%arg12 : memref<80x128xf32, #tpu.memory_space<vmem>>) dst(%dma_wait3A_592 : memref<10240x128xf32, #tpu.memory_space<vmem_shared>>)
        tpu.yield
      }) : () -> ()
      %add3A_556 = arith.constant 2 : i32
      %add3A_557 = arith.addi %mul3A_537, %add3A_556 : i32
      %dma_start3A_558 = arith.constant 0 : i32
      %dma_start3A_559 = arith.constant 0 : i32
      %dma_start3A_560 = tpu.memref_slice %arg10[%dma_start3A_558, %add3A_557, %dma_start3A_559] : memref<2x25x80xi32, #tpu.memory_space<vmem>> -> memref<1x1x80xi32, #tpu.memory_space<vmem>>
      %dma_start3A_561 = tpu.memref_squeeze %dma_start3A_560 : memref<1x1x80xi32, #tpu.memory_space<vmem>> -> memref<80xi32, #tpu.memory_space<vmem>>
      %dma_start3A_562 = arith.constant 0 : i32
      %dma_start3A_563 = arith.constant 0 : i32
      %dma_start3A_564 = tpu.memref_slice %arg2[%dma_start3A_562, %dma_start3A_563] : memref<10240x128xf32, #tpu.memory_space<hbm>> -> memref<10240x128xf32, #tpu.memory_space<hbm>>
      tpu.enqueue_indirect_dma source(%dma_start3A_564 : memref<10240x128xf32, #tpu.memory_space<hbm>>) target(%arg12 : memref<80x128xf32, #tpu.memory_space<vmem>>) offsets(%dma_start3A_561 : memref<80xi32, #tpu.memory_space<vmem>>) semaphore(%arg15 : memref<!tpu.dma_semaphore, #tpu.memory_space<semaphore_mem>>)
      %add3A_565 = arith.constant 1 : i32
      %add3A_566 = arith.addi %mul3A_537, %add3A_565 : i32
      %run_scoped3A_567 = arith.constant 0 : i32
      "tpu.region"() ({
        %run_scoped3A_580 = tpu.sem_alloc : memref<!tpu.dma_semaphore, #tpu.memory_space<semaphore_mem>>
        %dma_start3A_581 = arith.constant 0 : i32
        %dma_start3A_582 = tpu.memref_slice %arg11[%run_scoped3A_567, %add3A_566, %dma_start3A_581] : memref<2x25x80xi32, #tpu.memory_space<vmem>> -> memref<1x1x80xi32, #tpu.memory_space<vmem>>
        %dma_start3A_583 = tpu.memref_squeeze %dma_start3A_582 : memref<1x1x80xi32, #tpu.memory_space<vmem>> -> memref<80xi32, #tpu.memory_space<vmem>>
        %dma_start3A_584 = arith.constant 0 : i32
        %dma_start3A_585 = tpu.memref_slice %arg20[%dma_start3A_584] : memref<10240xf32, #tpu.memory_space<vmem_shared>> -> memref<10240xf32, #tpu.memory_space<vmem_shared>>
        tpu.enqueue_indirect_dma source(%arg19 : memref<80xf32, #tpu.memory_space<vmem>>) target(%dma_start3A_585 : memref<10240xf32, #tpu.memory_space<vmem_shared>>) offsets(%dma_start3A_583 : memref<80xi32, #tpu.memory_space<vmem>>) semaphore(%run_scoped3A_580 : memref<!tpu.dma_semaphore, #tpu.memory_space<semaphore_mem>>) {add = true}
        %dma_wait3A_586 = arith.constant 0 : i32
        %dma_wait3A_587 = tpu.memref_slice %arg11[%run_scoped3A_567, %add3A_566, %dma_wait3A_586] : memref<2x25x80xi32, #tpu.memory_space<vmem>> -> memref<1x1x80xi32, #tpu.memory_space<vmem>>
        %dma_wait3A_588 = tpu.memref_squeeze %dma_wait3A_587 : memref<1x1x80xi32, #tpu.memory_space<vmem>> -> memref<80xi32, #tpu.memory_space<vmem>>
        %dma_wait3A_589 = arith.constant 0 : i32
        %dma_wait3A_590 = tpu.memref_slice %arg20[%dma_wait3A_589] : memref<10240xf32, #tpu.memory_space<vmem_shared>> -> memref<10240xf32, #tpu.memory_space<vmem_shared>>
        tpu.wait_indirect_dma semaphore(%run_scoped3A_580 : memref<!tpu.dma_semaphore, #tpu.memory_space<semaphore_mem>>) src(%arg19 : memref<80xf32, #tpu.memory_space<vmem>>) dst(%dma_wait3A_590 : memref<10240xf32, #tpu.memory_space<vmem_shared>>)
        tpu.yield
      }) : () -> ()
      %add3A_568 = arith.constant 1 : i32
      %add3A_569 = arith.addi %mul3A_537, %add3A_568 : i32
      %dma_wait3A_570 = arith.constant 0 : i32
      %dma_wait3A_571 = arith.constant 0 : i32
      %dma_wait3A_572 = tpu.memref_slice %arg10[%dma_wait3A_570, %add3A_569, %dma_wait3A_571] : memref<2x25x80xi32, #tpu.memory_space<vmem>> -> memref<1x1x80xi32, #tpu.memory_space<vmem>>
      %dma_wait3A_573 = tpu.memref_squeeze %dma_wait3A_572 : memref<1x1x80xi32, #tpu.memory_space<vmem>> -> memref<80xi32, #tpu.memory_space<vmem>>
      %dma_wait3A_574 = arith.constant 0 : i32
      %dma_wait3A_575 = arith.constant 0 : i32
      %dma_wait3A_576 = tpu.memref_slice %arg2[%dma_wait3A_574, %dma_wait3A_575] : memref<10240x128xf32, #tpu.memory_space<hbm>> -> memref<10240x128xf32, #tpu.memory_space<hbm>>
      tpu.wait_indirect_dma semaphore(%arg16 : memref<!tpu.dma_semaphore, #tpu.memory_space<semaphore_mem>>) src(%dma_wait3A_576 : memref<10240x128xf32, #tpu.memory_space<hbm>>) dst(%arg13 : memref<80x128xf32, #tpu.memory_space<vmem>>)
      %add3A_577 = arith.constant 1 : i32
      %add3A_578 = arith.addi %mul3A_537, %add3A_577 : i32
      %run_scoped3A_579 = arith.constant 0 : i32
      "tpu.region"() ({
        %run_scoped3A_580 = tpu.sem_alloc : memref<!tpu.dma_semaphore, #tpu.memory_space<semaphore_mem>>
        %dma_start3A_581 = arith.constant 0 : i32
        %dma_start3A_582 = tpu.memref_slice %arg11[%run_scoped3A_579, %add3A_578, %dma_start3A_581] : memref<2x25x80xi32, #tpu.memory_space<vmem>> -> memref<1x1x80xi32, #tpu.memory_space<vmem>>
        %dma_start3A_583 = tpu.memref_squeeze %dma_start3A_582 : memref<1x1x80xi32, #tpu.memory_space<vmem>> -> memref<80xi32, #tpu.memory_space<vmem>>
        %dma_start3A_584 = arith.constant 0 : i32
        %dma_start3A_585 = arith.constant 0 : i32
        %dma_start3A_586 = tpu.memref_slice %arg14[%dma_start3A_584, %dma_start3A_585] : memref<10240x128xf32, #tpu.memory_space<vmem_shared>> -> memref<10240x128xf32, #tpu.memory_space<vmem_shared>>
        tpu.enqueue_indirect_dma source(%arg13 : memref<80x128xf32, #tpu.memory_space<vmem>>) target(%dma_start3A_586 : memref<10240x128xf32, #tpu.memory_space<vmem_shared>>) offsets(%dma_start3A_583 : memref<80xi32, #tpu.memory_space<vmem>>) semaphore(%run_scoped3A_580 : memref<!tpu.dma_semaphore, #tpu.memory_space<semaphore_mem>>) {add = true}
        %dma_wait3A_587 = arith.constant 0 : i32
        %dma_wait3A_588 = tpu.memref_slice %arg11[%run_scoped3A_579, %add3A_578, %dma_wait3A_587] : memref<2x25x80xi32, #tpu.memory_space<vmem>> -> memref<1x1x80xi32, #tpu.memory_space<vmem>>
        %dma_wait3A_589 = tpu.memref_squeeze %dma_wait3A_588 : memref<1x1x80xi32, #tpu.memory_space<vmem>> -> memref<80xi32, #tpu.memory_space<vmem>>
        %dma_wait3A_590 = arith.constant 0 : i32
        %dma_wait3A_591 = arith.constant 0 : i32
        %dma_wait3A_592 = tpu.memref_slice %arg14[%dma_wait3A_590, %dma_wait3A_591] : memref<10240x128xf32, #tpu.memory_space<vmem_shared>> -> memref<10240x128xf32, #tpu.memory_space<vmem_shared>>
        tpu.wait_indirect_dma semaphore(%run_scoped3A_580 : memref<!tpu.dma_semaphore, #tpu.memory_space<semaphore_mem>>) src(%arg13 : memref<80x128xf32, #tpu.memory_space<vmem>>) dst(%dma_wait3A_592 : memref<10240x128xf32, #tpu.memory_space<vmem_shared>>)
        tpu.yield
      }) : () -> ()
    }
    %scan3A_346 = arith.constant 12 : i32
    %dma_wait3A_347 = arith.constant 0 : i32
    %dma_wait3A_348 = arith.constant 24 : i32
    %dma_wait3A_349 = arith.constant 0 : i32
    %dma_wait3A_350 = tpu.memref_slice %arg10[%dma_wait3A_347, %dma_wait3A_348, %dma_wait3A_349] : memref<2x25x80xi32, #tpu.memory_space<vmem>> -> memref<1x1x80xi32, #tpu.memory_space<vmem>>
    %dma_wait3A_351 = tpu.memref_squeeze %dma_wait3A_350 : memref<1x1x80xi32, #tpu.memory_space<vmem>> -> memref<80xi32, #tpu.memory_space<vmem>>
    %dma_wait3A_352 = arith.constant 0 : i32
    %dma_wait3A_353 = arith.constant 0 : i32
    %dma_wait3A_354 = tpu.memref_slice %arg2[%dma_wait3A_352, %dma_wait3A_353] : memref<10240x128xf32, #tpu.memory_space<hbm>> -> memref<10240x128xf32, #tpu.memory_space<hbm>>
    tpu.wait_indirect_dma semaphore(%arg15 : memref<!tpu.dma_semaphore, #tpu.memory_space<semaphore_mem>>) src(%dma_wait3A_354 : memref<10240x128xf32, #tpu.memory_space<hbm>>) dst(%arg12 : memref<80x128xf32, #tpu.memory_space<vmem>>)
    %run_scoped3A_355 = arith.constant 0 : i32
    %run_scoped3A_356 = arith.constant 24 : i32
    "tpu.region"() ({
      %run_scoped3A_535 = tpu.sem_alloc : memref<!tpu.dma_semaphore, #tpu.memory_space<semaphore_mem>>
      %dma_start3A_536 = arith.constant 0 : i32
      %dma_start3A_537 = tpu.memref_slice %arg11[%run_scoped3A_355, %run_scoped3A_356, %dma_start3A_536] : memref<2x25x80xi32, #tpu.memory_space<vmem>> -> memref<1x1x80xi32, #tpu.memory_space<vmem>>
      %dma_start3A_538 = tpu.memref_squeeze %dma_start3A_537 : memref<1x1x80xi32, #tpu.memory_space<vmem>> -> memref<80xi32, #tpu.memory_space<vmem>>
      %dma_start3A_539 = arith.constant 0 : i32
      %dma_start3A_540 = arith.constant 0 : i32
      %dma_start3A_541 = tpu.memref_slice %arg14[%dma_start3A_539, %dma_start3A_540] : memref<10240x128xf32, #tpu.memory_space<vmem_shared>> -> memref<10240x128xf32, #tpu.memory_space<vmem_shared>>
      tpu.enqueue_indirect_dma source(%arg12 : memref<80x128xf32, #tpu.memory_space<vmem>>) target(%dma_start3A_541 : memref<10240x128xf32, #tpu.memory_space<vmem_shared>>) offsets(%dma_start3A_538 : memref<80xi32, #tpu.memory_space<vmem>>) semaphore(%run_scoped3A_535 : memref<!tpu.dma_semaphore, #tpu.memory_space<semaphore_mem>>) {add = true}
      %dma_wait3A_542 = arith.constant 0 : i32
      %dma_wait3A_543 = tpu.memref_slice %arg11[%run_scoped3A_355, %run_scoped3A_356, %dma_wait3A_542] : memref<2x25x80xi32, #tpu.memory_space<vmem>> -> memref<1x1x80xi32, #tpu.memory_space<vmem>>
      %dma_wait3A_544 = tpu.memref_squeeze %dma_wait3A_543 : memref<1x1x80xi32, #tpu.memory_space<vmem>> -> memref<80xi32, #tpu.memory_space<vmem>>
      %dma_wait3A_545 = arith.constant 0 : i32
      %dma_wait3A_546 = arith.constant 0 : i32
      %dma_wait3A_547 = tpu.memref_slice %arg14[%dma_wait3A_545, %dma_wait3A_546] : memref<10240x128xf32, #tpu.memory_space<vmem_shared>> -> memref<10240x128xf32, #tpu.memory_space<vmem_shared>>
      tpu.wait_indirect_dma semaphore(%run_scoped3A_535 : memref<!tpu.dma_semaphore, #tpu.memory_space<semaphore_mem>>) src(%arg12 : memref<80x128xf32, #tpu.memory_space<vmem>>) dst(%dma_wait3A_547 : memref<10240x128xf32, #tpu.memory_space<vmem_shared>>)
      tpu.yield
    }) : () -> ()
    %run_scoped3A_357 = arith.constant 0 : i32
    %run_scoped3A_358 = arith.constant 24 : i32
    "tpu.region"() ({
      %run_scoped3A_535 = tpu.sem_alloc : memref<!tpu.dma_semaphore, #tpu.memory_space<semaphore_mem>>
      %dma_start3A_536 = arith.constant 0 : i32
      %dma_start3A_537 = tpu.memref_slice %arg11[%run_scoped3A_357, %run_scoped3A_358, %dma_start3A_536] : memref<2x25x80xi32, #tpu.memory_space<vmem>> -> memref<1x1x80xi32, #tpu.memory_space<vmem>>
      %dma_start3A_538 = tpu.memref_squeeze %dma_start3A_537 : memref<1x1x80xi32, #tpu.memory_space<vmem>> -> memref<80xi32, #tpu.memory_space<vmem>>
      %dma_start3A_539 = arith.constant 0 : i32
      %dma_start3A_540 = tpu.memref_slice %arg20[%dma_start3A_539] : memref<10240xf32, #tpu.memory_space<vmem_shared>> -> memref<10240xf32, #tpu.memory_space<vmem_shared>>
      tpu.enqueue_indirect_dma source(%arg19 : memref<80xf32, #tpu.memory_space<vmem>>) target(%dma_start3A_540 : memref<10240xf32, #tpu.memory_space<vmem_shared>>) offsets(%dma_start3A_538 : memref<80xi32, #tpu.memory_space<vmem>>) semaphore(%run_scoped3A_535 : memref<!tpu.dma_semaphore, #tpu.memory_space<semaphore_mem>>) {add = true}
      %dma_wait3A_541 = arith.constant 0 : i32
      %dma_wait3A_542 = tpu.memref_slice %arg11[%run_scoped3A_357, %run_scoped3A_358, %dma_wait3A_541] : memref<2x25x80xi32, #tpu.memory_space<vmem>> -> memref<1x1x80xi32, #tpu.memory_space<vmem>>
      %dma_wait3A_543 = tpu.memref_squeeze %dma_wait3A_542 : memref<1x1x80xi32, #tpu.memory_space<vmem>> -> memref<80xi32, #tpu.memory_space<vmem>>
      %dma_wait3A_544 = arith.constant 0 : i32
      %dma_wait3A_545 = tpu.memref_slice %arg20[%dma_wait3A_544] : memref<10240xf32, #tpu.memory_space<vmem_shared>> -> memref<10240xf32, #tpu.memory_space<vmem_shared>>
      tpu.wait_indirect_dma semaphore(%run_scoped3A_535 : memref<!tpu.dma_semaphore, #tpu.memory_space<semaphore_mem>>) src(%arg19 : memref<80xf32, #tpu.memory_space<vmem>>) dst(%dma_wait3A_545 : memref<10240xf32, #tpu.memory_space<vmem_shared>>)
      tpu.yield
    }) : () -> ()
    %dma_wait3A_359 = arith.constant 3 : i32
    %dma_wait3A_360 = arith.constant 1 : i32
    %dma_wait3A_361 = arith.constant 0 : i32
    %dma_wait3A_362 = arith.constant 0 : i32
    %dma_wait3A_363 = tpu.memref_slice %arg10[%dma_wait3A_360, %dma_wait3A_361, %dma_wait3A_362] : memref<2x25x80xi32, #tpu.memory_space<vmem>> -> memref<1x25x80xi32, #tpu.memory_space<vmem>>
    %dma_wait3A_364 = tpu.memref_squeeze %dma_wait3A_363 : memref<1x25x80xi32, #tpu.memory_space<vmem>> -> memref<25x80xi32, #tpu.memory_space<vmem>>
    %dma_wait3A_365 = arith.constant 0 : i32
    %dma_wait3A_366 = arith.constant 0 : i32
    %dma_wait3A_367 = tpu.memref_slice %arg3[%add3A, %dma_wait3A_359, %dma_wait3A_365, %dma_wait3A_366] : memref<32x5x25x80xi32, #tpu.memory_space<hbm>> -> memref<1x1x25x80xi32, #tpu.memory_space<hbm>>
    %dma_wait3A_368 = tpu.memref_squeeze %dma_wait3A_367 : memref<1x1x25x80xi32, #tpu.memory_space<hbm>> -> memref<25x80xi32, #tpu.memory_space<hbm>>
    %dma_wait3A_369 = arith.constant 0 : i32
    %dma_wait3A_370 = arith.constant 0 : i32
    %dma_wait3A_371 = tpu.memref_slice %arg10[%dma_wait3A_360, %dma_wait3A_369, %dma_wait3A_370] : memref<2x25x80xi32, #tpu.memory_space<vmem>> -> memref<1x25x80xi32, #tpu.memory_space<vmem>>
    %dma_wait3A_372 = tpu.memref_squeeze %dma_wait3A_371 : memref<1x25x80xi32, #tpu.memory_space<vmem>> -> memref<25x80xi32, #tpu.memory_space<vmem>>
    %dma_wait3A_373 = arith.constant 0 : i32
    %dma_wait3A_374 = arith.constant 0 : i32
    %dma_wait3A_375 = tpu.memref_slice %arg3[%add3A, %dma_wait3A_359, %dma_wait3A_373, %dma_wait3A_374] : memref<32x5x25x80xi32, #tpu.memory_space<hbm>> -> memref<1x1x25x80xi32, #tpu.memory_space<hbm>>
    %dma_wait3A_376 = tpu.memref_squeeze %dma_wait3A_375 : memref<1x1x25x80xi32, #tpu.memory_space<hbm>> -> memref<25x80xi32, #tpu.memory_space<hbm>>
    tpu.wait_dma2 semaphore(%arg18 : memref<!tpu.dma_semaphore, #tpu.memory_space<semaphore_mem>>) src(%dma_wait3A_376 : memref<25x80xi32, #tpu.memory_space<hbm>>) dst(%dma_wait3A_372 : memref<25x80xi32, #tpu.memory_space<vmem>>)
    %dma_wait3A_377 = arith.constant 3 : i32
    %dma_wait3A_378 = arith.constant 1 : i32
    %dma_wait3A_379 = arith.constant 0 : i32
    %dma_wait3A_380 = arith.constant 0 : i32
    %dma_wait3A_381 = tpu.memref_slice %arg11[%dma_wait3A_378, %dma_wait3A_379, %dma_wait3A_380] : memref<2x25x80xi32, #tpu.memory_space<vmem>> -> memref<1x25x80xi32, #tpu.memory_space<vmem>>
    %dma_wait3A_382 = tpu.memref_squeeze %dma_wait3A_381 : memref<1x25x80xi32, #tpu.memory_space<vmem>> -> memref<25x80xi32, #tpu.memory_space<vmem>>
    %dma_wait3A_383 = arith.constant 0 : i32
    %dma_wait3A_384 = arith.constant 0 : i32
    %dma_wait3A_385 = tpu.memref_slice %arg4[%add3A, %dma_wait3A_377, %dma_wait3A_383, %dma_wait3A_384] : memref<32x5x25x80xi32, #tpu.memory_space<hbm>> -> memref<1x1x25x80xi32, #tpu.memory_space<hbm>>
    %dma_wait3A_386 = tpu.memref_squeeze %dma_wait3A_385 : memref<1x1x25x80xi32, #tpu.memory_space<hbm>> -> memref<25x80xi32, #tpu.memory_space<hbm>>
    %dma_wait3A_387 = arith.constant 0 : i32
    %dma_wait3A_388 = arith.constant 0 : i32
    %dma_wait3A_389 = tpu.memref_slice %arg11[%dma_wait3A_378, %dma_wait3A_387, %dma_wait3A_388] : memref<2x25x80xi32, #tpu.memory_space<vmem>> -> memref<1x25x80xi32, #tpu.memory_space<vmem>>
    %dma_wait3A_390 = tpu.memref_squeeze %dma_wait3A_389 : memref<1x25x80xi32, #tpu.memory_space<vmem>> -> memref<25x80xi32, #tpu.memory_space<vmem>>
    %dma_wait3A_391 = arith.constant 0 : i32
    %dma_wait3A_392 = arith.constant 0 : i32
    %dma_wait3A_393 = tpu.memref_slice %arg4[%add3A, %dma_wait3A_377, %dma_wait3A_391, %dma_wait3A_392] : memref<32x5x25x80xi32, #tpu.memory_space<hbm>> -> memref<1x1x25x80xi32, #tpu.memory_space<hbm>>
    %dma_wait3A_394 = tpu.memref_squeeze %dma_wait3A_393 : memref<1x1x25x80xi32, #tpu.memory_space<hbm>> -> memref<25x80xi32, #tpu.memory_space<hbm>>
    tpu.wait_dma2 semaphore(%arg18 : memref<!tpu.dma_semaphore, #tpu.memory_space<semaphore_mem>>) src(%dma_wait3A_394 : memref<25x80xi32, #tpu.memory_space<hbm>>) dst(%dma_wait3A_390 : memref<25x80xi32, #tpu.memory_space<vmem>>)
    %dma_start3A_395 = arith.constant 4 : i32
    %dma_start3A_396 = arith.constant 0 : i32
    %dma_start3A_397 = arith.constant 0 : i32
    %dma_start3A_398 = arith.constant 0 : i32
    %dma_start3A_399 = tpu.memref_slice %arg10[%dma_start3A_396, %dma_start3A_397, %dma_start3A_398] : memref<2x25x80xi32, #tpu.memory_space<vmem>> -> memref<1x25x80xi32, #tpu.memory_space<vmem>>
    %dma_start3A_400 = tpu.memref_squeeze %dma_start3A_399 : memref<1x25x80xi32, #tpu.memory_space<vmem>> -> memref<25x80xi32, #tpu.memory_space<vmem>>
    %dma_start3A_401 = arith.constant 0 : i32
    %dma_start3A_402 = arith.constant 0 : i32
    %dma_start3A_403 = tpu.memref_slice %arg3[%add3A, %dma_start3A_395, %dma_start3A_401, %dma_start3A_402] : memref<32x5x25x80xi32, #tpu.memory_space<hbm>> -> memref<1x1x25x80xi32, #tpu.memory_space<hbm>>
    %dma_start3A_404 = tpu.memref_squeeze %dma_start3A_403 : memref<1x1x25x80xi32, #tpu.memory_space<hbm>> -> memref<25x80xi32, #tpu.memory_space<hbm>>
    %dma_start3A_405 = arith.constant 0 : i32
    %dma_start3A_406 = arith.constant 0 : i32
    %dma_start3A_407 = tpu.memref_slice %arg10[%dma_start3A_396, %dma_start3A_405, %dma_start3A_406] : memref<2x25x80xi32, #tpu.memory_space<vmem>> -> memref<1x25x80xi32, #tpu.memory_space<vmem>>
    %dma_start3A_408 = tpu.memref_squeeze %dma_start3A_407 : memref<1x25x80xi32, #tpu.memory_space<vmem>> -> memref<25x80xi32, #tpu.memory_space<vmem>>
    %dma_start3A_409 = arith.constant 0 : i32
    %dma_start3A_410 = arith.constant 0 : i32
    %dma_start3A_411 = tpu.memref_slice %arg3[%add3A, %dma_start3A_395, %dma_start3A_409, %dma_start3A_410] : memref<32x5x25x80xi32, #tpu.memory_space<hbm>> -> memref<1x1x25x80xi32, #tpu.memory_space<hbm>>
    %dma_start3A_412 = tpu.memref_squeeze %dma_start3A_411 : memref<1x1x25x80xi32, #tpu.memory_space<hbm>> -> memref<25x80xi32, #tpu.memory_space<hbm>>
    tpu.enqueue_dma source(%dma_start3A_412 : memref<25x80xi32, #tpu.memory_space<hbm>>) target(%dma_start3A_408 : memref<25x80xi32, #tpu.memory_space<vmem>>) target_semaphore(%arg17 : memref<!tpu.dma_semaphore, #tpu.memory_space<semaphore_mem>>)
    %dma_start3A_413 = arith.constant 4 : i32
    %dma_start3A_414 = arith.constant 0 : i32
    %dma_start3A_415 = arith.constant 0 : i32
    %dma_start3A_416 = arith.constant 0 : i32
    %dma_start3A_417 = tpu.memref_slice %arg11[%dma_start3A_414, %dma_start3A_415, %dma_start3A_416] : memref<2x25x80xi32, #tpu.memory_space<vmem>> -> memref<1x25x80xi32, #tpu.memory_space<vmem>>
    %dma_start3A_418 = tpu.memref_squeeze %dma_start3A_417 : memref<1x25x80xi32, #tpu.memory_space<vmem>> -> memref<25x80xi32, #tpu.memory_space<vmem>>
    %dma_start3A_419 = arith.constant 0 : i32
    %dma_start3A_420 = arith.constant 0 : i32
    %dma_start3A_421 = tpu.memref_slice %arg4[%add3A, %dma_start3A_413, %dma_start3A_419, %dma_start3A_420] : memref<32x5x25x80xi32, #tpu.memory_space<hbm>> -> memref<1x1x25x80xi32, #tpu.memory_space<hbm>>
    %dma_start3A_422 = tpu.memref_squeeze %dma_start3A_421 : memref<1x1x25x80xi32, #tpu.memory_space<hbm>> -> memref<25x80xi32, #tpu.memory_space<hbm>>
    %dma_start3A_423 = arith.constant 0 : i32
    %dma_start3A_424 = arith.constant 0 : i32
    %dma_start3A_425 = tpu.memref_slice %arg11[%dma_start3A_414, %dma_start3A_423, %dma_start3A_424] : memref<2x25x80xi32, #tpu.memory_space<vmem>> -> memref<1x25x80xi32, #tpu.memory_space<vmem>>
    %dma_start3A_426 = tpu.memref_squeeze %dma_start3A_425 : memref<1x25x80xi32, #tpu.memory_space<vmem>> -> memref<25x80xi32, #tpu.memory_space<vmem>>
    %dma_start3A_427 = arith.constant 0 : i32
    %dma_start3A_428 = arith.constant 0 : i32
    %dma_start3A_429 = tpu.memref_slice %arg4[%add3A, %dma_start3A_413, %dma_start3A_427, %dma_start3A_428] : memref<32x5x25x80xi32, #tpu.memory_space<hbm>> -> memref<1x1x25x80xi32, #tpu.memory_space<hbm>>
    %dma_start3A_430 = tpu.memref_squeeze %dma_start3A_429 : memref<1x1x25x80xi32, #tpu.memory_space<hbm>> -> memref<25x80xi32, #tpu.memory_space<hbm>>
    tpu.enqueue_dma source(%dma_start3A_430 : memref<25x80xi32, #tpu.memory_space<hbm>>) target(%dma_start3A_426 : memref<25x80xi32, #tpu.memory_space<vmem>>) target_semaphore(%arg17 : memref<!tpu.dma_semaphore, #tpu.memory_space<semaphore_mem>>)
    %dma_start3A_431 = arith.constant 1 : i32
    %dma_start3A_432 = arith.constant 0 : i32
    %dma_start3A_433 = arith.constant 0 : i32
    %dma_start3A_434 = tpu.memref_slice %arg10[%dma_start3A_431, %dma_start3A_432, %dma_start3A_433] : memref<2x25x80xi32, #tpu.memory_space<vmem>> -> memref<1x1x80xi32, #tpu.memory_space<vmem>>
    %dma_start3A_435 = tpu.memref_squeeze %dma_start3A_434 : memref<1x1x80xi32, #tpu.memory_space<vmem>> -> memref<80xi32, #tpu.memory_space<vmem>>
    %dma_start3A_436 = arith.constant 0 : i32
    %dma_start3A_437 = arith.constant 0 : i32
    %dma_start3A_438 = tpu.memref_slice %arg2[%dma_start3A_436, %dma_start3A_437] : memref<10240x128xf32, #tpu.memory_space<hbm>> -> memref<10240x128xf32, #tpu.memory_space<hbm>>
    tpu.enqueue_indirect_dma source(%dma_start3A_438 : memref<10240x128xf32, #tpu.memory_space<hbm>>) target(%arg12 : memref<80x128xf32, #tpu.memory_space<vmem>>) offsets(%dma_start3A_435 : memref<80xi32, #tpu.memory_space<vmem>>) semaphore(%arg15 : memref<!tpu.dma_semaphore, #tpu.memory_space<semaphore_mem>>)
    %scan3A_439 = arith.constant 0 : i32
    %scan3A_440 = arith.constant 0 : i32
    %scan3A_441 = arith.constant 12 : i32
    %scan3A_442 = arith.addi %scan3A_440, %scan3A_441 : i32
    %scan3A_443 = arith.constant 1 : i32
    scf.for %scan3A_535 = %scan3A_440 to %scan3A_442 step %scan3A_443  : i32 {
      %mul3A_536 = arith.constant 2 : i32
      %mul3A_537 = arith.muli %mul3A_536, %scan3A_535 : i32
      %add3A_538 = arith.constant 1 : i32
      %add3A_539 = arith.addi %mul3A_537, %add3A_538 : i32
      %dma_start3A_540 = arith.constant 1 : i32
      %dma_start3A_541 = arith.constant 0 : i32
      %dma_start3A_542 = tpu.memref_slice %arg10[%dma_start3A_540, %add3A_539, %dma_start3A_541] : memref<2x25x80xi32, #tpu.memory_space<vmem>> -> memref<1x1x80xi32, #tpu.memory_space<vmem>>
      %dma_start3A_543 = tpu.memref_squeeze %dma_start3A_542 : memref<1x1x80xi32, #tpu.memory_space<vmem>> -> memref<80xi32, #tpu.memory_space<vmem>>
      %dma_start3A_544 = arith.constant 0 : i32
      %dma_start3A_545 = arith.constant 0 : i32
      %dma_start3A_546 = tpu.memref_slice %arg2[%dma_start3A_544, %dma_start3A_545] : memref<10240x128xf32, #tpu.memory_space<hbm>> -> memref<10240x128xf32, #tpu.memory_space<hbm>>
      tpu.enqueue_indirect_dma source(%dma_start3A_546 : memref<10240x128xf32, #tpu.memory_space<hbm>>) target(%arg13 : memref<80x128xf32, #tpu.memory_space<vmem>>) offsets(%dma_start3A_543 : memref<80xi32, #tpu.memory_space<vmem>>) semaphore(%arg16 : memref<!tpu.dma_semaphore, #tpu.memory_space<semaphore_mem>>)
      %run_scoped3A_547 = arith.constant 1 : i32
      "tpu.region"() ({
        %run_scoped3A_580 = tpu.sem_alloc : memref<!tpu.dma_semaphore, #tpu.memory_space<semaphore_mem>>
        %dma_start3A_581 = arith.constant 0 : i32
        %dma_start3A_582 = tpu.memref_slice %arg11[%run_scoped3A_547, %mul3A_537, %dma_start3A_581] : memref<2x25x80xi32, #tpu.memory_space<vmem>> -> memref<1x1x80xi32, #tpu.memory_space<vmem>>
        %dma_start3A_583 = tpu.memref_squeeze %dma_start3A_582 : memref<1x1x80xi32, #tpu.memory_space<vmem>> -> memref<80xi32, #tpu.memory_space<vmem>>
        %dma_start3A_584 = arith.constant 0 : i32
        %dma_start3A_585 = tpu.memref_slice %arg20[%dma_start3A_584] : memref<10240xf32, #tpu.memory_space<vmem_shared>> -> memref<10240xf32, #tpu.memory_space<vmem_shared>>
        tpu.enqueue_indirect_dma source(%arg19 : memref<80xf32, #tpu.memory_space<vmem>>) target(%dma_start3A_585 : memref<10240xf32, #tpu.memory_space<vmem_shared>>) offsets(%dma_start3A_583 : memref<80xi32, #tpu.memory_space<vmem>>) semaphore(%run_scoped3A_580 : memref<!tpu.dma_semaphore, #tpu.memory_space<semaphore_mem>>) {add = true}
        %dma_wait3A_586 = arith.constant 0 : i32
        %dma_wait3A_587 = tpu.memref_slice %arg11[%run_scoped3A_547, %mul3A_537, %dma_wait3A_586] : memref<2x25x80xi32, #tpu.memory_space<vmem>> -> memref<1x1x80xi32, #tpu.memory_space<vmem>>
        %dma_wait3A_588 = tpu.memref_squeeze %dma_wait3A_587 : memref<1x1x80xi32, #tpu.memory_space<vmem>> -> memref<80xi32, #tpu.memory_space<vmem>>
        %dma_wait3A_589 = arith.constant 0 : i32
        %dma_wait3A_590 = tpu.memref_slice %arg20[%dma_wait3A_589] : memref<10240xf32, #tpu.memory_space<vmem_shared>> -> memref<10240xf32, #tpu.memory_space<vmem_shared>>
        tpu.wait_indirect_dma semaphore(%run_scoped3A_580 : memref<!tpu.dma_semaphore, #tpu.memory_space<semaphore_mem>>) src(%arg19 : memref<80xf32, #tpu.memory_space<vmem>>) dst(%dma_wait3A_590 : memref<10240xf32, #tpu.memory_space<vmem_shared>>)
        tpu.yield
      }) : () -> ()
      %dma_wait3A_548 = arith.constant 1 : i32
      %dma_wait3A_549 = arith.constant 0 : i32
      %dma_wait3A_550 = tpu.memref_slice %arg10[%dma_wait3A_548, %mul3A_537, %dma_wait3A_549] : memref<2x25x80xi32, #tpu.memory_space<vmem>> -> memref<1x1x80xi32, #tpu.memory_space<vmem>>
      %dma_wait3A_551 = tpu.memref_squeeze %dma_wait3A_550 : memref<1x1x80xi32, #tpu.memory_space<vmem>> -> memref<80xi32, #tpu.memory_space<vmem>>
      %dma_wait3A_552 = arith.constant 0 : i32
      %dma_wait3A_553 = arith.constant 0 : i32
      %dma_wait3A_554 = tpu.memref_slice %arg2[%dma_wait3A_552, %dma_wait3A_553] : memref<10240x128xf32, #tpu.memory_space<hbm>> -> memref<10240x128xf32, #tpu.memory_space<hbm>>
      tpu.wait_indirect_dma semaphore(%arg15 : memref<!tpu.dma_semaphore, #tpu.memory_space<semaphore_mem>>) src(%dma_wait3A_554 : memref<10240x128xf32, #tpu.memory_space<hbm>>) dst(%arg12 : memref<80x128xf32, #tpu.memory_space<vmem>>)
      %run_scoped3A_555 = arith.constant 1 : i32
      "tpu.region"() ({
        %run_scoped3A_580 = tpu.sem_alloc : memref<!tpu.dma_semaphore, #tpu.memory_space<semaphore_mem>>
        %dma_start3A_581 = arith.constant 0 : i32
        %dma_start3A_582 = tpu.memref_slice %arg11[%run_scoped3A_555, %mul3A_537, %dma_start3A_581] : memref<2x25x80xi32, #tpu.memory_space<vmem>> -> memref<1x1x80xi32, #tpu.memory_space<vmem>>
        %dma_start3A_583 = tpu.memref_squeeze %dma_start3A_582 : memref<1x1x80xi32, #tpu.memory_space<vmem>> -> memref<80xi32, #tpu.memory_space<vmem>>
        %dma_start3A_584 = arith.constant 0 : i32
        %dma_start3A_585 = arith.constant 0 : i32
        %dma_start3A_586 = tpu.memref_slice %arg14[%dma_start3A_584, %dma_start3A_585] : memref<10240x128xf32, #tpu.memory_space<vmem_shared>> -> memref<10240x128xf32, #tpu.memory_space<vmem_shared>>
        tpu.enqueue_indirect_dma source(%arg12 : memref<80x128xf32, #tpu.memory_space<vmem>>) target(%dma_start3A_586 : memref<10240x128xf32, #tpu.memory_space<vmem_shared>>) offsets(%dma_start3A_583 : memref<80xi32, #tpu.memory_space<vmem>>) semaphore(%run_scoped3A_580 : memref<!tpu.dma_semaphore, #tpu.memory_space<semaphore_mem>>) {add = true}
        %dma_wait3A_587 = arith.constant 0 : i32
        %dma_wait3A_588 = tpu.memref_slice %arg11[%run_scoped3A_555, %mul3A_537, %dma_wait3A_587] : memref<2x25x80xi32, #tpu.memory_space<vmem>> -> memref<1x1x80xi32, #tpu.memory_space<vmem>>
        %dma_wait3A_589 = tpu.memref_squeeze %dma_wait3A_588 : memref<1x1x80xi32, #tpu.memory_space<vmem>> -> memref<80xi32, #tpu.memory_space<vmem>>
        %dma_wait3A_590 = arith.constant 0 : i32
        %dma_wait3A_591 = arith.constant 0 : i32
        %dma_wait3A_592 = tpu.memref_slice %arg14[%dma_wait3A_590, %dma_wait3A_591] : memref<10240x128xf32, #tpu.memory_space<vmem_shared>> -> memref<10240x128xf32, #tpu.memory_space<vmem_shared>>
        tpu.wait_indirect_dma semaphore(%run_scoped3A_580 : memref<!tpu.dma_semaphore, #tpu.memory_space<semaphore_mem>>) src(%arg12 : memref<80x128xf32, #tpu.memory_space<vmem>>) dst(%dma_wait3A_592 : memref<10240x128xf32, #tpu.memory_space<vmem_shared>>)
        tpu.yield
      }) : () -> ()
      %add3A_556 = arith.constant 2 : i32
      %add3A_557 = arith.addi %mul3A_537, %add3A_556 : i32
      %dma_start3A_558 = arith.constant 1 : i32
      %dma_start3A_559 = arith.constant 0 : i32
      %dma_start3A_560 = tpu.memref_slice %arg10[%dma_start3A_558, %add3A_557, %dma_start3A_559] : memref<2x25x80xi32, #tpu.memory_space<vmem>> -> memref<1x1x80xi32, #tpu.memory_space<vmem>>
      %dma_start3A_561 = tpu.memref_squeeze %dma_start3A_560 : memref<1x1x80xi32, #tpu.memory_space<vmem>> -> memref<80xi32, #tpu.memory_space<vmem>>
      %dma_start3A_562 = arith.constant 0 : i32
      %dma_start3A_563 = arith.constant 0 : i32
      %dma_start3A_564 = tpu.memref_slice %arg2[%dma_start3A_562, %dma_start3A_563] : memref<10240x128xf32, #tpu.memory_space<hbm>> -> memref<10240x128xf32, #tpu.memory_space<hbm>>
      tpu.enqueue_indirect_dma source(%dma_start3A_564 : memref<10240x128xf32, #tpu.memory_space<hbm>>) target(%arg12 : memref<80x128xf32, #tpu.memory_space<vmem>>) offsets(%dma_start3A_561 : memref<80xi32, #tpu.memory_space<vmem>>) semaphore(%arg15 : memref<!tpu.dma_semaphore, #tpu.memory_space<semaphore_mem>>)
      %add3A_565 = arith.constant 1 : i32
      %add3A_566 = arith.addi %mul3A_537, %add3A_565 : i32
      %run_scoped3A_567 = arith.constant 1 : i32
      "tpu.region"() ({
        %run_scoped3A_580 = tpu.sem_alloc : memref<!tpu.dma_semaphore, #tpu.memory_space<semaphore_mem>>
        %dma_start3A_581 = arith.constant 0 : i32
        %dma_start3A_582 = tpu.memref_slice %arg11[%run_scoped3A_567, %add3A_566, %dma_start3A_581] : memref<2x25x80xi32, #tpu.memory_space<vmem>> -> memref<1x1x80xi32, #tpu.memory_space<vmem>>
        %dma_start3A_583 = tpu.memref_squeeze %dma_start3A_582 : memref<1x1x80xi32, #tpu.memory_space<vmem>> -> memref<80xi32, #tpu.memory_space<vmem>>
        %dma_start3A_584 = arith.constant 0 : i32
        %dma_start3A_585 = tpu.memref_slice %arg20[%dma_start3A_584] : memref<10240xf32, #tpu.memory_space<vmem_shared>> -> memref<10240xf32, #tpu.memory_space<vmem_shared>>
        tpu.enqueue_indirect_dma source(%arg19 : memref<80xf32, #tpu.memory_space<vmem>>) target(%dma_start3A_585 : memref<10240xf32, #tpu.memory_space<vmem_shared>>) offsets(%dma_start3A_583 : memref<80xi32, #tpu.memory_space<vmem>>) semaphore(%run_scoped3A_580 : memref<!tpu.dma_semaphore, #tpu.memory_space<semaphore_mem>>) {add = true}
        %dma_wait3A_586 = arith.constant 0 : i32
        %dma_wait3A_587 = tpu.memref_slice %arg11[%run_scoped3A_567, %add3A_566, %dma_wait3A_586] : memref<2x25x80xi32, #tpu.memory_space<vmem>> -> memref<1x1x80xi32, #tpu.memory_space<vmem>>
        %dma_wait3A_588 = tpu.memref_squeeze %dma_wait3A_587 : memref<1x1x80xi32, #tpu.memory_space<vmem>> -> memref<80xi32, #tpu.memory_space<vmem>>
        %dma_wait3A_589 = arith.constant 0 : i32
        %dma_wait3A_590 = tpu.memref_slice %arg20[%dma_wait3A_589] : memref<10240xf32, #tpu.memory_space<vmem_shared>> -> memref<10240xf32, #tpu.memory_space<vmem_shared>>
        tpu.wait_indirect_dma semaphore(%run_scoped3A_580 : memref<!tpu.dma_semaphore, #tpu.memory_space<semaphore_mem>>) src(%arg19 : memref<80xf32, #tpu.memory_space<vmem>>) dst(%dma_wait3A_590 : memref<10240xf32, #tpu.memory_space<vmem_shared>>)
        tpu.yield
      }) : () -> ()
      %add3A_568 = arith.constant 1 : i32
      %add3A_569 = arith.addi %mul3A_537, %add3A_568 : i32
      %dma_wait3A_570 = arith.constant 1 : i32
      %dma_wait3A_571 = arith.constant 0 : i32
      %dma_wait3A_572 = tpu.memref_slice %arg10[%dma_wait3A_570, %add3A_569, %dma_wait3A_571] : memref<2x25x80xi32, #tpu.memory_space<vmem>> -> memref<1x1x80xi32, #tpu.memory_space<vmem>>
      %dma_wait3A_573 = tpu.memref_squeeze %dma_wait3A_572 : memref<1x1x80xi32, #tpu.memory_space<vmem>> -> memref<80xi32, #tpu.memory_space<vmem>>
      %dma_wait3A_574 = arith.constant 0 : i32
      %dma_wait3A_575 = arith.constant 0 : i32
      %dma_wait3A_576 = tpu.memref_slice %arg2[%dma_wait3A_574, %dma_wait3A_575] : memref<10240x128xf32, #tpu.memory_space<hbm>> -> memref<10240x128xf32, #tpu.memory_space<hbm>>
      tpu.wait_indirect_dma semaphore(%arg16 : memref<!tpu.dma_semaphore, #tpu.memory_space<semaphore_mem>>) src(%dma_wait3A_576 : memref<10240x128xf32, #tpu.memory_space<hbm>>) dst(%arg13 : memref<80x128xf32, #tpu.memory_space<vmem>>)
      %add3A_577 = arith.constant 1 : i32
      %add3A_578 = arith.addi %mul3A_537, %add3A_577 : i32
      %run_scoped3A_579 = arith.constant 1 : i32
      "tpu.region"() ({
        %run_scoped3A_580 = tpu.sem_alloc : memref<!tpu.dma_semaphore, #tpu.memory_space<semaphore_mem>>
        %dma_start3A_581 = arith.constant 0 : i32
        %dma_start3A_582 = tpu.memref_slice %arg11[%run_scoped3A_579, %add3A_578, %dma_start3A_581] : memref<2x25x80xi32, #tpu.memory_space<vmem>> -> memref<1x1x80xi32, #tpu.memory_space<vmem>>
        %dma_start3A_583 = tpu.memref_squeeze %dma_start3A_582 : memref<1x1x80xi32, #tpu.memory_space<vmem>> -> memref<80xi32, #tpu.memory_space<vmem>>
        %dma_start3A_584 = arith.constant 0 : i32
        %dma_start3A_585 = arith.constant 0 : i32
        %dma_start3A_586 = tpu.memref_slice %arg14[%dma_start3A_584, %dma_start3A_585] : memref<10240x128xf32, #tpu.memory_space<vmem_shared>> -> memref<10240x128xf32, #tpu.memory_space<vmem_shared>>
        tpu.enqueue_indirect_dma source(%arg13 : memref<80x128xf32, #tpu.memory_space<vmem>>) target(%dma_start3A_586 : memref<10240x128xf32, #tpu.memory_space<vmem_shared>>) offsets(%dma_start3A_583 : memref<80xi32, #tpu.memory_space<vmem>>) semaphore(%run_scoped3A_580 : memref<!tpu.dma_semaphore, #tpu.memory_space<semaphore_mem>>) {add = true}
        %dma_wait3A_587 = arith.constant 0 : i32
        %dma_wait3A_588 = tpu.memref_slice %arg11[%run_scoped3A_579, %add3A_578, %dma_wait3A_587] : memref<2x25x80xi32, #tpu.memory_space<vmem>> -> memref<1x1x80xi32, #tpu.memory_space<vmem>>
        %dma_wait3A_589 = tpu.memref_squeeze %dma_wait3A_588 : memref<1x1x80xi32, #tpu.memory_space<vmem>> -> memref<80xi32, #tpu.memory_space<vmem>>
        %dma_wait3A_590 = arith.constant 0 : i32
        %dma_wait3A_591 = arith.constant 0 : i32
        %dma_wait3A_592 = tpu.memref_slice %arg14[%dma_wait3A_590, %dma_wait3A_591] : memref<10240x128xf32, #tpu.memory_space<vmem_shared>> -> memref<10240x128xf32, #tpu.memory_space<vmem_shared>>
        tpu.wait_indirect_dma semaphore(%run_scoped3A_580 : memref<!tpu.dma_semaphore, #tpu.memory_space<semaphore_mem>>) src(%arg13 : memref<80x128xf32, #tpu.memory_space<vmem>>) dst(%dma_wait3A_592 : memref<10240x128xf32, #tpu.memory_space<vmem_shared>>)
        tpu.yield
      }) : () -> ()
    }
    %scan3A_444 = arith.constant 12 : i32
    %dma_wait3A_445 = arith.constant 1 : i32
    %dma_wait3A_446 = arith.constant 24 : i32
    %dma_wait3A_447 = arith.constant 0 : i32
    %dma_wait3A_448 = tpu.memref_slice %arg10[%dma_wait3A_445, %dma_wait3A_446, %dma_wait3A_447] : memref<2x25x80xi32, #tpu.memory_space<vmem>> -> memref<1x1x80xi32, #tpu.memory_space<vmem>>
    %dma_wait3A_449 = tpu.memref_squeeze %dma_wait3A_448 : memref<1x1x80xi32, #tpu.memory_space<vmem>> -> memref<80xi32, #tpu.memory_space<vmem>>
    %dma_wait3A_450 = arith.constant 0 : i32
    %dma_wait3A_451 = arith.constant 0 : i32
    %dma_wait3A_452 = tpu.memref_slice %arg2[%dma_wait3A_450, %dma_wait3A_451] : memref<10240x128xf32, #tpu.memory_space<hbm>> -> memref<10240x128xf32, #tpu.memory_space<hbm>>
    tpu.wait_indirect_dma semaphore(%arg15 : memref<!tpu.dma_semaphore, #tpu.memory_space<semaphore_mem>>) src(%dma_wait3A_452 : memref<10240x128xf32, #tpu.memory_space<hbm>>) dst(%arg12 : memref<80x128xf32, #tpu.memory_space<vmem>>)
    %run_scoped3A_453 = arith.constant 1 : i32
    %run_scoped3A_454 = arith.constant 24 : i32
    "tpu.region"() ({
      %run_scoped3A_535 = tpu.sem_alloc : memref<!tpu.dma_semaphore, #tpu.memory_space<semaphore_mem>>
      %dma_start3A_536 = arith.constant 0 : i32
      %dma_start3A_537 = tpu.memref_slice %arg11[%run_scoped3A_453, %run_scoped3A_454, %dma_start3A_536] : memref<2x25x80xi32, #tpu.memory_space<vmem>> -> memref<1x1x80xi32, #tpu.memory_space<vmem>>
      %dma_start3A_538 = tpu.memref_squeeze %dma_start3A_537 : memref<1x1x80xi32, #tpu.memory_space<vmem>> -> memref<80xi32, #tpu.memory_space<vmem>>
      %dma_start3A_539 = arith.constant 0 : i32
      %dma_start3A_540 = arith.constant 0 : i32
      %dma_start3A_541 = tpu.memref_slice %arg14[%dma_start3A_539, %dma_start3A_540] : memref<10240x128xf32, #tpu.memory_space<vmem_shared>> -> memref<10240x128xf32, #tpu.memory_space<vmem_shared>>
      tpu.enqueue_indirect_dma source(%arg12 : memref<80x128xf32, #tpu.memory_space<vmem>>) target(%dma_start3A_541 : memref<10240x128xf32, #tpu.memory_space<vmem_shared>>) offsets(%dma_start3A_538 : memref<80xi32, #tpu.memory_space<vmem>>) semaphore(%run_scoped3A_535 : memref<!tpu.dma_semaphore, #tpu.memory_space<semaphore_mem>>) {add = true}
      %dma_wait3A_542 = arith.constant 0 : i32
      %dma_wait3A_543 = tpu.memref_slice %arg11[%run_scoped3A_453, %run_scoped3A_454, %dma_wait3A_542] : memref<2x25x80xi32, #tpu.memory_space<vmem>> -> memref<1x1x80xi32, #tpu.memory_space<vmem>>
      %dma_wait3A_544 = tpu.memref_squeeze %dma_wait3A_543 : memref<1x1x80xi32, #tpu.memory_space<vmem>> -> memref<80xi32, #tpu.memory_space<vmem>>
      %dma_wait3A_545 = arith.constant 0 : i32
      %dma_wait3A_546 = arith.constant 0 : i32
      %dma_wait3A_547 = tpu.memref_slice %arg14[%dma_wait3A_545, %dma_wait3A_546] : memref<10240x128xf32, #tpu.memory_space<vmem_shared>> -> memref<10240x128xf32, #tpu.memory_space<vmem_shared>>
      tpu.wait_indirect_dma semaphore(%run_scoped3A_535 : memref<!tpu.dma_semaphore, #tpu.memory_space<semaphore_mem>>) src(%arg12 : memref<80x128xf32, #tpu.memory_space<vmem>>) dst(%dma_wait3A_547 : memref<10240x128xf32, #tpu.memory_space<vmem_shared>>)
      tpu.yield
    }) : () -> ()
    %run_scoped3A_455 = arith.constant 1 : i32
    %run_scoped3A_456 = arith.constant 24 : i32
    "tpu.region"() ({
      %run_scoped3A_535 = tpu.sem_alloc : memref<!tpu.dma_semaphore, #tpu.memory_space<semaphore_mem>>
      %dma_start3A_536 = arith.constant 0 : i32
      %dma_start3A_537 = tpu.memref_slice %arg11[%run_scoped3A_455, %run_scoped3A_456, %dma_start3A_536] : memref<2x25x80xi32, #tpu.memory_space<vmem>> -> memref<1x1x80xi32, #tpu.memory_space<vmem>>
      %dma_start3A_538 = tpu.memref_squeeze %dma_start3A_537 : memref<1x1x80xi32, #tpu.memory_space<vmem>> -> memref<80xi32, #tpu.memory_space<vmem>>
      %dma_start3A_539 = arith.constant 0 : i32
      %dma_start3A_540 = tpu.memref_slice %arg20[%dma_start3A_539] : memref<10240xf32, #tpu.memory_space<vmem_shared>> -> memref<10240xf32, #tpu.memory_space<vmem_shared>>
      tpu.enqueue_indirect_dma source(%arg19 : memref<80xf32, #tpu.memory_space<vmem>>) target(%dma_start3A_540 : memref<10240xf32, #tpu.memory_space<vmem_shared>>) offsets(%dma_start3A_538 : memref<80xi32, #tpu.memory_space<vmem>>) semaphore(%run_scoped3A_535 : memref<!tpu.dma_semaphore, #tpu.memory_space<semaphore_mem>>) {add = true}
      %dma_wait3A_541 = arith.constant 0 : i32
      %dma_wait3A_542 = tpu.memref_slice %arg11[%run_scoped3A_455, %run_scoped3A_456, %dma_wait3A_541] : memref<2x25x80xi32, #tpu.memory_space<vmem>> -> memref<1x1x80xi32, #tpu.memory_space<vmem>>
      %dma_wait3A_543 = tpu.memref_squeeze %dma_wait3A_542 : memref<1x1x80xi32, #tpu.memory_space<vmem>> -> memref<80xi32, #tpu.memory_space<vmem>>
      %dma_wait3A_544 = arith.constant 0 : i32
      %dma_wait3A_545 = tpu.memref_slice %arg20[%dma_wait3A_544] : memref<10240xf32, #tpu.memory_space<vmem_shared>> -> memref<10240xf32, #tpu.memory_space<vmem_shared>>
      tpu.wait_indirect_dma semaphore(%run_scoped3A_535 : memref<!tpu.dma_semaphore, #tpu.memory_space<semaphore_mem>>) src(%arg19 : memref<80xf32, #tpu.memory_space<vmem>>) dst(%dma_wait3A_545 : memref<10240xf32, #tpu.memory_space<vmem_shared>>)
      tpu.yield
    }) : () -> ()
    %dma_wait3A_457 = arith.constant 4 : i32
    %dma_wait3A_458 = arith.constant 0 : i32
    %dma_wait3A_459 = arith.constant 0 : i32
    %dma_wait3A_460 = arith.constant 0 : i32
    %dma_wait3A_461 = tpu.memref_slice %arg10[%dma_wait3A_458, %dma_wait3A_459, %dma_wait3A_460] : memref<2x25x80xi32, #tpu.memory_space<vmem>> -> memref<1x25x80xi32, #tpu.memory_space<vmem>>
    %dma_wait3A_462 = tpu.memref_squeeze %dma_wait3A_461 : memref<1x25x80xi32, #tpu.memory_space<vmem>> -> memref<25x80xi32, #tpu.memory_space<vmem>>
    %dma_wait3A_463 = arith.constant 0 : i32
    %dma_wait3A_464 = arith.constant 0 : i32
    %dma_wait3A_465 = tpu.memref_slice %arg3[%add3A, %dma_wait3A_457, %dma_wait3A_463, %dma_wait3A_464] : memref<32x5x25x80xi32, #tpu.memory_space<hbm>> -> memref<1x1x25x80xi32, #tpu.memory_space<hbm>>
    %dma_wait3A_466 = tpu.memref_squeeze %dma_wait3A_465 : memref<1x1x25x80xi32, #tpu.memory_space<hbm>> -> memref<25x80xi32, #tpu.memory_space<hbm>>
    %dma_wait3A_467 = arith.constant 0 : i32
    %dma_wait3A_468 = arith.constant 0 : i32
    %dma_wait3A_469 = tpu.memref_slice %arg10[%dma_wait3A_458, %dma_wait3A_467, %dma_wait3A_468] : memref<2x25x80xi32, #tpu.memory_space<vmem>> -> memref<1x25x80xi32, #tpu.memory_space<vmem>>
    %dma_wait3A_470 = tpu.memref_squeeze %dma_wait3A_469 : memref<1x25x80xi32, #tpu.memory_space<vmem>> -> memref<25x80xi32, #tpu.memory_space<vmem>>
    %dma_wait3A_471 = arith.constant 0 : i32
    %dma_wait3A_472 = arith.constant 0 : i32
    %dma_wait3A_473 = tpu.memref_slice %arg3[%add3A, %dma_wait3A_457, %dma_wait3A_471, %dma_wait3A_472] : memref<32x5x25x80xi32, #tpu.memory_space<hbm>> -> memref<1x1x25x80xi32, #tpu.memory_space<hbm>>
    %dma_wait3A_474 = tpu.memref_squeeze %dma_wait3A_473 : memref<1x1x25x80xi32, #tpu.memory_space<hbm>> -> memref<25x80xi32, #tpu.memory_space<hbm>>
    tpu.wait_dma2 semaphore(%arg17 : memref<!tpu.dma_semaphore, #tpu.memory_space<semaphore_mem>>) src(%dma_wait3A_474 : memref<25x80xi32, #tpu.memory_space<hbm>>) dst(%dma_wait3A_470 : memref<25x80xi32, #tpu.memory_space<vmem>>)
    %dma_wait3A_475 = arith.constant 4 : i32
    %dma_wait3A_476 = arith.constant 0 : i32
    %dma_wait3A_477 = arith.constant 0 : i32
    %dma_wait3A_478 = arith.constant 0 : i32
    %dma_wait3A_479 = tpu.memref_slice %arg11[%dma_wait3A_476, %dma_wait3A_477, %dma_wait3A_478] : memref<2x25x80xi32, #tpu.memory_space<vmem>> -> memref<1x25x80xi32, #tpu.memory_space<vmem>>
    %dma_wait3A_480 = tpu.memref_squeeze %dma_wait3A_479 : memref<1x25x80xi32, #tpu.memory_space<vmem>> -> memref<25x80xi32, #tpu.memory_space<vmem>>
    %dma_wait3A_481 = arith.constant 0 : i32
    %dma_wait3A_482 = arith.constant 0 : i32
    %dma_wait3A_483 = tpu.memref_slice %arg4[%add3A, %dma_wait3A_475, %dma_wait3A_481, %dma_wait3A_482] : memref<32x5x25x80xi32, #tpu.memory_space<hbm>> -> memref<1x1x25x80xi32, #tpu.memory_space<hbm>>
    %dma_wait3A_484 = tpu.memref_squeeze %dma_wait3A_483 : memref<1x1x25x80xi32, #tpu.memory_space<hbm>> -> memref<25x80xi32, #tpu.memory_space<hbm>>
    %dma_wait3A_485 = arith.constant 0 : i32
    %dma_wait3A_486 = arith.constant 0 : i32
    %dma_wait3A_487 = tpu.memref_slice %arg11[%dma_wait3A_476, %dma_wait3A_485, %dma_wait3A_486] : memref<2x25x80xi32, #tpu.memory_space<vmem>> -> memref<1x25x80xi32, #tpu.memory_space<vmem>>
    %dma_wait3A_488 = tpu.memref_squeeze %dma_wait3A_487 : memref<1x25x80xi32, #tpu.memory_space<vmem>> -> memref<25x80xi32, #tpu.memory_space<vmem>>
    %dma_wait3A_489 = arith.constant 0 : i32
    %dma_wait3A_490 = arith.constant 0 : i32
    %dma_wait3A_491 = tpu.memref_slice %arg4[%add3A, %dma_wait3A_475, %dma_wait3A_489, %dma_wait3A_490] : memref<32x5x25x80xi32, #tpu.memory_space<hbm>> -> memref<1x1x25x80xi32, #tpu.memory_space<hbm>>
    %dma_wait3A_492 = tpu.memref_squeeze %dma_wait3A_491 : memref<1x1x25x80xi32, #tpu.memory_space<hbm>> -> memref<25x80xi32, #tpu.memory_space<hbm>>
    tpu.wait_dma2 semaphore(%arg17 : memref<!tpu.dma_semaphore, #tpu.memory_space<semaphore_mem>>) src(%dma_wait3A_492 : memref<25x80xi32, #tpu.memory_space<hbm>>) dst(%dma_wait3A_488 : memref<25x80xi32, #tpu.memory_space<vmem>>)
    %dma_start3A_493 = arith.constant 0 : i32
    %dma_start3A_494 = arith.constant 0 : i32
    %dma_start3A_495 = arith.constant 0 : i32
    %dma_start3A_496 = tpu.memref_slice %arg10[%dma_start3A_493, %dma_start3A_494, %dma_start3A_495] : memref<2x25x80xi32, #tpu.memory_space<vmem>> -> memref<1x1x80xi32, #tpu.memory_space<vmem>>
    %dma_start3A_497 = tpu.memref_squeeze %dma_start3A_496 : memref<1x1x80xi32, #tpu.memory_space<vmem>> -> memref<80xi32, #tpu.memory_space<vmem>>
    %dma_start3A_498 = arith.constant 0 : i32
    %dma_start3A_499 = arith.constant 0 : i32
    %dma_start3A_500 = tpu.memref_slice %arg2[%dma_start3A_498, %dma_start3A_499] : memref<10240x128xf32, #tpu.memory_space<hbm>> -> memref<10240x128xf32, #tpu.memory_space<hbm>>
    tpu.enqueue_indirect_dma source(%dma_start3A_500 : memref<10240x128xf32, #tpu.memory_space<hbm>>) target(%arg12 : memref<80x128xf32, #tpu.memory_space<vmem>>) offsets(%dma_start3A_497 : memref<80xi32, #tpu.memory_space<vmem>>) semaphore(%arg15 : memref<!tpu.dma_semaphore, #tpu.memory_space<semaphore_mem>>)
    %scan3A_501 = arith.constant 0 : i32
    %scan3A_502 = arith.constant 0 : i32
    %scan3A_503 = arith.constant 12 : i32
    %scan3A_504 = arith.addi %scan3A_502, %scan3A_503 : i32
    %scan3A_505 = arith.constant 1 : i32
    scf.for %scan3A_535 = %scan3A_502 to %scan3A_504 step %scan3A_505  : i32 {
      %mul3A_536 = arith.constant 2 : i32
      %mul3A_537 = arith.muli %mul3A_536, %scan3A_535 : i32
      %add3A_538 = arith.constant 1 : i32
      %add3A_539 = arith.addi %mul3A_537, %add3A_538 : i32
      %dma_start3A_540 = arith.constant 0 : i32
      %dma_start3A_541 = arith.constant 0 : i32
      %dma_start3A_542 = tpu.memref_slice %arg10[%dma_start3A_540, %add3A_539, %dma_start3A_541] : memref<2x25x80xi32, #tpu.memory_space<vmem>> -> memref<1x1x80xi32, #tpu.memory_space<vmem>>
      %dma_start3A_543 = tpu.memref_squeeze %dma_start3A_542 : memref<1x1x80xi32, #tpu.memory_space<vmem>> -> memref<80xi32, #tpu.memory_space<vmem>>
      %dma_start3A_544 = arith.constant 0 : i32
      %dma_start3A_545 = arith.constant 0 : i32
      %dma_start3A_546 = tpu.memref_slice %arg2[%dma_start3A_544, %dma_start3A_545] : memref<10240x128xf32, #tpu.memory_space<hbm>> -> memref<10240x128xf32, #tpu.memory_space<hbm>>
      tpu.enqueue_indirect_dma source(%dma_start3A_546 : memref<10240x128xf32, #tpu.memory_space<hbm>>) target(%arg13 : memref<80x128xf32, #tpu.memory_space<vmem>>) offsets(%dma_start3A_543 : memref<80xi32, #tpu.memory_space<vmem>>) semaphore(%arg16 : memref<!tpu.dma_semaphore, #tpu.memory_space<semaphore_mem>>)
      %run_scoped3A_547 = arith.constant 0 : i32
      "tpu.region"() ({
        %run_scoped3A_580 = tpu.sem_alloc : memref<!tpu.dma_semaphore, #tpu.memory_space<semaphore_mem>>
        %dma_start3A_581 = arith.constant 0 : i32
        %dma_start3A_582 = tpu.memref_slice %arg11[%run_scoped3A_547, %mul3A_537, %dma_start3A_581] : memref<2x25x80xi32, #tpu.memory_space<vmem>> -> memref<1x1x80xi32, #tpu.memory_space<vmem>>
        %dma_start3A_583 = tpu.memref_squeeze %dma_start3A_582 : memref<1x1x80xi32, #tpu.memory_space<vmem>> -> memref<80xi32, #tpu.memory_space<vmem>>
        %dma_start3A_584 = arith.constant 0 : i32
        %dma_start3A_585 = tpu.memref_slice %arg20[%dma_start3A_584] : memref<10240xf32, #tpu.memory_space<vmem_shared>> -> memref<10240xf32, #tpu.memory_space<vmem_shared>>
        tpu.enqueue_indirect_dma source(%arg19 : memref<80xf32, #tpu.memory_space<vmem>>) target(%dma_start3A_585 : memref<10240xf32, #tpu.memory_space<vmem_shared>>) offsets(%dma_start3A_583 : memref<80xi32, #tpu.memory_space<vmem>>) semaphore(%run_scoped3A_580 : memref<!tpu.dma_semaphore, #tpu.memory_space<semaphore_mem>>) {add = true}
        %dma_wait3A_586 = arith.constant 0 : i32
        %dma_wait3A_587 = tpu.memref_slice %arg11[%run_scoped3A_547, %mul3A_537, %dma_wait3A_586] : memref<2x25x80xi32, #tpu.memory_space<vmem>> -> memref<1x1x80xi32, #tpu.memory_space<vmem>>
        %dma_wait3A_588 = tpu.memref_squeeze %dma_wait3A_587 : memref<1x1x80xi32, #tpu.memory_space<vmem>> -> memref<80xi32, #tpu.memory_space<vmem>>
        %dma_wait3A_589 = arith.constant 0 : i32
        %dma_wait3A_590 = tpu.memref_slice %arg20[%dma_wait3A_589] : memref<10240xf32, #tpu.memory_space<vmem_shared>> -> memref<10240xf32, #tpu.memory_space<vmem_shared>>
        tpu.wait_indirect_dma semaphore(%run_scoped3A_580 : memref<!tpu.dma_semaphore, #tpu.memory_space<semaphore_mem>>) src(%arg19 : memref<80xf32, #tpu.memory_space<vmem>>) dst(%dma_wait3A_590 : memref<10240xf32, #tpu.memory_space<vmem_shared>>)
        tpu.yield
      }) : () -> ()
      %dma_wait3A_548 = arith.constant 0 : i32
      %dma_wait3A_549 = arith.constant 0 : i32
      %dma_wait3A_550 = tpu.memref_slice %arg10[%dma_wait3A_548, %mul3A_537, %dma_wait3A_549] : memref<2x25x80xi32, #tpu.memory_space<vmem>> -> memref<1x1x80xi32, #tpu.memory_space<vmem>>
      %dma_wait3A_551 = tpu.memref_squeeze %dma_wait3A_550 : memref<1x1x80xi32, #tpu.memory_space<vmem>> -> memref<80xi32, #tpu.memory_space<vmem>>
      %dma_wait3A_552 = arith.constant 0 : i32
      %dma_wait3A_553 = arith.constant 0 : i32
      %dma_wait3A_554 = tpu.memref_slice %arg2[%dma_wait3A_552, %dma_wait3A_553] : memref<10240x128xf32, #tpu.memory_space<hbm>> -> memref<10240x128xf32, #tpu.memory_space<hbm>>
      tpu.wait_indirect_dma semaphore(%arg15 : memref<!tpu.dma_semaphore, #tpu.memory_space<semaphore_mem>>) src(%dma_wait3A_554 : memref<10240x128xf32, #tpu.memory_space<hbm>>) dst(%arg12 : memref<80x128xf32, #tpu.memory_space<vmem>>)
      %run_scoped3A_555 = arith.constant 0 : i32
      "tpu.region"() ({
        %run_scoped3A_580 = tpu.sem_alloc : memref<!tpu.dma_semaphore, #tpu.memory_space<semaphore_mem>>
        %dma_start3A_581 = arith.constant 0 : i32
        %dma_start3A_582 = tpu.memref_slice %arg11[%run_scoped3A_555, %mul3A_537, %dma_start3A_581] : memref<2x25x80xi32, #tpu.memory_space<vmem>> -> memref<1x1x80xi32, #tpu.memory_space<vmem>>
        %dma_start3A_583 = tpu.memref_squeeze %dma_start3A_582 : memref<1x1x80xi32, #tpu.memory_space<vmem>> -> memref<80xi32, #tpu.memory_space<vmem>>
        %dma_start3A_584 = arith.constant 0 : i32
        %dma_start3A_585 = arith.constant 0 : i32
        %dma_start3A_586 = tpu.memref_slice %arg14[%dma_start3A_584, %dma_start3A_585] : memref<10240x128xf32, #tpu.memory_space<vmem_shared>> -> memref<10240x128xf32, #tpu.memory_space<vmem_shared>>
        tpu.enqueue_indirect_dma source(%arg12 : memref<80x128xf32, #tpu.memory_space<vmem>>) target(%dma_start3A_586 : memref<10240x128xf32, #tpu.memory_space<vmem_shared>>) offsets(%dma_start3A_583 : memref<80xi32, #tpu.memory_space<vmem>>) semaphore(%run_scoped3A_580 : memref<!tpu.dma_semaphore, #tpu.memory_space<semaphore_mem>>) {add = true}
        %dma_wait3A_587 = arith.constant 0 : i32
        %dma_wait3A_588 = tpu.memref_slice %arg11[%run_scoped3A_555, %mul3A_537, %dma_wait3A_587] : memref<2x25x80xi32, #tpu.memory_space<vmem>> -> memref<1x1x80xi32, #tpu.memory_space<vmem>>
        %dma_wait3A_589 = tpu.memref_squeeze %dma_wait3A_588 : memref<1x1x80xi32, #tpu.memory_space<vmem>> -> memref<80xi32, #tpu.memory_space<vmem>>
        %dma_wait3A_590 = arith.constant 0 : i32
        %dma_wait3A_591 = arith.constant 0 : i32
        %dma_wait3A_592 = tpu.memref_slice %arg14[%dma_wait3A_590, %dma_wait3A_591] : memref<10240x128xf32, #tpu.memory_space<vmem_shared>> -> memref<10240x128xf32, #tpu.memory_space<vmem_shared>>
        tpu.wait_indirect_dma semaphore(%run_scoped3A_580 : memref<!tpu.dma_semaphore, #tpu.memory_space<semaphore_mem>>) src(%arg12 : memref<80x128xf32, #tpu.memory_space<vmem>>) dst(%dma_wait3A_592 : memref<10240x128xf32, #tpu.memory_space<vmem_shared>>)
        tpu.yield
      }) : () -> ()
      %add3A_556 = arith.constant 2 : i32
      %add3A_557 = arith.addi %mul3A_537, %add3A_556 : i32
      %dma_start3A_558 = arith.constant 0 : i32
      %dma_start3A_559 = arith.constant 0 : i32
      %dma_start3A_560 = tpu.memref_slice %arg10[%dma_start3A_558, %add3A_557, %dma_start3A_559] : memref<2x25x80xi32, #tpu.memory_space<vmem>> -> memref<1x1x80xi32, #tpu.memory_space<vmem>>
      %dma_start3A_561 = tpu.memref_squeeze %dma_start3A_560 : memref<1x1x80xi32, #tpu.memory_space<vmem>> -> memref<80xi32, #tpu.memory_space<vmem>>
      %dma_start3A_562 = arith.constant 0 : i32
      %dma_start3A_563 = arith.constant 0 : i32
      %dma_start3A_564 = tpu.memref_slice %arg2[%dma_start3A_562, %dma_start3A_563] : memref<10240x128xf32, #tpu.memory_space<hbm>> -> memref<10240x128xf32, #tpu.memory_space<hbm>>
      tpu.enqueue_indirect_dma source(%dma_start3A_564 : memref<10240x128xf32, #tpu.memory_space<hbm>>) target(%arg12 : memref<80x128xf32, #tpu.memory_space<vmem>>) offsets(%dma_start3A_561 : memref<80xi32, #tpu.memory_space<vmem>>) semaphore(%arg15 : memref<!tpu.dma_semaphore, #tpu.memory_space<semaphore_mem>>)
      %add3A_565 = arith.constant 1 : i32
      %add3A_566 = arith.addi %mul3A_537, %add3A_565 : i32
      %run_scoped3A_567 = arith.constant 0 : i32
      "tpu.region"() ({
        %run_scoped3A_580 = tpu.sem_alloc : memref<!tpu.dma_semaphore, #tpu.memory_space<semaphore_mem>>
        %dma_start3A_581 = arith.constant 0 : i32
        %dma_start3A_582 = tpu.memref_slice %arg11[%run_scoped3A_567, %add3A_566, %dma_start3A_581] : memref<2x25x80xi32, #tpu.memory_space<vmem>> -> memref<1x1x80xi32, #tpu.memory_space<vmem>>
        %dma_start3A_583 = tpu.memref_squeeze %dma_start3A_582 : memref<1x1x80xi32, #tpu.memory_space<vmem>> -> memref<80xi32, #tpu.memory_space<vmem>>
        %dma_start3A_584 = arith.constant 0 : i32
        %dma_start3A_585 = tpu.memref_slice %arg20[%dma_start3A_584] : memref<10240xf32, #tpu.memory_space<vmem_shared>> -> memref<10240xf32, #tpu.memory_space<vmem_shared>>
        tpu.enqueue_indirect_dma source(%arg19 : memref<80xf32, #tpu.memory_space<vmem>>) target(%dma_start3A_585 : memref<10240xf32, #tpu.memory_space<vmem_shared>>) offsets(%dma_start3A_583 : memref<80xi32, #tpu.memory_space<vmem>>) semaphore(%run_scoped3A_580 : memref<!tpu.dma_semaphore, #tpu.memory_space<semaphore_mem>>) {add = true}
        %dma_wait3A_586 = arith.constant 0 : i32
        %dma_wait3A_587 = tpu.memref_slice %arg11[%run_scoped3A_567, %add3A_566, %dma_wait3A_586] : memref<2x25x80xi32, #tpu.memory_space<vmem>> -> memref<1x1x80xi32, #tpu.memory_space<vmem>>
        %dma_wait3A_588 = tpu.memref_squeeze %dma_wait3A_587 : memref<1x1x80xi32, #tpu.memory_space<vmem>> -> memref<80xi32, #tpu.memory_space<vmem>>
        %dma_wait3A_589 = arith.constant 0 : i32
        %dma_wait3A_590 = tpu.memref_slice %arg20[%dma_wait3A_589] : memref<10240xf32, #tpu.memory_space<vmem_shared>> -> memref<10240xf32, #tpu.memory_space<vmem_shared>>
        tpu.wait_indirect_dma semaphore(%run_scoped3A_580 : memref<!tpu.dma_semaphore, #tpu.memory_space<semaphore_mem>>) src(%arg19 : memref<80xf32, #tpu.memory_space<vmem>>) dst(%dma_wait3A_590 : memref<10240xf32, #tpu.memory_space<vmem_shared>>)
        tpu.yield
      }) : () -> ()
      %add3A_568 = arith.constant 1 : i32
      %add3A_569 = arith.addi %mul3A_537, %add3A_568 : i32
      %dma_wait3A_570 = arith.constant 0 : i32
      %dma_wait3A_571 = arith.constant 0 : i32
      %dma_wait3A_572 = tpu.memref_slice %arg10[%dma_wait3A_570, %add3A_569, %dma_wait3A_571] : memref<2x25x80xi32, #tpu.memory_space<vmem>> -> memref<1x1x80xi32, #tpu.memory_space<vmem>>
      %dma_wait3A_573 = tpu.memref_squeeze %dma_wait3A_572 : memref<1x1x80xi32, #tpu.memory_space<vmem>> -> memref<80xi32, #tpu.memory_space<vmem>>
      %dma_wait3A_574 = arith.constant 0 : i32
      %dma_wait3A_575 = arith.constant 0 : i32
      %dma_wait3A_576 = tpu.memref_slice %arg2[%dma_wait3A_574, %dma_wait3A_575] : memref<10240x128xf32, #tpu.memory_space<hbm>> -> memref<10240x128xf32, #tpu.memory_space<hbm>>
      tpu.wait_indirect_dma semaphore(%arg16 : memref<!tpu.dma_semaphore, #tpu.memory_space<semaphore_mem>>) src(%dma_wait3A_576 : memref<10240x128xf32, #tpu.memory_space<hbm>>) dst(%arg13 : memref<80x128xf32, #tpu.memory_space<vmem>>)
      %add3A_577 = arith.constant 1 : i32
      %add3A_578 = arith.addi %mul3A_537, %add3A_577 : i32
      %run_scoped3A_579 = arith.constant 0 : i32
      "tpu.region"() ({
        %run_scoped3A_580 = tpu.sem_alloc : memref<!tpu.dma_semaphore, #tpu.memory_space<semaphore_mem>>
        %dma_start3A_581 = arith.constant 0 : i32
        %dma_start3A_582 = tpu.memref_slice %arg11[%run_scoped3A_579, %add3A_578, %dma_start3A_581] : memref<2x25x80xi32, #tpu.memory_space<vmem>> -> memref<1x1x80xi32, #tpu.memory_space<vmem>>
        %dma_start3A_583 = tpu.memref_squeeze %dma_start3A_582 : memref<1x1x80xi32, #tpu.memory_space<vmem>> -> memref<80xi32, #tpu.memory_space<vmem>>
        %dma_start3A_584 = arith.constant 0 : i32
        %dma_start3A_585 = arith.constant 0 : i32
        %dma_start3A_586 = tpu.memref_slice %arg14[%dma_start3A_584, %dma_start3A_585] : memref<10240x128xf32, #tpu.memory_space<vmem_shared>> -> memref<10240x128xf32, #tpu.memory_space<vmem_shared>>
        tpu.enqueue_indirect_dma source(%arg13 : memref<80x128xf32, #tpu.memory_space<vmem>>) target(%dma_start3A_586 : memref<10240x128xf32, #tpu.memory_space<vmem_shared>>) offsets(%dma_start3A_583 : memref<80xi32, #tpu.memory_space<vmem>>) semaphore(%run_scoped3A_580 : memref<!tpu.dma_semaphore, #tpu.memory_space<semaphore_mem>>) {add = true}
        %dma_wait3A_587 = arith.constant 0 : i32
        %dma_wait3A_588 = tpu.memref_slice %arg11[%run_scoped3A_579, %add3A_578, %dma_wait3A_587] : memref<2x25x80xi32, #tpu.memory_space<vmem>> -> memref<1x1x80xi32, #tpu.memory_space<vmem>>
        %dma_wait3A_589 = tpu.memref_squeeze %dma_wait3A_588 : memref<1x1x80xi32, #tpu.memory_space<vmem>> -> memref<80xi32, #tpu.memory_space<vmem>>
        %dma_wait3A_590 = arith.constant 0 : i32
        %dma_wait3A_591 = arith.constant 0 : i32
        %dma_wait3A_592 = tpu.memref_slice %arg14[%dma_wait3A_590, %dma_wait3A_591] : memref<10240x128xf32, #tpu.memory_space<vmem_shared>> -> memref<10240x128xf32, #tpu.memory_space<vmem_shared>>
        tpu.wait_indirect_dma semaphore(%run_scoped3A_580 : memref<!tpu.dma_semaphore, #tpu.memory_space<semaphore_mem>>) src(%arg13 : memref<80x128xf32, #tpu.memory_space<vmem>>) dst(%dma_wait3A_592 : memref<10240x128xf32, #tpu.memory_space<vmem_shared>>)
        tpu.yield
      }) : () -> ()
    }
    %scan3A_506 = arith.constant 12 : i32
    %dma_wait3A_507 = arith.constant 0 : i32
    %dma_wait3A_508 = arith.constant 24 : i32
    %dma_wait3A_509 = arith.constant 0 : i32
    %dma_wait3A_510 = tpu.memref_slice %arg10[%dma_wait3A_507, %dma_wait3A_508, %dma_wait3A_509] : memref<2x25x80xi32, #tpu.memory_space<vmem>> -> memref<1x1x80xi32, #tpu.memory_space<vmem>>
    %dma_wait3A_511 = tpu.memref_squeeze %dma_wait3A_510 : memref<1x1x80xi32, #tpu.memory_space<vmem>> -> memref<80xi32, #tpu.memory_space<vmem>>
    %dma_wait3A_512 = arith.constant 0 : i32
    %dma_wait3A_513 = arith.constant 0 : i32
    %dma_wait3A_514 = tpu.memref_slice %arg2[%dma_wait3A_512, %dma_wait3A_513] : memref<10240x128xf32, #tpu.memory_space<hbm>> -> memref<10240x128xf32, #tpu.memory_space<hbm>>
    tpu.wait_indirect_dma semaphore(%arg15 : memref<!tpu.dma_semaphore, #tpu.memory_space<semaphore_mem>>) src(%dma_wait3A_514 : memref<10240x128xf32, #tpu.memory_space<hbm>>) dst(%arg12 : memref<80x128xf32, #tpu.memory_space<vmem>>)
    %run_scoped3A_515 = arith.constant 0 : i32
    %run_scoped3A_516 = arith.constant 24 : i32
    "tpu.region"() ({
      %run_scoped3A_535 = tpu.sem_alloc : memref<!tpu.dma_semaphore, #tpu.memory_space<semaphore_mem>>
      %dma_start3A_536 = arith.constant 0 : i32
      %dma_start3A_537 = tpu.memref_slice %arg11[%run_scoped3A_515, %run_scoped3A_516, %dma_start3A_536] : memref<2x25x80xi32, #tpu.memory_space<vmem>> -> memref<1x1x80xi32, #tpu.memory_space<vmem>>
      %dma_start3A_538 = tpu.memref_squeeze %dma_start3A_537 : memref<1x1x80xi32, #tpu.memory_space<vmem>> -> memref<80xi32, #tpu.memory_space<vmem>>
      %dma_start3A_539 = arith.constant 0 : i32
      %dma_start3A_540 = arith.constant 0 : i32
      %dma_start3A_541 = tpu.memref_slice %arg14[%dma_start3A_539, %dma_start3A_540] : memref<10240x128xf32, #tpu.memory_space<vmem_shared>> -> memref<10240x128xf32, #tpu.memory_space<vmem_shared>>
      tpu.enqueue_indirect_dma source(%arg12 : memref<80x128xf32, #tpu.memory_space<vmem>>) target(%dma_start3A_541 : memref<10240x128xf32, #tpu.memory_space<vmem_shared>>) offsets(%dma_start3A_538 : memref<80xi32, #tpu.memory_space<vmem>>) semaphore(%run_scoped3A_535 : memref<!tpu.dma_semaphore, #tpu.memory_space<semaphore_mem>>) {add = true}
      %dma_wait3A_542 = arith.constant 0 : i32
      %dma_wait3A_543 = tpu.memref_slice %arg11[%run_scoped3A_515, %run_scoped3A_516, %dma_wait3A_542] : memref<2x25x80xi32, #tpu.memory_space<vmem>> -> memref<1x1x80xi32, #tpu.memory_space<vmem>>
      %dma_wait3A_544 = tpu.memref_squeeze %dma_wait3A_543 : memref<1x1x80xi32, #tpu.memory_space<vmem>> -> memref<80xi32, #tpu.memory_space<vmem>>
      %dma_wait3A_545 = arith.constant 0 : i32
      %dma_wait3A_546 = arith.constant 0 : i32
      %dma_wait3A_547 = tpu.memref_slice %arg14[%dma_wait3A_545, %dma_wait3A_546] : memref<10240x128xf32, #tpu.memory_space<vmem_shared>> -> memref<10240x128xf32, #tpu.memory_space<vmem_shared>>
      tpu.wait_indirect_dma semaphore(%run_scoped3A_535 : memref<!tpu.dma_semaphore, #tpu.memory_space<semaphore_mem>>) src(%arg12 : memref<80x128xf32, #tpu.memory_space<vmem>>) dst(%dma_wait3A_547 : memref<10240x128xf32, #tpu.memory_space<vmem_shared>>)
      tpu.yield
    }) : () -> ()
    %run_scoped3A_517 = arith.constant 0 : i32
    %run_scoped3A_518 = arith.constant 24 : i32
    "tpu.region"() ({
      %run_scoped3A_535 = tpu.sem_alloc : memref<!tpu.dma_semaphore, #tpu.memory_space<semaphore_mem>>
      %dma_start3A_536 = arith.constant 0 : i32
      %dma_start3A_537 = tpu.memref_slice %arg11[%run_scoped3A_517, %run_scoped3A_518, %dma_start3A_536] : memref<2x25x80xi32, #tpu.memory_space<vmem>> -> memref<1x1x80xi32, #tpu.memory_space<vmem>>
      %dma_start3A_538 = tpu.memref_squeeze %dma_start3A_537 : memref<1x1x80xi32, #tpu.memory_space<vmem>> -> memref<80xi32, #tpu.memory_space<vmem>>
      %dma_start3A_539 = arith.constant 0 : i32
      %dma_start3A_540 = tpu.memref_slice %arg20[%dma_start3A_539] : memref<10240xf32, #tpu.memory_space<vmem_shared>> -> memref<10240xf32, #tpu.memory_space<vmem_shared>>
      tpu.enqueue_indirect_dma source(%arg19 : memref<80xf32, #tpu.memory_space<vmem>>) target(%dma_start3A_540 : memref<10240xf32, #tpu.memory_space<vmem_shared>>) offsets(%dma_start3A_538 : memref<80xi32, #tpu.memory_space<vmem>>) semaphore(%run_scoped3A_535 : memref<!tpu.dma_semaphore, #tpu.memory_space<semaphore_mem>>) {add = true}
      %dma_wait3A_541 = arith.constant 0 : i32
      %dma_wait3A_542 = tpu.memref_slice %arg11[%run_scoped3A_517, %run_scoped3A_518, %dma_wait3A_541] : memref<2x25x80xi32, #tpu.memory_space<vmem>> -> memref<1x1x80xi32, #tpu.memory_space<vmem>>
      %dma_wait3A_543 = tpu.memref_squeeze %dma_wait3A_542 : memref<1x1x80xi32, #tpu.memory_space<vmem>> -> memref<80xi32, #tpu.memory_space<vmem>>
      %dma_wait3A_544 = arith.constant 0 : i32
      %dma_wait3A_545 = tpu.memref_slice %arg20[%dma_wait3A_544] : memref<10240xf32, #tpu.memory_space<vmem_shared>> -> memref<10240xf32, #tpu.memory_space<vmem_shared>>
      tpu.wait_indirect_dma semaphore(%run_scoped3A_535 : memref<!tpu.dma_semaphore, #tpu.memory_space<semaphore_mem>>) src(%arg19 : memref<80xf32, #tpu.memory_space<vmem>>) dst(%dma_wait3A_545 : memref<10240xf32, #tpu.memory_space<vmem_shared>>)
      tpu.yield
    }) : () -> ()
    %barrier3A_519 = arith.constant 0 : index
    tpu.barrier barrier_id(%barrier3A_519)
    %eq3A_520 = arith.constant 0 : i32
    %eq3A_521 = arith.cmpi eq, %arg0, %eq3A_520 : i32
    %convert_element_type3A_522 = arith.extui %eq3A_521 : i1 to i32
    %cond3A_523 = arith.constant 0 : i32
    %cond3A_524 = arith.cmpi ne, %convert_element_type3A_522, %cond3A_523 : i32
    scf.if %cond3A_524 {
      "tpu.region"() ({
        %run_scoped3A_535 = tpu.sem_alloc : memref<!tpu.dma_semaphore, #tpu.memory_space<semaphore_mem>>
        %dma_start3A_536 = arith.constant 0 : i32
        %dma_start3A_537 = tpu.memref_slice %arg7[%mul3A_2, %dma_start3A_536] : memref<10240x128xf32, #tpu.memory_space<hbm>> -> memref<640x128xf32, #tpu.memory_space<hbm>>
        %dma_start3A_538 = arith.constant 0 : i32
        %dma_start3A_539 = tpu.memref_slice %arg14[%mul3A_2, %dma_start3A_538] : memref<10240x128xf32, #tpu.memory_space<vmem_shared>> -> memref<640x128xf32, #tpu.memory_space<vmem_shared>>
        tpu.enqueue_dma source(%dma_start3A_539 : memref<640x128xf32, #tpu.memory_space<vmem_shared>>) target(%dma_start3A_537 : memref<640x128xf32, #tpu.memory_space<hbm>>) target_semaphore(%run_scoped3A_535 : memref<!tpu.dma_semaphore, #tpu.memory_space<semaphore_mem>>)
        %dma_wait3A_540 = arith.constant 0 : i32
        %dma_wait3A_541 = tpu.memref_slice %arg7[%mul3A_2, %dma_wait3A_540] : memref<10240x128xf32, #tpu.memory_space<hbm>> -> memref<640x128xf32, #tpu.memory_space<hbm>>
        %dma_wait3A_542 = arith.constant 0 : i32
        %dma_wait3A_543 = tpu.memref_slice %arg14[%mul3A_2, %dma_wait3A_542] : memref<10240x128xf32, #tpu.memory_space<vmem_shared>> -> memref<640x128xf32, #tpu.memory_space<vmem_shared>>
        tpu.wait_dma2 semaphore(%run_scoped3A_535 : memref<!tpu.dma_semaphore, #tpu.memory_space<semaphore_mem>>) src(%dma_wait3A_543 : memref<640x128xf32, #tpu.memory_space<vmem_shared>>) dst(%dma_wait3A_541 : memref<640x128xf32, #tpu.memory_space<hbm>>)
        tpu.yield
      }) : () -> ()
    } else {
    }
    %eq3A_525 = arith.constant 1 : i32
    %eq3A_526 = arith.cmpi eq, %arg0, %eq3A_525 : i32
    %convert_element_type3A_527 = arith.extui %eq3A_526 : i1 to i32
    %cond3A_528 = arith.constant 0 : i32
    %cond3A_529 = arith.cmpi ne, %convert_element_type3A_527, %cond3A_528 : i32
    scf.if %cond3A_529 {
      "tpu.region"() ({
        %run_scoped3A_535 = tpu.sem_alloc : memref<!tpu.dma_semaphore, #tpu.memory_space<semaphore_mem>>
        %dma_start3A_536 = arith.constant 0 : i32
        %dma_start3A_537 = tpu.memref_slice %arg8[%mul3A_2, %dma_start3A_536] : memref<10240x128xf32, #tpu.memory_space<hbm>> -> memref<640x128xf32, #tpu.memory_space<hbm>>
        %dma_start3A_538 = arith.constant 0 : i32
        %dma_start3A_539 = tpu.memref_slice %arg14[%mul3A_2, %dma_start3A_538] : memref<10240x128xf32, #tpu.memory_space<vmem_shared>> -> memref<640x128xf32, #tpu.memory_space<vmem_shared>>
        tpu.enqueue_dma source(%dma_start3A_539 : memref<640x128xf32, #tpu.memory_space<vmem_shared>>) target(%dma_start3A_537 : memref<640x128xf32, #tpu.memory_space<hbm>>) target_semaphore(%run_scoped3A_535 : memref<!tpu.dma_semaphore, #tpu.memory_space<semaphore_mem>>)
        %dma_wait3A_540 = arith.constant 0 : i32
        %dma_wait3A_541 = tpu.memref_slice %arg8[%mul3A_2, %dma_wait3A_540] : memref<10240x128xf32, #tpu.memory_space<hbm>> -> memref<640x128xf32, #tpu.memory_space<hbm>>
        %dma_wait3A_542 = arith.constant 0 : i32
        %dma_wait3A_543 = tpu.memref_slice %arg14[%mul3A_2, %dma_wait3A_542] : memref<10240x128xf32, #tpu.memory_space<vmem_shared>> -> memref<640x128xf32, #tpu.memory_space<vmem_shared>>
        tpu.wait_dma2 semaphore(%run_scoped3A_535 : memref<!tpu.dma_semaphore, #tpu.memory_space<semaphore_mem>>) src(%dma_wait3A_543 : memref<640x128xf32, #tpu.memory_space<vmem_shared>>) dst(%dma_wait3A_541 : memref<640x128xf32, #tpu.memory_space<hbm>>)
        tpu.yield
      }) : () -> ()
    } else {
    }
    %eq3A_530 = arith.constant 1 : i32
    %eq3A_531 = arith.cmpi eq, %arg1, %eq3A_530 : i32
    %convert_element_type3A_532 = arith.extui %eq3A_531 : i1 to i32
    %cond3A_533 = arith.constant 0 : i32
    %cond3A_534 = arith.cmpi ne, %convert_element_type3A_532, %cond3A_533 : i32
    scf.if %cond3A_534 {
      %mul3A_535 = arith.constant 10240 : i32
      %mul3A_536 = arith.muli %arg0, %mul3A_535 : i32
      "tpu.region"() ({
        %run_scoped3A_537 = tpu.sem_alloc : memref<!tpu.dma_semaphore, #tpu.memory_space<semaphore_mem>>
        %dma_start3A_538 = tpu.memref_slice %arg9[%mul3A_536] : memref<20480xf32, #tpu.memory_space<hbm>> -> memref<10240xf32, #tpu.memory_space<hbm>>
        tpu.enqueue_dma source(%arg20 : memref<10240xf32, #tpu.memory_space<vmem_shared>>) target(%dma_start3A_538 : memref<10240xf32, #tpu.memory_space<hbm>>) target_semaphore(%run_scoped3A_537 : memref<!tpu.dma_semaphore, #tpu.memory_space<semaphore_mem>>)
        %dma_wait3A_539 = tpu.memref_slice %arg9[%mul3A_536] : memref<20480xf32, #tpu.memory_space<hbm>> -> memref<10240xf32, #tpu.memory_space<hbm>>
        tpu.wait_dma2 semaphore(%run_scoped3A_537 : memref<!tpu.dma_semaphore, #tpu.memory_space<semaphore_mem>>) src(%arg20 : memref<10240xf32, #tpu.memory_space<vmem_shared>>) dst(%dma_wait3A_539 : memref<10240xf32, #tpu.memory_space<hbm>>)
        tpu.yield
      }) : () -> ()
    } else {
    }
    return
  }
}

module attributes {stable_mosaic.version = 14 : i64} {
  func.func @_k1_body(%arg0: i32, %arg1: memref<1024x128xf32, #tpu.memory_space<vmem>>, %arg2: memref<128x128xf32, #tpu.memory_space<vmem>>, %arg3: memref<1024x128xf32, #tpu.memory_space<vmem>>) attributes {dimension_semantics = [#tpu.dimension_semantics<arbitrary>], iteration_bounds = array<i64: 10>, scalar_prefetch = 0 : i64, scratch_operands = 0 : i64, tpu.core_type = #tpu.core_type<tc>, window_params = [{transform_indices = @transform_0, window_bounds = array<i64: 1024, 128>}, {pipeline_mode = #tpu.pipeline_mode<synchronous>, transform_indices = @transform_1, window_bounds = array<i64: 128, 128>}, {transform_indices = @transform_2, window_bounds = array<i64: 1024, 128>}]} {
    %get3A = arith.constant 0 : index
    %get3A_0 = arith.constant 0 : index
    %get3A_1 = vector.load %arg1[%get3A, %get3A_0] : memref<1024x128xf32, #tpu.memory_space<vmem>>, vector<1024x128xf32>
    %get3A_2 = arith.constant 0 : index
    %get3A_3 = arith.constant 0 : index
    %get3A_4 = vector.load %arg2[%get3A_2, %get3A_3] : memref<128x128xf32, #tpu.memory_space<vmem>>, vector<128x128xf32>
    %dot_general3A = arith.constant dense<0.000000e+00> : vector<1024x128xf32>
    %dot_general3A_5 = tpu.matmul %get3A_1, %get3A_4, %dot_general3A {dimension_numbers = #tpu.dot_dimension_numbers<[1], [0], [0], [1], [0, 0, 1, 1], [], []>, transpose_lhs_hint = false} : vector<1024x128xf32>, vector<128x128xf32>, vector<1024x128xf32> -> vector<1024x128xf32>
    %swap3A = arith.constant 0 : index
    %swap3A_6 = arith.constant 0 : index
    %swap3A_7 = vector.load %arg3[%swap3A, %swap3A_6] : memref<1024x128xf32, #tpu.memory_space<vmem>>, vector<1024x128xf32>
    tpu.vector_store %arg3[%swap3A, %swap3A_6], %dot_general3A_5 {strides = array<i32>} : memref<1024x128xf32, #tpu.memory_space<vmem>>, vector<1024x128xf32>,
    return
  }
  func.func @transform_0(%arg0: i32) -> (i32, i32) {
    %c0_i32 = arith.constant 0 : i32
    %c0_i32_0 = arith.constant 0 : i32
    return %arg0, %c0_i32 : i32, i32
  }
  func.func @transform_1(%arg0: i32) -> (i32, i32) {
    %c0_i32 = arith.constant 0 : i32
    %c0_i32_0 = arith.constant 0 : i32
    %c0_i32_1 = arith.constant 0 : i32
    return %c0_i32, %c0_i32_0 : i32, i32
  }
  func.func @transform_2(%arg0: i32) -> (i32, i32) {
    %c0_i32 = arith.constant 0 : i32
    %c0_i32_0 = arith.constant 0 : i32
    return %arg0, %c0_i32 : i32, i32
  }
}

module attributes {stable_mosaic.version = 14 : i64} {
  func.func @_k2_body(%arg0: i32, %arg1: memref<1024x128xf32, #tpu.memory_space<vmem>>, %arg2: memref<1024x128xf32, #tpu.memory_space<vmem>>, %arg3: memref<1024x128xf32, #tpu.memory_space<vmem>>, %arg4: memref<2x8x128xf32, #tpu.memory_space<vmem>>, %arg5: memref<128x128xf32, #tpu.memory_space<vmem>>, %arg6: memref<1x128xf32, #tpu.memory_space<vmem>>, %arg7: memref<128x128xf32, #tpu.memory_space<vmem>>, %arg8: memref<1024x128xf32, #tpu.memory_space<vmem>>, %arg9: memref<1024x128xf32, #tpu.memory_space<vmem>>) attributes {dimension_semantics = [#tpu.dimension_semantics<arbitrary>], iteration_bounds = array<i64: 10>, scalar_prefetch = 0 : i64, scratch_operands = 0 : i64, tpu.core_type = #tpu.core_type<tc>, window_params = [{transform_indices = @transform_0, window_bounds = array<i64: 1024, 128>}, {transform_indices = @transform_1, window_bounds = array<i64: 1024, 128>}, {transform_indices = @transform_2, window_bounds = array<i64: 1024, 128>}, {transform_indices = @transform_3, window_bounds = array<i64: 2, 8, 128>}, {pipeline_mode = #tpu.pipeline_mode<synchronous>, transform_indices = @transform_4, window_bounds = array<i64: 128, 128>}, {pipeline_mode = #tpu.pipeline_mode<synchronous>, transform_indices = @transform_5, window_bounds = array<i64: 1, 128>}, {pipeline_mode = #tpu.pipeline_mode<synchronous>, transform_indices = @transform_6, window_bounds = array<i64: 128, 128>}, {transform_indices = @transform_7, window_bounds = array<i64: 1024, 128>}, {transform_indices = @transform_8, window_bounds = array<i64: 1024, 128>}]} {
    %get3A = arith.constant 0 : index
    %get3A_0 = arith.constant 0 : index
    %get3A_1 = arith.constant 0 : index
    %get3A_2 = vector.load %arg4[%get3A, %get3A_0, %get3A_1] : memref<2x8x128xf32, #tpu.memory_space<vmem>>, vector<2x8x128xf32>
    %slice3A = vector.extract_strided_slice %get3A_2 {offsets = [0, 0, 0], sizes = [1, 8, 128], strides = [1, 1, 1]} : vector<2x8x128xf32> to vector<1x8x128xf32>
    %squeeze3A = vector.shape_cast %slice3A : vector<1x8x128xf32> to vector<8x128xf32>
    %slice3A_3 = vector.extract_strided_slice %get3A_2 {offsets = [1, 0, 0], sizes = [1, 8, 128], strides = [1, 1, 1]} : vector<2x8x128xf32> to vector<1x8x128xf32>
    %squeeze3A_4 = vector.shape_cast %slice3A_3 : vector<1x8x128xf32> to vector<8x128xf32>
    %add3A = arith.addf %squeeze3A, %squeeze3A_4 : vector<8x128xf32>
    %max3A = arith.constant 1.000000e+00 : f32
    %max3A_5 = vector.broadcast %max3A : f32 to vector<8x128xf32>
    %max3A_6 = arith.maximumf %add3A, %max3A_5 : vector<8x128xf32>
    %div3A = arith.constant 1.000000e+00 : f32
    %div3A_7 = vector.broadcast %div3A : f32 to vector<8x128xf32>
    %div3A_8 = arith.divf %div3A_7, %max3A_6 : vector<8x128xf32>
    %iota3A = tpu.iota {dimensions = array<i32: 0>} : vector<1024x128xi32>
    %jit3A = arith.constant 128 : i32
    %eq3A = arith.constant 0 : i32
    %eq3A_9 = arith.cmpi eq, %jit3A, %eq3A : i32
    %jit3A_10 = arith.constant 1 : i32
    %select_n3A = arith.select %eq3A_9, %jit3A_10, %jit3A : i32
    %rem3A = vector.broadcast %select_n3A : i32 to vector<1024x128xi32>
    %rem3A_11 = arith.remsi %iota3A, %rem3A : vector<1024x128xi32>
    %ne3A = arith.constant 0 : i32
    %ne3A_12 = vector.broadcast %ne3A : i32 to vector<1024x128xi32>
    %ne3A_13 = arith.cmpi ne, %rem3A_11, %ne3A_12 : vector<1024x128xi32>
    %lt3A = arith.constant 0 : i32
    %lt3A_14 = vector.broadcast %lt3A : i32 to vector<1024x128xi32>
    %lt3A_15 = arith.cmpi slt, %rem3A_11, %lt3A_14 : vector<1024x128xi32>
    %lt3A_16 = arith.constant 0 : i32
    %lt3A_17 = arith.cmpi slt, %select_n3A, %lt3A_16 : i32
    %ne3A_18 = vector.broadcast %lt3A_17 : i1 to vector<1024x128xi1>
    %ne3A_19 = vector.broadcast %ne3A_18 : vector<1024x128xi1> to vector<1024x128xi1>
    %ne3A_20 = arith.xori %lt3A_15, %ne3A_19 : vector<1024x128xi1>
    %and3A = arith.andi %ne3A_20, %ne3A_13 : vector<1024x128xi1>
    %add3A_21 = vector.broadcast %select_n3A : i32 to vector<1024x128xi32>
    %add3A_22 = arith.addi %rem3A_11, %add3A_21 : vector<1024x128xi32>
    %select_n3A_23 = arith.select %and3A, %add3A_22, %rem3A_11 : vector<1024x128xi1>, vector<1024x128xi32>
    %iota3A_24 = tpu.iota {dimensions = array<i32: 1>} : vector<1024x128xi32>
    %eq3A_25 = arith.cmpi eq, %select_n3A_23, %iota3A_24 : vector<1024x128xi32>
    %convert_element_type3A = arith.extui %eq3A_25 : vector<1024x128xi1> to vector<1024x128xi32>
    %convert_element_type3A_26 = arith.sitofp %convert_element_type3A : vector<1024x128xi32> to vector<1024x128xf32>
    %dot_general3A = arith.constant dense<0.000000e+00> : vector<1024x8xf32>
    %dot_general3A_27 = tpu.matmul %convert_element_type3A_26, %div3A_8, %dot_general3A {dimension_numbers = #tpu.dot_dimension_numbers<[1], [1], [0], [0], [0, 0, 1, 0], [], []>, transpose_lhs_hint = false} : vector<1024x128xf32>, vector<8x128xf32>, vector<1024x8xf32> -> vector<1024x8xf32>
    %iota3A_28 = tpu.iota {dimensions = array<i32: 0>} : vector<1024x8xi32>
    %jit3A_29 = arith.constant 128 : i32
    %div3A_30 = vector.broadcast %jit3A_29 : i32 to vector<1024x8xi32>
    %div3A_31 = arith.divsi %iota3A_28, %div3A_30 : vector<1024x8xi32>
    %sign3A = arith.constant 0 : i32
    %sign3A_32 = vector.broadcast %sign3A : i32 to vector<1024x8xi32>
    %sign3A_33 = arith.cmpi sgt, %iota3A_28, %sign3A_32 : vector<1024x8xi32>
    %sign3A_34 = arith.extui %sign3A_33 : vector<1024x8xi1> to vector<1024x8xi32>
    %sign3A_35 = arith.constant 0 : i32
    %sign3A_36 = vector.broadcast %sign3A_35 : i32 to vector<1024x8xi32>
    %sign3A_37 = arith.cmpi slt, %iota3A_28, %sign3A_36 : vector<1024x8xi32>
    %sign3A_38 = arith.extui %sign3A_37 : vector<1024x8xi1> to vector<1024x8xi32>
    %sign3A_39 = arith.subi %sign3A_34, %sign3A_38 : vector<1024x8xi32>
    %sign3A_40 = arith.constant 0 : i32
    %sign3A_41 = arith.cmpi sgt, %jit3A_29, %sign3A_40 : i32
    %sign3A_42 = arith.extui %sign3A_41 : i1 to i32
    %sign3A_43 = arith.constant 0 : i32
    %sign3A_44 = arith.cmpi slt, %jit3A_29, %sign3A_43 : i32
    %sign3A_45 = arith.extui %sign3A_44 : i1 to i32
    %sign3A_46 = arith.subi %sign3A_42, %sign3A_45 : i32
    %ne3A_47 = vector.broadcast %sign3A_46 : i32 to vector<1024x8xi32>
    %ne3A_48 = arith.cmpi ne, %sign3A_39, %ne3A_47 : vector<1024x8xi32>
    %rem3A_49 = vector.broadcast %jit3A_29 : i32 to vector<1024x8xi32>
    %rem3A_50 = arith.remsi %iota3A_28, %rem3A_49 : vector<1024x8xi32>
    %ne3A_51 = arith.constant 0 : i32
    %ne3A_52 = vector.broadcast %ne3A_51 : i32 to vector<1024x8xi32>
    %ne3A_53 = arith.cmpi ne, %rem3A_50, %ne3A_52 : vector<1024x8xi32>
    %and3A_54 = arith.andi %ne3A_48, %ne3A_53 : vector<1024x8xi1>
    %sub3A = arith.constant 1 : i32
    %sub3A_55 = vector.broadcast %sub3A : i32 to vector<1024x8xi32>
    %sub3A_56 = arith.subi %div3A_31, %sub3A_55 : vector<1024x8xi32>
    %select_n3A_57 = arith.select %and3A_54, %sub3A_56, %div3A_31 : vector<1024x8xi1>, vector<1024x8xi32>
    %iota3A_58 = tpu.iota {dimensions = array<i32: 1>} : vector<1024x8xi32>
    %eq3A_59 = arith.cmpi eq, %select_n3A_57, %iota3A_58 : vector<1024x8xi32>
    %convert_element_type3A_60 = arith.extui %eq3A_59 : vector<1024x8xi1> to vector<1024x8xi32>
    %convert_element_type3A_61 = arith.sitofp %convert_element_type3A_60 : vector<1024x8xi32> to vector<1024x8xf32>
    %mul3A = arith.mulf %dot_general3A_27, %convert_element_type3A_61 : vector<1024x8xf32>
    %reduce_sum3A = arith.constant dense<0.000000e+00> : vector<1024xf32>
    %reduce_sum3A_62 = vector.multi_reduction <add>, %mul3A, %reduce_sum3A [1] : vector<1024x8xf32> to vector<1024xf32>
    %broadcast_in_dim3A = vector.shape_cast %reduce_sum3A_62 : vector<1024xf32> to vector<1024x1xf32>
    %get3A_63 = arith.constant 0 : index
    %get3A_64 = arith.constant 0 : index
    %get3A_65 = vector.load %arg1[%get3A_63, %get3A_64] : memref<1024x128xf32, #tpu.memory_space<vmem>>, vector<1024x128xf32>
    %get3A_66 = arith.constant 0 : index
    %get3A_67 = arith.constant 0 : index
    %get3A_68 = vector.load %arg5[%get3A_66, %get3A_67] : memref<128x128xf32, #tpu.memory_space<vmem>>, vector<128x128xf32>
    %dot_general3A_69 = arith.constant dense<0.000000e+00> : vector<1024x128xf32>
    %dot_general3A_70 = tpu.matmul %get3A_65, %get3A_68, %dot_general3A_69 {dimension_numbers = #tpu.dot_dimension_numbers<[1], [0], [0], [1], [0, 0, 1, 1], [], []>, transpose_lhs_hint = false} : vector<1024x128xf32>, vector<128x128xf32>, vector<1024x128xf32> -> vector<1024x128xf32>
    %get3A_71 = arith.constant 0 : index
    %get3A_72 = arith.constant 0 : index
    %get3A_73 = vector.load %arg6[%get3A_71, %get3A_72] : memref<1x128xf32, #tpu.memory_space<vmem>>, vector<1x128xf32>
    %add3A_74 = vector.broadcast %get3A_73 : vector<1x128xf32> to vector<1024x128xf32>
    %add3A_75 = arith.addf %dot_general3A_70, %add3A_74 : vector<1024x128xf32>
    %get3A_76 = arith.constant 0 : index
    %get3A_77 = arith.constant 0 : index
    %get3A_78 = vector.load %arg2[%get3A_76, %get3A_77] : memref<1024x128xf32, #tpu.memory_space<vmem>>, vector<1024x128xf32>
    %get3A_79 = arith.constant 0 : index
    %get3A_80 = arith.constant 0 : index
    %get3A_81 = vector.load %arg3[%get3A_79, %get3A_80] : memref<1024x128xf32, #tpu.memory_space<vmem>>, vector<1024x128xf32>
    %add3A_82 = arith.addf %get3A_78, %get3A_81 : vector<1024x128xf32>
    %mul3A_83 = vector.broadcast %broadcast_in_dim3A : vector<1024x1xf32> to vector<1024x128xf32>
    %mul3A_84 = arith.mulf %add3A_82, %mul3A_83 : vector<1024x128xf32>
    %add3A_85 = arith.addf %add3A_75, %mul3A_84 : vector<1024x128xf32>
    %max3A_86 = arith.constant 0.000000e+00 : f32
    %max3A_87 = vector.broadcast %max3A_86 : f32 to vector<1024x128xf32>
    %max3A_88 = arith.maximumf %add3A_85, %max3A_87 : vector<1024x128xf32>
    %swap3A = arith.constant 0 : index
    %swap3A_89 = arith.constant 0 : index
    %swap3A_90 = vector.load %arg8[%swap3A, %swap3A_89] : memref<1024x128xf32, #tpu.memory_space<vmem>>, vector<1024x128xf32>
    tpu.vector_store %arg8[%swap3A, %swap3A_89], %max3A_88 {strides = array<i32>} : memref<1024x128xf32, #tpu.memory_space<vmem>>, vector<1024x128xf32>,
    %get3A_91 = arith.constant 0 : index
    %get3A_92 = arith.constant 0 : index
    %get3A_93 = vector.load %arg7[%get3A_91, %get3A_92] : memref<128x128xf32, #tpu.memory_space<vmem>>, vector<128x128xf32>
    %dot_general3A_94 = arith.constant dense<0.000000e+00> : vector<1024x128xf32>
    %dot_general3A_95 = tpu.matmul %max3A_88, %get3A_93, %dot_general3A_94 {dimension_numbers = #tpu.dot_dimension_numbers<[1], [0], [0], [1], [0, 0, 1, 1], [], []>, transpose_lhs_hint = false} : vector<1024x128xf32>, vector<128x128xf32>, vector<1024x128xf32> -> vector<1024x128xf32>
    %swap3A_96 = arith.constant 0 : index
    %swap3A_97 = arith.constant 0 : index
    %swap3A_98 = vector.load %arg9[%swap3A_96, %swap3A_97] : memref<1024x128xf32, #tpu.memory_space<vmem>>, vector<1024x128xf32>
    tpu.vector_store %arg9[%swap3A_96, %swap3A_97], %dot_general3A_95 {strides = array<i32>} : memref<1024x128xf32, #tpu.memory_space<vmem>>, vector<1024x128xf32>,
    return
  }
  func.func @transform_0(%arg0: i32) -> (i32, i32) {
    %c0_i32 = arith.constant 0 : i32
    %c0_i32_0 = arith.constant 0 : i32
    return %arg0, %c0_i32 : i32, i32
  }
  func.func @transform_1(%arg0: i32) -> (i32, i32) {
    %c0_i32 = arith.constant 0 : i32
    %c0_i32_0 = arith.constant 0 : i32
    return %arg0, %c0_i32 : i32, i32
  }
  func.func @transform_2(%arg0: i32) -> (i32, i32) {
    %c0_i32 = arith.constant 0 : i32
    %c0_i32_0 = arith.constant 0 : i32
    return %arg0, %c0_i32 : i32, i32
  }
  func.func @transform_3(%arg0: i32) -> (i32, i32, i32) {
    %c0_i32 = arith.constant 0 : i32
    %c0_i32_0 = arith.constant 0 : i32
    %c0_i32_1 = arith.constant 0 : i32
    return %c0_i32, %arg0, %c0_i32_0 : i32, i32, i32
  }
  func.func @transform_4(%arg0: i32) -> (i32, i32) {
    %c0_i32 = arith.constant 0 : i32
    %c0_i32_0 = arith.constant 0 : i32
    %c0_i32_1 = arith.constant 0 : i32
    return %c0_i32, %c0_i32_0 : i32, i32
  }
  func.func @transform_5(%arg0: i32) -> (i32, i32) {
    %c0_i32 = arith.constant 0 : i32
    %c0_i32_0 = arith.constant 0 : i32
    %c0_i32_1 = arith.constant 0 : i32
    return %c0_i32, %c0_i32_0 : i32, i32
  }
  func.func @transform_6(%arg0: i32) -> (i32, i32) {
    %c0_i32 = arith.constant 0 : i32
    %c0_i32_0 = arith.constant 0 : i32
    %c0_i32_1 = arith.constant 0 : i32
    return %c0_i32, %c0_i32_0 : i32, i32
  }
  func.func @transform_7(%arg0: i32) -> (i32, i32) {
    %c0_i32 = arith.constant 0 : i32
    %c0_i32_0 = arith.constant 0 : i32
    return %arg0, %c0_i32 : i32, i32
  }
  func.func @transform_8(%arg0: i32) -> (i32, i32) {
    %c0_i32 = arith.constant 0 : i32
    %c0_i32_0 = arith.constant 0 : i32
    return %arg0, %c0_i32 : i32, i32
  }
}

module attributes {stable_mosaic.version = 14 : i64} {
  func.func @_k3_body(%arg0: i32, %arg1: memref<1024x128xf32, #tpu.memory_space<vmem>>, %arg2: memref<1024x128xf32, #tpu.memory_space<vmem>>, %arg3: memref<1024x128xf32, #tpu.memory_space<vmem>>, %arg4: memref<2x8x128xf32, #tpu.memory_space<vmem>>, %arg5: memref<128x128xf32, #tpu.memory_space<vmem>>, %arg6: memref<1x128xf32, #tpu.memory_space<vmem>>, %arg7: memref<128x128xf32, #tpu.memory_space<vmem>>, %arg8: memref<1x128xf32, #tpu.memory_space<vmem>>, %arg9: memref<1024x128xf32, #tpu.memory_space<vmem>>) attributes {dimension_semantics = [#tpu.dimension_semantics<arbitrary>], iteration_bounds = array<i64: 10>, scalar_prefetch = 0 : i64, scratch_operands = 0 : i64, tpu.core_type = #tpu.core_type<tc>, window_params = [{transform_indices = @transform_0, window_bounds = array<i64: 1024, 128>}, {transform_indices = @transform_1, window_bounds = array<i64: 1024, 128>}, {transform_indices = @transform_2, window_bounds = array<i64: 1024, 128>}, {transform_indices = @transform_3, window_bounds = array<i64: 2, 8, 128>}, {pipeline_mode = #tpu.pipeline_mode<synchronous>, transform_indices = @transform_4, window_bounds = array<i64: 128, 128>}, {pipeline_mode = #tpu.pipeline_mode<synchronous>, transform_indices = @transform_5, window_bounds = array<i64: 1, 128>}, {pipeline_mode = #tpu.pipeline_mode<synchronous>, transform_indices = @transform_6, window_bounds = array<i64: 128, 128>}, {pipeline_mode = #tpu.pipeline_mode<synchronous>, transform_indices = @transform_7, window_bounds = array<i64: 1, 128>}, {transform_indices = @transform_8, window_bounds = array<i64: 1024, 128>}]} {
    %get3A = arith.constant 0 : index
    %get3A_0 = arith.constant 0 : index
    %get3A_1 = arith.constant 0 : index
    %get3A_2 = vector.load %arg4[%get3A, %get3A_0, %get3A_1] : memref<2x8x128xf32, #tpu.memory_space<vmem>>, vector<2x8x128xf32>
    %slice3A = vector.extract_strided_slice %get3A_2 {offsets = [0, 0, 0], sizes = [1, 8, 128], strides = [1, 1, 1]} : vector<2x8x128xf32> to vector<1x8x128xf32>
    %squeeze3A = vector.shape_cast %slice3A : vector<1x8x128xf32> to vector<8x128xf32>
    %slice3A_3 = vector.extract_strided_slice %get3A_2 {offsets = [1, 0, 0], sizes = [1, 8, 128], strides = [1, 1, 1]} : vector<2x8x128xf32> to vector<1x8x128xf32>
    %squeeze3A_4 = vector.shape_cast %slice3A_3 : vector<1x8x128xf32> to vector<8x128xf32>
    %add3A = arith.addf %squeeze3A, %squeeze3A_4 : vector<8x128xf32>
    %max3A = arith.constant 1.000000e+00 : f32
    %max3A_5 = vector.broadcast %max3A : f32 to vector<8x128xf32>
    %max3A_6 = arith.maximumf %add3A, %max3A_5 : vector<8x128xf32>
    %div3A = arith.constant 1.000000e+00 : f32
    %div3A_7 = vector.broadcast %div3A : f32 to vector<8x128xf32>
    %div3A_8 = arith.divf %div3A_7, %max3A_6 : vector<8x128xf32>
    %iota3A = tpu.iota {dimensions = array<i32: 0>} : vector<1024x128xi32>
    %jit3A = arith.constant 128 : i32
    %eq3A = arith.constant 0 : i32
    %eq3A_9 = arith.cmpi eq, %jit3A, %eq3A : i32
    %jit3A_10 = arith.constant 1 : i32
    %select_n3A = arith.select %eq3A_9, %jit3A_10, %jit3A : i32
    %rem3A = vector.broadcast %select_n3A : i32 to vector<1024x128xi32>
    %rem3A_11 = arith.remsi %iota3A, %rem3A : vector<1024x128xi32>
    %ne3A = arith.constant 0 : i32
    %ne3A_12 = vector.broadcast %ne3A : i32 to vector<1024x128xi32>
    %ne3A_13 = arith.cmpi ne, %rem3A_11, %ne3A_12 : vector<1024x128xi32>
    %lt3A = arith.constant 0 : i32
    %lt3A_14 = vector.broadcast %lt3A : i32 to vector<1024x128xi32>
    %lt3A_15 = arith.cmpi slt, %rem3A_11, %lt3A_14 : vector<1024x128xi32>
    %lt3A_16 = arith.constant 0 : i32
    %lt3A_17 = arith.cmpi slt, %select_n3A, %lt3A_16 : i32
    %ne3A_18 = vector.broadcast %lt3A_17 : i1 to vector<1024x128xi1>
    %ne3A_19 = vector.broadcast %ne3A_18 : vector<1024x128xi1> to vector<1024x128xi1>
    %ne3A_20 = arith.xori %lt3A_15, %ne3A_19 : vector<1024x128xi1>
    %and3A = arith.andi %ne3A_20, %ne3A_13 : vector<1024x128xi1>
    %add3A_21 = vector.broadcast %select_n3A : i32 to vector<1024x128xi32>
    %add3A_22 = arith.addi %rem3A_11, %add3A_21 : vector<1024x128xi32>
    %select_n3A_23 = arith.select %and3A, %add3A_22, %rem3A_11 : vector<1024x128xi1>, vector<1024x128xi32>
    %iota3A_24 = tpu.iota {dimensions = array<i32: 1>} : vector<1024x128xi32>
    %eq3A_25 = arith.cmpi eq, %select_n3A_23, %iota3A_24 : vector<1024x128xi32>
    %convert_element_type3A = arith.extui %eq3A_25 : vector<1024x128xi1> to vector<1024x128xi32>
    %convert_element_type3A_26 = arith.sitofp %convert_element_type3A : vector<1024x128xi32> to vector<1024x128xf32>
    %dot_general3A = arith.constant dense<0.000000e+00> : vector<1024x8xf32>
    %dot_general3A_27 = tpu.matmul %convert_element_type3A_26, %div3A_8, %dot_general3A {dimension_numbers = #tpu.dot_dimension_numbers<[1], [1], [0], [0], [0, 0, 1, 0], [], []>, transpose_lhs_hint = false} : vector<1024x128xf32>, vector<8x128xf32>, vector<1024x8xf32> -> vector<1024x8xf32>
    %iota3A_28 = tpu.iota {dimensions = array<i32: 0>} : vector<1024x8xi32>
    %jit3A_29 = arith.constant 128 : i32
    %div3A_30 = vector.broadcast %jit3A_29 : i32 to vector<1024x8xi32>
    %div3A_31 = arith.divsi %iota3A_28, %div3A_30 : vector<1024x8xi32>
    %sign3A = arith.constant 0 : i32
    %sign3A_32 = vector.broadcast %sign3A : i32 to vector<1024x8xi32>
    %sign3A_33 = arith.cmpi sgt, %iota3A_28, %sign3A_32 : vector<1024x8xi32>
    %sign3A_34 = arith.extui %sign3A_33 : vector<1024x8xi1> to vector<1024x8xi32>
    %sign3A_35 = arith.constant 0 : i32
    %sign3A_36 = vector.broadcast %sign3A_35 : i32 to vector<1024x8xi32>
    %sign3A_37 = arith.cmpi slt, %iota3A_28, %sign3A_36 : vector<1024x8xi32>
    %sign3A_38 = arith.extui %sign3A_37 : vector<1024x8xi1> to vector<1024x8xi32>
    %sign3A_39 = arith.subi %sign3A_34, %sign3A_38 : vector<1024x8xi32>
    %sign3A_40 = arith.constant 0 : i32
    %sign3A_41 = arith.cmpi sgt, %jit3A_29, %sign3A_40 : i32
    %sign3A_42 = arith.extui %sign3A_41 : i1 to i32
    %sign3A_43 = arith.constant 0 : i32
    %sign3A_44 = arith.cmpi slt, %jit3A_29, %sign3A_43 : i32
    %sign3A_45 = arith.extui %sign3A_44 : i1 to i32
    %sign3A_46 = arith.subi %sign3A_42, %sign3A_45 : i32
    %ne3A_47 = vector.broadcast %sign3A_46 : i32 to vector<1024x8xi32>
    %ne3A_48 = arith.cmpi ne, %sign3A_39, %ne3A_47 : vector<1024x8xi32>
    %rem3A_49 = vector.broadcast %jit3A_29 : i32 to vector<1024x8xi32>
    %rem3A_50 = arith.remsi %iota3A_28, %rem3A_49 : vector<1024x8xi32>
    %ne3A_51 = arith.constant 0 : i32
    %ne3A_52 = vector.broadcast %ne3A_51 : i32 to vector<1024x8xi32>
    %ne3A_53 = arith.cmpi ne, %rem3A_50, %ne3A_52 : vector<1024x8xi32>
    %and3A_54 = arith.andi %ne3A_48, %ne3A_53 : vector<1024x8xi1>
    %sub3A = arith.constant 1 : i32
    %sub3A_55 = vector.broadcast %sub3A : i32 to vector<1024x8xi32>
    %sub3A_56 = arith.subi %div3A_31, %sub3A_55 : vector<1024x8xi32>
    %select_n3A_57 = arith.select %and3A_54, %sub3A_56, %div3A_31 : vector<1024x8xi1>, vector<1024x8xi32>
    %iota3A_58 = tpu.iota {dimensions = array<i32: 1>} : vector<1024x8xi32>
    %eq3A_59 = arith.cmpi eq, %select_n3A_57, %iota3A_58 : vector<1024x8xi32>
    %convert_element_type3A_60 = arith.extui %eq3A_59 : vector<1024x8xi1> to vector<1024x8xi32>
    %convert_element_type3A_61 = arith.sitofp %convert_element_type3A_60 : vector<1024x8xi32> to vector<1024x8xf32>
    %mul3A = arith.mulf %dot_general3A_27, %convert_element_type3A_61 : vector<1024x8xf32>
    %reduce_sum3A = arith.constant dense<0.000000e+00> : vector<1024xf32>
    %reduce_sum3A_62 = vector.multi_reduction <add>, %mul3A, %reduce_sum3A [1] : vector<1024x8xf32> to vector<1024xf32>
    %broadcast_in_dim3A = vector.shape_cast %reduce_sum3A_62 : vector<1024xf32> to vector<1024x1xf32>
    %get3A_63 = arith.constant 0 : index
    %get3A_64 = arith.constant 0 : index
    %get3A_65 = vector.load %arg1[%get3A_63, %get3A_64] : memref<1024x128xf32, #tpu.memory_space<vmem>>, vector<1024x128xf32>
    %get3A_66 = arith.constant 0 : index
    %get3A_67 = arith.constant 0 : index
    %get3A_68 = vector.load %arg5[%get3A_66, %get3A_67] : memref<128x128xf32, #tpu.memory_space<vmem>>, vector<128x128xf32>
    %dot_general3A_69 = arith.constant dense<0.000000e+00> : vector<1024x128xf32>
    %dot_general3A_70 = tpu.matmul %get3A_65, %get3A_68, %dot_general3A_69 {dimension_numbers = #tpu.dot_dimension_numbers<[1], [0], [0], [1], [0, 0, 1, 1], [], []>, transpose_lhs_hint = false} : vector<1024x128xf32>, vector<128x128xf32>, vector<1024x128xf32> -> vector<1024x128xf32>
    %get3A_71 = arith.constant 0 : index
    %get3A_72 = arith.constant 0 : index
    %get3A_73 = vector.load %arg6[%get3A_71, %get3A_72] : memref<1x128xf32, #tpu.memory_space<vmem>>, vector<1x128xf32>
    %add3A_74 = vector.broadcast %get3A_73 : vector<1x128xf32> to vector<1024x128xf32>
    %add3A_75 = arith.addf %dot_general3A_70, %add3A_74 : vector<1024x128xf32>
    %get3A_76 = arith.constant 0 : index
    %get3A_77 = arith.constant 0 : index
    %get3A_78 = vector.load %arg2[%get3A_76, %get3A_77] : memref<1024x128xf32, #tpu.memory_space<vmem>>, vector<1024x128xf32>
    %get3A_79 = arith.constant 0 : index
    %get3A_80 = arith.constant 0 : index
    %get3A_81 = vector.load %arg3[%get3A_79, %get3A_80] : memref<1024x128xf32, #tpu.memory_space<vmem>>, vector<1024x128xf32>
    %add3A_82 = arith.addf %get3A_78, %get3A_81 : vector<1024x128xf32>
    %mul3A_83 = vector.broadcast %broadcast_in_dim3A : vector<1024x1xf32> to vector<1024x128xf32>
    %mul3A_84 = arith.mulf %add3A_82, %mul3A_83 : vector<1024x128xf32>
    %add3A_85 = arith.addf %add3A_75, %mul3A_84 : vector<1024x128xf32>
    %max3A_86 = arith.constant 0.000000e+00 : f32
    %max3A_87 = vector.broadcast %max3A_86 : f32 to vector<1024x128xf32>
    %max3A_88 = arith.maximumf %add3A_85, %max3A_87 : vector<1024x128xf32>
    %get3A_89 = arith.constant 0 : index
    %get3A_90 = arith.constant 0 : index
    %get3A_91 = vector.load %arg7[%get3A_89, %get3A_90] : memref<128x128xf32, #tpu.memory_space<vmem>>, vector<128x128xf32>
    %dot_general3A_92 = arith.constant dense<0.000000e+00> : vector<1024x128xf32>
    %dot_general3A_93 = tpu.matmul %max3A_88, %get3A_91, %dot_general3A_92 {dimension_numbers = #tpu.dot_dimension_numbers<[1], [0], [0], [1], [0, 0, 1, 1], [], []>, transpose_lhs_hint = false} : vector<1024x128xf32>, vector<128x128xf32>, vector<1024x128xf32> -> vector<1024x128xf32>
    %get3A_94 = arith.constant 0 : index
    %get3A_95 = arith.constant 0 : index
    %get3A_96 = vector.load %arg8[%get3A_94, %get3A_95] : memref<1x128xf32, #tpu.memory_space<vmem>>, vector<1x128xf32>
    %add3A_97 = vector.broadcast %get3A_96 : vector<1x128xf32> to vector<1024x128xf32>
    %add3A_98 = arith.addf %dot_general3A_93, %add3A_97 : vector<1024x128xf32>
    %swap3A = arith.constant 0 : index
    %swap3A_99 = arith.constant 0 : index
    %swap3A_100 = vector.load %arg9[%swap3A, %swap3A_99] : memref<1024x128xf32, #tpu.memory_space<vmem>>, vector<1024x128xf32>
    tpu.vector_store %arg9[%swap3A, %swap3A_99], %add3A_98 {strides = array<i32>} : memref<1024x128xf32, #tpu.memory_space<vmem>>, vector<1024x128xf32>,
    return
  }
  func.func @transform_0(%arg0: i32) -> (i32, i32) {
    %c0_i32 = arith.constant 0 : i32
    %c0_i32_0 = arith.constant 0 : i32
    return %arg0, %c0_i32 : i32, i32
  }
  func.func @transform_1(%arg0: i32) -> (i32, i32) {
    %c0_i32 = arith.constant 0 : i32
    %c0_i32_0 = arith.constant 0 : i32
    return %arg0, %c0_i32 : i32, i32
  }
  func.func @transform_2(%arg0: i32) -> (i32, i32) {
    %c0_i32 = arith.constant 0 : i32
    %c0_i32_0 = arith.constant 0 : i32
    return %arg0, %c0_i32 : i32, i32
  }
  func.func @transform_3(%arg0: i32) -> (i32, i32, i32) {
    %c0_i32 = arith.constant 0 : i32
    %c0_i32_0 = arith.constant 0 : i32
    %c0_i32_1 = arith.constant 0 : i32
    return %c0_i32, %arg0, %c0_i32_0 : i32, i32, i32
  }
  func.func @transform_4(%arg0: i32) -> (i32, i32) {
    %c0_i32 = arith.constant 0 : i32
    %c0_i32_0 = arith.constant 0 : i32
    %c0_i32_1 = arith.constant 0 : i32
    return %c0_i32, %c0_i32_0 : i32, i32
  }
  func.func @transform_5(%arg0: i32) -> (i32, i32) {
    %c0_i32 = arith.constant 0 : i32
    %c0_i32_0 = arith.constant 0 : i32
    %c0_i32_1 = arith.constant 0 : i32
    return %c0_i32, %c0_i32_0 : i32, i32
  }
  func.func @transform_6(%arg0: i32) -> (i32, i32) {
    %c0_i32 = arith.constant 0 : i32
    %c0_i32_0 = arith.constant 0 : i32
    %c0_i32_1 = arith.constant 0 : i32
    return %c0_i32, %c0_i32_0 : i32, i32
  }
  func.func @transform_7(%arg0: i32) -> (i32, i32) {
    %c0_i32 = arith.constant 0 : i32
    %c0_i32_0 = arith.constant 0 : i32
    %c0_i32_1 = arith.constant 0 : i32
    return %c0_i32, %c0_i32_0 : i32, i32
  }
  func.func @transform_8(%arg0: i32) -> (i32, i32) {
    %c0_i32 = arith.constant 0 : i32
    %c0_i32_0 = arith.constant 0 : i32
    return %arg0, %c0_i32 : i32, i32
  }
}

</mosaic_0001>

<sc_bundles>
// kernel: kernel.11.cloned.1.call-start
scs
__scs_entry_jumppad:
0x0: {  	(pc) =	sbr.rel $0x88, $3  }
0x1: {  	(tag) =	ssettag $0x0;
	lr =	simm.s32 $0x1  }
0x2: {  	[smem:$0x3F95] =	sst lr;
	_ =	strace $0xD0000000  }
0x3: {  	_ = 	snop  }
0x4: {  	_ = 	snop  }
0x5: {  	_ = 	snop  }
0x6: {  	_ = 	snop  }
0x7: {  	_ = 	snop  }
__scs_overlays_trampoline_lowered:
0x8: {  	[smem:$0x3FA4] =	sst s0  }
0x9: {  	[smem:$0x3FA5] =	sst s1  }
0xa: {  	[smem:$0x3FA6] =	sst s2  }
0xb: {  	[smem:$0x3FA7] =	sst s3  }
0xc: {  	[smem:$0x3FA8] =	sst s4  }
0xd: {  	[smem:$0x3FA9] =	sst s5  }
0xe: {  	[smem:$0x3FAA] =	sst s6  }
0xf: {  	[smem:$0x3FAB] =	sst s7  }
0x10: {  	[smem:$0x3FAC] =	sst s8  }
0x11: {  	[smem:$0x3FAD] =	sst s9;
	s0 =	simm.s32 @!p0 $0x0  }
0x12: {  	s1 =	sld [smem:$0x3F93];
	s0 =	simm.s32 @p0 $0x1  }
0x13: {  	[smem:$0x3FAE] =	sst s0;
	s0 =	simm.s32 @!p1 $0x0  }
0x14: {  	s2 =	sld [smem:$0x3F92];
	s0 =	simm.s32 @p1 $0x1  }
0x15: {  	[smem:$0x3FAF] =	sst s0;
	s0 =	simm.s32 @!p2 $0x0  }
0x16: {  	s3 =	sld [smem:$0x3FDB];
	s0 =	simm.s32 @p2 $0x1  }
0x17: {  	s4 =	simm.s32 $0x1BF5;
	[smem:$0x3FB1] =	sst s0  }
0x18: {  	s0 =	sld [smem:$0x3F94];
	_ =	swait.ge [sflag:s4], $0x0  }
0x19: {  	s7 =	sld [smem:$0x3F95]  }
0x1a: {  	s8 =	sadd.s32 $0xFFFFE003, lr  }
0x1b: {  	s9 =	sadd.s32 $0xFFFFFEF7, lr;
	s5 =	simm.s32 $0xFFFFFFFF;
	p2 =	slt.u32 s8, $0xFFFFF086  }
0x1c: {  	p1 =	slt.u32 s9, $0xF7A;
	s5 =	simm.s32 @!p2 $0x0  }
0x1d: {  	s5 =	simm.s32 @p1 $0x1;
	p0 =	seq.s32 s7, s2  }
0x1e: {  	s7 =	smul.u32 @!p0 $0xF7A, s2;
	p2 =	seq.s32 @!p0 s5, $0x0  }
0x1f: {  	s9 =	smul.u32 $0xF7A, s1;
	s8 =	simm.s32 @!p0 $0x1BF5;
	p2 =	por !p2, p0  }
0x20: {  	[sflag:s8] =	ssyncset.s32 @!p0 $0xFFFFF086;
	s6 =	sadd.s32 @!p0 s3, s7;
	s7 =	simm.s32 @!p0 $0x108  }
0x21: {  	s3 =	sadd.s32 s3, s9;
	s6 =	sadd.s32 @!p0 $0x88, s6;
	s7 =	simm.s32 @p2 $0x1082  }
0x22: {  	[simem:s7], [sflag:s8] =	dma.local @!p0 [hbm:s6], $0xF7A  }
0x23: {  	s9 =	sor.u32 $0xD0000000, s2;
	s6 =	simm.s32 $0x108;
	_ =	swait.ge @!p0 [sflag:s8], $0x0  }
0x24: {  	s3 =	sadd.s32 $0x88, s3;
	s6 =	simm.s32 @!p1 $0x1082;
	[sflag:s4] =	ssyncset.s32 $0xFFFFF086  }
0x25: {  	[simem:s6], [sflag:s4] =	dma.local [hbm:s3], $0xF7A  }
0x26: {  	[smem:$0x3F95] =	sst s1;
	(tag) =	ssettag s2;
	_ =	strace s9  }
0x27: {  	s1 =	sld [smem:$0x3FA5]  }
0x28: {  	s2 =	sld [smem:$0x3FA6]  }
0x29: {  	s4 =	sld [smem:$0x3FA8]  }
0x2a: {  	p0 =	seq.s32 s5, $0x0;
	s5 =	sld [smem:$0x3FA9]  }
0x2b: {  	s6 =	sld [smem:$0x3FAA]  }
0x2c: {  	s7 =	sld [smem:$0x3FAB]  }
0x2d: {  	s3 =	simm.s32 $0x108;
	s8 =	sld [smem:$0x3FAC]  }
0x2e: {  	s3 =	simm.s32 @!p0 $0x1082;
	s9 =	sld [smem:$0x3FAD]  }
0x2f: {  	lr =	sadd.s32 s0, s3;
	s0 =	sld [smem:$0x3FA4]  }
0x30: {  	s3 =	sld [smem:$0x3FA7]  }
0x31: {  	[smem:$0x3FB0] =	sst s10  }
0x32: {  	s10 =	sld [smem:$0x3FAE];
	_ =	sdelay $0x3  }
0x33: {  	p0 =	seq.s32 s10, $0x1;
	s10 =	sld [smem:$0x3FB0];
	_ =	sdelay $0x3  }
0x34: {  	[smem:$0x3FB0] =	sst s10  }
0x35: {  	s10 =	sld [smem:$0x3FAF];
	_ =	sdelay $0x3  }
0x36: {  	p1 =	seq.s32 s10, $0x1;
	s10 =	sld [smem:$0x3FB0];
	_ =	sdelay $0x3  }
0x37: {  	[smem:$0x3FB0] =	sst s10  }
0x38: {  	s10 =	sld [smem:$0x3FB1]  }
0x39: {  	_ = 	snop;
	(pc) =	sbr.ind lr, $3  }
0x3a: {  	_ = 	snop  }
0x3b: {  	_ = 	snop  }
0x3c: {  	p2 =	seq.s32 s10, $0x1;
	s10 =	sld [smem:$0x3FB0]  }
0x3d: {  	_ =	shalt  }
0x3e: {  	_ =	shalt  }
0x3f: {  	_ =	shalt  }
0x40: {  	_ =	shalt  }
0x41: {  	_ =	shalt  }
0x42: {  	_ =	shalt  }
0x43: {  	_ =	shalt  }
0x44: {  	_ =	shalt  }
0x45: {  	_ =	shalt  }
0x46: {  	_ =	shalt  }
0x47: {  	_ =	shalt  }
0x48: {  	_ =	shalt  }
0x49: {  	_ =	shalt  }
0x4a: {  	_ =	shalt  }
0x4b: {  	_ =	shalt  }
0x4c: {  	_ =	shalt  }
0x4d: {  	_ =	shalt  }
0x4e: {  	_ =	shalt  }
0x4f: {  	_ =	shalt  }
0x50: {  	_ =	shalt  }
0x51: {  	_ =	shalt  }
0x52: {  	_ =	shalt  }
0x53: {  	_ =	shalt  }
0x54: {  	_ =	shalt  }
0x55: {  	_ =	shalt  }
0x56: {  	_ =	shalt  }
0x57: {  	_ =	shalt  }
0x58: {  	_ =	shalt  }
0x59: {  	_ =	shalt  }
0x5a: {  	_ =	shalt  }
0x5b: {  	_ =	shalt  }
0x5c: {  	_ =	shalt  }
0x5d: {  	_ =	shalt  }
0x5e: {  	_ =	shalt  }
0x5f: {  	_ =	shalt  }
0x60: {  	_ =	shalt  }
0x61: {  	_ =	shalt  }
0x62: {  	_ =	shalt  }
0x63: {  	_ =	shalt  }
0x64: {  	_ =	shalt  }
0x65: {  	_ =	shalt  }
0x66: {  	_ =	shalt  }
0x67: {  	_ =	shalt  }
0x68: {  	_ =	shalt  }
0x69: {  	_ =	shalt  }
0x6a: {  	_ =	shalt  }
0x6b: {  	_ =	shalt  }
0x6c: {  	_ =	shalt  }
0x6d: {  	_ =	shalt  }
0x6e: {  	_ =	shalt  }
0x6f: {  	_ =	shalt  }
0x70: {  	_ =	shalt  }
0x71: {  	_ =	shalt  }
0x72: {  	_ =	shalt  }
0x73: {  	_ =	shalt  }
0x74: {  	_ =	shalt  }
0x75: {  	_ =	shalt  }
0x76: {  	_ =	shalt  }
0x77: {  	_ =	shalt  }
0x78: {  	_ =	shalt  }
0x79: {  	_ =	shalt  }
0x7a: {  	_ =	shalt  }
0x7b: {  	_ =	shalt  }
0x7c: {  	_ =	shalt  }
0x7d: {  	_ =	shalt  }
0x7e: {  	_ =	shalt  }
0x7f: {  	_ =	shalt  }
0x80: {  	_ =	shalt  }
0x81: {  	_ =	shalt  }
0x82: {  	_ =	shalt  }
0x83: {  	_ =	shalt  }
0x84: {  	_ =	shalt  }
0x85: {  	_ =	shalt  }
0x86: {  	_ =	shalt  }
0x87: {  	_ =	shalt  }
.Lfunc_end0:
.L_simem_size_0:
called_computation.1_lowered:
.L_overlay_start_0:
0x88: {  	s2 =	sld [smem:$0x3FD9]  }
0x89: {  	s3 =	sld [smem:$0x3FFE];
	_ =	sdelay $0x1  }
0x8a: {  	s1 =	srdreg.scid  }
0x8b: {  	s0 =	sand.u32 $0x1, s1  }
0x8c: {  	s16 =	sshll.u32 s0, $0xA;
	s2 =	sadd.s32 s3, s2  }
0x8d: {  	s2 =	sadd.s32 s2, s16  }
0x8e: {  	[smem:$0x3FBC] =	sst s2  }
0x8f: {  	_ = 	snop  }
0x90: {  	(tm) =	ssettm $0x1  }
0x91: {  	s17 =	sld [smem:$0x3FFB];
	_ =	sdelay $0x3  }
0x92: {  	_ =	strace s17  }
0x93: {  	s2 =	sld [smem:$0x3FFC];
	_ =	sdelay $0x3  }
0x94: {  	_ =	strace s2  }
0x95: {  	s2 =	sld [smem:$0x3FFD];
	_ =	sdelay $0x3  }
0x96: {  	_ =	strace s2  }
0x97: {  	_ =	strace $0x8FFFFFFF  }
0x98: {  	s18 =	sld [smem:$0x3FDB];
	_ =	sdelay $0x1  }
0x99: {  	s19 =	simm.s32 $_scs_section_size  }
0x9a: {  	s4 =	simm.s32 $_size__tile_overlayer_lowered;
	s5 =	simm.s32 $_tile_overlayer_lowered  }
0x9b: {  	s22 =	simm.s32 $0x1BFF;
	s21 =	sshll.u32 s5, $0x1;
	s2 =	sadd.s32 s19, s18  }
0x9c: {  	s6 =	simm.s32 $0x0;
	s20 =	sshll.u32 s4, $0x1;
	s4 =	sadd.s32 s21, s2  }
0x9d: {  	[timem:s6], [sflag:s22] =	dma.local [hbm:s4], s20  }
0x9e: {  	_ =	swait.ge [sflag:s22], s20  }
0x9f: {  	s3 =	ssub.s32 $0x0, s20;
	[sflag:s22] =	ssyncset.done $0x0  }
0xa0: {  	[sflag:s22] =	ssyncadd.s32 s3;
	_ =	sdelay $0x1  }
0xa1: {  	s23 =	simm.s32 $0x1B8B  }
0xa2: {  	_ =	swait.ge [sflag:s23], $0x1  }
0xa3: {  	[sflag:s23] =	ssyncset.done $0x0  }
0xa4: {  	s25 =	simm.s32 $0x1B8E;
	s24 =	sld [smem:$0x3FFE];
	[sflag:s23] =	ssyncadd.s32 $0xFFFFFFFF  }
0xa5: {  	s26 =	simm.s32 $execute0_lowered;
	[smem:$0x3FD2] =	sst s25  }
0xa6: {  	s4 =	sshll.u32 s26, $0x1;
	_ =	strace $0x80000049;
	[dreg:$0x1] =	wrdreg $0xFFFFFFFF  }
0xa7: {  	s28 =	simm.s32 $_size_execute0_lowered;
	s2 =	sadd.s32 s2, s4;
	[dreg:$0x0] =	wrdreg $0x0  }
0xa8: {  	s4 =	sshll.u32 s28, $0x1;
	[dreg:$0x2] =	wrdreg s2  }
0xa9: {  	[dreg:$0x3] =	wrdreg s4  }
0xaa: {  	[dreg:$0x4] =	wrdreg $0xC0  }
0xab: {  	_ =	task [dreg:s6], $0x5FFFF  }
0xac: {  	[dreg:$0x1] =	wrdreg $0xFFFFFFFF  }
0xad: {  	[dreg:$0x0] =	wrdreg $0x60  }
0xae: {  	[dreg:$0x2] =	wrdreg s24  }
0xaf: {  	[dreg:$0x3] =	wrdreg $0x90000  }
0xb0: {  	[dreg:$0x4] =	wrdreg $0x9  }
0xb1: {  	_ =	task.clear_ibuf [dreg:s6], $0x5FFFF;
	_ =	strace $0x90000049  }
0xb2: {  	s29 =	simm.s32 $0x9;
	_ =	strace $0x8000004B  }
0xb3: {  	_ =	swait.ge [sflag:s29], $0x1  }
0xb4: {  	[sflag:s29] =	ssyncadd.s32 $0xFFFFFFFF  }
0xb5: {  	_ =	strace $0x9000004B  }
0xb6: {  	_ =	sfence  }
0xb7: {  	s30 =	sld [smem:$0x0];
	_ =	sdelay $0x2  }
0xb8: {  	s31 =	sshll.u32 s1, $0xD;
	s1 =	sshrl.u32 s1, $0x2  }
0xb9: {  	s3 =	sand.u32 $0x4000, s31;
	s1 =	sadd.s32 s1, s30  }
0xba: {  	s0 =	sor.u32 s3, s0;
	s1 =	sshll.u32 s1, $0x11  }
0xbb: {  	s0 =	sor.u32 s1, s0  }
0xbc: {  	s0 =	sadd.s32 $0x8F2B, s0  }
0xbd: {  	[sflag:s0] =	ssyncadd.remote.s32 $0x1  }
0xbe: {  	_ =	sfence.sel $0xFFFF  }
0xbf: {  	[dreg:$0x0] =	wrdreg $0xFFFFFFFF;
	(pc) =	sbr.abs _section_cstart, $3  }
0xc0: {  	[dreg:$0x1] =	wrdreg $0xFFFFFFFF  }
0xc1: {  	_ =	task.clear_ibuf [dreg:s6], $0x2FFFF;
	_ =	strace $0x9FFFFFFF  }
0xc2: {  	(tm) =	ssettm $0x7FFFFFFF  }
0xc3: {  	_ =	shalt  }
tec
execute0_lowered:
.L_overlay_start_1:
0x0: {  	(tag) =	ssettag $0x1  }
0x1: {  	s0 =	rddreg [dreg:$0x0]  }
0x2: {  	s1 =	rddreg [dreg:$0x1];
	s2 =	srdreg.scid  }
0x3: {  	s3 =	simm.s32 $0x0;
	s12 =	stileid.u32;
	s28 =	simm.s32 $0x6800  }
0x4: {  	s29 =	simm.s32 $0x1;
	s30 =	simm.s32 $0x2;
	s31 =	simm.s32 $0x2C00  }
0x5: {  	s2 =	sand.u32 $0x1, s2;
	[smem:$0x7FF] =	sst s3;
	s4 =	sadd.s32 $0x2B600, s0  }
0x6: {  	s6 =	sadd.s32 $0x3600, s0;
	s8 =	sadd.s32 $0x17600, s0;
	s10 =	smul.u32 $0x50000, s12  }
0x7: {  	s11 =	sadd.s32 $0x53600, s0;
	s21 =	sshll.u32 s12, $0x6;
	s26 =	smul.u32 $0x2800, s12  }
0x8: {  	s5 =	sshll.u32 s2, $0x4;
	_ =	strace $0x8000004A;
	s7 =	ssub.s32 $0x2, s2  }
0x9: {  	[dreg:$0x3] =	wrdreg s11;
	p0 =	seq.s32 s2, $0x1;
	s2 =	simm.s32 $0x7DE00  }
0xa: {  	s5 =	sor.u32 s12, s5;
	s9 =	sshrl.u32 s7, $0x1;
	s20 =	sshrl.u32 s10, $0x2  }
0xb: {  	s2 =	simm.s32 @!p0 $0x55E00;
	s5 =	smul.u32 $0x5000, s5;
	s7 =	ssub.s32 s7, s9  }
0xc: {  	s9 =	sadd.s32 s20, s1;
	s0 =	sadd.s32 s2, s0;
	s20 =	simm.s32 $0x2000  }
0xd: {  	s2 =	simm.s32 $0x3C00;
	[dreg:$0x6] =	wrdreg s9;
	s5 =	sshrl.u32 s5, $0x3  }
0xe: {  	s9 =	sor.u32 $0x1C05, s21;
	s21 =	simm.s32 $0x5;
	s18 =	sadd.s32 s6, s5  }
0xf: {  	s19 =	sadd.s32 s8, s5;
	s22 =	sadd.s32 $0x200, s5;
	s13 =	sadd.s32 $0x400, s5  }
0x10: {  	s15 =	sadd.s32 $0x600, s5;
	s5 =	sadd.s32 $0x800, s5;
	[dreg:$0x4] =	wrdreg s18  }
0x11: {  	[dreg:$0x5] =	wrdreg s19;
	s23 =	sadd.s32 s6, s22;
	s24 =	sadd.s32 s8, s22  }
0x12: {  	s25 =	sadd.s32 s6, s13;
	s13 =	sadd.s32 s8, s13;
	s14 =	sadd.s32 s6, s15  }
0x13: {  	s15 =	sadd.s32 s8, s15;
	s16 =	sadd.s32 s6, s5;
	s17 =	sadd.s32 s8, s5  }
0x14: {  	s18 =	smax.u32 s7, $0x1;
	s19 =	sadd.s32 s0, s26;
	[dreg:$0x7] =	wrdreg s23  }
0x15: {  	s22 =	simm.s32 $0x3;
	s26 =	simm.s32 $0x4000;
	[dreg:$0x8] =	wrdreg s24  }
0x16: {  	s0 =	simm.s32 $0x4;
	s5 =	simm.s32 $0x0;
	[dreg:$0x9] =	wrdreg s25  }
0x17: {  	s23 =	simm.s32 $0x1000;
	s24 =	simm.s32 $0x3000;
	s25 =	simm.s32 $0x50  }
.LBB2_1:
0x18: {  	s6 =	rddreg [dreg:$0x4]  }
0x19: {  	s8 =	rddreg [dreg:$0x5]  }
0x1a: {  	s10 =	rddreg [dreg:$0x6]  }
0x1b: {  	[tilespmem:s3], [sflag:$0x3] =	stream.linear.gather [hbm4b:s6+s3], $0xC80, $0x38;
	[tilespmem:$0x1D000] =	vst v63  }
0x1c: {  	s7 =	rddreg [dreg:$0x3];
	s6 =	sshrl.u32 s10, $0x3  }
0x1d: {  	[tilespmem:s20], [sflag:$0x3] =	stream.linear.gather [hbm4b:s8+s3], $0xC80, $0x38;
	[tilespmem:$0x1D000] =	vst v63  }
0x1e: {  	[spmem:s6], [sflag:s9] =	dma.local [hbm:s7], $0x2800  }
0x1f: {  	_ =	swait.ge [sflag:s21], $0x2800  }
0x20: {  	[sflag:s21] =	ssyncset.done $0x0  }
0x21: {  	[sflag:s21] =	ssyncadd.s32 $0xFFFFD800  }
0x22: {  	[bflag:$0x0] =	sbarrier.arrive $0xFFFF  }
0x23: {  	_ =	swait.ge [sflag:s22], $0xC80  }
0x24: {  	[sflag:s22] =	ssyncset.done $0x0  }
0x25: {  	[sflag:s22] =	ssyncadd.s32 $0xFFFFF380  }
0x26: {  	_ =	swait.ge [sflag:s22], $0xC80  }
0x27: {  	[sflag:s22] =	ssyncset.done $0x0  }
0x28: {  	s11 =	rddreg [dreg:$0x7];
	[sflag:s22] =	ssyncadd.s32 $0xFFFFF380  }
0x29: {  	[tilespmem:s23], [sflag:$0x4] =	stream.linear.gather [hbm4b:s11+s3], $0xC80, $0x38;
	[tilespmem:$0x1D000] =	vst v63  }
0x2a: {  	s12 =	rddreg [dreg:$0x8]  }
0x2b: {  	[tilespmem:s24], [sflag:$0x4] =	stream.linear.gather [hbm4b:s12+s3], $0xC80, $0x38;
	[tilespmem:$0x1D000] =	vst v63  }
0x2c: {  	_ = 	snop  }
0x2d: {  	[tilespmem:s26], [sflag:$0x1] =	stream.indirect.gather [hbm4b:s4+s25], $0x80, s3, s25, $0xb8;
	[tilespmem:$0x1D000] =	vst v63  }
0x2e: {  	s8 =	simm.s32 $0x80  }
0x2f: {  	[tilespmem:s28], [sflag:$0x2] =	stream.indirect.gather [hbm4b:s4+s25], $0x80, s8, s25, $0xb8;
	[tilespmem:$0x1D000] =	vst v63  }
0x30: {  	_ =	swait.ge [sflag:s29], $0x2800  }
0x31: {  	[sflag:s29] =	ssyncset.done $0x0  }
0x32: {  	s10 =	simm.s32 $0x2000;
	[sflag:s29] =	ssyncadd.s32 $0xFFFFD800  }
0x33: {  	[spmem:s1] =	stream.indirect.scatter.add.f32 [tilespmem:s26], [sflag:$0x5], $0x80, s10, s25, $0xb8;
	[tilespmem:$0x1D000] =	vst v63  }
0x34: {  	_ =	swait.ge [sflag:s21], $0x2800  }
0x35: {  	[sflag:s21] =	ssyncset.done $0x0  }
0x36: {  	s11 =	simm.s32 $0x100;
	[sflag:s21] =	ssyncadd.s32 $0xFFFFD800  }
0x37: {  	[tilespmem:s26], [sflag:$0x1] =	stream.indirect.gather [hbm4b:s4+s25], $0x80, s11, s25, $0xb8;
	[tilespmem:$0x1D000] =	vst v63  }
0x38: {  	_ =	swait.ge [sflag:s30], $0x2800  }
0x39: {  	[sflag:s30] =	ssyncset.done $0x0  }
0x3a: {  	s12 =	simm.s32 $0x2080;
	[sflag:s30] =	ssyncadd.s32 $0xFFFFD800  }
0x3b: {  	[spmem:s1] =	stream.indirect.scatter.add.f32 [tilespmem:s28], [sflag:$0x5], $0x80, s12, s25, $0xb8;
	[tilespmem:$0x1D000] =	vst v63  }
0x3c: {  	_ =	swait.ge [sflag:s21], $0x2800  }
0x3d: {  	s7 =	simm.s32 $0x100;
	s8 =	simm.s32 $0x800;
	[sflag:s21] =	ssyncset.done $0x0  }
.LBB2_2:
0x3e: {  	s10 =	sadd.s32 $0x80, s7  }
0x3f: {  	[sflag:s21] =	ssyncadd.s32 $0xFFFFD800;
	s11 =	smov.u32 s8;
	s12 =	sadd.s32 $0x400, s8  }
0x40: {  	[tilespmem:s28], [sflag:$0x2] =	stream.indirect.gather [hbm4b:s4+s25], $0x80, s10, s25, $0xb8;
	[tilespmem:$0x1D000] =	vst v63  }
0x41: {  	p0 =	sne.s32 s8, $0x2C00;
	_ =	swait.ge [sflag:s29], $0x2800  }
0x42: {  	[sflag:s29] =	ssyncset.done $0x0  }
0x43: {  	s8 =	sadd.s32 $0x2000, s7;
	[sflag:s29] =	ssyncadd.s32 $0xFFFFD800  }
0x44: {  	[spmem:s1] =	stream.indirect.scatter.add.f32 [tilespmem:s26], [sflag:$0x5], $0x80, s8, s25, $0xb8;
	[tilespmem:$0x1D000] =	vst v63  }
0x45: {  	_ =	swait.ge [sflag:s21], $0x2800  }
0x46: {  	[sflag:s21] =	ssyncset.done $0x0  }
0x47: {  	s8 =	sadd.s32 $0x100, s7;
	[sflag:s21] =	ssyncadd.s32 $0xFFFFD800  }
0x48: {  	[tilespmem:s26], [sflag:$0x1] =	stream.indirect.gather [hbm4b:s4+s25], $0x80, s8, s25, $0xb8;
	[tilespmem:$0x1D000] =	vst v63  }
0x49: {  	_ =	swait.ge [sflag:s30], $0x2800  }
.Ltmp0:
0x4a: {  	[sflag:s30] =	ssyncset.done $0x0;
	(pc) =	sbr.rel @p0 .LBB2_2-.Ltmp0, $4  }
0x4b: {  	s7 =	sadd.s32 $0x2080, s7;
	[sflag:s30] =	ssyncadd.s32 $0xFFFFD800  }
0x4c: {  	[spmem:s1] =	stream.indirect.scatter.add.f32 [tilespmem:s28], [sflag:$0x5], $0x80, s7, s25, $0xb8;
	[tilespmem:$0x1D000] =	vst v63  }
0x4d: {  	_ =	swait.ge [sflag:s21], $0x2800  }
0x4e: {  	s8 =	smov.u32 s12;
	s7 =	sshra.s32 s11, $0x2;
	[sflag:s21] =	ssyncset.done $0x0  }
0x4f: {  	s8 =	sadd.s32 $0x80, s7;
	[sflag:s21] =	ssyncadd.s32 $0xFFFFD800  }
0x50: {  	[tilespmem:s28], [sflag:$0x2] =	stream.indirect.gather [hbm4b:s4+s25], $0x80, s8, s25, $0xb8;
	[tilespmem:$0x1D000] =	vst v63  }
0x51: {  	_ =	swait.ge [sflag:s29], $0x2800  }
0x52: {  	[sflag:s29] =	ssyncset.done $0x0  }
0x53: {  	s12 =	sadd.s32 $0x2000, s7;
	[sflag:s29] =	ssyncadd.s32 $0xFFFFD800  }
0x54: {  	[spmem:s1] =	stream.indirect.scatter.add.f32 [tilespmem:s26], [sflag:$0x5], $0x80, s12, s25, $0xb8;
	[tilespmem:$0x1D000] =	vst v63  }
0x55: {  	_ =	swait.ge [sflag:s21], $0x2800  }
0x56: {  	[sflag:s21] =	ssyncset.done $0x0  }
0x57: {  	s10 =	sadd.s32 $0x100, s7;
	[sflag:s21] =	ssyncadd.s32 $0xFFFFD800  }
0x58: {  	[tilespmem:s26], [sflag:$0x1] =	stream.indirect.gather [hbm4b:s4+s25], $0x80, s10, s25, $0xb8;
	[tilespmem:$0x1D000] =	vst v63  }
0x59: {  	_ =	swait.ge [sflag:s30], $0x2800  }
0x5a: {  	[sflag:s30] =	ssyncset.done $0x0  }
0x5b: {  	s11 =	sadd.s32 $0x2080, s7;
	[sflag:s30] =	ssyncadd.s32 $0xFFFFD800  }
0x5c: {  	[spmem:s1] =	stream.indirect.scatter.add.f32 [tilespmem:s28], [sflag:$0x5], $0x80, s11, s25, $0xb8;
	[tilespmem:$0x1D000] =	vst v63  }
0x5d: {  	_ =	swait.ge [sflag:s21], $0x2800  }
0x5e: {  	[sflag:s21] =	ssyncset.done $0x0  }
0x5f: {  	[sflag:s21] =	ssyncadd.s32 $0xFFFFD800  }
0x60: {  	_ =	swait.ge [sflag:s29], $0x2800  }
0x61: {  	[sflag:s29] =	ssyncset.done $0x0  }
0x62: {  	[sflag:s29] =	ssyncadd.s32 $0xFFFFD800  }
0x63: {  	[spmem:s1] =	stream.indirect.scatter.add.f32 [tilespmem:s26], [sflag:$0x5], $0x80, s31, s25, $0xb8;
	[tilespmem:$0x1D000] =	vst v63  }
0x64: {  	_ =	swait.ge [sflag:s21], $0x2800  }
0x65: {  	[sflag:s21] =	ssyncset.done $0x0  }
0x66: {  	[sflag:s21] =	ssyncadd.s32 $0xFFFFD800  }
0x67: {  	_ =	swait.ge [sflag:s0], $0xC80  }
0x68: {  	[sflag:s0] =	ssyncset.done $0x0  }
0x69: {  	[sflag:s0] =	ssyncadd.s32 $0xFFFFF380  }
0x6a: {  	_ =	swait.ge [sflag:s0], $0xC80  }
0x6b: {  	[sflag:s0] =	ssyncset.done $0x0  }
0x6c: {  	s12 =	rddreg [dreg:$0x9];
	[sflag:s0] =	ssyncadd.s32 $0xFFFFF380  }
0x6d: {  	[tilespmem:s3], [sflag:$0x3] =	stream.linear.gather [hbm4b:s12+s3], $0xC80, $0x38;
	[tilespmem:$0x1D000] =	vst v63  }
0x6e: {  	_ = 	snop  }
0x6f: {  	[tilespmem:s20], [sflag:$0x3] =	stream.linear.gather [hbm4b:s13+s3], $0xC80, $0x38;
	[tilespmem:$0x1D000] =	vst v63  }
0x70: {  	_ = 	snop  }
0x71: {  	[tilespmem:s26], [sflag:$0x1] =	stream.indirect.gather [hbm4b:s4+s25], $0x80, s23, s25, $0xb8;
	[tilespmem:$0x1D000] =	vst v63  }
0x72: {  	s8 =	simm.s32 $0x1080  }
0x73: {  	[tilespmem:s28], [sflag:$0x2] =	stream.indirect.gather [hbm4b:s4+s25], $0x80, s8, s25, $0xb8;
	[tilespmem:$0x1D000] =	vst v63  }
0x74: {  	_ =	swait.ge [sflag:s29], $0x2800  }
0x75: {  	[sflag:s29] =	ssyncset.done $0x0  }
0x76: {  	s10 =	simm.s32 $0x3000;
	[sflag:s29] =	ssyncadd.s32 $0xFFFFD800  }
0x77: {  	[spmem:s1] =	stream.indirect.scatter.add.f32 [tilespmem:s26], [sflag:$0x5], $0x80, s10, s25, $0xb8;
	[tilespmem:$0x1D000] =	vst v63  }
0x78: {  	_ =	swait.ge [sflag:s21], $0x2800  }
0x79: {  	[sflag:s21] =	ssyncset.done $0x0  }
0x7a: {  	s11 =	simm.s32 $0x1100;
	[sflag:s21] =	ssyncadd.s32 $0xFFFFD800  }
0x7b: {  	[tilespmem:s26], [sflag:$0x1] =	stream.indirect.gather [hbm4b:s4+s25], $0x80, s11, s25, $0xb8;
	[tilespmem:$0x1D000] =	vst v63  }
0x7c: {  	_ =	swait.ge [sflag:s30], $0x2800  }
0x7d: {  	[sflag:s30] =	ssyncset.done $0x0  }
0x7e: {  	s12 =	simm.s32 $0x3080;
	[sflag:s30] =	ssyncadd.s32 $0xFFFFD800  }
0x7f: {  	[spmem:s1] =	stream.indirect.scatter.add.f32 [tilespmem:s28], [sflag:$0x5], $0x80, s12, s25, $0xb8;
	[tilespmem:$0x1D000] =	vst v63  }
0x80: {  	_ =	swait.ge [sflag:s21], $0x2800  }
0x81: {  	s7 =	simm.s32 $0xFFFFF500;
	s8 =	simm.s32 $0xFFFFD800;
	[sflag:s21] =	ssyncset.done $0x0  }
.LBB2_4:
0x82: {  	s10 =	sadd.s32 $0x1C80, s7  }
0x83: {  	[sflag:s21] =	ssyncadd.s32 $0xFFFFD800;
	s11 =	smov.u32 s8;
	s12 =	sadd.s32 $0x400, s8  }
0x84: {  	[tilespmem:s28], [sflag:$0x2] =	stream.indirect.gather [hbm4b:s4+s25], $0x80, s10, s25, $0xb8;
	[tilespmem:$0x1D000] =	vst v63  }
0x85: {  	p0 =	sne.s32 s8, $0xFFFFFC00;
	_ =	swait.ge [sflag:s29], $0x2800  }
0x86: {  	[sflag:s29] =	ssyncset.done $0x0  }
0x87: {  	s8 =	sadd.s32 $0x3C00, s7;
	[sflag:s29] =	ssyncadd.s32 $0xFFFFD800  }
0x88: {  	[spmem:s1] =	stream.indirect.scatter.add.f32 [tilespmem:s26], [sflag:$0x5], $0x80, s8, s25, $0xb8;
	[tilespmem:$0x1D000] =	vst v63  }
0x89: {  	_ =	swait.ge [sflag:s21], $0x2800  }
0x8a: {  	[sflag:s21] =	ssyncset.done $0x0  }
0x8b: {  	s8 =	sadd.s32 $0x1D00, s7;
	[sflag:s21] =	ssyncadd.s32 $0xFFFFD800  }
0x8c: {  	[tilespmem:s26], [sflag:$0x1] =	stream.indirect.gather [hbm4b:s4+s25], $0x80, s8, s25, $0xb8;
	[tilespmem:$0x1D000] =	vst v63  }
0x8d: {  	_ =	swait.ge [sflag:s30], $0x2800  }
.Ltmp1:
0x8e: {  	[sflag:s30] =	ssyncset.done $0x0;
	(pc) =	sbr.rel @p0 .LBB2_4-.Ltmp1, $4  }
0x8f: {  	s7 =	sadd.s32 $0x3C80, s7;
	[sflag:s30] =	ssyncadd.s32 $0xFFFFD800  }
0x90: {  	[spmem:s1] =	stream.indirect.scatter.add.f32 [tilespmem:s28], [sflag:$0x5], $0x80, s7, s25, $0xb8;
	[tilespmem:$0x1D000] =	vst v63  }
0x91: {  	_ =	swait.ge [sflag:s21], $0x2800  }
0x92: {  	s8 =	smov.u32 s12;
	s7 =	sshra.s32 s11, $0x2;
	[sflag:s21] =	ssyncset.done $0x0  }
0x93: {  	s8 =	sadd.s32 $0x1C80, s7;
	[sflag:s21] =	ssyncadd.s32 $0xFFFFD800  }
0x94: {  	[tilespmem:s28], [sflag:$0x2] =	stream.indirect.gather [hbm4b:s4+s25], $0x80, s8, s25, $0xb8;
	[tilespmem:$0x1D000] =	vst v63  }
0x95: {  	_ =	swait.ge [sflag:s29], $0x2800  }
0x96: {  	[sflag:s29] =	ssyncset.done $0x0  }
0x97: {  	s12 =	sadd.s32 $0x3C00, s7;
	[sflag:s29] =	ssyncadd.s32 $0xFFFFD800  }
0x98: {  	[spmem:s1] =	stream.indirect.scatter.add.f32 [tilespmem:s26], [sflag:$0x5], $0x80, s12, s25, $0xb8;
	[tilespmem:$0x1D000] =	vst v63  }
0x99: {  	_ =	swait.ge [sflag:s21], $0x2800  }
0x9a: {  	[sflag:s21] =	ssyncset.done $0x0  }
0x9b: {  	s10 =	sadd.s32 $0x1D00, s7;
	[sflag:s21] =	ssyncadd.s32 $0xFFFFD800  }
0x9c: {  	[tilespmem:s26], [sflag:$0x1] =	stream.indirect.gather [hbm4b:s4+s25], $0x80, s10, s25, $0xb8;
	[tilespmem:$0x1D000] =	vst v63  }
0x9d: {  	_ =	swait.ge [sflag:s30], $0x2800  }
0x9e: {  	[sflag:s30] =	ssyncset.done $0x0  }
0x9f: {  	s11 =	sadd.s32 $0x3C80, s7;
	[sflag:s30] =	ssyncadd.s32 $0xFFFFD800  }
0xa0: {  	[spmem:s1] =	stream.indirect.scatter.add.f32 [tilespmem:s28], [sflag:$0x5], $0x80, s11, s25, $0xb8;
	[tilespmem:$0x1D000] =	vst v63  }
0xa1: {  	_ =	swait.ge [sflag:s21], $0x2800  }
0xa2: {  	[sflag:s21] =	ssyncset.done $0x0  }
0xa3: {  	[sflag:s21] =	ssyncadd.s32 $0xFFFFD800  }
0xa4: {  	_ =	swait.ge [sflag:s29], $0x2800  }
0xa5: {  	[sflag:s29] =	ssyncset.done $0x0  }
0xa6: {  	[sflag:s29] =	ssyncadd.s32 $0xFFFFD800  }
0xa7: {  	[spmem:s1] =	stream.indirect.scatter.add.f32 [tilespmem:s26], [sflag:$0x5], $0x80, s2, s25, $0xb8;
	[tilespmem:$0x1D000] =	vst v63  }
0xa8: {  	_ =	swait.ge [sflag:s21], $0x2800  }
0xa9: {  	[sflag:s21] =	ssyncset.done $0x0  }
0xaa: {  	[sflag:s21] =	ssyncadd.s32 $0xFFFFD800  }
0xab: {  	_ =	swait.ge [sflag:s22], $0xC80  }
0xac: {  	[sflag:s22] =	ssyncset.done $0x0  }
0xad: {  	[sflag:s22] =	ssyncadd.s32 $0xFFFFF380  }
0xae: {  	_ =	swait.ge [sflag:s22], $0xC80  }
0xaf: {  	[sflag:s22] =	ssyncset.done $0x0  }
0xb0: {  	s12 =	simm.s32 $0x0;
	[sflag:s22] =	ssyncadd.s32 $0xFFFFF380  }
0xb1: {  	[tilespmem:s23], [sflag:$0x4] =	stream.linear.gather [hbm4b:s14+s12], $0xC80, $0x38;
	[tilespmem:$0x1D000] =	vst v63  }
0xb2: {  	_ = 	snop  }
0xb3: {  	[tilespmem:s24], [sflag:$0x4] =	stream.linear.gather [hbm4b:s15+s12], $0xC80, $0x38;
	[tilespmem:$0x1D000] =	vst v63  }
0xb4: {  	_ = 	snop  }
0xb5: {  	[tilespmem:s26], [sflag:$0x1] =	stream.indirect.gather [hbm4b:s4+s25], $0x80, s12, s25, $0xb8;
	[tilespmem:$0x1D000] =	vst v63  }
0xb6: {  	s8 =	simm.s32 $0x80  }
0xb7: {  	[tilespmem:s28], [sflag:$0x2] =	stream.indirect.gather [hbm4b:s4+s25], $0x80, s8, s25, $0xb8;
	[tilespmem:$0x1D000] =	vst v63  }
0xb8: {  	_ =	swait.ge [sflag:s29], $0x2800  }
0xb9: {  	[sflag:s29] =	ssyncset.done $0x0  }
0xba: {  	s10 =	simm.s32 $0x2000;
	[sflag:s29] =	ssyncadd.s32 $0xFFFFD800  }
0xbb: {  	[spmem:s1] =	stream.indirect.scatter.add.f32 [tilespmem:s26], [sflag:$0x5], $0x80, s10, s25, $0xb8;
	[tilespmem:$0x1D000] =	vst v63  }
0xbc: {  	_ =	swait.ge [sflag:s21], $0x2800  }
0xbd: {  	[sflag:s21] =	ssyncset.done $0x0  }
0xbe: {  	s11 =	simm.s32 $0x100;
	[sflag:s21] =	ssyncadd.s32 $0xFFFFD800  }
0xbf: {  	[tilespmem:s26], [sflag:$0x1] =	stream.indirect.gather [hbm4b:s4+s25], $0x80, s11, s25, $0xb8;
	[tilespmem:$0x1D000] =	vst v63  }
0xc0: {  	_ =	swait.ge [sflag:s30], $0x2800  }
0xc1: {  	[sflag:s30] =	ssyncset.done $0x0  }
0xc2: {  	s12 =	simm.s32 $0x2080;
	[sflag:s30] =	ssyncadd.s32 $0xFFFFD800  }
0xc3: {  	[spmem:s1] =	stream.indirect.scatter.add.f32 [tilespmem:s28], [sflag:$0x5], $0x80, s12, s25, $0xb8;
	[tilespmem:$0x1D000] =	vst v63  }
0xc4: {  	_ =	swait.ge [sflag:s21], $0x2800  }
0xc5: {  	s7 =	simm.s32 $0x100;
	s8 =	simm.s32 $0x800;
	[sflag:s21] =	ssyncset.done $0x0  }
.LBB2_6:
0xc6: {  	s10 =	sadd.s32 $0x80, s7  }
0xc7: {  	[sflag:s21] =	ssyncadd.s32 $0xFFFFD800;
	s11 =	smov.u32 s8;
	s12 =	sadd.s32 $0x400, s8  }
0xc8: {  	[tilespmem:s28], [sflag:$0x2] =	stream.indirect.gather [hbm4b:s4+s25], $0x80, s10, s25, $0xb8;
	[tilespmem:$0x1D000] =	vst v63  }
0xc9: {  	p0 =	sne.s32 s8, $0x2C00;
	_ =	swait.ge [sflag:s29], $0x2800  }
0xca: {  	[sflag:s29] =	ssyncset.done $0x0  }
0xcb: {  	s8 =	sadd.s32 $0x2000, s7;
	[sflag:s29] =	ssyncadd.s32 $0xFFFFD800  }
0xcc: {  	[spmem:s1] =	stream.indirect.scatter.add.f32 [tilespmem:s26], [sflag:$0x5], $0x80, s8, s25, $0xb8;
	[tilespmem:$0x1D000] =	vst v63  }
0xcd: {  	_ =	swait.ge [sflag:s21], $0x2800  }
0xce: {  	[sflag:s21] =	ssyncset.done $0x0  }
0xcf: {  	s8 =	sadd.s32 $0x100, s7;
	[sflag:s21] =	ssyncadd.s32 $0xFFFFD800  }
0xd0: {  	[tilespmem:s26], [sflag:$0x1] =	stream.indirect.gather [hbm4b:s4+s25], $0x80, s8, s25, $0xb8;
	[tilespmem:$0x1D000] =	vst v63  }
0xd1: {  	_ =	swait.ge [sflag:s30], $0x2800  }
.Ltmp2:
0xd2: {  	[sflag:s30] =	ssyncset.done $0x0;
	(pc) =	sbr.rel @p0 .LBB2_6-.Ltmp2, $4  }
0xd3: {  	s7 =	sadd.s32 $0x2080, s7;
	[sflag:s30] =	ssyncadd.s32 $0xFFFFD800  }
0xd4: {  	[spmem:s1] =	stream.indirect.scatter.add.f32 [tilespmem:s28], [sflag:$0x5], $0x80, s7, s25, $0xb8;
	[tilespmem:$0x1D000] =	vst v63  }
0xd5: {  	_ =	swait.ge [sflag:s21], $0x2800  }
0xd6: {  	s8 =	smov.u32 s12;
	s7 =	sshra.s32 s11, $0x2;
	[sflag:s21] =	ssyncset.done $0x0  }
0xd7: {  	s8 =	sadd.s32 $0x80, s7;
	[sflag:s21] =	ssyncadd.s32 $0xFFFFD800  }
0xd8: {  	[tilespmem:s28], [sflag:$0x2] =	stream.indirect.gather [hbm4b:s4+s25], $0x80, s8, s25, $0xb8;
	[tilespmem:$0x1D000] =	vst v63  }
0xd9: {  	_ =	swait.ge [sflag:s29], $0x2800  }
0xda: {  	[sflag:s29] =	ssyncset.done $0x0  }
0xdb: {  	s10 =	sadd.s32 $0x2000, s7;
	[sflag:s29] =	ssyncadd.s32 $0xFFFFD800  }
0xdc: {  	[spmem:s1] =	stream.indirect.scatter.add.f32 [tilespmem:s26], [sflag:$0x5], $0x80, s10, s25, $0xb8;
	[tilespmem:$0x1D000] =	vst v63  }
0xdd: {  	_ =	swait.ge [sflag:s21], $0x2800  }
0xde: {  	[sflag:s21] =	ssyncset.done $0x0  }
0xdf: {  	s11 =	sadd.s32 $0x100, s7;
	[sflag:s21] =	ssyncadd.s32 $0xFFFFD800  }
0xe0: {  	[tilespmem:s26], [sflag:$0x1] =	stream.indirect.gather [hbm4b:s4+s25], $0x80, s11, s25, $0xb8;
	[tilespmem:$0x1D000] =	vst v63  }
0xe1: {  	_ =	swait.ge [sflag:s30], $0x2800  }
0xe2: {  	[sflag:s30] =	ssyncset.done $0x0  }
0xe3: {  	s12 =	sadd.s32 $0x2080, s7;
	[sflag:s30] =	ssyncadd.s32 $0xFFFFD800  }
0xe4: {  	[spmem:s1] =	stream.indirect.scatter.add.f32 [tilespmem:s28], [sflag:$0x5], $0x80, s12, s25, $0xb8;
	[tilespmem:$0x1D000] =	vst v63  }
0xe5: {  	_ =	swait.ge [sflag:s21], $0x2800  }
0xe6: {  	[sflag:s21] =	ssyncset.done $0x0  }
0xe7: {  	[sflag:s21] =	ssyncadd.s32 $0xFFFFD800  }
0xe8: {  	_ =	swait.ge [sflag:s29], $0x2800  }
0xe9: {  	[sflag:s29] =	ssyncset.done $0x0  }
0xea: {  	[sflag:s29] =	ssyncadd.s32 $0xFFFFD800  }
0xeb: {  	[spmem:s1] =	stream.indirect.scatter.add.f32 [tilespmem:s26], [sflag:$0x5], $0x80, s31, s25, $0xb8;
	[tilespmem:$0x1D000] =	vst v63  }
0xec: {  	_ =	swait.ge [sflag:s21], $0x2800  }
0xed: {  	[sflag:s21] =	ssyncset.done $0x0  }
0xee: {  	[sflag:s21] =	ssyncadd.s32 $0xFFFFD800  }
0xef: {  	_ =	swait.ge [sflag:s0], $0xC80  }
0xf0: {  	[sflag:s0] =	ssyncset.done $0x0  }
0xf1: {  	[sflag:s0] =	ssyncadd.s32 $0xFFFFF380  }
0xf2: {  	_ =	swait.ge [sflag:s0], $0xC80  }
0xf3: {  	[sflag:s0] =	ssyncset.done $0x0  }
0xf4: {  	[sflag:s0] =	ssyncadd.s32 $0xFFFFF380  }
0xf5: {  	[tilespmem:s3], [sflag:$0x3] =	stream.linear.gather [hbm4b:s16+s3], $0xC80, $0x38;
	[tilespmem:$0x1D000] =	vst v63  }
0xf6: {  	_ = 	snop  }
0xf7: {  	[tilespmem:s20], [sflag:$0x3] =	stream.linear.gather [hbm4b:s17+s3], $0xC80, $0x38;
	[tilespmem:$0x1D000] =	vst v63  }
0xf8: {  	_ = 	snop  }
0xf9: {  	[tilespmem:s26], [sflag:$0x1] =	stream.indirect.gather [hbm4b:s4+s25], $0x80, s23, s25, $0xb8;
	[tilespmem:$0x1D000] =	vst v63  }
0xfa: {  	s8 =	simm.s32 $0x1080  }
0xfb: {  	[tilespmem:s28], [sflag:$0x2] =	stream.indirect.gather [hbm4b:s4+s25], $0x80, s8, s25, $0xb8;
	[tilespmem:$0x1D000] =	vst v63  }
0xfc: {  	_ =	swait.ge [sflag:s29], $0x2800  }
0xfd: {  	[sflag:s29] =	ssyncset.done $0x0  }
0xfe: {  	s10 =	simm.s32 $0x3000;
	[sflag:s29] =	ssyncadd.s32 $0xFFFFD800  }
0xff: {  	[spmem:s1] =	stream.indirect.scatter.add.f32 [tilespmem:s26], [sflag:$0x5], $0x80, s10, s25, $0xb8;
	[tilespmem:$0x1D000] =	vst v63  }
0x100: {  	_ =	swait.ge [sflag:s21], $0x2800  }
0x101: {  	[sflag:s21] =	ssyncset.done $0x0  }
0x102: {  	s11 =	simm.s32 $0x1100;
	[sflag:s21] =	ssyncadd.s32 $0xFFFFD800  }
0x103: {  	[tilespmem:s26], [sflag:$0x1] =	stream.indirect.gather [hbm4b:s4+s25], $0x80, s11, s25, $0xb8;
	[tilespmem:$0x1D000] =	vst v63  }
0x104: {  	_ =	swait.ge [sflag:s30], $0x2800  }
0x105: {  	[sflag:s30] =	ssyncset.done $0x0  }
0x106: {  	s12 =	simm.s32 $0x3080;
	[sflag:s30] =	ssyncadd.s32 $0xFFFFD800  }
0x107: {  	[spmem:s1] =	stream.indirect.scatter.add.f32 [tilespmem:s28], [sflag:$0x5], $0x80, s12, s25, $0xb8;
	[tilespmem:$0x1D000] =	vst v63  }
0x108: {  	_ =	swait.ge [sflag:s21], $0x2800  }
0x109: {  	s7 =	simm.s32 $0xFFFFF500;
	s8 =	simm.s32 $0xFFFFD800;
	[sflag:s21] =	ssyncset.done $0x0  }
.LBB2_8:
0x10a: {  	s10 =	sadd.s32 $0x1C80, s7  }
0x10b: {  	[sflag:s21] =	ssyncadd.s32 $0xFFFFD800;
	s11 =	smov.u32 s8;
	s12 =	sadd.s32 $0x400, s8  }
0x10c: {  	[tilespmem:s28], [sflag:$0x2] =	stream.indirect.gather [hbm4b:s4+s25], $0x80, s10, s25, $0xb8;
	[tilespmem:$0x1D000] =	vst v63  }
0x10d: {  	p0 =	sne.s32 s8, $0xFFFFFC00;
	_ =	swait.ge [sflag:s29], $0x2800  }
0x10e: {  	[sflag:s29] =	ssyncset.done $0x0  }
0x10f: {  	s8 =	sadd.s32 $0x3C00, s7;
	[sflag:s29] =	ssyncadd.s32 $0xFFFFD800  }
0x110: {  	[spmem:s1] =	stream.indirect.scatter.add.f32 [tilespmem:s26], [sflag:$0x5], $0x80, s8, s25, $0xb8;
	[tilespmem:$0x1D000] =	vst v63  }
0x111: {  	_ =	swait.ge [sflag:s21], $0x2800  }
0x112: {  	[sflag:s21] =	ssyncset.done $0x0  }
0x113: {  	s8 =	sadd.s32 $0x1D00, s7;
	[sflag:s21] =	ssyncadd.s32 $0xFFFFD800  }
0x114: {  	[tilespmem:s26], [sflag:$0x1] =	stream.indirect.gather [hbm4b:s4+s25], $0x80, s8, s25, $0xb8;
	[tilespmem:$0x1D000] =	vst v63  }
0x115: {  	_ =	swait.ge [sflag:s30], $0x2800  }
.Ltmp3:
0x116: {  	[sflag:s30] =	ssyncset.done $0x0;
	(pc) =	sbr.rel @p0 .LBB2_8-.Ltmp3, $4  }
0x117: {  	s7 =	sadd.s32 $0x3C80, s7;
	[sflag:s30] =	ssyncadd.s32 $0xFFFFD800  }
0x118: {  	[spmem:s1] =	stream.indirect.scatter.add.f32 [tilespmem:s28], [sflag:$0x5], $0x80, s7, s25, $0xb8;
	[tilespmem:$0x1D000] =	vst v63  }
0x119: {  	_ =	swait.ge [sflag:s21], $0x2800  }
0x11a: {  	s8 =	smov.u32 s12;
	s7 =	sshra.s32 s11, $0x2;
	[sflag:s21] =	ssyncset.done $0x0  }
0x11b: {  	s8 =	sadd.s32 $0x1C80, s7;
	[sflag:s21] =	ssyncadd.s32 $0xFFFFD800  }
0x11c: {  	[tilespmem:s28], [sflag:$0x2] =	stream.indirect.gather [hbm4b:s4+s25], $0x80, s8, s25, $0xb8;
	[tilespmem:$0x1D000] =	vst v63  }
0x11d: {  	_ =	swait.ge [sflag:s29], $0x2800  }
0x11e: {  	[sflag:s29] =	ssyncset.done $0x0  }
0x11f: {  	s12 =	sadd.s32 $0x3C00, s7;
	[sflag:s29] =	ssyncadd.s32 $0xFFFFD800  }
0x120: {  	[spmem:s1] =	stream.indirect.scatter.add.f32 [tilespmem:s26], [sflag:$0x5], $0x80, s12, s25, $0xb8;
	[tilespmem:$0x1D000] =	vst v63  }
0x121: {  	_ =	swait.ge [sflag:s21], $0x2800  }
0x122: {  	[sflag:s21] =	ssyncset.done $0x0  }
0x123: {  	s10 =	sadd.s32 $0x1D00, s7;
	[sflag:s21] =	ssyncadd.s32 $0xFFFFD800  }
0x124: {  	[tilespmem:s26], [sflag:$0x1] =	stream.indirect.gather [hbm4b:s4+s25], $0x80, s10, s25, $0xb8;
	[tilespmem:$0x1D000] =	vst v63  }
0x125: {  	_ =	swait.ge [sflag:s30], $0x2800  }
0x126: {  	[sflag:s30] =	ssyncset.done $0x0  }
0x127: {  	s11 =	sadd.s32 $0x3C80, s7;
	[sflag:s30] =	ssyncadd.s32 $0xFFFFD800  }
0x128: {  	[spmem:s1] =	stream.indirect.scatter.add.f32 [tilespmem:s28], [sflag:$0x5], $0x80, s11, s25, $0xb8;
	[tilespmem:$0x1D000] =	vst v63  }
0x129: {  	_ =	swait.ge [sflag:s21], $0x2800  }
0x12a: {  	[sflag:s21] =	ssyncset.done $0x0  }
0x12b: {  	[sflag:s21] =	ssyncadd.s32 $0xFFFFD800  }
0x12c: {  	_ =	swait.ge [sflag:s29], $0x2800  }
0x12d: {  	[sflag:s29] =	ssyncset.done $0x0  }
0x12e: {  	[sflag:s29] =	ssyncadd.s32 $0xFFFFD800  }
0x12f: {  	[spmem:s1] =	stream.indirect.scatter.add.f32 [tilespmem:s26], [sflag:$0x5], $0x80, s2, s25, $0xb8;
	[tilespmem:$0x1D000] =	vst v63  }
0x130: {  	_ =	swait.ge [sflag:s21], $0x2800  }
0x131: {  	[sflag:s21] =	ssyncset.done $0x0  }
0x132: {  	[sflag:s21] =	ssyncadd.s32 $0xFFFFD800  }
0x133: {  	_ =	swait.ge [sflag:s22], $0xC80  }
0x134: {  	[sflag:s22] =	ssyncset.done $0x0  }
0x135: {  	[sflag:s22] =	ssyncadd.s32 $0xFFFFF380  }
0x136: {  	_ =	swait.ge [sflag:s22], $0xC80  }
0x137: {  	[sflag:s22] =	ssyncset.done $0x0  }
0x138: {  	s12 =	simm.s32 $0x0;
	[sflag:s22] =	ssyncadd.s32 $0xFFFFF380  }
0x139: {  	[tilespmem:s26], [sflag:$0x1] =	stream.indirect.gather [hbm4b:s4+s25], $0x80, s12, s25, $0xb8;
	[tilespmem:$0x1D000] =	vst v63  }
0x13a: {  	s8 =	simm.s32 $0x80  }
0x13b: {  	[tilespmem:s28], [sflag:$0x2] =	stream.indirect.gather [hbm4b:s4+s25], $0x80, s8, s25, $0xb8;
	[tilespmem:$0x1D000] =	vst v63  }
0x13c: {  	_ =	swait.ge [sflag:s29], $0x2800  }
0x13d: {  	[sflag:s29] =	ssyncset.done $0x0  }
0x13e: {  	s10 =	simm.s32 $0x2000;
	[sflag:s29] =	ssyncadd.s32 $0xFFFFD800  }
0x13f: {  	[spmem:s1] =	stream.indirect.scatter.add.f32 [tilespmem:s26], [sflag:$0x5], $0x80, s10, s25, $0xb8;
	[tilespmem:$0x1D000] =	vst v63  }
0x140: {  	_ =	swait.ge [sflag:s21], $0x2800  }
0x141: {  	[sflag:s21] =	ssyncset.done $0x0  }
0x142: {  	s11 =	simm.s32 $0x100;
	[sflag:s21] =	ssyncadd.s32 $0xFFFFD800  }
0x143: {  	[tilespmem:s26], [sflag:$0x1] =	stream.indirect.gather [hbm4b:s4+s25], $0x80, s11, s25, $0xb8;
	[tilespmem:$0x1D000] =	vst v63  }
0x144: {  	_ =	swait.ge [sflag:s30], $0x2800  }
0x145: {  	[sflag:s30] =	ssyncset.done $0x0  }
0x146: {  	s12 =	simm.s32 $0x2080;
	[sflag:s30] =	ssyncadd.s32 $0xFFFFD800  }
0x147: {  	[spmem:s1] =	stream.indirect.scatter.add.f32 [tilespmem:s28], [sflag:$0x5], $0x80, s12, s25, $0xb8;
	[tilespmem:$0x1D000] =	vst v63  }
0x148: {  	_ =	swait.ge [sflag:s21], $0x2800  }
0x149: {  	s7 =	simm.s32 $0x100;
	s8 =	simm.s32 $0x800;
	[sflag:s21] =	ssyncset.done $0x0  }
.LBB2_10:
0x14a: {  	s10 =	sadd.s32 $0x80, s7  }
0x14b: {  	[sflag:s21] =	ssyncadd.s32 $0xFFFFD800;
	s11 =	smov.u32 s8;
	s12 =	sadd.s32 $0x400, s8  }
0x14c: {  	[tilespmem:s28], [sflag:$0x2] =	stream.indirect.gather [hbm4b:s4+s25], $0x80, s10, s25, $0xb8;
	[tilespmem:$0x1D000] =	vst v63  }
0x14d: {  	p0 =	sne.s32 s8, $0x2C00;
	_ =	swait.ge [sflag:s29], $0x2800  }
0x14e: {  	[sflag:s29] =	ssyncset.done $0x0  }
0x14f: {  	s8 =	sadd.s32 $0x2000, s7;
	[sflag:s29] =	ssyncadd.s32 $0xFFFFD800  }
0x150: {  	[spmem:s1] =	stream.indirect.scatter.add.f32 [tilespmem:s26], [sflag:$0x5], $0x80, s8, s25, $0xb8;
	[tilespmem:$0x1D000] =	vst v63  }
0x151: {  	_ =	swait.ge [sflag:s21], $0x2800  }
0x152: {  	[sflag:s21] =	ssyncset.done $0x0  }
0x153: {  	s8 =	sadd.s32 $0x100, s7;
	[sflag:s21] =	ssyncadd.s32 $0xFFFFD800  }
0x154: {  	[tilespmem:s26], [sflag:$0x1] =	stream.indirect.gather [hbm4b:s4+s25], $0x80, s8, s25, $0xb8;
	[tilespmem:$0x1D000] =	vst v63  }
0x155: {  	_ =	swait.ge [sflag:s30], $0x2800  }
.Ltmp4:
0x156: {  	[sflag:s30] =	ssyncset.done $0x0;
	(pc) =	sbr.rel @p0 .LBB2_10-.Ltmp4, $4  }
0x157: {  	s7 =	sadd.s32 $0x2080, s7;
	[sflag:s30] =	ssyncadd.s32 $0xFFFFD800  }
0x158: {  	[spmem:s1] =	stream.indirect.scatter.add.f32 [tilespmem:s28], [sflag:$0x5], $0x80, s7, s25, $0xb8;
	[tilespmem:$0x1D000] =	vst v63  }
0x159: {  	_ =	swait.ge [sflag:s21], $0x2800  }
0x15a: {  	s8 =	smov.u32 s12;
	s7 =	sshra.s32 s11, $0x2;
	[sflag:s21] =	ssyncset.done $0x0  }
0x15b: {  	s8 =	sadd.s32 $0x80, s7;
	[sflag:s21] =	ssyncadd.s32 $0xFFFFD800  }
0x15c: {  	[tilespmem:s28], [sflag:$0x2] =	stream.indirect.gather [hbm4b:s4+s25], $0x80, s8, s25, $0xb8;
	[tilespmem:$0x1D000] =	vst v63  }
0x15d: {  	_ =	swait.ge [sflag:s29], $0x2800  }
0x15e: {  	[sflag:s29] =	ssyncset.done $0x0  }
0x15f: {  	s10 =	sadd.s32 $0x2000, s7;
	[sflag:s29] =	ssyncadd.s32 $0xFFFFD800  }
0x160: {  	[spmem:s1] =	stream.indirect.scatter.add.f32 [tilespmem:s26], [sflag:$0x5], $0x80, s10, s25, $0xb8;
	[tilespmem:$0x1D000] =	vst v63  }
0x161: {  	_ =	swait.ge [sflag:s21], $0x2800  }
0x162: {  	[sflag:s21] =	ssyncset.done $0x0  }
0x163: {  	s11 =	sadd.s32 $0x100, s7;
	[sflag:s21] =	ssyncadd.s32 $0xFFFFD800  }
0x164: {  	[tilespmem:s26], [sflag:$0x1] =	stream.indirect.gather [hbm4b:s4+s25], $0x80, s11, s25, $0xb8;
	[tilespmem:$0x1D000] =	vst v63  }
0x165: {  	_ =	swait.ge [sflag:s30], $0x2800  }
0x166: {  	[sflag:s30] =	ssyncset.done $0x0  }
0x167: {  	s12 =	sadd.s32 $0x2080, s7;
	[sflag:s30] =	ssyncadd.s32 $0xFFFFD800  }
0x168: {  	[spmem:s1] =	stream.indirect.scatter.add.f32 [tilespmem:s28], [sflag:$0x5], $0x80, s12, s25, $0xb8;
	[tilespmem:$0x1D000] =	vst v63  }
0x169: {  	_ =	swait.ge [sflag:s21], $0x2800  }
0x16a: {  	[sflag:s21] =	ssyncset.done $0x0  }
0x16b: {  	[sflag:s21] =	ssyncadd.s32 $0xFFFFD800  }
0x16c: {  	_ =	swait.ge [sflag:s29], $0x2800  }
0x16d: {  	[sflag:s29] =	ssyncset.done $0x0  }
0x16e: {  	[sflag:s29] =	ssyncadd.s32 $0xFFFFD800  }
0x16f: {  	[spmem:s1] =	stream.indirect.scatter.add.f32 [tilespmem:s26], [sflag:$0x5], $0x80, s31, s25, $0xb8;
	[tilespmem:$0x1D000] =	vst v63  }
0x170: {  	_ =	swait.ge [sflag:s21], $0x2800  }
0x171: {  	s5 =	sadd.s32 $0x1, s5;
	[sflag:s21] =	ssyncset.done $0x0  }
0x172: {  	p0 =	sne.s32 s5, s18;
	[sflag:s21] =	ssyncadd.s32 $0xFFFFD800  }
.Ltmp5:
0x173: {  	[bflag:$0x0] =	sbarrier.arrive $0xFFFF;
	(pc) =	sbr.rel @p0 .LBB2_1-.Ltmp5, $4  }
0x174: {  	[hbm:s19], [sflag:s9] =	dma.local [spmem:s6], $0x2800  }
0x175: {  	_ =	swait.ge [sflag:s21], $0x2800  }
0x176: {  	[sflag:s21] =	ssyncset.done $0x0  }
0x177: {  	[sflag:s21] =	ssyncadd.s32 $0xFFFFD800  }
0x178: {  	_ =	sfence.sel $0x180000  }
0x179: {  	[bflag:$0x0] =	sbarrier.arrive $0xFFFF  }
0x17a: {  	_ =	strace $0x9000004A  }
0x17b: {  	s0 =	stileid.u32;
	[bflag:$0x2] =	sbarrier.arrive $0xFFFF  }
0x17c: {  	p0 =	sne.s32 s0, $0x0;
	s0 =	rddreg [dreg:$0x2]  }
0x17d: {  	s0 =	sadd.s32 @!p0 $0x100000, s0  }
0x17e: {  	[sflag:s0] =	ssyncadd.tile.s32 @!p0 $0x1;
	_ =	shalt  }
.Lfunc_end2:
_tile_overlayer_lowered:
.L_overlay_start_2:
0x17f: {  	(tag) =	ssettag $0x2  }
0x180: {  	s0 =	rddreg [dreg:$0x0];
	s2 =	stileid.u32  }
0x181: {  	s1 =	rddreg [dreg:$0x1];
	p0 =	sne.s32 s2, $0x0  }
0x182: {  	s3 =	rddreg [dreg:$0x2];
	[bflag:$0x3] =	sbarrier.arrive $0xFFFF;
	s2 =	simm.s32 @!p0 $0x1C05  }
0x183: {  	[timem:s3], [sflag:s2] =	dma.local @!p0 [hbm:s0], s1  }
0x184: {  	s0 =	simm.s32 @!p0 $0x5  }
0x185: {  	_ =	swait.ge @!p0 [sflag:s0], s1  }
0x186: {  	s1 =	ssub.s32 @!p0 $0x0, s1;
	[sflag:s0] =	ssyncset.done @!p0 $0x0  }
0x187: {  	[sflag:s0] =	ssyncadd.s32 @!p0 s1  }
0x188: {  	[bflag:$0x3] =	sbarrier.arrive $0xFFFF  }
0x189: {  	_ =	shalt  }

// kernel: kernel.14.cloned.1.call-start
scs
__scs_entry_jumppad:
0x0: {  	(pc) =	sbr.rel $0x88, $3  }
0x1: {  	(tag) =	ssettag $0x0;
	lr =	simm.s32 $0x1  }
0x2: {  	[smem:$0x3F95] =	sst lr;
	_ =	strace $0xD0000000  }
0x3: {  	_ = 	snop  }
0x4: {  	_ = 	snop  }
0x5: {  	_ = 	snop  }
0x6: {  	_ = 	snop  }
0x7: {  	_ = 	snop  }
__scs_overlays_trampoline_lowered:
0x8: {  	[smem:$0x3FA4] =	sst s0  }
0x9: {  	[smem:$0x3FA5] =	sst s1  }
0xa: {  	[smem:$0x3FA6] =	sst s2  }
0xb: {  	[smem:$0x3FA7] =	sst s3  }
0xc: {  	[smem:$0x3FA8] =	sst s4  }
0xd: {  	[smem:$0x3FA9] =	sst s5  }
0xe: {  	[smem:$0x3FAA] =	sst s6  }
0xf: {  	[smem:$0x3FAB] =	sst s7  }
0x10: {  	[smem:$0x3FAC] =	sst s8  }
0x11: {  	[smem:$0x3FAD] =	sst s9;
	s0 =	simm.s32 @!p0 $0x0  }
0x12: {  	s1 =	sld [smem:$0x3F93];
	s0 =	simm.s32 @p0 $0x1  }
0x13: {  	[smem:$0x3FAE] =	sst s0;
	s0 =	simm.s32 @!p1 $0x0  }
0x14: {  	s2 =	sld [smem:$0x3F92];
	s0 =	simm.s32 @p1 $0x1  }
0x15: {  	[smem:$0x3FAF] =	sst s0;
	s0 =	simm.s32 @!p2 $0x0  }
0x16: {  	s3 =	sld [smem:$0x3FDB];
	s0 =	simm.s32 @p2 $0x1  }
0x17: {  	s4 =	simm.s32 $0x1BF5;
	[smem:$0x3FB1] =	sst s0  }
0x18: {  	s0 =	sld [smem:$0x3F94];
	_ =	swait.ge [sflag:s4], $0x0  }
0x19: {  	s7 =	sld [smem:$0x3F95]  }
0x1a: {  	s8 =	sadd.s32 $0xFFFFE003, lr  }
0x1b: {  	s9 =	sadd.s32 $0xFFFFFEF7, lr;
	s5 =	simm.s32 $0xFFFFFFFF;
	p2 =	slt.u32 s8, $0xFFFFF086  }
0x1c: {  	p1 =	slt.u32 s9, $0xF7A;
	s5 =	simm.s32 @!p2 $0x0  }
0x1d: {  	s5 =	simm.s32 @p1 $0x1;
	p0 =	seq.s32 s7, s2  }
0x1e: {  	s7 =	smul.u32 @!p0 $0xF7A, s2;
	p2 =	seq.s32 @!p0 s5, $0x0  }
0x1f: {  	s9 =	smul.u32 $0xF7A, s1;
	s8 =	simm.s32 @!p0 $0x1BF5;
	p2 =	por !p2, p0  }
0x20: {  	[sflag:s8] =	ssyncset.s32 @!p0 $0xFFFFF086;
	s6 =	sadd.s32 @!p0 s3, s7;
	s7 =	simm.s32 @!p0 $0x108  }
0x21: {  	s3 =	sadd.s32 s3, s9;
	s6 =	sadd.s32 @!p0 $0x88, s6;
	s7 =	simm.s32 @p2 $0x1082  }
0x22: {  	[simem:s7], [sflag:s8] =	dma.local @!p0 [hbm:s6], $0xF7A  }
0x23: {  	s9 =	sor.u32 $0xD0000000, s2;
	s6 =	simm.s32 $0x108;
	_ =	swait.ge @!p0 [sflag:s8], $0x0  }
0x24: {  	s3 =	sadd.s32 $0x88, s3;
	s6 =	simm.s32 @!p1 $0x1082;
	[sflag:s4] =	ssyncset.s32 $0xFFFFF086  }
0x25: {  	[simem:s6], [sflag:s4] =	dma.local [hbm:s3], $0xF7A  }
0x26: {  	[smem:$0x3F95] =	sst s1;
	(tag) =	ssettag s2;
	_ =	strace s9  }
0x27: {  	s1 =	sld [smem:$0x3FA5]  }
0x28: {  	s2 =	sld [smem:$0x3FA6]  }
0x29: {  	s4 =	sld [smem:$0x3FA8]  }
0x2a: {  	p0 =	seq.s32 s5, $0x0;
	s5 =	sld [smem:$0x3FA9]  }
0x2b: {  	s6 =	sld [smem:$0x3FAA]  }
0x2c: {  	s7 =	sld [smem:$0x3FAB]  }
0x2d: {  	s3 =	simm.s32 $0x108;
	s8 =	sld [smem:$0x3FAC]  }
0x2e: {  	s3 =	simm.s32 @!p0 $0x1082;
	s9 =	sld [smem:$0x3FAD]  }
0x2f: {  	lr =	sadd.s32 s0, s3;
	s0 =	sld [smem:$0x3FA4]  }
0x30: {  	s3 =	sld [smem:$0x3FA7]  }
0x31: {  	[smem:$0x3FB0] =	sst s10  }
0x32: {  	s10 =	sld [smem:$0x3FAE];
	_ =	sdelay $0x3  }
0x33: {  	p0 =	seq.s32 s10, $0x1;
	s10 =	sld [smem:$0x3FB0];
	_ =	sdelay $0x3  }
0x34: {  	[smem:$0x3FB0] =	sst s10  }
0x35: {  	s10 =	sld [smem:$0x3FAF];
	_ =	sdelay $0x3  }
0x36: {  	p1 =	seq.s32 s10, $0x1;
	s10 =	sld [smem:$0x3FB0];
	_ =	sdelay $0x3  }
0x37: {  	[smem:$0x3FB0] =	sst s10  }
0x38: {  	s10 =	sld [smem:$0x3FB1]  }
0x39: {  	_ = 	snop;
	(pc) =	sbr.ind lr, $3  }
0x3a: {  	_ = 	snop  }
0x3b: {  	_ = 	snop  }
0x3c: {  	p2 =	seq.s32 s10, $0x1;
	s10 =	sld [smem:$0x3FB0]  }
0x3d: {  	_ =	shalt  }
0x3e: {  	_ =	shalt  }
0x3f: {  	_ =	shalt  }
0x40: {  	_ =	shalt  }
0x41: {  	_ =	shalt  }
0x42: {  	_ =	shalt  }
0x43: {  	_ =	shalt  }
0x44: {  	_ =	shalt  }
0x45: {  	_ =	shalt  }
0x46: {  	_ =	shalt  }
0x47: {  	_ =	shalt  }
0x48: {  	_ =	shalt  }
0x49: {  	_ =	shalt  }
0x4a: {  	_ =	shalt  }
0x4b: {  	_ =	shalt  }
0x4c: {  	_ =	shalt  }
0x4d: {  	_ =	shalt  }
0x4e: {  	_ =	shalt  }
0x4f: {  	_ =	shalt  }
0x50: {  	_ =	shalt  }
0x51: {  	_ =	shalt  }
0x52: {  	_ =	shalt  }
0x53: {  	_ =	shalt  }
0x54: {  	_ =	shalt  }
0x55: {  	_ =	shalt  }
0x56: {  	_ =	shalt  }
0x57: {  	_ =	shalt  }
0x58: {  	_ =	shalt  }
0x59: {  	_ =	shalt  }
0x5a: {  	_ =	shalt  }
0x5b: {  	_ =	shalt  }
0x5c: {  	_ =	shalt  }
0x5d: {  	_ =	shalt  }
0x5e: {  	_ =	shalt  }
0x5f: {  	_ =	shalt  }
0x60: {  	_ =	shalt  }
0x61: {  	_ =	shalt  }
0x62: {  	_ =	shalt  }
0x63: {  	_ =	shalt  }
0x64: {  	_ =	shalt  }
0x65: {  	_ =	shalt  }
0x66: {  	_ =	shalt  }
0x67: {  	_ =	shalt  }
0x68: {  	_ =	shalt  }
0x69: {  	_ =	shalt  }
0x6a: {  	_ =	shalt  }
0x6b: {  	_ =	shalt  }
0x6c: {  	_ =	shalt  }
0x6d: {  	_ =	shalt  }
0x6e: {  	_ =	shalt  }
0x6f: {  	_ =	shalt  }
0x70: {  	_ =	shalt  }
0x71: {  	_ =	shalt  }
0x72: {  	_ =	shalt  }
0x73: {  	_ =	shalt  }
0x74: {  	_ =	shalt  }
0x75: {  	_ =	shalt  }
0x76: {  	_ =	shalt  }
0x77: {  	_ =	shalt  }
0x78: {  	_ =	shalt  }
0x79: {  	_ =	shalt  }
0x7a: {  	_ =	shalt  }
0x7b: {  	_ =	shalt  }
0x7c: {  	_ =	shalt  }
0x7d: {  	_ =	shalt  }
0x7e: {  	_ =	shalt  }
0x7f: {  	_ =	shalt  }
0x80: {  	_ =	shalt  }
0x81: {  	_ =	shalt  }
0x82: {  	_ =	shalt  }
0x83: {  	_ =	shalt  }
0x84: {  	_ =	shalt  }
0x85: {  	_ =	shalt  }
0x86: {  	_ =	shalt  }
0x87: {  	_ =	shalt  }
.Lfunc_end0:
.L_simem_size_0:
called_computation.2_lowered:
.L_overlay_start_0:
0x88: {  	s2 =	sld [smem:$0x3FD9]  }
0x89: {  	s3 =	sld [smem:$0x3FFE];
	_ =	sdelay $0x1  }
0x8a: {  	s1 =	srdreg.scid  }
0x8b: {  	s0 =	sand.u32 $0x1, s1  }
0x8c: {  	s17 =	sshll.u32 s0, $0xA;
	s2 =	sadd.s32 s3, s2  }
0x8d: {  	s2 =	sadd.s32 s2, s17  }
0x8e: {  	[smem:$0x3FBC] =	sst s2  }
0x8f: {  	_ = 	snop  }
0x90: {  	s2 =	sld [smem:$0x3FC7]  }
0x91: {  	s18 =	sld [smem:$0x3FC6];
	(tm) =	ssettm $0x1  }
0x92: {  	s4 =	sld [smem:$0x3FFB];
	_ =	sdelay $0x3  }
0x93: {  	_ =	strace s4  }
0x94: {  	s4 =	sld [smem:$0x3FFC];
	_ =	sdelay $0x3  }
0x95: {  	_ =	strace s4  }
0x96: {  	s4 =	sld [smem:$0x3FFD];
	_ =	sdelay $0x3  }
0x97: {  	_ =	strace s4  }
0x98: {  	_ =	strace $0x8FFFFFFF  }
0x99: {  	s19 =	sld [smem:$0x3FDB];
	_ =	sdelay $0x1  }
0x9a: {  	s5 =	simm.s32 $_scs_section_size  }
0x9b: {  	s6 =	simm.s32 $_size__tile_overlayer_lowered;
	s7 =	simm.s32 $_tile_overlayer_lowered  }
0x9c: {  	s22 =	simm.s32 $0x1BFF;
	s21 =	sshll.u32 s7, $0x1;
	s4 =	sadd.s32 s5, s19  }
0x9d: {  	s8 =	simm.s32 $0x0;
	s20 =	sshll.u32 s6, $0x1;
	s6 =	sadd.s32 s21, s4  }
0x9e: {  	[timem:s8], [sflag:s22] =	dma.local [hbm:s6], s20  }
0x9f: {  	_ =	swait.ge [sflag:s22], s20  }
0xa0: {  	s5 =	ssub.s32 $0x0, s20;
	[sflag:s22] =	ssyncset.done $0x0  }
0xa1: {  	[sflag:s22] =	ssyncadd.s32 s5;
	_ =	sdelay $0x1  }
0xa2: {  	s23 =	simm.s32 $0x1B8B  }
0xa3: {  	_ =	swait.ge [sflag:s23], $0x1  }
0xa4: {  	[sflag:s23] =	ssyncset.done $0x0  }
0xa5: {  	s25 =	simm.s32 $0x1B8E;
	s24 =	sld [smem:$0x3FFE];
	[sflag:s23] =	ssyncadd.s32 $0xFFFFFFFF  }
0xa6: {  	s26 =	simm.s32 $execute0_lowered;
	[smem:$0x3FD2] =	sst s25  }
0xa7: {  	s6 =	sshll.u32 s26, $0x1;
	_ =	strace $0x8000004C;
	[dreg:$0x1] =	wrdreg $0xFFFFFFFF  }
0xa8: {  	s28 =	simm.s32 $_size_execute0_lowered;
	s4 =	sadd.s32 s4, s6;
	[dreg:$0x0] =	wrdreg $0x0  }
0xa9: {  	s6 =	sshll.u32 s28, $0x1;
	[dreg:$0x2] =	wrdreg s4  }
0xaa: {  	[dreg:$0x3] =	wrdreg s6  }
0xab: {  	[dreg:$0x4] =	wrdreg $0xC0  }
0xac: {  	_ =	task [dreg:s8], $0x5FFFF  }
0xad: {  	[dreg:$0x1] =	wrdreg $0xFFFFFFFF  }
0xae: {  	[dreg:$0x0] =	wrdreg $0x60  }
0xaf: {  	[dreg:$0x2] =	wrdreg s24  }
0xb0: {  	[dreg:$0x3] =	wrdreg s2  }
0xb1: {  	[dreg:$0x4] =	wrdreg s18  }
0xb2: {  	[dreg:$0x5] =	wrdreg $0x9  }
0xb3: {  	_ =	task.clear_ibuf [dreg:s8], $0x6FFFF;
	_ =	strace $0x9000004C  }
0xb4: {  	s29 =	simm.s32 $0x9;
	_ =	strace $0x8000004E  }
0xb5: {  	_ =	swait.ge [sflag:s29], $0x1  }
0xb6: {  	[sflag:s29] =	ssyncadd.s32 $0xFFFFFFFF  }
0xb7: {  	_ =	strace $0x9000004E  }
0xb8: {  	_ =	sfence  }
0xb9: {  	s30 =	sld [smem:$0x0];
	_ =	sdelay $0x2  }
0xba: {  	s31 =	sshll.u32 s1, $0xD;
	s1 =	sshrl.u32 s1, $0x2  }
0xbb: {  	s3 =	sand.u32 $0x4000, s31;
	s1 =	sadd.s32 s1, s30  }
0xbc: {  	s0 =	sor.u32 s3, s0;
	s1 =	sshll.u32 s1, $0x11  }
0xbd: {  	s0 =	sor.u32 s1, s0  }
0xbe: {  	s0 =	sadd.s32 $0x8F2B, s0  }
0xbf: {  	[sflag:s0] =	ssyncadd.remote.s32 $0x1  }
0xc0: {  	_ =	sfence.sel $0xFFFF  }
0xc1: {  	[dreg:$0x0] =	wrdreg $0xFFFFFFFF;
	(pc) =	sbr.abs _section_cstart, $3  }
0xc2: {  	[dreg:$0x1] =	wrdreg $0xFFFFFFFF  }
0xc3: {  	_ =	task.clear_ibuf [dreg:s8], $0x2FFFF;
	_ =	strace $0x9FFFFFFF  }
0xc4: {  	(tm) =	ssettm $0x7FFFFFFF  }
0xc5: {  	_ =	shalt  }
tec
execute0_lowered:
.L_overlay_start_1:
0x0: {  	(tag) =	ssettag $0x1  }
0x1: {  	s4 =	rddreg [dreg:$0x0]  }
0x2: {  	s5 =	rddreg [dreg:$0x1]  }
0x3: {  	s6 =	rddreg [dreg:$0x2]  }
0x4: {  	s0 =	rddreg [dreg:$0x3]  }
0x5: {  	s3 =	srdreg.scid;
	s2 =	simm.s32 $0x0;
	s1 =	stileid.u32  }
0x6: {  	s10 =	simm.s32 $0x100;
	s11 =	simm.s32 $0x4100;
	s12 =	simm.s32 $0x1  }
0x7: {  	s13 =	simm.s32 $0x2;
	s14 =	simm.s32 $0x0;
	s7 =	sand.u32 $0x1, s3  }
0x8: {  	[smem:$0x7FF] =	sst s2;
	s8 =	sshll.u32 s1, $0x7;
	s3 =	sshll.u32 s7, $0xB  }
0x9: {  	_ =	strace $0x8000004D;
	s7 =	ssub.s32 $0x2, s7;
	s8 =	sor.u32 s8, s3  }
0xa: {  	s3 =	sadd.s32 $0x3600, s4;
	s31 =	sshrl.u32 s7, $0x1;
	s9 =	sshll.u32 s8, $0x4  }
0xb: {  	s8 =	sshrl.u32 s8, $0x3;
	s7 =	ssub.s32 s7, s31;
	s9 =	sadd.s32 s9, s4  }
0xc: {  	s4 =	sadd.s32 s5, s8;
	s5 =	sadd.s32 s6, s8;
	s7 =	smax.u32 s7, $0x1  }
0xd: {  	s8 =	simm.s32 $0x3;
	s6 =	sadd.s32 $0x2B600, s9;
	s9 =	simm.s32 $0x80  }
.LBB2_1:
0xe: {  	[tilespmem:s2], [sflag:$0x3] =	stream.linear.gather [hbm4b:s4+s2], $0x80, $0x38;
	[tilespmem:$0x8100] =	vst v63  }
0xf: {  	_ =	swait.ge [sflag:s8], $0x80  }
0x10: {  	[sflag:s8] =	ssyncset.done $0x0  }
0x11: {  	[sflag:s8] =	ssyncadd.s32 $0xFFFFFF80  }
0x12: {  	[tilespmem:s9], [sflag:$0x3] =	stream.linear.gather [hbm4b:s5+s2], $0x80, $0x38;
	[tilespmem:$0x8100] =	vst v63  }
0x13: {  	_ =	swait.ge [sflag:s8], $0x80  }
0x14: {  	[sflag:s8] =	ssyncset.done $0x0  }
0x15: {  	[sflag:s8] =	ssyncadd.s32 $0xFFFFFF80  }
0x16: {  	[tilespmem:s10], [sflag:$0x1] =	stream.indirect.gather [hbm4b:s3+s9], $0x80, s2, s9, $0xb8;
	[tilespmem:$0x8100] =	vst v63  }
0x17: {  	_ = 	snop  }
0x18: {  	[tilespmem:s11], [sflag:$0x2] =	stream.indirect.gather [hbm4b:s3+s9], $0x80, s9, s9, $0xb8;
	[tilespmem:$0x8100] =	vst v63  }
0x19: {  	_ =	swait.ge [sflag:s12], $0x4000  }
0x1a: {  	[sflag:s12] =	ssyncset.done $0x0  }
0x1b: {  	[sflag:s12] =	ssyncadd.s32 $0xFFFFC000  }
0x1c: {  	_ =	swait.ge [sflag:s13], $0x4000  }
0x1d: {  	[sflag:s13] =	ssyncset.done $0x0  }
0x1e: {  	s15 =	simm.s32 $0x0;
	[sflag:s13] =	ssyncadd.s32 $0xFFFFC000  }
0x1f: {  	v7 =	vld [tilespmem:s15+$0x4100]  }
0x20: {  	v11 =	vld [tilespmem:s15+$0x4110]  }
0x21: {  	v5 =	vld [tilespmem:s15+$0x4120]  }
0x22: {  	v4 =	vld [tilespmem:s15+$0x4130]  }
0x23: {  	v3 =	vld [tilespmem:s15+$0x4140]  }
0x24: {  	v2 =	vld [tilespmem:s15+$0x4150]  }
0x25: {  	v1 =	vld [tilespmem:s15+$0x4160]  }
0x26: {  	v0 =	vld [tilespmem:s15+$0x4170]  }
0x27: {  	v12 =	vld [tilespmem:s15+$0x100]  }
0x28: {  	v13 =	vld [tilespmem:s15+$0x110]  }
0x29: {  	v10 =	vld [tilespmem:s15+$0x120]  }
0x2a: {  	v9 =	vld [tilespmem:s15+$0x130]  }
0x2b: {  	v8 =	vld [tilespmem:s15+$0x140]  }
0x2c: {  	v6 =	vld [tilespmem:s15+$0x150];
	v12 =	vadd.f32 v7, v12  }
0x2d: {  	s16 =	simm.s32 $0x200;
	v11 =	vadd.f32 v11, v13;
	v7 =	vld [tilespmem:s15+$0x160]  }
.LBB2_2:
0x2e: {  	s17 =	sshra.s32 s16, $0x2;
	p0 =	sne.s32 s16, $0xFE00;
	[tilespmem:s15+$0x100] =	vst v12;
	v5 =	vadd.f32 v5, v10;
	v10 =	vld [tilespmem:s15+$0x170]  }
0x2f: {  	v12 =	vld [tilespmem:s17+$0x4100];
	[tilespmem:s15+$0x110] =	vst v11;
	v4 =	vadd.f32 v4, v9  }
0x30: {  	v11 =	vld [tilespmem:s17+$0x4110];
	[tilespmem:s15+$0x120] =	vst v5;
	v3 =	vadd.f32 v3, v8  }
0x31: {  	v5 =	vld [tilespmem:s17+$0x4120];
	[tilespmem:s15+$0x130] =	vst v4;
	v2 =	vadd.f32 v2, v6  }
0x32: {  	v4 =	vld [tilespmem:s17+$0x4130];
	[tilespmem:s15+$0x140] =	vst v3;
	v1 =	vadd.f32 v1, v7  }
0x33: {  	v3 =	vld [tilespmem:s17+$0x4140];
	[tilespmem:s15+$0x150] =	vst v2;
	v0 =	vadd.f32 v0, v10  }
0x34: {  	v2 =	vld [tilespmem:s17+$0x4150];
	[tilespmem:s15+$0x160] =	vst v1  }
0x35: {  	v1 =	vld [tilespmem:s17+$0x4160];
	[tilespmem:s15+$0x170] =	vst v0;
	s15 =	smov.u32 s17  }
0x36: {  	v0 =	vld [tilespmem:s15+$0x4170]  }
0x37: {  	v6 =	vld [tilespmem:s15+$0x100]  }
0x38: {  	v7 =	vld [tilespmem:s15+$0x110]  }
.Ltmp0:
0x39: {  	v10 =	vld [tilespmem:s15+$0x120];
	(pc) =	sbr.rel @p0 .LBB2_2-.Ltmp0, $4  }
0x3a: {  	v9 =	vld [tilespmem:s15+$0x130]  }
0x3b: {  	v8 =	vld [tilespmem:s15+$0x140]  }
0x3c: {  	v12 =	vadd.f32 v12, v6;
	v6 =	vld [tilespmem:s15+$0x150]  }
0x3d: {  	s16 =	sadd.s32 $0x200, s16;
	v11 =	vadd.f32 v11, v7;
	v7 =	vld [tilespmem:s15+$0x160]  }
0x3e: {  	[tilespmem:s15+$0x100] =	vst v12;
	v5 =	vadd.f32 v5, v10;
	v63 =	vld [tilespmem:s15+$0x170]  }
0x3f: {  	[tilespmem:s15+$0x110] =	vst v11;
	v4 =	vadd.f32 v4, v9  }
0x40: {  	[tilespmem:s15+$0x120] =	vst v5;
	v3 =	vadd.f32 v3, v8  }
0x41: {  	[tilespmem:s15+$0x130] =	vst v4;
	v2 =	vadd.f32 v2, v6  }
0x42: {  	[tilespmem:s15+$0x140] =	vst v3;
	v1 =	vadd.f32 v1, v7  }
0x43: {  	s14 =	sadd.s32 $0x1, s14;
	[tilespmem:s15+$0x150] =	vst v2;
	v0 =	vadd.f32 v0, v63  }
0x44: {  	p0 =	sne.s32 s14, s7;
	[tilespmem:s15+$0x160] =	vst v1  }
.Ltmp1:
0x45: {  	[tilespmem:s15+$0x170] =	vst v0;
	(pc) =	sbr.rel @p0 .LBB2_1-.Ltmp1, $4  }
0x46: {  	[hbm4b:s6+s2] =	stream.linear.scatter [tilespmem:s10], [sflag:$0x3], $0x4000, $0x38;
	[tilespmem:$0x8100] =	vst v63  }
0x47: {  	_ =	swait.ge [sflag:s8], $0x4000  }
0x48: {  	[sflag:s8] =	ssyncset.done $0x0  }
0x49: {  	[sflag:s8] =	ssyncadd.s32 $0xFFFFC000  }
0x4a: {  	_ =	sfence.sel $0x180000  }
0x4b: {  	[bflag:$0x0] =	sbarrier.arrive $0xFFFF  }
0x4c: {  	p0 =	sne.s32 s1, $0x0;
	_ =	strace $0x9000004D  }
0x4d: {  	s0 =	sadd.s32 @!p0 $0x100000, s0;
	[bflag:$0x2] =	sbarrier.arrive $0xFFFF  }
0x4e: {  	[sflag:s0] =	ssyncadd.tile.s32 @!p0 $0x1;
	_ =	shalt  }
.Lfunc_end2:
_tile_overlayer_lowered:
.L_overlay_start_2:
0x4f: {  	(tag) =	ssettag $0x2  }
0x50: {  	s0 =	rddreg [dreg:$0x0];
	s2 =	stileid.u32  }
0x51: {  	s1 =	rddreg [dreg:$0x1];
	p0 =	sne.s32 s2, $0x0  }
0x52: {  	s3 =	rddreg [dreg:$0x2];
	[bflag:$0x3] =	sbarrier.arrive $0xFFFF;
	s2 =	simm.s32 @!p0 $0x1C03  }
0x53: {  	[timem:s3], [sflag:s2] =	dma.local @!p0 [hbm:s0], s1  }
0x54: {  	s0 =	simm.s32 @!p0 $0x3  }
0x55: {  	_ =	swait.ge @!p0 [sflag:s0], s1  }
0x56: {  	s1 =	ssub.s32 @!p0 $0x0, s1;
	[sflag:s0] =	ssyncset.done @!p0 $0x0  }
0x57: {  	[sflag:s0] =	ssyncadd.s32 @!p0 s1  }
0x58: {  	[bflag:$0x3] =	sbarrier.arrive $0xFFFF  }
0x59: {  	_ =	shalt  }

// kernel: kernel.8.cloned.1.call-start
scs
__scs_entry_jumppad:
0x0: {  	(pc) =	sbr.rel $0x88, $3  }
0x1: {  	(tag) =	ssettag $0x0;
	lr =	simm.s32 $0x1  }
0x2: {  	[smem:$0x3F95] =	sst lr;
	_ =	strace $0xD0000000  }
0x3: {  	_ = 	snop  }
0x4: {  	_ = 	snop  }
0x5: {  	_ = 	snop  }
0x6: {  	_ = 	snop  }
0x7: {  	_ = 	snop  }
__scs_overlays_trampoline_lowered:
0x8: {  	[smem:$0x3FA4] =	sst s0  }
0x9: {  	[smem:$0x3FA5] =	sst s1  }
0xa: {  	[smem:$0x3FA6] =	sst s2  }
0xb: {  	[smem:$0x3FA7] =	sst s3  }
0xc: {  	[smem:$0x3FA8] =	sst s4  }
0xd: {  	[smem:$0x3FA9] =	sst s5  }
0xe: {  	[smem:$0x3FAA] =	sst s6  }
0xf: {  	[smem:$0x3FAB] =	sst s7  }
0x10: {  	[smem:$0x3FAC] =	sst s8  }
0x11: {  	[smem:$0x3FAD] =	sst s9;
	s0 =	simm.s32 @!p0 $0x0  }
0x12: {  	s1 =	sld [smem:$0x3F93];
	s0 =	simm.s32 @p0 $0x1  }
0x13: {  	[smem:$0x3FAE] =	sst s0;
	s0 =	simm.s32 @!p1 $0x0  }
0x14: {  	s2 =	sld [smem:$0x3F92];
	s0 =	simm.s32 @p1 $0x1  }
0x15: {  	[smem:$0x3FAF] =	sst s0;
	s0 =	simm.s32 @!p2 $0x0  }
0x16: {  	s3 =	sld [smem:$0x3FDB];
	s0 =	simm.s32 @p2 $0x1  }
0x17: {  	s4 =	simm.s32 $0x1BF5;
	[smem:$0x3FB1] =	sst s0  }
0x18: {  	s0 =	sld [smem:$0x3F94];
	_ =	swait.ge [sflag:s4], $0x0  }
0x19: {  	s7 =	sld [smem:$0x3F95]  }
0x1a: {  	s8 =	sadd.s32 $0xFFFFE003, lr  }
0x1b: {  	s9 =	sadd.s32 $0xFFFFFEF7, lr;
	s5 =	simm.s32 $0xFFFFFFFF;
	p2 =	slt.u32 s8, $0xFFFFF086  }
0x1c: {  	p1 =	slt.u32 s9, $0xF7A;
	s5 =	simm.s32 @!p2 $0x0  }
0x1d: {  	s5 =	simm.s32 @p1 $0x1;
	p0 =	seq.s32 s7, s2  }
0x1e: {  	s7 =	smul.u32 @!p0 $0xF7A, s2;
	p2 =	seq.s32 @!p0 s5, $0x0  }
0x1f: {  	s9 =	smul.u32 $0xF7A, s1;
	s8 =	simm.s32 @!p0 $0x1BF5;
	p2 =	por !p2, p0  }
0x20: {  	[sflag:s8] =	ssyncset.s32 @!p0 $0xFFFFF086;
	s6 =	sadd.s32 @!p0 s3, s7;
	s7 =	simm.s32 @!p0 $0x108  }
0x21: {  	s3 =	sadd.s32 s3, s9;
	s6 =	sadd.s32 @!p0 $0x88, s6;
	s7 =	simm.s32 @p2 $0x1082  }
0x22: {  	[simem:s7], [sflag:s8] =	dma.local @!p0 [hbm:s6], $0xF7A  }
0x23: {  	s9 =	sor.u32 $0xD0000000, s2;
	s6 =	simm.s32 $0x108;
	_ =	swait.ge @!p0 [sflag:s8], $0x0  }
0x24: {  	s3 =	sadd.s32 $0x88, s3;
	s6 =	simm.s32 @!p1 $0x1082;
	[sflag:s4] =	ssyncset.s32 $0xFFFFF086  }
0x25: {  	[simem:s6], [sflag:s4] =	dma.local [hbm:s3], $0xF7A  }
0x26: {  	[smem:$0x3F95] =	sst s1;
	(tag) =	ssettag s2;
	_ =	strace s9  }
0x27: {  	s1 =	sld [smem:$0x3FA5]  }
0x28: {  	s2 =	sld [smem:$0x3FA6]  }
0x29: {  	s4 =	sld [smem:$0x3FA8]  }
0x2a: {  	p0 =	seq.s32 s5, $0x0;
	s5 =	sld [smem:$0x3FA9]  }
0x2b: {  	s6 =	sld [smem:$0x3FAA]  }
0x2c: {  	s7 =	sld [smem:$0x3FAB]  }
0x2d: {  	s3 =	simm.s32 $0x108;
	s8 =	sld [smem:$0x3FAC]  }
0x2e: {  	s3 =	simm.s32 @!p0 $0x1082;
	s9 =	sld [smem:$0x3FAD]  }
0x2f: {  	lr =	sadd.s32 s0, s3;
	s0 =	sld [smem:$0x3FA4]  }
0x30: {  	s3 =	sld [smem:$0x3FA7]  }
0x31: {  	[smem:$0x3FB0] =	sst s10  }
0x32: {  	s10 =	sld [smem:$0x3FAE];
	_ =	sdelay $0x3  }
0x33: {  	p0 =	seq.s32 s10, $0x1;
	s10 =	sld [smem:$0x3FB0];
	_ =	sdelay $0x3  }
0x34: {  	[smem:$0x3FB0] =	sst s10  }
0x35: {  	s10 =	sld [smem:$0x3FAF];
	_ =	sdelay $0x3  }
0x36: {  	p1 =	seq.s32 s10, $0x1;
	s10 =	sld [smem:$0x3FB0];
	_ =	sdelay $0x3  }
0x37: {  	[smem:$0x3FB0] =	sst s10  }
0x38: {  	s10 =	sld [smem:$0x3FB1]  }
0x39: {  	_ = 	snop;
	(pc) =	sbr.ind lr, $3  }
0x3a: {  	_ = 	snop  }
0x3b: {  	_ = 	snop  }
0x3c: {  	p2 =	seq.s32 s10, $0x1;
	s10 =	sld [smem:$0x3FB0]  }
0x3d: {  	_ =	shalt  }
0x3e: {  	_ =	shalt  }
0x3f: {  	_ =	shalt  }
0x40: {  	_ =	shalt  }
0x41: {  	_ =	shalt  }
0x42: {  	_ =	shalt  }
0x43: {  	_ =	shalt  }
0x44: {  	_ =	shalt  }
0x45: {  	_ =	shalt  }
0x46: {  	_ =	shalt  }
0x47: {  	_ =	shalt  }
0x48: {  	_ =	shalt  }
0x49: {  	_ =	shalt  }
0x4a: {  	_ =	shalt  }
0x4b: {  	_ =	shalt  }
0x4c: {  	_ =	shalt  }
0x4d: {  	_ =	shalt  }
0x4e: {  	_ =	shalt  }
0x4f: {  	_ =	shalt  }
0x50: {  	_ =	shalt  }
0x51: {  	_ =	shalt  }
0x52: {  	_ =	shalt  }
0x53: {  	_ =	shalt  }
0x54: {  	_ =	shalt  }
0x55: {  	_ =	shalt  }
0x56: {  	_ =	shalt  }
0x57: {  	_ =	shalt  }
0x58: {  	_ =	shalt  }
0x59: {  	_ =	shalt  }
0x5a: {  	_ =	shalt  }
0x5b: {  	_ =	shalt  }
0x5c: {  	_ =	shalt  }
0x5d: {  	_ =	shalt  }
0x5e: {  	_ =	shalt  }
0x5f: {  	_ =	shalt  }
0x60: {  	_ =	shalt  }
0x61: {  	_ =	shalt  }
0x62: {  	_ =	shalt  }
0x63: {  	_ =	shalt  }
0x64: {  	_ =	shalt  }
0x65: {  	_ =	shalt  }
0x66: {  	_ =	shalt  }
0x67: {  	_ =	shalt  }
0x68: {  	_ =	shalt  }
0x69: {  	_ =	shalt  }
0x6a: {  	_ =	shalt  }
0x6b: {  	_ =	shalt  }
0x6c: {  	_ =	shalt  }
0x6d: {  	_ =	shalt  }
0x6e: {  	_ =	shalt  }
0x6f: {  	_ =	shalt  }
0x70: {  	_ =	shalt  }
0x71: {  	_ =	shalt  }
0x72: {  	_ =	shalt  }
0x73: {  	_ =	shalt  }
0x74: {  	_ =	shalt  }
0x75: {  	_ =	shalt  }
0x76: {  	_ =	shalt  }
0x77: {  	_ =	shalt  }
0x78: {  	_ =	shalt  }
0x79: {  	_ =	shalt  }
0x7a: {  	_ =	shalt  }
0x7b: {  	_ =	shalt  }
0x7c: {  	_ =	shalt  }
0x7d: {  	_ =	shalt  }
0x7e: {  	_ =	shalt  }
0x7f: {  	_ =	shalt  }
0x80: {  	_ =	shalt  }
0x81: {  	_ =	shalt  }
0x82: {  	_ =	shalt  }
0x83: {  	_ =	shalt  }
0x84: {  	_ =	shalt  }
0x85: {  	_ =	shalt  }
0x86: {  	_ =	shalt  }
0x87: {  	_ =	shalt  }
.Lfunc_end0:
.L_simem_size_0:
called_computation_lowered:
.L_overlay_start_0:
0x88: {  	s2 =	sld [smem:$0x3FD9]  }
0x89: {  	s3 =	sld [smem:$0x3FFE];
	_ =	sdelay $0x1  }
0x8a: {  	s1 =	srdreg.scid  }
0x8b: {  	s0 =	sand.u32 $0x1, s1  }
0x8c: {  	s17 =	sshll.u32 s0, $0xA;
	s2 =	sadd.s32 s3, s2  }
0x8d: {  	s2 =	sadd.s32 s2, s17  }
0x8e: {  	[smem:$0x3FBC] =	sst s2  }
0x8f: {  	_ = 	snop  }
0x90: {  	s2 =	sld [smem:$0x3FD0];
	(tm) =	ssettm $0x1  }
0x91: {  	s18 =	sld [smem:$0x3FFB];
	_ =	sdelay $0x3  }
0x92: {  	_ =	strace s18  }
0x93: {  	s3 =	sld [smem:$0x3FFC];
	_ =	sdelay $0x3  }
0x94: {  	_ =	strace s3  }
0x95: {  	s3 =	sld [smem:$0x3FFD];
	_ =	sdelay $0x3  }
0x96: {  	_ =	strace s3  }
0x97: {  	_ =	strace $0x8FFFFFFF  }
0x98: {  	s19 =	sld [smem:$0x3FDB];
	_ =	sdelay $0x1  }
0x99: {  	s4 =	simm.s32 $_scs_section_size  }
0x9a: {  	s5 =	simm.s32 $_size__tile_overlayer_lowered;
	s6 =	simm.s32 $_tile_overlayer_lowered  }
0x9b: {  	s22 =	simm.s32 $0x1BFF;
	s21 =	sshll.u32 s6, $0x1;
	s3 =	sadd.s32 s4, s19  }
0x9c: {  	s7 =	simm.s32 $0x0;
	s20 =	sshll.u32 s5, $0x1;
	s5 =	sadd.s32 s21, s3  }
0x9d: {  	[timem:s7], [sflag:s22] =	dma.local [hbm:s5], s20  }
0x9e: {  	_ =	swait.ge [sflag:s22], s20  }
0x9f: {  	s4 =	ssub.s32 $0x0, s20;
	[sflag:s22] =	ssyncset.done $0x0  }
0xa0: {  	[sflag:s22] =	ssyncadd.s32 s4;
	_ =	sdelay $0x1  }
0xa1: {  	s23 =	simm.s32 $0x1B8B  }
0xa2: {  	_ =	swait.ge [sflag:s23], $0x1  }
0xa3: {  	[sflag:s23] =	ssyncset.done $0x0  }
0xa4: {  	s25 =	simm.s32 $0x1B8E;
	s24 =	sld [smem:$0x3FFE];
	[sflag:s23] =	ssyncadd.s32 $0xFFFFFFFF  }
0xa5: {  	s26 =	simm.s32 $execute0_lowered;
	[smem:$0x3FD2] =	sst s25  }
0xa6: {  	s5 =	sshll.u32 s26, $0x1;
	_ =	strace $0x80000046;
	[dreg:$0x1] =	wrdreg $0xFFFFFFFF  }
0xa7: {  	s28 =	simm.s32 $_size_execute0_lowered;
	s3 =	sadd.s32 s3, s5;
	[dreg:$0x0] =	wrdreg $0x0  }
0xa8: {  	s5 =	sshll.u32 s28, $0x1;
	[dreg:$0x2] =	wrdreg s3  }
0xa9: {  	[dreg:$0x3] =	wrdreg s5  }
0xaa: {  	[dreg:$0x4] =	wrdreg $0xC0  }
0xab: {  	_ =	task [dreg:s7], $0x5FFFF  }
0xac: {  	[dreg:$0x1] =	wrdreg $0xFFFFFFFF  }
0xad: {  	[dreg:$0x0] =	wrdreg $0x60  }
0xae: {  	[dreg:$0x2] =	wrdreg s24  }
0xaf: {  	[dreg:$0x3] =	wrdreg s2  }
0xb0: {  	[dreg:$0x4] =	wrdreg $0x90000  }
0xb1: {  	[dreg:$0x5] =	wrdreg $0x1D0800  }
0xb2: {  	[dreg:$0x6] =	wrdreg $0x9  }
0xb3: {  	_ =	task.clear_ibuf [dreg:s7], $0x7FFFF;
	_ =	strace $0x90000046  }
0xb4: {  	s29 =	simm.s32 $0x9;
	_ =	strace $0x80000048  }
0xb5: {  	_ =	swait.ge [sflag:s29], $0x1  }
0xb6: {  	[sflag:s29] =	ssyncadd.s32 $0xFFFFFFFF  }
0xb7: {  	_ =	strace $0x90000048  }
0xb8: {  	_ =	sfence  }
0xb9: {  	s30 =	sld [smem:$0x0];
	_ =	sdelay $0x2  }
0xba: {  	s31 =	sshll.u32 s1, $0xD;
	s1 =	sshrl.u32 s1, $0x2  }
0xbb: {  	s3 =	sand.u32 $0x4000, s31;
	s1 =	sadd.s32 s1, s30  }
0xbc: {  	s0 =	sor.u32 s3, s0;
	s1 =	sshll.u32 s1, $0x11  }
0xbd: {  	s0 =	sor.u32 s1, s0  }
0xbe: {  	s0 =	sadd.s32 $0x8F2B, s0  }
0xbf: {  	[sflag:s0] =	ssyncadd.remote.s32 $0x1  }
0xc0: {  	_ =	sfence.sel $0xFFFF  }
0xc1: {  	[dreg:$0x0] =	wrdreg $0xFFFFFFFF;
	(pc) =	sbr.abs _section_cstart, $3  }
0xc2: {  	[dreg:$0x1] =	wrdreg $0xFFFFFFFF  }
0xc3: {  	_ =	task.clear_ibuf [dreg:s7], $0x2FFFF;
	_ =	strace $0x9FFFFFFF  }
0xc4: {  	(tm) =	ssettm $0x7FFFFFFF  }
0xc5: {  	_ =	shalt  }
tec
execute0_lowered:
.L_overlay_start_1:
0x0: {  	(tag) =	ssettag $0x1  }
0x1: {  	s0 =	rddreg [dreg:$0x0]  }
0x2: {  	s5 =	rddreg [dreg:$0x1]  }
0x3: {  	s1 =	rddreg [dreg:$0x2]  }
0x4: {  	s2 =	rddreg [dreg:$0x3];
	s4 =	srdreg.scid;
	s3 =	simm.s32 $0x0  }
0x5: {  	s7 =	stileid.u32;
	s28 =	simm.s32 $0x50;
	s29 =	simm.s32 $0x4000  }
0x6: {  	s30 =	simm.s32 $0x6800;
	s31 =	simm.s32 $0x1D000;
	s6 =	sand.u32 $0x1, s4  }
0x7: {  	[smem:$0x7FF] =	sst s3;
	s4 =	sadd.s32 $0x2B600, s0;
	s9 =	sadd.s32 $0x3600, s0  }
0x8: {  	s11 =	sadd.s32 $0x17600, s0;
	s10 =	sadd.s32 $0x53600, s0;
	s12 =	smul.u32 $0x50000, s7  }
0x9: {  	s13 =	sadd.s32 $0x55E00, s0;
	s20 =	sshll.u32 s7, $0x6;
	s26 =	smul.u32 $0x2800, s7  }
0xa: {  	p1 =	sne.s32 s7, $0x1;
	_ =	strace $0x80000047;
	[dreg:$0x5] =	wrdreg s10  }
0xb: {  	s8 =	sshll.u32 s6, $0x4;
	s15 =	ssub.s32 $0x2, s6;
	[dreg:$0x6] =	wrdreg s13  }
0xc: {  	p0 =	seq.s32 s6, $0x1;
	s8 =	sor.u32 s7, s8;
	s18 =	sshrl.u32 s12, $0x2  }
0xd: {  	s16 =	sshrl.u32 s15, $0x1;
	s8 =	smul.u32 $0x5000, s8;
	s10 =	sadd.s32 s18, s1  }
0xe: {  	s6 =	smul.u32 $0x500, s6;
	s13 =	ssub.s32 s15, s16;
	[dreg:$0x9] =	wrdreg s10  }
0xf: {  	s10 =	sor.u32 $0x1C05, s20;
	s20 =	smax.u32 s13, $0x1;
	s8 =	sshrl.u32 s8, $0x3  }
0x10: {  	s17 =	sadd.s32 s9, s8;
	s19 =	sadd.s32 s11, s8;
	s21 =	sadd.s32 $0x200, s8  }
0x11: {  	s14 =	sadd.s32 $0x400, s8;
	s24 =	sadd.s32 $0x600, s8;
	[dreg:$0x7] =	wrdreg s17  }
0x12: {  	s8 =	sadd.s32 $0x800, s8;
	[dreg:$0x8] =	wrdreg s19;
	s15 =	sadd.s32 s9, s21  }
0x13: {  	s12 =	sadd.s32 s11, s21;
	s22 =	sadd.s32 s9, s14;
	s23 =	sadd.s32 s11, s14  }
0x14: {  	s25 =	sadd.s32 s9, s24;
	s17 =	sadd.s32 s9, s8;
	[dreg:$0xa] =	wrdreg s15  }
0x15: {  	s9 =	simm.s32 $0x7E400;
	s18 =	sadd.s32 s11, s8;
	[dreg:$0xb] =	wrdreg s12  }
0x16: {  	s19 =	sadd.s32 s5, s6;
	s5 =	simm.s32 $0x2;
	[dreg:$0xc] =	wrdreg s22  }
0x17: {  	s6 =	simm.s32 $0x2C00;
	s8 =	simm.s32 $0x3C00;
	[dreg:$0xd] =	wrdreg s23  }
0x18: {  	[dreg:$0xe] =	wrdreg s25;
	s12 =	sadd.s32 s11, s24;
	s9 =	simm.s32 @!p0 $0x56400  }
0x19: {  	p0 =	sne.s32 s7, $0x0;
	s22 =	simm.s32 $0x2000;
	s23 =	simm.s32 $0x5  }
0x1a: {  	s24 =	simm.s32 $0x3;
	s25 =	simm.s32 $0x1000;
	s7 =	simm.s32 $0x4  }
0x1b: {  	[dreg:$0xf] =	wrdreg s12;
	s0 =	sadd.s32 s9, s0;
	s9 =	simm.s32 $0x0  }
0x1c: {  	v0 =	vimm.f32 $1.000000000e+00;
	s21 =	sadd.s32 s0, s26;
	s26 =	simm.s32 $0x3000;
	s0 =	simm.s32 $0x1  }
.LBB2_1:
0x1d: {  	s11 =	rddreg [dreg:$0x7]  }
0x1e: {  	s13 =	rddreg [dreg:$0x8]  }
0x1f: {  	s14 =	rddreg [dreg:$0x9]  }
0x20: {  	[tilespmem:s3], [sflag:$0x3] =	stream.linear.gather [hbm4b:s11+s3], $0xC80, $0x38;
	[tilespmem:$0x1D300] =	vst v63  }
0x21: {  	s12 =	rddreg [dreg:$0x5];
	s11 =	sshrl.u32 s14, $0x3  }
0x22: {  	[tilespmem:s22], [sflag:$0x3] =	stream.linear.gather [hbm4b:s13+s3], $0xC80, $0x38;
	[tilespmem:$0x1D300] =	vst v63  }
0x23: {  	[spmem:s11], [sflag:s10] =	dma.local [hbm:s12], $0x2800  }
0x24: {  	_ =	swait.ge [sflag:s23], $0x2800  }
0x25: {  	[sflag:s23] =	ssyncset.done $0x0  }
0x26: {  	[sflag:s23] =	ssyncadd.s32 $0xFFFFD800  }
0x27: {  	[tilespmem:$0x1D000] =	vst v0  }
0x28: {  	[tilespmem:$0x1D010] =	vst v0  }
0x29: {  	[tilespmem:$0x1D020] =	vst v0  }
0x2a: {  	[tilespmem:$0x1D030] =	vst v0  }
0x2b: {  	s12 =	sshrl.u32 @!p0 s2, $0x3;
	s13 =	rddreg [dreg:$0x6];
	[tilespmem:$0x1D040] =	vst v0  }
0x2c: {  	[spmem:s12], [sflag:s10] =	dma.local @!p0 [hbm:s13], $0x500  }
0x2d: {  	s12 =	simm.s32 @!p0 $0x5  }
0x2e: {  	_ =	swait.ge @!p0 [sflag:s12], $0x500  }
0x2f: {  	[sflag:s12] =	ssyncset.done @!p0 $0x0  }
0x30: {  	[sflag:s12] =	ssyncadd.s32 @!p0 $0xFFFFFB00  }
0x31: {  	[bflag:$0x0] =	sbarrier.arrive $0xFFFF  }
0x32: {  	_ =	swait.ge [sflag:s24], $0xC80  }
0x33: {  	[sflag:s24] =	ssyncset.done $0x0  }
0x34: {  	[sflag:s24] =	ssyncadd.s32 $0xFFFFF380  }
0x35: {  	_ =	swait.ge [sflag:s24], $0xC80  }
0x36: {  	[sflag:s24] =	ssyncset.done $0x0  }
0x37: {  	s15 =	rddreg [dreg:$0xa];
	[sflag:s24] =	ssyncadd.s32 $0xFFFFF380  }
0x38: {  	[tilespmem:s25], [sflag:$0x4] =	stream.linear.gather [hbm4b:s15+s3], $0xC80, $0x38;
	[tilespmem:$0x1D300] =	vst v63  }
0x39: {  	s16 =	rddreg [dreg:$0xb]  }
0x3a: {  	[tilespmem:s26], [sflag:$0x4] =	stream.linear.gather [hbm4b:s16+s3], $0xC80, $0x38;
	[tilespmem:$0x1D300] =	vst v63  }
0x3b: {  	_ = 	snop  }
0x3c: {  	[tilespmem:s29], [sflag:$0x1] =	stream.indirect.gather [hbm4b:s4+s28], $0x80, s3, s28, $0xb8;
	[tilespmem:$0x1D300] =	vst v63  }
0x3d: {  	s13 =	simm.s32 $0x80  }
0x3e: {  	[tilespmem:s30], [sflag:$0x2] =	stream.indirect.gather [hbm4b:s4+s28], $0x80, s13, s28, $0xb8;
	[tilespmem:$0x1D300] =	vst v63  }
0x3f: {  	s14 =	simm.s32 $0x2000  }
0x40: {  	[spmem:s2] =	stream.indirect.scatter.add.f32 [tilespmem:s31], [sflag:$0x5], $0x1, s14, s28, $0xb8;
	[tilespmem:$0x1D300] =	vst v63  }
0x41: {  	_ =	swait.ge [sflag:s23], $0x50  }
0x42: {  	[sflag:s23] =	ssyncset.done $0x0  }
0x43: {  	[sflag:s23] =	ssyncadd.s32 $0xFFFFFFB0  }
0x44: {  	_ =	swait.ge [sflag:s0], $0x2800  }
0x45: {  	[sflag:s0] =	ssyncset.done $0x0  }
0x46: {  	[sflag:s0] =	ssyncadd.s32 $0xFFFFD800  }
0x47: {  	[spmem:s1] =	stream.indirect.scatter.add.f32 [tilespmem:s29], [sflag:$0x5], $0x80, s14, s28, $0xb8;
	[tilespmem:$0x1D300] =	vst v63  }
0x48: {  	_ =	swait.ge [sflag:s23], $0x2800  }
0x49: {  	[sflag:s23] =	ssyncset.done $0x0  }
0x4a: {  	s15 =	simm.s32 $0x100;
	[sflag:s23] =	ssyncadd.s32 $0xFFFFD800  }
0x4b: {  	[tilespmem:s29], [sflag:$0x1] =	stream.indirect.gather [hbm4b:s4+s28], $0x80, s15, s28, $0xb8;
	[tilespmem:$0x1D300] =	vst v63  }
0x4c: {  	s16 =	simm.s32 $0x2080  }
0x4d: {  	[spmem:s2] =	stream.indirect.scatter.add.f32 [tilespmem:s31], [sflag:$0x5], $0x1, s16, s28, $0xb8;
	[tilespmem:$0x1D300] =	vst v63  }
0x4e: {  	_ =	swait.ge [sflag:s23], $0x50  }
0x4f: {  	[sflag:s23] =	ssyncset.done $0x0  }
0x50: {  	[sflag:s23] =	ssyncadd.s32 $0xFFFFFFB0  }
0x51: {  	_ =	swait.ge [sflag:s5], $0x2800  }
0x52: {  	[sflag:s5] =	ssyncset.done $0x0  }
0x53: {  	[sflag:s5] =	ssyncadd.s32 $0xFFFFD800  }
0x54: {  	[spmem:s1] =	stream.indirect.scatter.add.f32 [tilespmem:s30], [sflag:$0x5], $0x80, s16, s28, $0xb8;
	[tilespmem:$0x1D300] =	vst v63  }
0x55: {  	_ =	swait.ge [sflag:s23], $0x2800  }
0x56: {  	s12 =	simm.s32 $0x100;
	s13 =	simm.s32 $0x800;
	[sflag:s23] =	ssyncset.done $0x0  }
.LBB2_2:
0x57: {  	s14 =	sadd.s32 $0x80, s12  }
0x58: {  	[sflag:s23] =	ssyncadd.s32 $0xFFFFD800;
	s15 =	smov.u32 s13;
	s16 =	sadd.s32 $0x400, s13  }
0x59: {  	[tilespmem:s30], [sflag:$0x2] =	stream.indirect.gather [hbm4b:s4+s28], $0x80, s14, s28, $0xb8;
	[tilespmem:$0x1D300] =	vst v63  }
0x5a: {  	p2 =	sne.s32 s13, $0x2C00;
	s13 =	sadd.s32 $0x2000, s12  }
0x5b: {  	[spmem:s2] =	stream.indirect.scatter.add.f32 [tilespmem:s31], [sflag:$0x5], $0x1, s13, s28, $0xb8;
	[tilespmem:$0x1D300] =	vst v63  }
0x5c: {  	_ =	swait.ge [sflag:s23], $0x50  }
0x5d: {  	[sflag:s23] =	ssyncset.done $0x0  }
0x5e: {  	[sflag:s23] =	ssyncadd.s32 $0xFFFFFFB0  }
0x5f: {  	_ =	swait.ge [sflag:s0], $0x2800  }
0x60: {  	[sflag:s0] =	ssyncset.done $0x0  }
0x61: {  	[sflag:s0] =	ssyncadd.s32 $0xFFFFD800  }
0x62: {  	[spmem:s1] =	stream.indirect.scatter.add.f32 [tilespmem:s29], [sflag:$0x5], $0x80, s13, s28, $0xb8;
	[tilespmem:$0x1D300] =	vst v63  }
0x63: {  	_ =	swait.ge [sflag:s23], $0x2800  }
0x64: {  	[sflag:s23] =	ssyncset.done $0x0  }
0x65: {  	s13 =	sadd.s32 $0x100, s12;
	[sflag:s23] =	ssyncadd.s32 $0xFFFFD800  }
0x66: {  	[tilespmem:s29], [sflag:$0x1] =	stream.indirect.gather [hbm4b:s4+s28], $0x80, s13, s28, $0xb8;
	[tilespmem:$0x1D300] =	vst v63  }
0x67: {  	s12 =	sadd.s32 $0x2080, s12  }
0x68: {  	[spmem:s2] =	stream.indirect.scatter.add.f32 [tilespmem:s31], [sflag:$0x5], $0x1, s12, s28, $0xb8;
	[tilespmem:$0x1D300] =	vst v63  }
0x69: {  	_ =	swait.ge [sflag:s23], $0x50  }
0x6a: {  	[sflag:s23] =	ssyncset.done $0x0  }
0x6b: {  	[sflag:s23] =	ssyncadd.s32 $0xFFFFFFB0  }
0x6c: {  	_ =	swait.ge [sflag:s5], $0x2800  }
.Ltmp0:
0x6d: {  	[sflag:s5] =	ssyncset.done $0x0;
	(pc) =	sbr.rel @p2 .LBB2_2-.Ltmp0, $4  }
0x6e: {  	[sflag:s5] =	ssyncadd.s32 $0xFFFFD800  }
0x6f: {  	[spmem:s1] =	stream.indirect.scatter.add.f32 [tilespmem:s30], [sflag:$0x5], $0x80, s12, s28, $0xb8;
	[tilespmem:$0x1D300] =	vst v63  }
0x70: {  	_ =	swait.ge [sflag:s23], $0x2800  }
0x71: {  	s13 =	smov.u32 s16;
	s12 =	sshra.s32 s15, $0x2;
	[sflag:s23] =	ssyncset.done $0x0  }
0x72: {  	s13 =	sadd.s32 $0x80, s12;
	[sflag:s23] =	ssyncadd.s32 $0xFFFFD800  }
0x73: {  	[tilespmem:s30], [sflag:$0x2] =	stream.indirect.gather [hbm4b:s4+s28], $0x80, s13, s28, $0xb8;
	[tilespmem:$0x1D300] =	vst v63  }
0x74: {  	s15 =	sadd.s32 $0x2000, s12  }
0x75: {  	[spmem:s2] =	stream.indirect.scatter.add.f32 [tilespmem:s31], [sflag:$0x5], $0x1, s15, s28, $0xb8;
	[tilespmem:$0x1D300] =	vst v63  }
0x76: {  	_ =	swait.ge [sflag:s23], $0x50  }
0x77: {  	[sflag:s23] =	ssyncset.done $0x0  }
0x78: {  	[sflag:s23] =	ssyncadd.s32 $0xFFFFFFB0  }
0x79: {  	_ =	swait.ge [sflag:s0], $0x2800  }
0x7a: {  	[sflag:s0] =	ssyncset.done $0x0  }
0x7b: {  	[sflag:s0] =	ssyncadd.s32 $0xFFFFD800  }
0x7c: {  	[spmem:s1] =	stream.indirect.scatter.add.f32 [tilespmem:s29], [sflag:$0x5], $0x80, s15, s28, $0xb8;
	[tilespmem:$0x1D300] =	vst v63  }
0x7d: {  	_ =	swait.ge [sflag:s23], $0x2800  }
0x7e: {  	[sflag:s23] =	ssyncset.done $0x0  }
0x7f: {  	s16 =	sadd.s32 $0x100, s12;
	[sflag:s23] =	ssyncadd.s32 $0xFFFFD800  }
0x80: {  	[tilespmem:s29], [sflag:$0x1] =	stream.indirect.gather [hbm4b:s4+s28], $0x80, s16, s28, $0xb8;
	[tilespmem:$0x1D300] =	vst v63  }
0x81: {  	s14 =	sadd.s32 $0x2080, s12  }
0x82: {  	[spmem:s2] =	stream.indirect.scatter.add.f32 [tilespmem:s31], [sflag:$0x5], $0x1, s14, s28, $0xb8;
	[tilespmem:$0x1D300] =	vst v63  }
0x83: {  	_ =	swait.ge [sflag:s23], $0x50  }
0x84: {  	[sflag:s23] =	ssyncset.done $0x0  }
0x85: {  	[sflag:s23] =	ssyncadd.s32 $0xFFFFFFB0  }
0x86: {  	_ =	swait.ge [sflag:s5], $0x2800  }
0x87: {  	[sflag:s5] =	ssyncset.done $0x0  }
0x88: {  	[sflag:s5] =	ssyncadd.s32 $0xFFFFD800  }
0x89: {  	[spmem:s1] =	stream.indirect.scatter.add.f32 [tilespmem:s30], [sflag:$0x5], $0x80, s14, s28, $0xb8;
	[tilespmem:$0x1D300] =	vst v63  }
0x8a: {  	_ =	swait.ge [sflag:s23], $0x2800  }
0x8b: {  	[sflag:s23] =	ssyncset.done $0x0  }
0x8c: {  	[sflag:s23] =	ssyncadd.s32 $0xFFFFD800  }
0x8d: {  	_ =	swait.ge [sflag:s0], $0x2800  }
0x8e: {  	[sflag:s0] =	ssyncset.done $0x0  }
0x8f: {  	[sflag:s0] =	ssyncadd.s32 $0xFFFFD800  }
0x90: {  	[spmem:s1] =	stream.indirect.scatter.add.f32 [tilespmem:s29], [sflag:$0x5], $0x80, s6, s28, $0xb8;
	[tilespmem:$0x1D300] =	vst v63  }
0x91: {  	_ =	swait.ge [sflag:s23], $0x2800  }
0x92: {  	[sflag:s23] =	ssyncset.done $0x0  }
0x93: {  	[sflag:s23] =	ssyncadd.s32 $0xFFFFD800  }
0x94: {  	[spmem:s2] =	stream.indirect.scatter.add.f32 [tilespmem:s31], [sflag:$0x5], $0x1, s6, s28, $0xb8;
	[tilespmem:$0x1D300] =	vst v63  }
0x95: {  	_ =	swait.ge [sflag:s23], $0x50  }
0x96: {  	[sflag:s23] =	ssyncset.done $0x0  }
0x97: {  	[sflag:s23] =	ssyncadd.s32 $0xFFFFFFB0  }
0x98: {  	_ =	swait.ge [sflag:s7], $0xC80  }
0x99: {  	[sflag:s7] =	ssyncset.done $0x0  }
0x9a: {  	[sflag:s7] =	ssyncadd.s32 $0xFFFFF380  }
0x9b: {  	_ =	swait.ge [sflag:s7], $0xC80  }
0x9c: {  	[sflag:s7] =	ssyncset.done $0x0  }
0x9d: {  	s15 =	rddreg [dreg:$0xc];
	[sflag:s7] =	ssyncadd.s32 $0xFFFFF380  }
0x9e: {  	[tilespmem:s3], [sflag:$0x3] =	stream.linear.gather [hbm4b:s15+s3], $0xC80, $0x38;
	[tilespmem:$0x1D300] =	vst v63  }
0x9f: {  	s16 =	rddreg [dreg:$0xd]  }
0xa0: {  	[tilespmem:s22], [sflag:$0x3] =	stream.linear.gather [hbm4b:s16+s3], $0xC80, $0x38;
	[tilespmem:$0x1D300] =	vst v63  }
0xa1: {  	_ = 	snop  }
0xa2: {  	[tilespmem:s29], [sflag:$0x1] =	stream.indirect.gather [hbm4b:s4+s28], $0x80, s25, s28, $0xb8;
	[tilespmem:$0x1D300] =	vst v63  }
0xa3: {  	s13 =	simm.s32 $0x1080  }
0xa4: {  	[tilespmem:s30], [sflag:$0x2] =	stream.indirect.gather [hbm4b:s4+s28], $0x80, s13, s28, $0xb8;
	[tilespmem:$0x1D300] =	vst v63  }
0xa5: {  	s14 =	simm.s32 $0x3000  }
0xa6: {  	[spmem:s2] =	stream.indirect.scatter.add.f32 [tilespmem:s31], [sflag:$0x5], $0x1, s14, s28, $0xb8;
	[tilespmem:$0x1D300] =	vst v63  }
0xa7: {  	_ =	swait.ge [sflag:s23], $0x50  }
0xa8: {  	[sflag:s23] =	ssyncset.done $0x0  }
0xa9: {  	[sflag:s23] =	ssyncadd.s32 $0xFFFFFFB0  }
0xaa: {  	_ =	swait.ge [sflag:s0], $0x2800  }
0xab: {  	[sflag:s0] =	ssyncset.done $0x0  }
0xac: {  	[sflag:s0] =	ssyncadd.s32 $0xFFFFD800  }
0xad: {  	[spmem:s1] =	stream.indirect.scatter.add.f32 [tilespmem:s29], [sflag:$0x5], $0x80, s14, s28, $0xb8;
	[tilespmem:$0x1D300] =	vst v63  }
0xae: {  	_ =	swait.ge [sflag:s23], $0x2800  }
0xaf: {  	[sflag:s23] =	ssyncset.done $0x0  }
0xb0: {  	s15 =	simm.s32 $0x1100;
	[sflag:s23] =	ssyncadd.s32 $0xFFFFD800  }
0xb1: {  	[tilespmem:s29], [sflag:$0x1] =	stream.indirect.gather [hbm4b:s4+s28], $0x80, s15, s28, $0xb8;
	[tilespmem:$0x1D300] =	vst v63  }
0xb2: {  	s16 =	simm.s32 $0x3080  }
0xb3: {  	[spmem:s2] =	stream.indirect.scatter.add.f32 [tilespmem:s31], [sflag:$0x5], $0x1, s16, s28, $0xb8;
	[tilespmem:$0x1D300] =	vst v63  }
0xb4: {  	_ =	swait.ge [sflag:s23], $0x50  }
0xb5: {  	[sflag:s23] =	ssyncset.done $0x0  }
0xb6: {  	[sflag:s23] =	ssyncadd.s32 $0xFFFFFFB0  }
0xb7: {  	_ =	swait.ge [sflag:s5], $0x2800  }
0xb8: {  	[sflag:s5] =	ssyncset.done $0x0  }
0xb9: {  	[sflag:s5] =	ssyncadd.s32 $0xFFFFD800  }
0xba: {  	[spmem:s1] =	stream.indirect.scatter.add.f32 [tilespmem:s30], [sflag:$0x5], $0x80, s16, s28, $0xb8;
	[tilespmem:$0x1D300] =	vst v63  }
0xbb: {  	_ =	swait.ge [sflag:s23], $0x2800  }
0xbc: {  	s12 =	simm.s32 $0xFFFFF500;
	s13 =	simm.s32 $0xFFFFD800;
	[sflag:s23] =	ssyncset.done $0x0  }
.LBB2_4:
0xbd: {  	s14 =	sadd.s32 $0x1C80, s12  }
0xbe: {  	[sflag:s23] =	ssyncadd.s32 $0xFFFFD800;
	s15 =	smov.u32 s13;
	s16 =	sadd.s32 $0x400, s13  }
0xbf: {  	[tilespmem:s30], [sflag:$0x2] =	stream.indirect.gather [hbm4b:s4+s28], $0x80, s14, s28, $0xb8;
	[tilespmem:$0x1D300] =	vst v63  }
0xc0: {  	p2 =	sne.s32 s13, $0xFFFFFC00;
	s13 =	sadd.s32 $0x3C00, s12  }
0xc1: {  	[spmem:s2] =	stream.indirect.scatter.add.f32 [tilespmem:s31], [sflag:$0x5], $0x1, s13, s28, $0xb8;
	[tilespmem:$0x1D300] =	vst v63  }
0xc2: {  	_ =	swait.ge [sflag:s23], $0x50  }
0xc3: {  	[sflag:s23] =	ssyncset.done $0x0  }
0xc4: {  	[sflag:s23] =	ssyncadd.s32 $0xFFFFFFB0  }
0xc5: {  	_ =	swait.ge [sflag:s0], $0x2800  }
0xc6: {  	[sflag:s0] =	ssyncset.done $0x0  }
0xc7: {  	[sflag:s0] =	ssyncadd.s32 $0xFFFFD800  }
0xc8: {  	[spmem:s1] =	stream.indirect.scatter.add.f32 [tilespmem:s29], [sflag:$0x5], $0x80, s13, s28, $0xb8;
	[tilespmem:$0x1D300] =	vst v63  }
0xc9: {  	_ =	swait.ge [sflag:s23], $0x2800  }
0xca: {  	[sflag:s23] =	ssyncset.done $0x0  }
0xcb: {  	s13 =	sadd.s32 $0x1D00, s12;
	[sflag:s23] =	ssyncadd.s32 $0xFFFFD800  }
0xcc: {  	[tilespmem:s29], [sflag:$0x1] =	stream.indirect.gather [hbm4b:s4+s28], $0x80, s13, s28, $0xb8;
	[tilespmem:$0x1D300] =	vst v63  }
0xcd: {  	s12 =	sadd.s32 $0x3C80, s12  }
0xce: {  	[spmem:s2] =	stream.indirect.scatter.add.f32 [tilespmem:s31], [sflag:$0x5], $0x1, s12, s28, $0xb8;
	[tilespmem:$0x1D300] =	vst v63  }
0xcf: {  	_ =	swait.ge [sflag:s23], $0x50  }
0xd0: {  	[sflag:s23] =	ssyncset.done $0x0  }
0xd1: {  	[sflag:s23] =	ssyncadd.s32 $0xFFFFFFB0  }
0xd2: {  	_ =	swait.ge [sflag:s5], $0x2800  }
.Ltmp1:
0xd3: {  	[sflag:s5] =	ssyncset.done $0x0;
	(pc) =	sbr.rel @p2 .LBB2_4-.Ltmp1, $4  }
0xd4: {  	[sflag:s5] =	ssyncadd.s32 $0xFFFFD800  }
0xd5: {  	[spmem:s1] =	stream.indirect.scatter.add.f32 [tilespmem:s30], [sflag:$0x5], $0x80, s12, s28, $0xb8;
	[tilespmem:$0x1D300] =	vst v63  }
0xd6: {  	_ =	swait.ge [sflag:s23], $0x2800  }
0xd7: {  	s13 =	smov.u32 s16;
	s12 =	sshra.s32 s15, $0x2;
	[sflag:s23] =	ssyncset.done $0x0  }
0xd8: {  	s13 =	sadd.s32 $0x1C80, s12;
	[sflag:s23] =	ssyncadd.s32 $0xFFFFD800  }
0xd9: {  	[tilespmem:s30], [sflag:$0x2] =	stream.indirect.gather [hbm4b:s4+s28], $0x80, s13, s28, $0xb8;
	[tilespmem:$0x1D300] =	vst v63  }
0xda: {  	s15 =	sadd.s32 $0x3C00, s12  }
0xdb: {  	[spmem:s2] =	stream.indirect.scatter.add.f32 [tilespmem:s31], [sflag:$0x5], $0x1, s15, s28, $0xb8;
	[tilespmem:$0x1D300] =	vst v63  }
0xdc: {  	_ =	swait.ge [sflag:s23], $0x50  }
0xdd: {  	[sflag:s23] =	ssyncset.done $0x0  }
0xde: {  	[sflag:s23] =	ssyncadd.s32 $0xFFFFFFB0  }
0xdf: {  	_ =	swait.ge [sflag:s0], $0x2800  }
0xe0: {  	[sflag:s0] =	ssyncset.done $0x0  }
0xe1: {  	[sflag:s0] =	ssyncadd.s32 $0xFFFFD800  }
0xe2: {  	[spmem:s1] =	stream.indirect.scatter.add.f32 [tilespmem:s29], [sflag:$0x5], $0x80, s15, s28, $0xb8;
	[tilespmem:$0x1D300] =	vst v63  }
0xe3: {  	_ =	swait.ge [sflag:s23], $0x2800  }
0xe4: {  	[sflag:s23] =	ssyncset.done $0x0  }
0xe5: {  	s16 =	sadd.s32 $0x1D00, s12;
	[sflag:s23] =	ssyncadd.s32 $0xFFFFD800  }
0xe6: {  	[tilespmem:s29], [sflag:$0x1] =	stream.indirect.gather [hbm4b:s4+s28], $0x80, s16, s28, $0xb8;
	[tilespmem:$0x1D300] =	vst v63  }
0xe7: {  	s13 =	sadd.s32 $0x3C80, s12  }
0xe8: {  	[spmem:s2] =	stream.indirect.scatter.add.f32 [tilespmem:s31], [sflag:$0x5], $0x1, s13, s28, $0xb8;
	[tilespmem:$0x1D300] =	vst v63  }
0xe9: {  	_ =	swait.ge [sflag:s23], $0x50  }
0xea: {  	[sflag:s23] =	ssyncset.done $0x0  }
0xeb: {  	[sflag:s23] =	ssyncadd.s32 $0xFFFFFFB0  }
0xec: {  	_ =	swait.ge [sflag:s5], $0x2800  }
0xed: {  	[sflag:s5] =	ssyncset.done $0x0  }
0xee: {  	[sflag:s5] =	ssyncadd.s32 $0xFFFFD800  }
0xef: {  	[spmem:s1] =	stream.indirect.scatter.add.f32 [tilespmem:s30], [sflag:$0x5], $0x80, s13, s28, $0xb8;
	[tilespmem:$0x1D300] =	vst v63  }
0xf0: {  	_ =	swait.ge [sflag:s23], $0x2800  }
0xf1: {  	[sflag:s23] =	ssyncset.done $0x0  }
0xf2: {  	[sflag:s23] =	ssyncadd.s32 $0xFFFFD800  }
0xf3: {  	_ =	swait.ge [sflag:s0], $0x2800  }
0xf4: {  	[sflag:s0] =	ssyncset.done $0x0  }
0xf5: {  	[sflag:s0] =	ssyncadd.s32 $0xFFFFD800  }
0xf6: {  	[spmem:s1] =	stream.indirect.scatter.add.f32 [tilespmem:s29], [sflag:$0x5], $0x80, s8, s28, $0xb8;
	[tilespmem:$0x1D300] =	vst v63  }
0xf7: {  	_ =	swait.ge [sflag:s23], $0x2800  }
0xf8: {  	[sflag:s23] =	ssyncset.done $0x0  }
0xf9: {  	[sflag:s23] =	ssyncadd.s32 $0xFFFFD800  }
0xfa: {  	[spmem:s2] =	stream.indirect.scatter.add.f32 [tilespmem:s31], [sflag:$0x5], $0x1, s8, s28, $0xb8;
	[tilespmem:$0x1D300] =	vst v63  }
0xfb: {  	_ =	swait.ge [sflag:s23], $0x50  }
0xfc: {  	[sflag:s23] =	ssyncset.done $0x0  }
0xfd: {  	[sflag:s23] =	ssyncadd.s32 $0xFFFFFFB0  }
0xfe: {  	_ =	swait.ge [sflag:s24], $0xC80  }
0xff: {  	[sflag:s24] =	ssyncset.done $0x0  }
0x100: {  	[sflag:s24] =	ssyncadd.s32 $0xFFFFF380  }
0x101: {  	_ =	swait.ge [sflag:s24], $0xC80  }
0x102: {  	[sflag:s24] =	ssyncset.done $0x0  }
0x103: {  	s14 =	simm.s32 $0x0;
	s15 =	rddreg [dreg:$0xe];
	[sflag:s24] =	ssyncadd.s32 $0xFFFFF380  }
0x104: {  	[tilespmem:s25], [sflag:$0x4] =	stream.linear.gather [hbm4b:s15+s14], $0xC80, $0x38;
	[tilespmem:$0x1D300] =	vst v63  }
0x105: {  	s16 =	rddreg [dreg:$0xf]  }
0x106: {  	[tilespmem:s26], [sflag:$0x4] =	stream.linear.gather [hbm4b:s16+s14], $0xC80, $0x38;
	[tilespmem:$0x1D300] =	vst v63  }
0x107: {  	_ = 	snop  }
0x108: {  	[tilespmem:s29], [sflag:$0x1] =	stream.indirect.gather [hbm4b:s4+s28], $0x80, s14, s28, $0xb8;
	[tilespmem:$0x1D300] =	vst v63  }
0x109: {  	s13 =	simm.s32 $0x80  }
0x10a: {  	[tilespmem:s30], [sflag:$0x2] =	stream.indirect.gather [hbm4b:s4+s28], $0x80, s13, s28, $0xb8;
	[tilespmem:$0x1D300] =	vst v63  }
0x10b: {  	s14 =	simm.s32 $0x2000  }
0x10c: {  	[spmem:s2] =	stream.indirect.scatter.add.f32 [tilespmem:s31], [sflag:$0x5], $0x1, s14, s28, $0xb8;
	[tilespmem:$0x1D300] =	vst v63  }
0x10d: {  	_ =	swait.ge [sflag:s23], $0x50  }
0x10e: {  	[sflag:s23] =	ssyncset.done $0x0  }
0x10f: {  	[sflag:s23] =	ssyncadd.s32 $0xFFFFFFB0  }
0x110: {  	_ =	swait.ge [sflag:s0], $0x2800  }
0x111: {  	[sflag:s0] =	ssyncset.done $0x0  }
0x112: {  	[sflag:s0] =	ssyncadd.s32 $0xFFFFD800  }
0x113: {  	[spmem:s1] =	stream.indirect.scatter.add.f32 [tilespmem:s29], [sflag:$0x5], $0x80, s14, s28, $0xb8;
	[tilespmem:$0x1D300] =	vst v63  }
0x114: {  	_ =	swait.ge [sflag:s23], $0x2800  }
0x115: {  	[sflag:s23] =	ssyncset.done $0x0  }
0x116: {  	s15 =	simm.s32 $0x100;
	[sflag:s23] =	ssyncadd.s32 $0xFFFFD800  }
0x117: {  	[tilespmem:s29], [sflag:$0x1] =	stream.indirect.gather [hbm4b:s4+s28], $0x80, s15, s28, $0xb8;
	[tilespmem:$0x1D300] =	vst v63  }
0x118: {  	s16 =	simm.s32 $0x2080  }
0x119: {  	[spmem:s2] =	stream.indirect.scatter.add.f32 [tilespmem:s31], [sflag:$0x5], $0x1, s16, s28, $0xb8;
	[tilespmem:$0x1D300] =	vst v63  }
0x11a: {  	_ =	swait.ge [sflag:s23], $0x50  }
0x11b: {  	[sflag:s23] =	ssyncset.done $0x0  }
0x11c: {  	[sflag:s23] =	ssyncadd.s32 $0xFFFFFFB0  }
0x11d: {  	_ =	swait.ge [sflag:s5], $0x2800  }
0x11e: {  	[sflag:s5] =	ssyncset.done $0x0  }
0x11f: {  	[sflag:s5] =	ssyncadd.s32 $0xFFFFD800  }
0x120: {  	[spmem:s1] =	stream.indirect.scatter.add.f32 [tilespmem:s30], [sflag:$0x5], $0x80, s16, s28, $0xb8;
	[tilespmem:$0x1D300] =	vst v63  }
0x121: {  	_ =	swait.ge [sflag:s23], $0x2800  }
0x122: {  	s12 =	simm.s32 $0x100;
	s13 =	simm.s32 $0x800;
	[sflag:s23] =	ssyncset.done $0x0  }
.LBB2_6:
0x123: {  	s14 =	sadd.s32 $0x80, s12  }
0x124: {  	[sflag:s23] =	ssyncadd.s32 $0xFFFFD800;
	s15 =	smov.u32 s13;
	s16 =	sadd.s32 $0x400, s13  }
0x125: {  	[tilespmem:s30], [sflag:$0x2] =	stream.indirect.gather [hbm4b:s4+s28], $0x80, s14, s28, $0xb8;
	[tilespmem:$0x1D300] =	vst v63  }
0x126: {  	p2 =	sne.s32 s13, $0x2C00;
	s13 =	sadd.s32 $0x2000, s12  }
0x127: {  	[spmem:s2] =	stream.indirect.scatter.add.f32 [tilespmem:s31], [sflag:$0x5], $0x1, s13, s28, $0xb8;
	[tilespmem:$0x1D300] =	vst v63  }
0x128: {  	_ =	swait.ge [sflag:s23], $0x50  }
0x129: {  	[sflag:s23] =	ssyncset.done $0x0  }
0x12a: {  	[sflag:s23] =	ssyncadd.s32 $0xFFFFFFB0  }
0x12b: {  	_ =	swait.ge [sflag:s0], $0x2800  }
0x12c: {  	[sflag:s0] =	ssyncset.done $0x0  }
0x12d: {  	[sflag:s0] =	ssyncadd.s32 $0xFFFFD800  }
0x12e: {  	[spmem:s1] =	stream.indirect.scatter.add.f32 [tilespmem:s29], [sflag:$0x5], $0x80, s13, s28, $0xb8;
	[tilespmem:$0x1D300] =	vst v63  }
0x12f: {  	_ =	swait.ge [sflag:s23], $0x2800  }
0x130: {  	[sflag:s23] =	ssyncset.done $0x0  }
0x131: {  	s13 =	sadd.s32 $0x100, s12;
	[sflag:s23] =	ssyncadd.s32 $0xFFFFD800  }
0x132: {  	[tilespmem:s29], [sflag:$0x1] =	stream.indirect.gather [hbm4b:s4+s28], $0x80, s13, s28, $0xb8;
	[tilespmem:$0x1D300] =	vst v63  }
0x133: {  	s12 =	sadd.s32 $0x2080, s12  }
0x134: {  	[spmem:s2] =	stream.indirect.scatter.add.f32 [tilespmem:s31], [sflag:$0x5], $0x1, s12, s28, $0xb8;
	[tilespmem:$0x1D300] =	vst v63  }
0x135: {  	_ =	swait.ge [sflag:s23], $0x50  }
0x136: {  	[sflag:s23] =	ssyncset.done $0x0  }
0x137: {  	[sflag:s23] =	ssyncadd.s32 $0xFFFFFFB0  }
0x138: {  	_ =	swait.ge [sflag:s5], $0x2800  }
.Ltmp2:
0x139: {  	[sflag:s5] =	ssyncset.done $0x0;
	(pc) =	sbr.rel @p2 .LBB2_6-.Ltmp2, $4  }
0x13a: {  	[sflag:s5] =	ssyncadd.s32 $0xFFFFD800  }
0x13b: {  	[spmem:s1] =	stream.indirect.scatter.add.f32 [tilespmem:s30], [sflag:$0x5], $0x80, s12, s28, $0xb8;
	[tilespmem:$0x1D300] =	vst v63  }
0x13c: {  	_ =	swait.ge [sflag:s23], $0x2800  }
0x13d: {  	s13 =	smov.u32 s16;
	s12 =	sshra.s32 s15, $0x2;
	[sflag:s23] =	ssyncset.done $0x0  }
0x13e: {  	s13 =	sadd.s32 $0x80, s12;
	[sflag:s23] =	ssyncadd.s32 $0xFFFFD800  }
0x13f: {  	[tilespmem:s30], [sflag:$0x2] =	stream.indirect.gather [hbm4b:s4+s28], $0x80, s13, s28, $0xb8;
	[tilespmem:$0x1D300] =	vst v63  }
0x140: {  	s14 =	sadd.s32 $0x2000, s12  }
0x141: {  	[spmem:s2] =	stream.indirect.scatter.add.f32 [tilespmem:s31], [sflag:$0x5], $0x1, s14, s28, $0xb8;
	[tilespmem:$0x1D300] =	vst v63  }
0x142: {  	_ =	swait.ge [sflag:s23], $0x50  }
0x143: {  	[sflag:s23] =	ssyncset.done $0x0  }
0x144: {  	[sflag:s23] =	ssyncadd.s32 $0xFFFFFFB0  }
0x145: {  	_ =	swait.ge [sflag:s0], $0x2800  }
0x146: {  	[sflag:s0] =	ssyncset.done $0x0  }
0x147: {  	[sflag:s0] =	ssyncadd.s32 $0xFFFFD800  }
0x148: {  	[spmem:s1] =	stream.indirect.scatter.add.f32 [tilespmem:s29], [sflag:$0x5], $0x80, s14, s28, $0xb8;
	[tilespmem:$0x1D300] =	vst v63  }
0x149: {  	_ =	swait.ge [sflag:s23], $0x2800  }
0x14a: {  	[sflag:s23] =	ssyncset.done $0x0  }
0x14b: {  	s15 =	sadd.s32 $0x100, s12;
	[sflag:s23] =	ssyncadd.s32 $0xFFFFD800  }
0x14c: {  	[tilespmem:s29], [sflag:$0x1] =	stream.indirect.gather [hbm4b:s4+s28], $0x80, s15, s28, $0xb8;
	[tilespmem:$0x1D300] =	vst v63  }
0x14d: {  	s16 =	sadd.s32 $0x2080, s12  }
0x14e: {  	[spmem:s2] =	stream.indirect.scatter.add.f32 [tilespmem:s31], [sflag:$0x5], $0x1, s16, s28, $0xb8;
	[tilespmem:$0x1D300] =	vst v63  }
0x14f: {  	_ =	swait.ge [sflag:s23], $0x50  }
0x150: {  	[sflag:s23] =	ssyncset.done $0x0  }
0x151: {  	[sflag:s23] =	ssyncadd.s32 $0xFFFFFFB0  }
0x152: {  	_ =	swait.ge [sflag:s5], $0x2800  }
0x153: {  	[sflag:s5] =	ssyncset.done $0x0  }
0x154: {  	[sflag:s5] =	ssyncadd.s32 $0xFFFFD800  }
0x155: {  	[spmem:s1] =	stream.indirect.scatter.add.f32 [tilespmem:s30], [sflag:$0x5], $0x80, s16, s28, $0xb8;
	[tilespmem:$0x1D300] =	vst v63  }
0x156: {  	_ =	swait.ge [sflag:s23], $0x2800  }
0x157: {  	[sflag:s23] =	ssyncset.done $0x0  }
0x158: {  	[sflag:s23] =	ssyncadd.s32 $0xFFFFD800  }
0x159: {  	_ =	swait.ge [sflag:s0], $0x2800  }
0x15a: {  	[sflag:s0] =	ssyncset.done $0x0  }
0x15b: {  	[sflag:s0] =	ssyncadd.s32 $0xFFFFD800  }
0x15c: {  	[spmem:s1] =	stream.indirect.scatter.add.f32 [tilespmem:s29], [sflag:$0x5], $0x80, s6, s28, $0xb8;
	[tilespmem:$0x1D300] =	vst v63  }
0x15d: {  	_ =	swait.ge [sflag:s23], $0x2800  }
0x15e: {  	[sflag:s23] =	ssyncset.done $0x0  }
0x15f: {  	[sflag:s23] =	ssyncadd.s32 $0xFFFFD800  }
0x160: {  	[spmem:s2] =	stream.indirect.scatter.add.f32 [tilespmem:s31], [sflag:$0x5], $0x1, s6, s28, $0xb8;
	[tilespmem:$0x1D300] =	vst v63  }
0x161: {  	_ =	swait.ge [sflag:s23], $0x50  }
0x162: {  	[sflag:s23] =	ssyncset.done $0x0  }
0x163: {  	[sflag:s23] =	ssyncadd.s32 $0xFFFFFFB0  }
0x164: {  	_ =	swait.ge [sflag:s7], $0xC80  }
0x165: {  	[sflag:s7] =	ssyncset.done $0x0  }
0x166: {  	[sflag:s7] =	ssyncadd.s32 $0xFFFFF380  }
0x167: {  	_ =	swait.ge [sflag:s7], $0xC80  }
0x168: {  	[sflag:s7] =	ssyncset.done $0x0  }
0x169: {  	[sflag:s7] =	ssyncadd.s32 $0xFFFFF380  }
0x16a: {  	[tilespmem:s3], [sflag:$0x3] =	stream.linear.gather [hbm4b:s17+s3], $0xC80, $0x38;
	[tilespmem:$0x1D300] =	vst v63  }
0x16b: {  	_ = 	snop  }
0x16c: {  	[tilespmem:s22], [sflag:$0x3] =	stream.linear.gather [hbm4b:s18+s3], $0xC80, $0x38;
	[tilespmem:$0x1D300] =	vst v63  }
0x16d: {  	_ = 	snop  }
0x16e: {  	[tilespmem:s29], [sflag:$0x1] =	stream.indirect.gather [hbm4b:s4+s28], $0x80, s25, s28, $0xb8;
	[tilespmem:$0x1D300] =	vst v63  }
0x16f: {  	s13 =	simm.s32 $0x1080  }
0x170: {  	[tilespmem:s30], [sflag:$0x2] =	stream.indirect.gather [hbm4b:s4+s28], $0x80, s13, s28, $0xb8;
	[tilespmem:$0x1D300] =	vst v63  }
0x171: {  	s14 =	simm.s32 $0x3000  }
0x172: {  	[spmem:s2] =	stream.indirect.scatter.add.f32 [tilespmem:s31], [sflag:$0x5], $0x1, s14, s28, $0xb8;
	[tilespmem:$0x1D300] =	vst v63  }
0x173: {  	_ =	swait.ge [sflag:s23], $0x50  }
0x174: {  	[sflag:s23] =	ssyncset.done $0x0  }
0x175: {  	[sflag:s23] =	ssyncadd.s32 $0xFFFFFFB0  }
0x176: {  	_ =	swait.ge [sflag:s0], $0x2800  }
0x177: {  	[sflag:s0] =	ssyncset.done $0x0  }
0x178: {  	[sflag:s0] =	ssyncadd.s32 $0xFFFFD800  }
0x179: {  	[spmem:s1] =	stream.indirect.scatter.add.f32 [tilespmem:s29], [sflag:$0x5], $0x80, s14, s28, $0xb8;
	[tilespmem:$0x1D300] =	vst v63  }
0x17a: {  	_ =	swait.ge [sflag:s23], $0x2800  }
0x17b: {  	[sflag:s23] =	ssyncset.done $0x0  }
0x17c: {  	s15 =	simm.s32 $0x1100;
	[sflag:s23] =	ssyncadd.s32 $0xFFFFD800  }
0x17d: {  	[tilespmem:s29], [sflag:$0x1] =	stream.indirect.gather [hbm4b:s4+s28], $0x80, s15, s28, $0xb8;
	[tilespmem:$0x1D300] =	vst v63  }
0x17e: {  	s16 =	simm.s32 $0x3080  }
0x17f: {  	[spmem:s2] =	stream.indirect.scatter.add.f32 [tilespmem:s31], [sflag:$0x5], $0x1, s16, s28, $0xb8;
	[tilespmem:$0x1D300] =	vst v63  }
0x180: {  	_ =	swait.ge [sflag:s23], $0x50  }
0x181: {  	[sflag:s23] =	ssyncset.done $0x0  }
0x182: {  	[sflag:s23] =	ssyncadd.s32 $0xFFFFFFB0  }
0x183: {  	_ =	swait.ge [sflag:s5], $0x2800  }
0x184: {  	[sflag:s5] =	ssyncset.done $0x0  }
0x185: {  	[sflag:s5] =	ssyncadd.s32 $0xFFFFD800  }
0x186: {  	[spmem:s1] =	stream.indirect.scatter.add.f32 [tilespmem:s30], [sflag:$0x5], $0x80, s16, s28, $0xb8;
	[tilespmem:$0x1D300] =	vst v63  }
0x187: {  	_ =	swait.ge [sflag:s23], $0x2800  }
0x188: {  	s12 =	simm.s32 $0xFFFFF500;
	s13 =	simm.s32 $0xFFFFD800;
	[sflag:s23] =	ssyncset.done $0x0  }
.LBB2_8:
0x189: {  	s14 =	sadd.s32 $0x1C80, s12  }
0x18a: {  	[sflag:s23] =	ssyncadd.s32 $0xFFFFD800;
	s15 =	smov.u32 s13;
	s16 =	sadd.s32 $0x400, s13  }
0x18b: {  	[tilespmem:s30], [sflag:$0x2] =	stream.indirect.gather [hbm4b:s4+s28], $0x80, s14, s28, $0xb8;
	[tilespmem:$0x1D300] =	vst v63  }
0x18c: {  	p2 =	sne.s32 s13, $0xFFFFFC00;
	s13 =	sadd.s32 $0x3C00, s12  }
0x18d: {  	[spmem:s2] =	stream.indirect.scatter.add.f32 [tilespmem:s31], [sflag:$0x5], $0x1, s13, s28, $0xb8;
	[tilespmem:$0x1D300] =	vst v63  }
0x18e: {  	_ =	swait.ge [sflag:s23], $0x50  }
0x18f: {  	[sflag:s23] =	ssyncset.done $0x0  }
0x190: {  	[sflag:s23] =	ssyncadd.s32 $0xFFFFFFB0  }
0x191: {  	_ =	swait.ge [sflag:s0], $0x2800  }
0x192: {  	[sflag:s0] =	ssyncset.done $0x0  }
0x193: {  	[sflag:s0] =	ssyncadd.s32 $0xFFFFD800  }
0x194: {  	[spmem:s1] =	stream.indirect.scatter.add.f32 [tilespmem:s29], [sflag:$0x5], $0x80, s13, s28, $0xb8;
	[tilespmem:$0x1D300] =	vst v63  }
0x195: {  	_ =	swait.ge [sflag:s23], $0x2800  }
0x196: {  	[sflag:s23] =	ssyncset.done $0x0  }
0x197: {  	s13 =	sadd.s32 $0x1D00, s12;
	[sflag:s23] =	ssyncadd.s32 $0xFFFFD800  }
0x198: {  	[tilespmem:s29], [sflag:$0x1] =	stream.indirect.gather [hbm4b:s4+s28], $0x80, s13, s28, $0xb8;
	[tilespmem:$0x1D300] =	vst v63  }
0x199: {  	s12 =	sadd.s32 $0x3C80, s12  }
0x19a: {  	[spmem:s2] =	stream.indirect.scatter.add.f32 [tilespmem:s31], [sflag:$0x5], $0x1, s12, s28, $0xb8;
	[tilespmem:$0x1D300] =	vst v63  }
0x19b: {  	_ =	swait.ge [sflag:s23], $0x50  }
0x19c: {  	[sflag:s23] =	ssyncset.done $0x0  }
0x19d: {  	[sflag:s23] =	ssyncadd.s32 $0xFFFFFFB0  }
0x19e: {  	_ =	swait.ge [sflag:s5], $0x2800  }
.Ltmp3:
0x19f: {  	[sflag:s5] =	ssyncset.done $0x0;
	(pc) =	sbr.rel @p2 .LBB2_8-.Ltmp3, $4  }
0x1a0: {  	[sflag:s5] =	ssyncadd.s32 $0xFFFFD800  }
0x1a1: {  	[spmem:s1] =	stream.indirect.scatter.add.f32 [tilespmem:s30], [sflag:$0x5], $0x80, s12, s28, $0xb8;
	[tilespmem:$0x1D300] =	vst v63  }
0x1a2: {  	_ =	swait.ge [sflag:s23], $0x2800  }
0x1a3: {  	s13 =	smov.u32 s16;
	s12 =	sshra.s32 s15, $0x2;
	[sflag:s23] =	ssyncset.done $0x0  }
0x1a4: {  	s13 =	sadd.s32 $0x1C80, s12;
	[sflag:s23] =	ssyncadd.s32 $0xFFFFD800  }
0x1a5: {  	[tilespmem:s30], [sflag:$0x2] =	stream.indirect.gather [hbm4b:s4+s28], $0x80, s13, s28, $0xb8;
	[tilespmem:$0x1D300] =	vst v63  }
0x1a6: {  	s16 =	sadd.s32 $0x3C00, s12  }
0x1a7: {  	[spmem:s2] =	stream.indirect.scatter.add.f32 [tilespmem:s31], [sflag:$0x5], $0x1, s16, s28, $0xb8;
	[tilespmem:$0x1D300] =	vst v63  }
0x1a8: {  	_ =	swait.ge [sflag:s23], $0x50  }
0x1a9: {  	[sflag:s23] =	ssyncset.done $0x0  }
0x1aa: {  	[sflag:s23] =	ssyncadd.s32 $0xFFFFFFB0  }
0x1ab: {  	_ =	swait.ge [sflag:s0], $0x2800  }
0x1ac: {  	[sflag:s0] =	ssyncset.done $0x0  }
0x1ad: {  	[sflag:s0] =	ssyncadd.s32 $0xFFFFD800  }
0x1ae: {  	[spmem:s1] =	stream.indirect.scatter.add.f32 [tilespmem:s29], [sflag:$0x5], $0x80, s16, s28, $0xb8;
	[tilespmem:$0x1D300] =	vst v63  }
0x1af: {  	_ =	swait.ge [sflag:s23], $0x2800  }
0x1b0: {  	[sflag:s23] =	ssyncset.done $0x0  }
0x1b1: {  	s14 =	sadd.s32 $0x1D00, s12;
	[sflag:s23] =	ssyncadd.s32 $0xFFFFD800  }
0x1b2: {  	[tilespmem:s29], [sflag:$0x1] =	stream.indirect.gather [hbm4b:s4+s28], $0x80, s14, s28, $0xb8;
	[tilespmem:$0x1D300] =	vst v63  }
0x1b3: {  	s15 =	sadd.s32 $0x3C80, s12  }
0x1b4: {  	[spmem:s2] =	stream.indirect.scatter.add.f32 [tilespmem:s31], [sflag:$0x5], $0x1, s15, s28, $0xb8;
	[tilespmem:$0x1D300] =	vst v63  }
0x1b5: {  	_ =	swait.ge [sflag:s23], $0x50  }
0x1b6: {  	[sflag:s23] =	ssyncset.done $0x0  }
0x1b7: {  	[sflag:s23] =	ssyncadd.s32 $0xFFFFFFB0  }
0x1b8: {  	_ =	swait.ge [sflag:s5], $0x2800  }
0x1b9: {  	[sflag:s5] =	ssyncset.done $0x0  }
0x1ba: {  	[sflag:s5] =	ssyncadd.s32 $0xFFFFD800  }
0x1bb: {  	[spmem:s1] =	stream.indirect.scatter.add.f32 [tilespmem:s30], [sflag:$0x5], $0x80, s15, s28, $0xb8;
	[tilespmem:$0x1D300] =	vst v63  }
0x1bc: {  	_ =	swait.ge [sflag:s23], $0x2800  }
0x1bd: {  	[sflag:s23] =	ssyncset.done $0x0  }
0x1be: {  	[sflag:s23] =	ssyncadd.s32 $0xFFFFD800  }
0x1bf: {  	_ =	swait.ge [sflag:s0], $0x2800  }
0x1c0: {  	[sflag:s0] =	ssyncset.done $0x0  }
0x1c1: {  	[sflag:s0] =	ssyncadd.s32 $0xFFFFD800  }
0x1c2: {  	[spmem:s1] =	stream.indirect.scatter.add.f32 [tilespmem:s29], [sflag:$0x5], $0x80, s8, s28, $0xb8;
	[tilespmem:$0x1D300] =	vst v63  }
0x1c3: {  	_ =	swait.ge [sflag:s23], $0x2800  }
0x1c4: {  	[sflag:s23] =	ssyncset.done $0x0  }
0x1c5: {  	[sflag:s23] =	ssyncadd.s32 $0xFFFFD800  }
0x1c6: {  	[spmem:s2] =	stream.indirect.scatter.add.f32 [tilespmem:s31], [sflag:$0x5], $0x1, s8, s28, $0xb8;
	[tilespmem:$0x1D300] =	vst v63  }
0x1c7: {  	_ =	swait.ge [sflag:s23], $0x50  }
0x1c8: {  	[sflag:s23] =	ssyncset.done $0x0  }
0x1c9: {  	[sflag:s23] =	ssyncadd.s32 $0xFFFFFFB0  }
0x1ca: {  	_ =	swait.ge [sflag:s24], $0xC80  }
0x1cb: {  	[sflag:s24] =	ssyncset.done $0x0  }
0x1cc: {  	[sflag:s24] =	ssyncadd.s32 $0xFFFFF380  }
0x1cd: {  	_ =	swait.ge [sflag:s24], $0xC80  }
0x1ce: {  	[sflag:s24] =	ssyncset.done $0x0  }
0x1cf: {  	s16 =	simm.s32 $0x0;
	[sflag:s24] =	ssyncadd.s32 $0xFFFFF380  }
0x1d0: {  	[tilespmem:s29], [sflag:$0x1] =	stream.indirect.gather [hbm4b:s4+s28], $0x80, s16, s28, $0xb8;
	[tilespmem:$0x1D300] =	vst v63  }
0x1d1: {  	s13 =	simm.s32 $0x80  }
0x1d2: {  	[tilespmem:s30], [sflag:$0x2] =	stream.indirect.gather [hbm4b:s4+s28], $0x80, s13, s28, $0xb8;
	[tilespmem:$0x1D300] =	vst v63  }
0x1d3: {  	s14 =	simm.s32 $0x2000  }
0x1d4: {  	[spmem:s2] =	stream.indirect.scatter.add.f32 [tilespmem:s31], [sflag:$0x5], $0x1, s14, s28, $0xb8;
	[tilespmem:$0x1D300] =	vst v63  }
0x1d5: {  	_ =	swait.ge [sflag:s23], $0x50  }
0x1d6: {  	[sflag:s23] =	ssyncset.done $0x0  }
0x1d7: {  	[sflag:s23] =	ssyncadd.s32 $0xFFFFFFB0  }
0x1d8: {  	_ =	swait.ge [sflag:s0], $0x2800  }
0x1d9: {  	[sflag:s0] =	ssyncset.done $0x0  }
0x1da: {  	[sflag:s0] =	ssyncadd.s32 $0xFFFFD800  }
0x1db: {  	[spmem:s1] =	stream.indirect.scatter.add.f32 [tilespmem:s29], [sflag:$0x5], $0x80, s14, s28, $0xb8;
	[tilespmem:$0x1D300] =	vst v63  }
0x1dc: {  	_ =	swait.ge [sflag:s23], $0x2800  }
0x1dd: {  	[sflag:s23] =	ssyncset.done $0x0  }
0x1de: {  	s15 =	simm.s32 $0x100;
	[sflag:s23] =	ssyncadd.s32 $0xFFFFD800  }
0x1df: {  	[tilespmem:s29], [sflag:$0x1] =	stream.indirect.gather [hbm4b:s4+s28], $0x80, s15, s28, $0xb8;
	[tilespmem:$0x1D300] =	vst v63  }
0x1e0: {  	s16 =	simm.s32 $0x2080  }
0x1e1: {  	[spmem:s2] =	stream.indirect.scatter.add.f32 [tilespmem:s31], [sflag:$0x5], $0x1, s16, s28, $0xb8;
	[tilespmem:$0x1D300] =	vst v63  }
0x1e2: {  	_ =	swait.ge [sflag:s23], $0x50  }
0x1e3: {  	[sflag:s23] =	ssyncset.done $0x0  }
0x1e4: {  	[sflag:s23] =	ssyncadd.s32 $0xFFFFFFB0  }
0x1e5: {  	_ =	swait.ge [sflag:s5], $0x2800  }
0x1e6: {  	[sflag:s5] =	ssyncset.done $0x0  }
0x1e7: {  	[sflag:s5] =	ssyncadd.s32 $0xFFFFD800  }
0x1e8: {  	[spmem:s1] =	stream.indirect.scatter.add.f32 [tilespmem:s30], [sflag:$0x5], $0x80, s16, s28, $0xb8;
	[tilespmem:$0x1D300] =	vst v63  }
0x1e9: {  	_ =	swait.ge [sflag:s23], $0x2800  }
0x1ea: {  	s12 =	simm.s32 $0x100;
	s13 =	simm.s32 $0x800;
	[sflag:s23] =	ssyncset.done $0x0  }
.LBB2_10:
0x1eb: {  	s14 =	sadd.s32 $0x80, s12  }
0x1ec: {  	[sflag:s23] =	ssyncadd.s32 $0xFFFFD800;
	s15 =	smov.u32 s13;
	s16 =	sadd.s32 $0x400, s13  }
0x1ed: {  	[tilespmem:s30], [sflag:$0x2] =	stream.indirect.gather [hbm4b:s4+s28], $0x80, s14, s28, $0xb8;
	[tilespmem:$0x1D300] =	vst v63  }
0x1ee: {  	p2 =	sne.s32 s13, $0x2C00;
	s13 =	sadd.s32 $0x2000, s12  }
0x1ef: {  	[spmem:s2] =	stream.indirect.scatter.add.f32 [tilespmem:s31], [sflag:$0x5], $0x1, s13, s28, $0xb8;
	[tilespmem:$0x1D300] =	vst v63  }
0x1f0: {  	_ =	swait.ge [sflag:s23], $0x50  }
0x1f1: {  	[sflag:s23] =	ssyncset.done $0x0  }
0x1f2: {  	[sflag:s23] =	ssyncadd.s32 $0xFFFFFFB0  }
0x1f3: {  	_ =	swait.ge [sflag:s0], $0x2800  }
0x1f4: {  	[sflag:s0] =	ssyncset.done $0x0  }
0x1f5: {  	[sflag:s0] =	ssyncadd.s32 $0xFFFFD800  }
0x1f6: {  	[spmem:s1] =	stream.indirect.scatter.add.f32 [tilespmem:s29], [sflag:$0x5], $0x80, s13, s28, $0xb8;
	[tilespmem:$0x1D300] =	vst v63  }
0x1f7: {  	_ =	swait.ge [sflag:s23], $0x2800  }
0x1f8: {  	[sflag:s23] =	ssyncset.done $0x0  }
0x1f9: {  	s13 =	sadd.s32 $0x100, s12;
	[sflag:s23] =	ssyncadd.s32 $0xFFFFD800  }
0x1fa: {  	[tilespmem:s29], [sflag:$0x1] =	stream.indirect.gather [hbm4b:s4+s28], $0x80, s13, s28, $0xb8;
	[tilespmem:$0x1D300] =	vst v63  }
0x1fb: {  	s12 =	sadd.s32 $0x2080, s12  }
0x1fc: {  	[spmem:s2] =	stream.indirect.scatter.add.f32 [tilespmem:s31], [sflag:$0x5], $0x1, s12, s28, $0xb8;
	[tilespmem:$0x1D300] =	vst v63  }
0x1fd: {  	_ =	swait.ge [sflag:s23], $0x50  }
0x1fe: {  	[sflag:s23] =	ssyncset.done $0x0  }
0x1ff: {  	[sflag:s23] =	ssyncadd.s32 $0xFFFFFFB0  }
0x200: {  	_ =	swait.ge [sflag:s5], $0x2800  }
.Ltmp4:
0x201: {  	[sflag:s5] =	ssyncset.done $0x0;
	(pc) =	sbr.rel @p2 .LBB2_10-.Ltmp4, $4  }
0x202: {  	[sflag:s5] =	ssyncadd.s32 $0xFFFFD800  }
0x203: {  	[spmem:s1] =	stream.indirect.scatter.add.f32 [tilespmem:s30], [sflag:$0x5], $0x80, s12, s28, $0xb8;
	[tilespmem:$0x1D300] =	vst v63  }
0x204: {  	_ =	swait.ge [sflag:s23], $0x2800  }
0x205: {  	s13 =	smov.u32 s16;
	s12 =	sshra.s32 s15, $0x2;
	[sflag:s23] =	ssyncset.done $0x0  }
0x206: {  	s13 =	sadd.s32 $0x80, s12;
	[sflag:s23] =	ssyncadd.s32 $0xFFFFD800  }
0x207: {  	[tilespmem:s30], [sflag:$0x2] =	stream.indirect.gather [hbm4b:s4+s28], $0x80, s13, s28, $0xb8;
	[tilespmem:$0x1D300] =	vst v63  }
0x208: {  	s14 =	sadd.s32 $0x2000, s12  }
0x209: {  	[spmem:s2] =	stream.indirect.scatter.add.f32 [tilespmem:s31], [sflag:$0x5], $0x1, s14, s28, $0xb8;
	[tilespmem:$0x1D300] =	vst v63  }
0x20a: {  	_ =	swait.ge [sflag:s23], $0x50  }
0x20b: {  	[sflag:s23] =	ssyncset.done $0x0  }
0x20c: {  	[sflag:s23] =	ssyncadd.s32 $0xFFFFFFB0  }
0x20d: {  	_ =	swait.ge [sflag:s0], $0x2800  }
0x20e: {  	[sflag:s0] =	ssyncset.done $0x0  }
0x20f: {  	[sflag:s0] =	ssyncadd.s32 $0xFFFFD800  }
0x210: {  	[spmem:s1] =	stream.indirect.scatter.add.f32 [tilespmem:s29], [sflag:$0x5], $0x80, s14, s28, $0xb8;
	[tilespmem:$0x1D300] =	vst v63  }
0x211: {  	_ =	swait.ge [sflag:s23], $0x2800  }
0x212: {  	[sflag:s23] =	ssyncset.done $0x0  }
0x213: {  	s15 =	sadd.s32 $0x100, s12;
	[sflag:s23] =	ssyncadd.s32 $0xFFFFD800  }
0x214: {  	[tilespmem:s29], [sflag:$0x1] =	stream.indirect.gather [hbm4b:s4+s28], $0x80, s15, s28, $0xb8;
	[tilespmem:$0x1D300] =	vst v63  }
0x215: {  	s16 =	sadd.s32 $0x2080, s12  }
0x216: {  	[spmem:s2] =	stream.indirect.scatter.add.f32 [tilespmem:s31], [sflag:$0x5], $0x1, s16, s28, $0xb8;
	[tilespmem:$0x1D300] =	vst v63  }
0x217: {  	_ =	swait.ge [sflag:s23], $0x50  }
0x218: {  	[sflag:s23] =	ssyncset.done $0x0  }
0x219: {  	[sflag:s23] =	ssyncadd.s32 $0xFFFFFFB0  }
0x21a: {  	_ =	swait.ge [sflag:s5], $0x2800  }
0x21b: {  	[sflag:s5] =	ssyncset.done $0x0  }
0x21c: {  	[sflag:s5] =	ssyncadd.s32 $0xFFFFD800  }
0x21d: {  	[spmem:s1] =	stream.indirect.scatter.add.f32 [tilespmem:s30], [sflag:$0x5], $0x80, s16, s28, $0xb8;
	[tilespmem:$0x1D300] =	vst v63  }
0x21e: {  	_ =	swait.ge [sflag:s23], $0x2800  }
0x21f: {  	[sflag:s23] =	ssyncset.done $0x0  }
0x220: {  	[sflag:s23] =	ssyncadd.s32 $0xFFFFD800  }
0x221: {  	_ =	swait.ge [sflag:s0], $0x2800  }
0x222: {  	[sflag:s0] =	ssyncset.done $0x0  }
0x223: {  	[sflag:s0] =	ssyncadd.s32 $0xFFFFD800  }
0x224: {  	[spmem:s1] =	stream.indirect.scatter.add.f32 [tilespmem:s29], [sflag:$0x5], $0x80, s6, s28, $0xb8;
	[tilespmem:$0x1D300] =	vst v63  }
0x225: {  	_ =	swait.ge [sflag:s23], $0x2800  }
0x226: {  	[sflag:s23] =	ssyncset.done $0x0  }
0x227: {  	[sflag:s23] =	ssyncadd.s32 $0xFFFFD800  }
0x228: {  	[spmem:s2] =	stream.indirect.scatter.add.f32 [tilespmem:s31], [sflag:$0x5], $0x1, s6, s28, $0xb8;
	[tilespmem:$0x1D300] =	vst v63  }
0x229: {  	_ =	swait.ge [sflag:s23], $0x50  }
0x22a: {  	[sflag:s23] =	ssyncset.done $0x0  }
0x22b: {  	[sflag:s23] =	ssyncadd.s32 $0xFFFFFFB0  }
0x22c: {  	[bflag:$0x0] =	sbarrier.arrive $0xFFFF  }
0x22d: {  	[hbm:s21], [sflag:s10] =	dma.local [spmem:s11], $0x2800  }
0x22e: {  	_ =	swait.ge [sflag:s23], $0x2800  }
0x22f: {  	s9 =	sadd.s32 $0x1, s9;
	[sflag:s23] =	ssyncset.done $0x0  }
0x230: {  	p2 =	sne.s32 s9, s20;
	s11 =	sshrl.u32 @!p1 s2, $0x3;
	[sflag:s23] =	ssyncadd.s32 $0xFFFFD800  }
0x231: {  	[hbm:s19], [sflag:s10] =	dma.local @!p1 [spmem:s11], $0x500  }
.Ltmp5:
0x232: {  	_ = 	snop;
	(pc) =	sbr.rel @p2 .LBB2_1-.Ltmp5, $4  }
0x233: {  	s11 =	simm.s32 @!p1 $0x5  }
0x234: {  	_ =	swait.ge @!p1 [sflag:s11], $0x500  }
0x235: {  	[sflag:s11] =	ssyncset.done @!p1 $0x0  }
0x236: {  	[sflag:s11] =	ssyncadd.s32 @!p1 $0xFFFFFB00  }
0x237: {  	_ =	sfence.sel $0x180000  }
0x238: {  	[bflag:$0x0] =	sbarrier.arrive $0xFFFF  }
0x239: {  	_ =	strace $0x90000047  }
0x23a: {  	[bflag:$0x2] =	sbarrier.arrive $0xFFFF  }
0x23b: {  	s0 =	rddreg [dreg:$0x4]  }
0x23c: {  	s0 =	sadd.s32 @!p0 $0x100000, s0  }
0x23d: {  	[sflag:s0] =	ssyncadd.tile.s32 @!p0 $0x1;
	_ =	shalt  }
.Lfunc_end2:
_tile_overlayer_lowered:
.L_overlay_start_2:
0x23e: {  	(tag) =	ssettag $0x2  }
0x23f: {  	s0 =	rddreg [dreg:$0x0];
	s2 =	stileid.u32  }
0x240: {  	s1 =	rddreg [dreg:$0x1];
	p0 =	sne.s32 s2, $0x0  }
0x241: {  	s3 =	rddreg [dreg:$0x2];
	[bflag:$0x3] =	sbarrier.arrive $0xFFFF;
	s2 =	simm.s32 @!p0 $0x1C05  }
0x242: {  	[timem:s3], [sflag:s2] =	dma.local @!p0 [hbm:s0], s1  }
0x243: {  	s0 =	simm.s32 @!p0 $0x5  }
0x244: {  	_ =	swait.ge @!p0 [sflag:s0], s1  }
0x245: {  	s1 =	ssub.s32 @!p0 $0x0, s1;
	[sflag:s0] =	ssyncset.done @!p0 $0x0  }
0x246: {  	[sflag:s0] =	ssyncadd.s32 @!p0 s1  }
0x247: {  	[bflag:$0x3] =	sbarrier.arrive $0xFFFF  }
0x248: {  	_ =	shalt  }

</sc_bundles>
